<compile_context>
chip_gen: v7x
topology: tpu7x:2x2x1
jax: 0.10.2.dev20260603
libtpu: 0.0.44.dev20260713+nightly
codegen_flags: <defaults>
</compile_context>

<pallas_src>
import functools

import jax
import jax.numpy as jnp
from jax import lax
from jax.experimental import pallas as pl
from jax.experimental.pallas import tpu as pltpu
from jax.experimental.pallas import tpu_sc as plsc

NS = 16
NC = 2
NW = NC * NS
CH = 128
BLK = 512
DEGW = 16
HD = 64


def _leaky(v):
    return jnp.where(v > 0, v, 0.1 * v)




@functools.cache
def _build_deg_kernel(n_pad, nch):
    rows = n_pad // NS
    mesh = plsc.VectorSubcoreMesh(core_axis_name="c", subcore_axis_name="s")

    def body(row_a, row_b, ones_h, zer_h, out_h, idx_v, ones_v, da_sp, db_sp):
        c = lax.axis_index("c")
        s = lax.axis_index("s")
        wid = c * NS + s
        base = s * rows
        pltpu.sync_copy(zer_h, da_sp.at[pl.ds(base, rows)])
        pltpu.sync_copy(zer_h, db_sp.at[pl.ds(base, rows)])
        pltpu.sync_copy(ones_h, ones_v)
        pltpu.sync_copy(row_a.at[wid], idx_v)
        plsc.subcore_barrier()

        @pl.loop(0, nch)
        def _(j):
            pltpu.sync_copy(ones_v, da_sp.at[idx_v.at[j]], add=True)

        pltpu.sync_copy(row_b.at[wid], idx_v)

        @pl.loop(0, nch)
        def _(j):
            pltpu.sync_copy(ones_v, db_sp.at[idx_v.at[j]], add=True)

        plsc.subcore_barrier()
        pltpu.sync_copy(da_sp.at[pl.ds(base, rows)],
                        out_h.at[c, 0, pl.ds(base, rows)])
        pltpu.sync_copy(db_sp.at[pl.ds(base, rows)],
                        out_h.at[c, 1, pl.ds(base, rows)])

    return pl.kernel(
        body,
        out_type=jax.ShapeDtypeStruct((NC, 2, n_pad, DEGW), jnp.float32),
        mesh=mesh,
        scratch_types=[
            pltpu.VMEM((nch, CH), jnp.int32),
            pltpu.VMEM((CH, DEGW), jnp.float32),
            pltpu.VMEM_SHARED((n_pad, DEGW), jnp.float32),
            pltpu.VMEM_SHARED((n_pad, DEGW), jnp.float32),
        ],
        compiler_params=pltpu.CompilerParams(use_tc_tiling_on_sc=False),
    )


@functools.cache
def _build_scatter_kernel(n_pad, nch):
    rows = n_pad // NS
    mesh = plsc.VectorSubcoreMesh(core_axis_name="c", subcore_axis_name="s")

    def body(y0_h, y1_h, row_h, col_h, zer_h, out_h,
             rowv, colv, buf_a, buf_b, agg_sp, sem_a, sem_b):
        c = lax.axis_index("c")
        s = lax.axis_index("s")
        base = s * rows
        pltpu.sync_copy(zer_h, agg_sp.at[pl.ds(base, rows)])
        pltpu.sync_copy(row_h.at[s], rowv)
        pltpu.sync_copy(col_h.at[s], colv)
        plsc.subcore_barrier()

        def run(y_h):
            pltpu.async_copy(y_h.at[rowv.at[0]], buf_a, sem_a)

            @pl.loop(0, nch // 2)
            def _(t):
                j0 = t * 2
                pltpu.async_copy(y_h.at[rowv.at[j0 + 1]], buf_b, sem_b)
                pltpu.make_async_copy(y_h.at[rowv.at[j0]], buf_a, sem_a).wait()
                pltpu.sync_copy(buf_a, agg_sp.at[colv.at[j0]], add=True)

                @pl.when(t < nch // 2 - 1)
                def _():
                    pltpu.async_copy(y_h.at[rowv.at[j0 + 2]], buf_a, sem_a)

                pltpu.make_async_copy(
                    y_h.at[rowv.at[j0 + 1]], buf_b, sem_b).wait()
                pltpu.sync_copy(buf_b, agg_sp.at[colv.at[j0 + 1]], add=True)

        @pl.when(c == 0)
        def _():
            run(y0_h)

        @pl.when(c == 1)
        def _():
            run(y1_h)

        plsc.subcore_barrier()
        pltpu.sync_copy(agg_sp.at[pl.ds(base, rows)],
                        out_h.at[c, pl.ds(base, rows)])

    return pl.kernel(
        body,
        out_type=jax.ShapeDtypeStruct((NC, n_pad, HD), jnp.float32),
        mesh=mesh,
        scratch_types=[
            pltpu.VMEM((nch, CH), jnp.int32),
            pltpu.VMEM((nch, CH), jnp.int32),
            pltpu.VMEM((CH, HD), jnp.float32),
            pltpu.VMEM((CH, HD), jnp.float32),
            pltpu.VMEM_SHARED((n_pad, HD), jnp.float32),
            pltpu.SemaphoreType.DMA,
            pltpu.SemaphoreType.DMA,
        ],
        compiler_params=pltpu.CompilerParams(use_tc_tiling_on_sc=False),
    )




def _dot(a, b):
    return jnp.dot(a, b, preferred_element_type=jnp.float32)


def _deg_col(dp):
    return dp[0, :, 0:1] + dp[1, :, 0:1] + 1.0


def _assemble(ap):
    return jnp.concatenate([ap[0], ap[1]], axis=-1)


def _enc_body(x_ref, w1, b1, w2, b2, o_ref):
    h = _leaky(_dot(x_ref[...], w1[...]) + b1[...])
    o_ref[...] = _leaky(_dot(h, w2[...]) + b2[...])


def _emit_pre(x1, root, dp, y0_ref, y1_ref, s_ref):
    deg = _deg_col(dp)
    y = jnp.maximum(x1, 0.0) / jnp.sqrt(deg)
    y0_ref[...] = y[:, :HD]
    y1_ref[...] = y[:, HD:]
    s_ref[...] = jnp.maximum(x1 + root, 0.0) / deg


def _pre_body(h_ref, w, b, root, dp, y0_ref, y1_ref, s_ref):
    x1 = _dot(h_ref[...], w[...]) + b[...]
    _emit_pre(x1, root[...], dp[...], y0_ref, y1_ref, s_ref)


def _mid_body(ap, dpp, sp, w, b, root, dpn, y0_ref, y1_ref, s_ref):
    t = _assemble(ap[...]) / jnp.sqrt(_deg_col(dpp[...])) + sp[...]
    x1 = _dot(t, w[...]) + b[...]
    _emit_pre(x1, root[...], dpn[...], y0_ref, y1_ref, s_ref)


def _layernorm(t, g, bb):
    mu = jnp.mean(t, axis=-1, keepdims=True)
    var = jnp.mean((t - mu) ** 2, axis=-1, keepdims=True)
    return (t - mu) / jnp.sqrt(var + 1e-5) * g + bb


def _lep_body(ap, dpp, sp, g, bb, hin_ref, w, b, root, dpn,
              h1_ref, y0_ref, y1_ref, s_ref):
    t = _assemble(ap[...]) / jnp.sqrt(_deg_col(dpp[...])) + sp[...]
    h1 = _leaky(_layernorm(t, g[...], bb[...])) + hin_ref[...]
    h1_ref[...] = h1
    x1 = _dot(h1, w[...]) + b[...]
    _emit_pre(x1, root[...], dpn[...], y0_ref, y1_ref, s_ref)


def _fin_body(ap, dpp, sp, g, bb, hin_ref, o_ref):
    t = _assemble(ap[...]) / jnp.sqrt(_deg_col(dpp[...])) + sp[...]
    o_ref[...] = _leaky(_layernorm(t, g[...], bb[...])) + hin_ref[...]


def _row_spec(d):
    return pl.BlockSpec((BLK, d), lambda i: (i, 0))


def _full_spec(shape):
    nd = len(shape)
    return pl.BlockSpec(shape, lambda i, _nd=nd: (0,) * _nd)


def _agg_spec():
    return pl.BlockSpec((NC, BLK, HD), lambda i: (0, i, 0))


def _dp_spec():
    return pl.BlockSpec((NC, BLK, DEGW), lambda i: (0, i, 0))


@functools.cache
def _build_tc_kernels(n_pad, d):
    nb = n_pad // BLK
    f32 = jnp.float32
    rs, asx, dps = _row_spec(d), _agg_spec(), _dp_spec()
    hs = _row_spec(HD)
    out1 = jax.ShapeDtypeStruct((n_pad, d), f32)
    outh = jax.ShapeDtypeStruct((n_pad, HD), f32)

    enc = pl.pallas_call(
        _enc_body,
        grid=(nb,),
        in_specs=[rs, _full_spec((d, 2 * d)), _full_spec((1, 2 * d)),
                  _full_spec((2 * d, d)), _full_spec((1, d))],
        out_specs=rs,
        out_shape=out1,
    )
    pre = pl.pallas_call(
        _pre_body,
        grid=(nb,),
        in_specs=[rs, _full_spec((d, d)), _full_spec((1, d)),
                  _full_spec((1, d)), dps],
        out_specs=(hs, hs, rs),
        out_shape=(outh, outh, out1),
    )
    mid = pl.pallas_call(
        _mid_body,
        grid=(nb,),
        in_specs=[asx, dps, rs, _full_spec((d, d)), _full_spec((1, d)),
                  _full_spec((1, d)), dps],
        out_specs=(hs, hs, rs),
        out_shape=(outh, outh, out1),
    )
    lep = pl.pallas_call(
        _lep_body,
        grid=(nb,),
        in_specs=[asx, dps, rs, _full_spec((1, d)), _full_spec((1, d)), rs,
                  _full_spec((d, d)), _full_spec((1, d)), _full_spec((1, d)),
                  dps],
        out_specs=(rs, hs, hs, rs),
        out_shape=(out1, outh, outh, out1),
    )
    fin = pl.pallas_call(
        _fin_body,
        grid=(nb,),
        in_specs=[asx, dps, rs, _full_spec((1, d)), _full_spec((1, d)), rs],
        out_specs=rs,
        out_shape=out1,
    )
    return enc, pre, mid, lep, fin




def _chunk_idx(ix, fill, nworkers, nch):
    e = ix.shape[0]
    ep = nworkers * nch * CH
    pad = jnp.full((ep - e,), fill, jnp.int32)
    return jnp.concatenate([ix.astype(jnp.int32), pad]).reshape(
        nworkers, nch, CH)


def kernel(x, edge_index_node_net, edge_index_net_node,
           enc_w1, enc_b1, enc_w2, enc_b2,
           cw0, cb0, cr0, rw0, rb0, rr0, ln_g0, ln_b0,
           cw1, cb1, cr1, rw1, rb1, rr1, ln_g1, ln_b1):
    n, d = x.shape
    e = edge_index_node_net.shape[1]
    n_pad = -(-max(n + 1, BLK) // (BLK * 2)) * (BLK * 2)
    nch_deg = -(-e // (NW * CH))
    nch_deg += nch_deg % 2
    nch = -(-e // (NS * CH))
    nch += nch % 2

    rad = _chunk_idx(edge_index_node_net[0], n, NW, nch_deg)
    rbd = _chunk_idx(edge_index_net_node[0], n, NW, nch_deg)
    row_a = _chunk_idx(edge_index_node_net[0], n, NS, nch)
    col_a = _chunk_idx(edge_index_node_net[1], n, NS, nch)
    row_b = _chunk_idx(edge_index_net_node[0], n, NS, nch)
    col_b = _chunk_idx(edge_index_net_node[1], n, NS, nch)
    x_pad = jnp.pad(x, ((0, n_pad - n), (0, 0)))

    ones_h = jnp.ones((CH, DEGW), jnp.float32)
    zer_deg = jnp.zeros((n_pad // NS, DEGW), jnp.float32)
    zer_agg = jnp.zeros((n_pad // NS, HD), jnp.float32)

    deg_k = _build_deg_kernel(n_pad, nch_deg)
    scat_k = _build_scatter_kernel(n_pad, nch)
    enc, pre, mid, lep, fin = _build_tc_kernels(n_pad, d)

    r1 = lambda v: v.reshape(1, -1)

    deg_parts = deg_k(rad, rbd, ones_h, zer_deg)
    dp_a = deg_parts[:, 0]
    dp_b = deg_parts[:, 1]

    h0 = enc(x_pad, enc_w1, r1(enc_b1), enc_w2, r1(enc_b2))
    y0, y1, sf = pre(h0, cw0, r1(cb0), r1(cr0), dp_a)
    ag = scat_k(y0, y1, row_a, col_a, zer_agg)
    y0, y1, sf = mid(ag, dp_a, sf, rw0, r1(rb0), r1(rr0), dp_b)
    ag = scat_k(y0, y1, row_b, col_b, zer_agg)
    h1, y0, y1, sf = lep(ag, dp_b, sf, r1(ln_g0), r1(ln_b0), h0,
                         cw1, r1(cb1), r1(cr1), dp_a)
    ag = scat_k(y0, y1, row_a, col_a, zer_agg)
    y0, y1, sf = mid(ag, dp_a, sf, rw1, r1(rb1), r1(rr1), dp_b)
    ag = scat_k(y0, y1, row_b, col_b, zer_agg)
    out = fin(ag, dp_b, sf, r1(ln_g1), r1(ln_b1), h1)
    return out[:n]

# --- scband reference (transcript-rebuilt; emitter-appended) ---
"""Pipeline reference for scband-gnn-node-30279519437416 (READ-ONLY COPY).

The authoritative reference and input builder live on the scoring server;
editing this copy changes nothing except your own understanding.
"""

import jax, jax.numpy as jnp
import numpy as np

N = 10000
E = 320000
D = 128


def _leaky(v):
    return jnp.where(v > 0, v, 0.1 * v)


def _layernorm(h, g, b):
    mu = jnp.mean(h, axis=-1, keepdims=True)
    var = jnp.var(h, axis=-1, keepdims=True)
    return (h - mu) / jnp.sqrt(var + 1e-5) * g + b


def _gcn_conv(x, W, bias, root, edge_index):
    # x = self.linear(x)
    x = x @ W + bias
    row, col = edge_index[0], edge_index[1]
    n = x.shape[0]
    # deg = degree(row, N) + 1
    deg = jnp.zeros((n,), x.dtype).at[row].add(1.0) + 1.0
    dis = deg ** -0.5
    dis = jnp.where(jnp.isinf(dis), 0.0, dis)
    norm = dis[row] * dis[col]
    # message: norm * relu(x_j) with x_j = x[row]; aggregated (add) at col
    msg = norm[:, None] * jax.nn.relu(x[row])
    agg = jnp.zeros_like(x).at[col].add(msg)
    return agg + jax.nn.relu(x + root[None, :]) * 1.0 / deg[:, None]


def setup_inputs(seed: int = 0) -> dict:
    key = jax.random.key(seed)
    ks = jax.random.split(key, 32)
    d = {}
    d['x'] = jax.random.normal(ks[0], (N, D), jnp.float32)
    d['edge_index_node_net'] = jax.random.randint(ks[1], (2, E), 0, N, dtype=jnp.int32)
    d['edge_index_net_node'] = jax.random.randint(ks[2], (2, E), 0, N, dtype=jnp.int32)
    d['enc_w1'] = jax.random.normal(ks[3], (D, 2 * D), jnp.float32) * 0.05
    d['enc_b1'] = jnp.zeros((2 * D,), jnp.float32)
    d['enc_w2'] = jax.random.normal(ks[4], (2 * D, D), jnp.float32) * 0.05
    d['enc_b2'] = jnp.zeros((D,), jnp.float32)
    i = 5
    for l in range(2):
        d[f'cw{l}'] = jax.random.normal(ks[i], (D, D), jnp.float32) * 0.05; i += 1
        d[f'cb{l}'] = jnp.zeros((D,), jnp.float32)
        d[f'cr{l}'] = jax.random.normal(ks[i], (D,), jnp.float32) * 0.05; i += 1
        d[f'rw{l}'] = jax.random.normal(ks[i], (D, D), jnp.float32) * 0.05; i += 1
        d[f'rb{l}'] = jnp.zeros((D,), jnp.float32)
        d[f'rr{l}'] = jax.random.normal(ks[i], (D,), jnp.float32) * 0.05; i += 1
        d[f'ln_g{l}'] = jnp.ones((D,), jnp.float32)
        d[f'ln_b{l}'] = jnp.zeros((D,), jnp.float32)
    return d


def reference(x, edge_index_node_net, edge_index_net_node, enc_w1, enc_b1, enc_w2, enc_b2,
              cw0, cb0, cr0, rw0, rb0, rr0, ln_g0, ln_b0,
              cw1, cb1, cr1, rw1, rb1, rr1, ln_g1, ln_b1):
    # node_encoder: Linear -> LeakyReLU(0.1) -> Linear -> LeakyReLU(0.1)
    h = _leaky(x @ enc_w1 + enc_b1)
    h = _leaky(h @ enc_w2 + enc_b2)
    h_list = [h]
    convs = [(cw0, cb0, cr0), (cw1, cb1, cr1)]
    reconvs = [(rw0, rb0, rr0), (rw1, rb1, rr1)]
    lns = [(ln_g0, ln_b0), (ln_g1, ln_b1)]
    for layer in range(2):
        cw, cb, cr = convs[layer]
        rw, rb, rr = reconvs[layer]
        g, b = lns[layer]
        h = _gcn_conv(h_list[layer], cw, cb, cr, edge_index_node_net)
        h = _gcn_conv(h, rw, rb, rr, edge_index_net_node)
        h = _layernorm(h, g, b)
        h = _leaky(h)
        h = h + h_list[layer]  # residual
        h_list.append(h)
    # JK == 'last'
    return h_list[-1]

if __name__ == "__main__":
    import jax
    _d = setup_inputs()
    print(jax.jit(kernel)(*tuple(_d.values())))

</pallas_src>

<mosaic_0001>
#map = affine_map<(d0, d1) -> (0, 0, 0)>
#map1 = affine_map<(d0, d1) -> (0, 0)>
#map2 = affine_map<(d0, d1) -> (0, 0, 0, 0)>
module attributes {stable_mosaic.version = 14 : i64} {
  func.func @body(%arg0: i32, %arg1: i32, %arg2: memref<32x80x128xi32, #tpu.memory_space<hbm>>, %arg3: memref<32x80x128xi32, #tpu.memory_space<hbm>>, %arg4: memref<128x16xf32, #tpu.memory_space<hbm>>, %arg5: memref<640x16xf32, #tpu.memory_space<hbm>>, %arg6: memref<2x2x10240x16xf32, #tpu.memory_space<hbm>>, %arg7: memref<80x128xi32, #tpu.memory_space<vmem>>, %arg8: memref<128x16xf32, #tpu.memory_space<vmem>>, %arg9: memref<10240x16xf32, #tpu.memory_space<vmem_shared>>, %arg10: memref<10240x16xf32, #tpu.memory_space<vmem_shared>>) attributes {dimension_semantics = [#tpu.dimension_semantics<core_parallel>, #tpu.dimension_semantics<subcore_parallel>], iteration_bounds = array<i64: 2, 16>, scalar_prefetch = 0 : i64, scratch_operands = 4 : i64, tpu.core_type = #tpu.core_type<sc_vector_subcore>, window_params = [{transform_indices = #map}, {transform_indices = #map}, {transform_indices = #map1}, {transform_indices = #map1}, {transform_indices = #map2}]} {
    %mul3A = arith.constant 16 : i32
    %mul3A_0 = arith.muli %arg0, %mul3A : i32
    %add3A = arith.addi %mul3A_0, %arg1 : i32
    %mul3A_1 = arith.constant 640 : i32
    %mul3A_2 = arith.muli %arg1, %mul3A_1 : i32
    "tpu.region"() ({
      %run_scoped3A_14 = tpu.sem_alloc : memref<!tpu.dma_semaphore, #tpu.memory_space<semaphore_mem>>
      %dma_start3A = arith.constant 0 : i32
      %dma_start3A_15 = tpu.memref_slice %arg9[%mul3A_2, %dma_start3A] : memref<10240x16xf32, #tpu.memory_space<vmem_shared>> -> memref<640x16xf32, #tpu.memory_space<vmem_shared>>
      tpu.enqueue_dma source(%arg5 : memref<640x16xf32, #tpu.memory_space<hbm>>) target(%dma_start3A_15 : memref<640x16xf32, #tpu.memory_space<vmem_shared>>) target_semaphore(%run_scoped3A_14 : memref<!tpu.dma_semaphore, #tpu.memory_space<semaphore_mem>>)
      %dma_wait3A = arith.constant 0 : i32
      %dma_wait3A_16 = tpu.memref_slice %arg9[%mul3A_2, %dma_wait3A] : memref<10240x16xf32, #tpu.memory_space<vmem_shared>> -> memref<640x16xf32, #tpu.memory_space<vmem_shared>>
      tpu.wait_dma2 semaphore(%run_scoped3A_14 : memref<!tpu.dma_semaphore, #tpu.memory_space<semaphore_mem>>) src(%arg5 : memref<640x16xf32, #tpu.memory_space<hbm>>) dst(%dma_wait3A_16 : memref<640x16xf32, #tpu.memory_space<vmem_shared>>)
      tpu.yield
    }) : () -> ()
    "tpu.region"() ({
      %run_scoped3A_14 = tpu.sem_alloc : memref<!tpu.dma_semaphore, #tpu.memory_space<semaphore_mem>>
      %dma_start3A = arith.constant 0 : i32
      %dma_start3A_15 = tpu.memref_slice %arg10[%mul3A_2, %dma_start3A] : memref<10240x16xf32, #tpu.memory_space<vmem_shared>> -> memref<640x16xf32, #tpu.memory_space<vmem_shared>>
      tpu.enqueue_dma source(%arg5 : memref<640x16xf32, #tpu.memory_space<hbm>>) target(%dma_start3A_15 : memref<640x16xf32, #tpu.memory_space<vmem_shared>>) target_semaphore(%run_scoped3A_14 : memref<!tpu.dma_semaphore, #tpu.memory_space<semaphore_mem>>)
      %dma_wait3A = arith.constant 0 : i32
      %dma_wait3A_16 = tpu.memref_slice %arg10[%mul3A_2, %dma_wait3A] : memref<10240x16xf32, #tpu.memory_space<vmem_shared>> -> memref<640x16xf32, #tpu.memory_space<vmem_shared>>
      tpu.wait_dma2 semaphore(%run_scoped3A_14 : memref<!tpu.dma_semaphore, #tpu.memory_space<semaphore_mem>>) src(%arg5 : memref<640x16xf32, #tpu.memory_space<hbm>>) dst(%dma_wait3A_16 : memref<640x16xf32, #tpu.memory_space<vmem_shared>>)
      tpu.yield
    }) : () -> ()
    "tpu.region"() ({
      %run_scoped3A_14 = tpu.sem_alloc : memref<!tpu.dma_semaphore, #tpu.memory_space<semaphore_mem>>
      tpu.enqueue_dma source(%arg4 : memref<128x16xf32, #tpu.memory_space<hbm>>) target(%arg8 : memref<128x16xf32, #tpu.memory_space<vmem>>) target_semaphore(%run_scoped3A_14 : memref<!tpu.dma_semaphore, #tpu.memory_space<semaphore_mem>>)
      tpu.wait_dma2 semaphore(%run_scoped3A_14 : memref<!tpu.dma_semaphore, #tpu.memory_space<semaphore_mem>>) src(%arg4 : memref<128x16xf32, #tpu.memory_space<hbm>>) dst(%arg8 : memref<128x16xf32, #tpu.memory_space<vmem>>)
      tpu.yield
    }) : () -> ()
    "tpu.region"() ({
      %run_scoped3A_14 = tpu.sem_alloc : memref<!tpu.dma_semaphore, #tpu.memory_space<semaphore_mem>>
      %dma_start3A = arith.constant 0 : i32
      %dma_start3A_15 = arith.constant 0 : i32
      %dma_start3A_16 = tpu.memref_slice %arg2[%add3A, %dma_start3A, %dma_start3A_15] : memref<32x80x128xi32, #tpu.memory_space<hbm>> -> memref<1x80x128xi32, #tpu.memory_space<hbm>>
      %dma_start3A_17 = tpu.memref_squeeze %dma_start3A_16 : memref<1x80x128xi32, #tpu.memory_space<hbm>> -> memref<80x128xi32, #tpu.memory_space<hbm>>
      %dma_start3A_18 = arith.constant 0 : i32
      %dma_start3A_19 = arith.constant 0 : i32
      %dma_start3A_20 = tpu.memref_slice %arg2[%add3A, %dma_start3A_18, %dma_start3A_19] : memref<32x80x128xi32, #tpu.memory_space<hbm>> -> memref<1x80x128xi32, #tpu.memory_space<hbm>>
      %dma_start3A_21 = tpu.memref_squeeze %dma_start3A_20 : memref<1x80x128xi32, #tpu.memory_space<hbm>> -> memref<80x128xi32, #tpu.memory_space<hbm>>
      tpu.enqueue_dma source(%dma_start3A_21 : memref<80x128xi32, #tpu.memory_space<hbm>>) target(%arg7 : memref<80x128xi32, #tpu.memory_space<vmem>>) target_semaphore(%run_scoped3A_14 : memref<!tpu.dma_semaphore, #tpu.memory_space<semaphore_mem>>)
      %dma_wait3A = arith.constant 0 : i32
      %dma_wait3A_22 = arith.constant 0 : i32
      %dma_wait3A_23 = tpu.memref_slice %arg2[%add3A, %dma_wait3A, %dma_wait3A_22] : memref<32x80x128xi32, #tpu.memory_space<hbm>> -> memref<1x80x128xi32, #tpu.memory_space<hbm>>
      %dma_wait3A_24 = tpu.memref_squeeze %dma_wait3A_23 : memref<1x80x128xi32, #tpu.memory_space<hbm>> -> memref<80x128xi32, #tpu.memory_space<hbm>>
      %dma_wait3A_25 = arith.constant 0 : i32
      %dma_wait3A_26 = arith.constant 0 : i32
      %dma_wait3A_27 = tpu.memref_slice %arg2[%add3A, %dma_wait3A_25, %dma_wait3A_26] : memref<32x80x128xi32, #tpu.memory_space<hbm>> -> memref<1x80x128xi32, #tpu.memory_space<hbm>>
      %dma_wait3A_28 = tpu.memref_squeeze %dma_wait3A_27 : memref<1x80x128xi32, #tpu.memory_space<hbm>> -> memref<80x128xi32, #tpu.memory_space<hbm>>
      tpu.wait_dma2 semaphore(%run_scoped3A_14 : memref<!tpu.dma_semaphore, #tpu.memory_space<semaphore_mem>>) src(%dma_wait3A_28 : memref<80x128xi32, #tpu.memory_space<hbm>>) dst(%arg7 : memref<80x128xi32, #tpu.memory_space<vmem>>)
      tpu.yield
    }) : () -> ()
    %barrier3A = arith.constant 0 : index
    tpu.barrier barrier_id(%barrier3A)
    %scan3A = arith.constant 0 : i32
    %scan3A_3 = arith.constant 80 : i32
    %scan3A_4 = arith.addi %scan3A, %scan3A_3 : i32
    %scan3A_5 = arith.constant 1 : i32
    scf.for %scan3A_14 = %scan3A to %scan3A_4 step %scan3A_5  : i32 {
      %mul3A_15 = arith.constant 1 : i32
      %mul3A_16 = arith.muli %scan3A_14, %mul3A_15 : i32
      %add3A_17 = arith.constant 0 : i32
      %add3A_18 = arith.addi %add3A_17, %mul3A_16 : i32
      "tpu.region"() ({
        %run_scoped3A_19 = tpu.sem_alloc : memref<!tpu.dma_semaphore, #tpu.memory_space<semaphore_mem>>
        %dma_start3A = arith.constant 0 : i32
        %dma_start3A_20 = tpu.memref_slice %arg7[%add3A_18, %dma_start3A] : memref<80x128xi32, #tpu.memory_space<vmem>> -> memref<1x128xi32, #tpu.memory_space<vmem>>
        %dma_start3A_21 = tpu.memref_squeeze %dma_start3A_20 : memref<1x128xi32, #tpu.memory_space<vmem>> -> memref<128xi32, #tpu.memory_space<vmem>>
        %dma_start3A_22 = arith.constant 0 : i32
        %dma_start3A_23 = arith.constant 0 : i32
        %dma_start3A_24 = tpu.memref_slice %arg9[%dma_start3A_22, %dma_start3A_23] : memref<10240x16xf32, #tpu.memory_space<vmem_shared>> -> memref<10240x16xf32, #tpu.memory_space<vmem_shared>>
        tpu.enqueue_indirect_dma source(%arg8 : memref<128x16xf32, #tpu.memory_space<vmem>>) target(%dma_start3A_24 : memref<10240x16xf32, #tpu.memory_space<vmem_shared>>) offsets(%dma_start3A_21 : memref<128xi32, #tpu.memory_space<vmem>>) semaphore(%run_scoped3A_19 : memref<!tpu.dma_semaphore, #tpu.memory_space<semaphore_mem>>) {add = true}
        %dma_wait3A = arith.constant 0 : i32
        %dma_wait3A_25 = tpu.memref_slice %arg7[%add3A_18, %dma_wait3A] : memref<80x128xi32, #tpu.memory_space<vmem>> -> memref<1x128xi32, #tpu.memory_space<vmem>>
        %dma_wait3A_26 = tpu.memref_squeeze %dma_wait3A_25 : memref<1x128xi32, #tpu.memory_space<vmem>> -> memref<128xi32, #tpu.memory_space<vmem>>
        %dma_wait3A_27 = arith.constant 0 : i32
        %dma_wait3A_28 = arith.constant 0 : i32
        %dma_wait3A_29 = tpu.memref_slice %arg9[%dma_wait3A_27, %dma_wait3A_28] : memref<10240x16xf32, #tpu.memory_space<vmem_shared>> -> memref<10240x16xf32, #tpu.memory_space<vmem_shared>>
        tpu.wait_indirect_dma semaphore(%run_scoped3A_19 : memref<!tpu.dma_semaphore, #tpu.memory_space<semaphore_mem>>) src(%arg8 : memref<128x16xf32, #tpu.memory_space<vmem>>) dst(%dma_wait3A_29 : memref<10240x16xf32, #tpu.memory_space<vmem_shared>>)
        tpu.yield
      }) : () -> ()
    }
    %scan3A_6 = arith.constant 80 : i32
    "tpu.region"() ({
      %run_scoped3A_14 = tpu.sem_alloc : memref<!tpu.dma_semaphore, #tpu.memory_space<semaphore_mem>>
      %dma_start3A = arith.constant 0 : i32
      %dma_start3A_15 = arith.constant 0 : i32
      %dma_start3A_16 = tpu.memref_slice %arg3[%add3A, %dma_start3A, %dma_start3A_15] : memref<32x80x128xi32, #tpu.memory_space<hbm>> -> memref<1x80x128xi32, #tpu.memory_space<hbm>>
      %dma_start3A_17 = tpu.memref_squeeze %dma_start3A_16 : memref<1x80x128xi32, #tpu.memory_space<hbm>> -> memref<80x128xi32, #tpu.memory_space<hbm>>
      %dma_start3A_18 = arith.constant 0 : i32
      %dma_start3A_19 = arith.constant 0 : i32
      %dma_start3A_20 = tpu.memref_slice %arg3[%add3A, %dma_start3A_18, %dma_start3A_19] : memref<32x80x128xi32, #tpu.memory_space<hbm>> -> memref<1x80x128xi32, #tpu.memory_space<hbm>>
      %dma_start3A_21 = tpu.memref_squeeze %dma_start3A_20 : memref<1x80x128xi32, #tpu.memory_space<hbm>> -> memref<80x128xi32, #tpu.memory_space<hbm>>
      tpu.enqueue_dma source(%dma_start3A_21 : memref<80x128xi32, #tpu.memory_space<hbm>>) target(%arg7 : memref<80x128xi32, #tpu.memory_space<vmem>>) target_semaphore(%run_scoped3A_14 : memref<!tpu.dma_semaphore, #tpu.memory_space<semaphore_mem>>)
      %dma_wait3A = arith.constant 0 : i32
      %dma_wait3A_22 = arith.constant 0 : i32
      %dma_wait3A_23 = tpu.memref_slice %arg3[%add3A, %dma_wait3A, %dma_wait3A_22] : memref<32x80x128xi32, #tpu.memory_space<hbm>> -> memref<1x80x128xi32, #tpu.memory_space<hbm>>
      %dma_wait3A_24 = tpu.memref_squeeze %dma_wait3A_23 : memref<1x80x128xi32, #tpu.memory_space<hbm>> -> memref<80x128xi32, #tpu.memory_space<hbm>>
      %dma_wait3A_25 = arith.constant 0 : i32
      %dma_wait3A_26 = arith.constant 0 : i32
      %dma_wait3A_27 = tpu.memref_slice %arg3[%add3A, %dma_wait3A_25, %dma_wait3A_26] : memref<32x80x128xi32, #tpu.memory_space<hbm>> -> memref<1x80x128xi32, #tpu.memory_space<hbm>>
      %dma_wait3A_28 = tpu.memref_squeeze %dma_wait3A_27 : memref<1x80x128xi32, #tpu.memory_space<hbm>> -> memref<80x128xi32, #tpu.memory_space<hbm>>
      tpu.wait_dma2 semaphore(%run_scoped3A_14 : memref<!tpu.dma_semaphore, #tpu.memory_space<semaphore_mem>>) src(%dma_wait3A_28 : memref<80x128xi32, #tpu.memory_space<hbm>>) dst(%arg7 : memref<80x128xi32, #tpu.memory_space<vmem>>)
      tpu.yield
    }) : () -> ()
    %scan3A_7 = arith.constant 0 : i32
    %scan3A_8 = arith.constant 80 : i32
    %scan3A_9 = arith.addi %scan3A_7, %scan3A_8 : i32
    %scan3A_10 = arith.constant 1 : i32
    scf.for %scan3A_14 = %scan3A_7 to %scan3A_9 step %scan3A_10  : i32 {
      %mul3A_15 = arith.constant 1 : i32
      %mul3A_16 = arith.muli %scan3A_14, %mul3A_15 : i32
      %add3A_17 = arith.constant 0 : i32
      %add3A_18 = arith.addi %add3A_17, %mul3A_16 : i32
      "tpu.region"() ({
        %run_scoped3A_19 = tpu.sem_alloc : memref<!tpu.dma_semaphore, #tpu.memory_space<semaphore_mem>>
        %dma_start3A = arith.constant 0 : i32
        %dma_start3A_20 = tpu.memref_slice %arg7[%add3A_18, %dma_start3A] : memref<80x128xi32, #tpu.memory_space<vmem>> -> memref<1x128xi32, #tpu.memory_space<vmem>>
        %dma_start3A_21 = tpu.memref_squeeze %dma_start3A_20 : memref<1x128xi32, #tpu.memory_space<vmem>> -> memref<128xi32, #tpu.memory_space<vmem>>
        %dma_start3A_22 = arith.constant 0 : i32
        %dma_start3A_23 = arith.constant 0 : i32
        %dma_start3A_24 = tpu.memref_slice %arg10[%dma_start3A_22, %dma_start3A_23] : memref<10240x16xf32, #tpu.memory_space<vmem_shared>> -> memref<10240x16xf32, #tpu.memory_space<vmem_shared>>
        tpu.enqueue_indirect_dma source(%arg8 : memref<128x16xf32, #tpu.memory_space<vmem>>) target(%dma_start3A_24 : memref<10240x16xf32, #tpu.memory_space<vmem_shared>>) offsets(%dma_start3A_21 : memref<128xi32, #tpu.memory_space<vmem>>) semaphore(%run_scoped3A_19 : memref<!tpu.dma_semaphore, #tpu.memory_space<semaphore_mem>>) {add = true}
        %dma_wait3A = arith.constant 0 : i32
        %dma_wait3A_25 = tpu.memref_slice %arg7[%add3A_18, %dma_wait3A] : memref<80x128xi32, #tpu.memory_space<vmem>> -> memref<1x128xi32, #tpu.memory_space<vmem>>
        %dma_wait3A_26 = tpu.memref_squeeze %dma_wait3A_25 : memref<1x128xi32, #tpu.memory_space<vmem>> -> memref<128xi32, #tpu.memory_space<vmem>>
        %dma_wait3A_27 = arith.constant 0 : i32
        %dma_wait3A_28 = arith.constant 0 : i32
        %dma_wait3A_29 = tpu.memref_slice %arg10[%dma_wait3A_27, %dma_wait3A_28] : memref<10240x16xf32, #tpu.memory_space<vmem_shared>> -> memref<10240x16xf32, #tpu.memory_space<vmem_shared>>
        tpu.wait_indirect_dma semaphore(%run_scoped3A_19 : memref<!tpu.dma_semaphore, #tpu.memory_space<semaphore_mem>>) src(%arg8 : memref<128x16xf32, #tpu.memory_space<vmem>>) dst(%dma_wait3A_29 : memref<10240x16xf32, #tpu.memory_space<vmem_shared>>)
        tpu.yield
      }) : () -> ()
    }
    %scan3A_11 = arith.constant 80 : i32
    %barrier3A_12 = arith.constant 0 : index
    tpu.barrier barrier_id(%barrier3A_12)
    %run_scoped3A = arith.constant 0 : i32
    "tpu.region"() ({
      %run_scoped3A_14 = tpu.sem_alloc : memref<!tpu.dma_semaphore, #tpu.memory_space<semaphore_mem>>
      %dma_start3A = arith.constant 0 : i32
      %dma_start3A_15 = tpu.memref_slice %arg6[%arg0, %run_scoped3A, %mul3A_2, %dma_start3A] : memref<2x2x10240x16xf32, #tpu.memory_space<hbm>> -> memref<1x1x640x16xf32, #tpu.memory_space<hbm>>
      %dma_start3A_16 = tpu.memref_squeeze %dma_start3A_15 : memref<1x1x640x16xf32, #tpu.memory_space<hbm>> -> memref<640x16xf32, #tpu.memory_space<hbm>>
      %dma_start3A_17 = arith.constant 0 : i32
      %dma_start3A_18 = tpu.memref_slice %arg9[%mul3A_2, %dma_start3A_17] : memref<10240x16xf32, #tpu.memory_space<vmem_shared>> -> memref<640x16xf32, #tpu.memory_space<vmem_shared>>
      tpu.enqueue_dma source(%dma_start3A_18 : memref<640x16xf32, #tpu.memory_space<vmem_shared>>) target(%dma_start3A_16 : memref<640x16xf32, #tpu.memory_space<hbm>>) target_semaphore(%run_scoped3A_14 : memref<!tpu.dma_semaphore, #tpu.memory_space<semaphore_mem>>)
      %dma_wait3A = arith.constant 0 : i32
      %dma_wait3A_19 = tpu.memref_slice %arg6[%arg0, %run_scoped3A, %mul3A_2, %dma_wait3A] : memref<2x2x10240x16xf32, #tpu.memory_space<hbm>> -> memref<1x1x640x16xf32, #tpu.memory_space<hbm>>
      %dma_wait3A_20 = tpu.memref_squeeze %dma_wait3A_19 : memref<1x1x640x16xf32, #tpu.memory_space<hbm>> -> memref<640x16xf32, #tpu.memory_space<hbm>>
      %dma_wait3A_21 = arith.constant 0 : i32
      %dma_wait3A_22 = tpu.memref_slice %arg9[%mul3A_2, %dma_wait3A_21] : memref<10240x16xf32, #tpu.memory_space<vmem_shared>> -> memref<640x16xf32, #tpu.memory_space<vmem_shared>>
      tpu.wait_dma2 semaphore(%run_scoped3A_14 : memref<!tpu.dma_semaphore, #tpu.memory_space<semaphore_mem>>) src(%dma_wait3A_22 : memref<640x16xf32, #tpu.memory_space<vmem_shared>>) dst(%dma_wait3A_20 : memref<640x16xf32, #tpu.memory_space<hbm>>)
      tpu.yield
    }) : () -> ()
    %run_scoped3A_13 = arith.constant 1 : i32
    "tpu.region"() ({
      %run_scoped3A_14 = tpu.sem_alloc : memref<!tpu.dma_semaphore, #tpu.memory_space<semaphore_mem>>
      %dma_start3A = arith.constant 0 : i32
      %dma_start3A_15 = tpu.memref_slice %arg6[%arg0, %run_scoped3A_13, %mul3A_2, %dma_start3A] : memref<2x2x10240x16xf32, #tpu.memory_space<hbm>> -> memref<1x1x640x16xf32, #tpu.memory_space<hbm>>
      %dma_start3A_16 = tpu.memref_squeeze %dma_start3A_15 : memref<1x1x640x16xf32, #tpu.memory_space<hbm>> -> memref<640x16xf32, #tpu.memory_space<hbm>>
      %dma_start3A_17 = arith.constant 0 : i32
      %dma_start3A_18 = tpu.memref_slice %arg10[%mul3A_2, %dma_start3A_17] : memref<10240x16xf32, #tpu.memory_space<vmem_shared>> -> memref<640x16xf32, #tpu.memory_space<vmem_shared>>
      tpu.enqueue_dma source(%dma_start3A_18 : memref<640x16xf32, #tpu.memory_space<vmem_shared>>) target(%dma_start3A_16 : memref<640x16xf32, #tpu.memory_space<hbm>>) target_semaphore(%run_scoped3A_14 : memref<!tpu.dma_semaphore, #tpu.memory_space<semaphore_mem>>)
      %dma_wait3A = arith.constant 0 : i32
      %dma_wait3A_19 = tpu.memref_slice %arg6[%arg0, %run_scoped3A_13, %mul3A_2, %dma_wait3A] : memref<2x2x10240x16xf32, #tpu.memory_space<hbm>> -> memref<1x1x640x16xf32, #tpu.memory_space<hbm>>
      %dma_wait3A_20 = tpu.memref_squeeze %dma_wait3A_19 : memref<1x1x640x16xf32, #tpu.memory_space<hbm>> -> memref<640x16xf32, #tpu.memory_space<hbm>>
      %dma_wait3A_21 = arith.constant 0 : i32
      %dma_wait3A_22 = tpu.memref_slice %arg10[%mul3A_2, %dma_wait3A_21] : memref<10240x16xf32, #tpu.memory_space<vmem_shared>> -> memref<640x16xf32, #tpu.memory_space<vmem_shared>>
      tpu.wait_dma2 semaphore(%run_scoped3A_14 : memref<!tpu.dma_semaphore, #tpu.memory_space<semaphore_mem>>) src(%dma_wait3A_22 : memref<640x16xf32, #tpu.memory_space<vmem_shared>>) dst(%dma_wait3A_20 : memref<640x16xf32, #tpu.memory_space<hbm>>)
      tpu.yield
    }) : () -> ()
    return
  }
}

#map = affine_map<(d0, d1) -> (0, 0)>
#map1 = affine_map<(d0, d1) -> (0, 0, 0)>
module attributes {stable_mosaic.version = 14 : i64} {
  func.func @body(%arg0: i32, %arg1: i32, %arg2: memref<10240x64xf32, #tpu.memory_space<hbm>>, %arg3: memref<10240x64xf32, #tpu.memory_space<hbm>>, %arg4: memref<16x158x128xi32, #tpu.memory_space<hbm>>, %arg5: memref<16x158x128xi32, #tpu.memory_space<hbm>>, %arg6: memref<640x64xf32, #tpu.memory_space<hbm>>, %arg7: memref<2x10240x64xf32, #tpu.memory_space<hbm>>, %arg8: memref<158x128xi32, #tpu.memory_space<vmem>>, %arg9: memref<158x128xi32, #tpu.memory_space<vmem>>, %arg10: memref<128x64xf32, #tpu.memory_space<vmem>>, %arg11: memref<128x64xf32, #tpu.memory_space<vmem>>, %arg12: memref<10240x64xf32, #tpu.memory_space<vmem_shared>>, %arg13: memref<!tpu.dma_semaphore, #tpu.memory_space<semaphore_mem>>, %arg14: memref<!tpu.dma_semaphore, #tpu.memory_space<semaphore_mem>>) attributes {dimension_semantics = [#tpu.dimension_semantics<core_parallel>, #tpu.dimension_semantics<subcore_parallel>], iteration_bounds = array<i64: 2, 16>, scalar_prefetch = 0 : i64, scratch_operands = 7 : i64, tpu.core_type = #tpu.core_type<sc_vector_subcore>, window_params = [{transform_indices = #map}, {transform_indices = #map}, {transform_indices = #map1}, {transform_indices = #map1}, {transform_indices = #map}, {transform_indices = #map1}]} {
    %mul3A = arith.constant 640 : i32
    %mul3A_0 = arith.muli %arg1, %mul3A : i32
    "tpu.region"() ({
      %run_scoped3A = tpu.sem_alloc : memref<!tpu.dma_semaphore, #tpu.memory_space<semaphore_mem>>
      %dma_start3A = arith.constant 0 : i32
      %dma_start3A_9 = tpu.memref_slice %arg12[%mul3A_0, %dma_start3A] : memref<10240x64xf32, #tpu.memory_space<vmem_shared>> -> memref<640x64xf32, #tpu.memory_space<vmem_shared>>
      tpu.enqueue_dma source(%arg6 : memref<640x64xf32, #tpu.memory_space<hbm>>) target(%dma_start3A_9 : memref<640x64xf32, #tpu.memory_space<vmem_shared>>) target_semaphore(%run_scoped3A : memref<!tpu.dma_semaphore, #tpu.memory_space<semaphore_mem>>)
      %dma_wait3A = arith.constant 0 : i32
      %dma_wait3A_10 = tpu.memref_slice %arg12[%mul3A_0, %dma_wait3A] : memref<10240x64xf32, #tpu.memory_space<vmem_shared>> -> memref<640x64xf32, #tpu.memory_space<vmem_shared>>
      tpu.wait_dma2 semaphore(%run_scoped3A : memref<!tpu.dma_semaphore, #tpu.memory_space<semaphore_mem>>) src(%arg6 : memref<640x64xf32, #tpu.memory_space<hbm>>) dst(%dma_wait3A_10 : memref<640x64xf32, #tpu.memory_space<vmem_shared>>)
      tpu.yield
    }) : () -> ()
    "tpu.region"() ({
      %run_scoped3A = tpu.sem_alloc : memref<!tpu.dma_semaphore, #tpu.memory_space<semaphore_mem>>
      %dma_start3A = arith.constant 0 : i32
      %dma_start3A_9 = arith.constant 0 : i32
      %dma_start3A_10 = tpu.memref_slice %arg4[%arg1, %dma_start3A, %dma_start3A_9] : memref<16x158x128xi32, #tpu.memory_space<hbm>> -> memref<1x158x128xi32, #tpu.memory_space<hbm>>
      %dma_start3A_11 = tpu.memref_squeeze %dma_start3A_10 : memref<1x158x128xi32, #tpu.memory_space<hbm>> -> memref<158x128xi32, #tpu.memory_space<hbm>>
      %dma_start3A_12 = arith.constant 0 : i32
      %dma_start3A_13 = arith.constant 0 : i32
      %dma_start3A_14 = tpu.memref_slice %arg4[%arg1, %dma_start3A_12, %dma_start3A_13] : memref<16x158x128xi32, #tpu.memory_space<hbm>> -> memref<1x158x128xi32, #tpu.memory_space<hbm>>
      %dma_start3A_15 = tpu.memref_squeeze %dma_start3A_14 : memref<1x158x128xi32, #tpu.memory_space<hbm>> -> memref<158x128xi32, #tpu.memory_space<hbm>>
      tpu.enqueue_dma source(%dma_start3A_15 : memref<158x128xi32, #tpu.memory_space<hbm>>) target(%arg8 : memref<158x128xi32, #tpu.memory_space<vmem>>) target_semaphore(%run_scoped3A : memref<!tpu.dma_semaphore, #tpu.memory_space<semaphore_mem>>)
      %dma_wait3A = arith.constant 0 : i32
      %dma_wait3A_16 = arith.constant 0 : i32
      %dma_wait3A_17 = tpu.memref_slice %arg4[%arg1, %dma_wait3A, %dma_wait3A_16] : memref<16x158x128xi32, #tpu.memory_space<hbm>> -> memref<1x158x128xi32, #tpu.memory_space<hbm>>
      %dma_wait3A_18 = tpu.memref_squeeze %dma_wait3A_17 : memref<1x158x128xi32, #tpu.memory_space<hbm>> -> memref<158x128xi32, #tpu.memory_space<hbm>>
      %dma_wait3A_19 = arith.constant 0 : i32
      %dma_wait3A_20 = arith.constant 0 : i32
      %dma_wait3A_21 = tpu.memref_slice %arg4[%arg1, %dma_wait3A_19, %dma_wait3A_20] : memref<16x158x128xi32, #tpu.memory_space<hbm>> -> memref<1x158x128xi32, #tpu.memory_space<hbm>>
      %dma_wait3A_22 = tpu.memref_squeeze %dma_wait3A_21 : memref<1x158x128xi32, #tpu.memory_space<hbm>> -> memref<158x128xi32, #tpu.memory_space<hbm>>
      tpu.wait_dma2 semaphore(%run_scoped3A : memref<!tpu.dma_semaphore, #tpu.memory_space<semaphore_mem>>) src(%dma_wait3A_22 : memref<158x128xi32, #tpu.memory_space<hbm>>) dst(%arg8 : memref<158x128xi32, #tpu.memory_space<vmem>>)
      tpu.yield
    }) : () -> ()
    "tpu.region"() ({
      %run_scoped3A = tpu.sem_alloc : memref<!tpu.dma_semaphore, #tpu.memory_space<semaphore_mem>>
      %dma_start3A = arith.constant 0 : i32
      %dma_start3A_9 = arith.constant 0 : i32
      %dma_start3A_10 = tpu.memref_slice %arg5[%arg1, %dma_start3A, %dma_start3A_9] : memref<16x158x128xi32, #tpu.memory_space<hbm>> -> memref<1x158x128xi32, #tpu.memory_space<hbm>>
      %dma_start3A_11 = tpu.memref_squeeze %dma_start3A_10 : memref<1x158x128xi32, #tpu.memory_space<hbm>> -> memref<158x128xi32, #tpu.memory_space<hbm>>
      %dma_start3A_12 = arith.constant 0 : i32
      %dma_start3A_13 = arith.constant 0 : i32
      %dma_start3A_14 = tpu.memref_slice %arg5[%arg1, %dma_start3A_12, %dma_start3A_13] : memref<16x158x128xi32, #tpu.memory_space<hbm>> -> memref<1x158x128xi32, #tpu.memory_space<hbm>>
      %dma_start3A_15 = tpu.memref_squeeze %dma_start3A_14 : memref<1x158x128xi32, #tpu.memory_space<hbm>> -> memref<158x128xi32, #tpu.memory_space<hbm>>
      tpu.enqueue_dma source(%dma_start3A_15 : memref<158x128xi32, #tpu.memory_space<hbm>>) target(%arg9 : memref<158x128xi32, #tpu.memory_space<vmem>>) target_semaphore(%run_scoped3A : memref<!tpu.dma_semaphore, #tpu.memory_space<semaphore_mem>>)
      %dma_wait3A = arith.constant 0 : i32
      %dma_wait3A_16 = arith.constant 0 : i32
      %dma_wait3A_17 = tpu.memref_slice %arg5[%arg1, %dma_wait3A, %dma_wait3A_16] : memref<16x158x128xi32, #tpu.memory_space<hbm>> -> memref<1x158x128xi32, #tpu.memory_space<hbm>>
      %dma_wait3A_18 = tpu.memref_squeeze %dma_wait3A_17 : memref<1x158x128xi32, #tpu.memory_space<hbm>> -> memref<158x128xi32, #tpu.memory_space<hbm>>
      %dma_wait3A_19 = arith.constant 0 : i32
      %dma_wait3A_20 = arith.constant 0 : i32
      %dma_wait3A_21 = tpu.memref_slice %arg5[%arg1, %dma_wait3A_19, %dma_wait3A_20] : memref<16x158x128xi32, #tpu.memory_space<hbm>> -> memref<1x158x128xi32, #tpu.memory_space<hbm>>
      %dma_wait3A_22 = tpu.memref_squeeze %dma_wait3A_21 : memref<1x158x128xi32, #tpu.memory_space<hbm>> -> memref<158x128xi32, #tpu.memory_space<hbm>>
      tpu.wait_dma2 semaphore(%run_scoped3A : memref<!tpu.dma_semaphore, #tpu.memory_space<semaphore_mem>>) src(%dma_wait3A_22 : memref<158x128xi32, #tpu.memory_space<hbm>>) dst(%arg9 : memref<158x128xi32, #tpu.memory_space<vmem>>)
      tpu.yield
    }) : () -> ()
    %barrier3A = arith.constant 0 : index
    tpu.barrier barrier_id(%barrier3A)
    %eq3A = arith.constant 0 : i32
    %eq3A_1 = arith.cmpi eq, %arg0, %eq3A : i32
    %convert_element_type3A = arith.extui %eq3A_1 : i1 to i32
    %cond3A = arith.constant 0 : i32
    %cond3A_2 = arith.cmpi ne, %convert_element_type3A, %cond3A : i32
    scf.if %cond3A_2 {
      %dma_start3A = arith.constant 0 : i32
      %dma_start3A_9 = arith.constant 0 : i32
      %dma_start3A_10 = tpu.memref_slice %arg8[%dma_start3A, %dma_start3A_9] : memref<158x128xi32, #tpu.memory_space<vmem>> -> memref<1x128xi32, #tpu.memory_space<vmem>>
      %dma_start3A_11 = tpu.memref_squeeze %dma_start3A_10 : memref<1x128xi32, #tpu.memory_space<vmem>> -> memref<128xi32, #tpu.memory_space<vmem>>
      %dma_start3A_12 = arith.constant 0 : i32
      %dma_start3A_13 = arith.constant 0 : i32
      %dma_start3A_14 = tpu.memref_slice %arg2[%dma_start3A_12, %dma_start3A_13] : memref<10240x64xf32, #tpu.memory_space<hbm>> -> memref<10240x64xf32, #tpu.memory_space<hbm>>
      tpu.enqueue_indirect_dma source(%dma_start3A_14 : memref<10240x64xf32, #tpu.memory_space<hbm>>) target(%arg10 : memref<128x64xf32, #tpu.memory_space<vmem>>) offsets(%dma_start3A_11 : memref<128xi32, #tpu.memory_space<vmem>>) semaphore(%arg13 : memref<!tpu.dma_semaphore, #tpu.memory_space<semaphore_mem>>)
      %scan3A = arith.constant 0 : i32
      %scan3A_15 = arith.constant 79 : i32
      %scan3A_16 = arith.addi %scan3A, %scan3A_15 : i32
      %scan3A_17 = arith.constant 1 : i32
      scf.for %scan3A_19 = %scan3A to %scan3A_16 step %scan3A_17  : i32 {
        %mul3A_20 = arith.constant 1 : i32
        %mul3A_21 = arith.muli %scan3A_19, %mul3A_20 : i32
        %add3A = arith.constant 0 : i32
        %add3A_22 = arith.addi %add3A, %mul3A_21 : i32
        %mul3A_23 = arith.constant 2 : i32
        %mul3A_24 = arith.muli %add3A_22, %mul3A_23 : i32
        %add3A_25 = arith.constant 1 : i32
        %add3A_26 = arith.addi %mul3A_24, %add3A_25 : i32
        %dma_start3A_27 = arith.constant 0 : i32
        %dma_start3A_28 = tpu.memref_slice %arg8[%add3A_26, %dma_start3A_27] : memref<158x128xi32, #tpu.memory_space<vmem>> -> memref<1x128xi32, #tpu.memory_space<vmem>>
        %dma_start3A_29 = tpu.memref_squeeze %dma_start3A_28 : memref<1x128xi32, #tpu.memory_space<vmem>> -> memref<128xi32, #tpu.memory_space<vmem>>
        %dma_start3A_30 = arith.constant 0 : i32
        %dma_start3A_31 = arith.constant 0 : i32
        %dma_start3A_32 = tpu.memref_slice %arg2[%dma_start3A_30, %dma_start3A_31] : memref<10240x64xf32, #tpu.memory_space<hbm>> -> memref<10240x64xf32, #tpu.memory_space<hbm>>
        tpu.enqueue_indirect_dma source(%dma_start3A_32 : memref<10240x64xf32, #tpu.memory_space<hbm>>) target(%arg11 : memref<128x64xf32, #tpu.memory_space<vmem>>) offsets(%dma_start3A_29 : memref<128xi32, #tpu.memory_space<vmem>>) semaphore(%arg14 : memref<!tpu.dma_semaphore, #tpu.memory_space<semaphore_mem>>)
        %dma_wait3A = arith.constant 0 : i32
        %dma_wait3A_33 = tpu.memref_slice %arg8[%mul3A_24, %dma_wait3A] : memref<158x128xi32, #tpu.memory_space<vmem>> -> memref<1x128xi32, #tpu.memory_space<vmem>>
        %dma_wait3A_34 = tpu.memref_squeeze %dma_wait3A_33 : memref<1x128xi32, #tpu.memory_space<vmem>> -> memref<128xi32, #tpu.memory_space<vmem>>
        %dma_wait3A_35 = arith.constant 0 : i32
        %dma_wait3A_36 = arith.constant 0 : i32
        %dma_wait3A_37 = tpu.memref_slice %arg2[%dma_wait3A_35, %dma_wait3A_36] : memref<10240x64xf32, #tpu.memory_space<hbm>> -> memref<10240x64xf32, #tpu.memory_space<hbm>>
        tpu.wait_indirect_dma semaphore(%arg13 : memref<!tpu.dma_semaphore, #tpu.memory_space<semaphore_mem>>) src(%dma_wait3A_37 : memref<10240x64xf32, #tpu.memory_space<hbm>>) dst(%arg10 : memref<128x64xf32, #tpu.memory_space<vmem>>)
        "tpu.region"() ({
          %run_scoped3A = tpu.sem_alloc : memref<!tpu.dma_semaphore, #tpu.memory_space<semaphore_mem>>
          %dma_start3A_52 = arith.constant 0 : i32
          %dma_start3A_53 = tpu.memref_slice %arg9[%mul3A_24, %dma_start3A_52] : memref<158x128xi32, #tpu.memory_space<vmem>> -> memref<1x128xi32, #tpu.memory_space<vmem>>
          %dma_start3A_54 = tpu.memref_squeeze %dma_start3A_53 : memref<1x128xi32, #tpu.memory_space<vmem>> -> memref<128xi32, #tpu.memory_space<vmem>>
          %dma_start3A_55 = arith.constant 0 : i32
          %dma_start3A_56 = arith.constant 0 : i32
          %dma_start3A_57 = tpu.memref_slice %arg12[%dma_start3A_55, %dma_start3A_56] : memref<10240x64xf32, #tpu.memory_space<vmem_shared>> -> memref<10240x64xf32, #tpu.memory_space<vmem_shared>>
          tpu.enqueue_indirect_dma source(%arg10 : memref<128x64xf32, #tpu.memory_space<vmem>>) target(%dma_start3A_57 : memref<10240x64xf32, #tpu.memory_space<vmem_shared>>) offsets(%dma_start3A_54 : memref<128xi32, #tpu.memory_space<vmem>>) semaphore(%run_scoped3A : memref<!tpu.dma_semaphore, #tpu.memory_space<semaphore_mem>>) {add = true}
          %dma_wait3A_58 = arith.constant 0 : i32
          %dma_wait3A_59 = tpu.memref_slice %arg9[%mul3A_24, %dma_wait3A_58] : memref<158x128xi32, #tpu.memory_space<vmem>> -> memref<1x128xi32, #tpu.memory_space<vmem>>
          %dma_wait3A_60 = tpu.memref_squeeze %dma_wait3A_59 : memref<1x128xi32, #tpu.memory_space<vmem>> -> memref<128xi32, #tpu.memory_space<vmem>>
          %dma_wait3A_61 = arith.constant 0 : i32
          %dma_wait3A_62 = arith.constant 0 : i32
          %dma_wait3A_63 = tpu.memref_slice %arg12[%dma_wait3A_61, %dma_wait3A_62] : memref<10240x64xf32, #tpu.memory_space<vmem_shared>> -> memref<10240x64xf32, #tpu.memory_space<vmem_shared>>
          tpu.wait_indirect_dma semaphore(%run_scoped3A : memref<!tpu.dma_semaphore, #tpu.memory_space<semaphore_mem>>) src(%arg10 : memref<128x64xf32, #tpu.memory_space<vmem>>) dst(%dma_wait3A_63 : memref<10240x64xf32, #tpu.memory_space<vmem_shared>>)
          tpu.yield
        }) : () -> ()
        %lt3A = arith.constant 78 : i32
        %lt3A_38 = arith.cmpi slt, %add3A_22, %lt3A : i32
        %convert_element_type3A_39 = arith.extui %lt3A_38 : i1 to i32
        %cond3A_40 = arith.constant 0 : i32
        %cond3A_41 = arith.cmpi ne, %convert_element_type3A_39, %cond3A_40 : i32
        scf.if %cond3A_41 {
          %add3A_52 = arith.constant 2 : i32
          %add3A_53 = arith.addi %mul3A_24, %add3A_52 : i32
          %dma_start3A_54 = arith.constant 0 : i32
          %dma_start3A_55 = tpu.memref_slice %arg8[%add3A_53, %dma_start3A_54] : memref<158x128xi32, #tpu.memory_space<vmem>> -> memref<1x128xi32, #tpu.memory_space<vmem>>
          %dma_start3A_56 = tpu.memref_squeeze %dma_start3A_55 : memref<1x128xi32, #tpu.memory_space<vmem>> -> memref<128xi32, #tpu.memory_space<vmem>>
          %dma_start3A_57 = arith.constant 0 : i32
          %dma_start3A_58 = arith.constant 0 : i32
          %dma_start3A_59 = tpu.memref_slice %arg2[%dma_start3A_57, %dma_start3A_58] : memref<10240x64xf32, #tpu.memory_space<hbm>> -> memref<10240x64xf32, #tpu.memory_space<hbm>>
          tpu.enqueue_indirect_dma source(%dma_start3A_59 : memref<10240x64xf32, #tpu.memory_space<hbm>>) target(%arg10 : memref<128x64xf32, #tpu.memory_space<vmem>>) offsets(%dma_start3A_56 : memref<128xi32, #tpu.memory_space<vmem>>) semaphore(%arg13 : memref<!tpu.dma_semaphore, #tpu.memory_space<semaphore_mem>>)
        } else {
        }
        %add3A_42 = arith.constant 1 : i32
        %add3A_43 = arith.addi %mul3A_24, %add3A_42 : i32
        %dma_wait3A_44 = arith.constant 0 : i32
        %dma_wait3A_45 = tpu.memref_slice %arg8[%add3A_43, %dma_wait3A_44] : memref<158x128xi32, #tpu.memory_space<vmem>> -> memref<1x128xi32, #tpu.memory_space<vmem>>
        %dma_wait3A_46 = tpu.memref_squeeze %dma_wait3A_45 : memref<1x128xi32, #tpu.memory_space<vmem>> -> memref<128xi32, #tpu.memory_space<vmem>>
        %dma_wait3A_47 = arith.constant 0 : i32
        %dma_wait3A_48 = arith.constant 0 : i32
        %dma_wait3A_49 = tpu.memref_slice %arg2[%dma_wait3A_47, %dma_wait3A_48] : memref<10240x64xf32, #tpu.memory_space<hbm>> -> memref<10240x64xf32, #tpu.memory_space<hbm>>
        tpu.wait_indirect_dma semaphore(%arg14 : memref<!tpu.dma_semaphore, #tpu.memory_space<semaphore_mem>>) src(%dma_wait3A_49 : memref<10240x64xf32, #tpu.memory_space<hbm>>) dst(%arg11 : memref<128x64xf32, #tpu.memory_space<vmem>>)
        %add3A_50 = arith.constant 1 : i32
        %add3A_51 = arith.addi %mul3A_24, %add3A_50 : i32
        "tpu.region"() ({
          %run_scoped3A = tpu.sem_alloc : memref<!tpu.dma_semaphore, #tpu.memory_space<semaphore_mem>>
          %dma_start3A_52 = arith.constant 0 : i32
          %dma_start3A_53 = tpu.memref_slice %arg9[%add3A_51, %dma_start3A_52] : memref<158x128xi32, #tpu.memory_space<vmem>> -> memref<1x128xi32, #tpu.memory_space<vmem>>
          %dma_start3A_54 = tpu.memref_squeeze %dma_start3A_53 : memref<1x128xi32, #tpu.memory_space<vmem>> -> memref<128xi32, #tpu.memory_space<vmem>>
          %dma_start3A_55 = arith.constant 0 : i32
          %dma_start3A_56 = arith.constant 0 : i32
          %dma_start3A_57 = tpu.memref_slice %arg12[%dma_start3A_55, %dma_start3A_56] : memref<10240x64xf32, #tpu.memory_space<vmem_shared>> -> memref<10240x64xf32, #tpu.memory_space<vmem_shared>>
          tpu.enqueue_indirect_dma source(%arg11 : memref<128x64xf32, #tpu.memory_space<vmem>>) target(%dma_start3A_57 : memref<10240x64xf32, #tpu.memory_space<vmem_shared>>) offsets(%dma_start3A_54 : memref<128xi32, #tpu.memory_space<vmem>>) semaphore(%run_scoped3A : memref<!tpu.dma_semaphore, #tpu.memory_space<semaphore_mem>>) {add = true}
          %dma_wait3A_58 = arith.constant 0 : i32
          %dma_wait3A_59 = tpu.memref_slice %arg9[%add3A_51, %dma_wait3A_58] : memref<158x128xi32, #tpu.memory_space<vmem>> -> memref<1x128xi32, #tpu.memory_space<vmem>>
          %dma_wait3A_60 = tpu.memref_squeeze %dma_wait3A_59 : memref<1x128xi32, #tpu.memory_space<vmem>> -> memref<128xi32, #tpu.memory_space<vmem>>
          %dma_wait3A_61 = arith.constant 0 : i32
          %dma_wait3A_62 = arith.constant 0 : i32
          %dma_wait3A_63 = tpu.memref_slice %arg12[%dma_wait3A_61, %dma_wait3A_62] : memref<10240x64xf32, #tpu.memory_space<vmem_shared>> -> memref<10240x64xf32, #tpu.memory_space<vmem_shared>>
          tpu.wait_indirect_dma semaphore(%run_scoped3A : memref<!tpu.dma_semaphore, #tpu.memory_space<semaphore_mem>>) src(%arg11 : memref<128x64xf32, #tpu.memory_space<vmem>>) dst(%dma_wait3A_63 : memref<10240x64xf32, #tpu.memory_space<vmem_shared>>)
          tpu.yield
        }) : () -> ()
      }
      %scan3A_18 = arith.constant 79 : i32
    } else {
    }
    %eq3A_3 = arith.constant 1 : i32
    %eq3A_4 = arith.cmpi eq, %arg0, %eq3A_3 : i32
    %convert_element_type3A_5 = arith.extui %eq3A_4 : i1 to i32
    %cond3A_6 = arith.constant 0 : i32
    %cond3A_7 = arith.cmpi ne, %convert_element_type3A_5, %cond3A_6 : i32
    scf.if %cond3A_7 {
      %dma_start3A = arith.constant 0 : i32
      %dma_start3A_9 = arith.constant 0 : i32
      %dma_start3A_10 = tpu.memref_slice %arg8[%dma_start3A, %dma_start3A_9] : memref<158x128xi32, #tpu.memory_space<vmem>> -> memref<1x128xi32, #tpu.memory_space<vmem>>
      %dma_start3A_11 = tpu.memref_squeeze %dma_start3A_10 : memref<1x128xi32, #tpu.memory_space<vmem>> -> memref<128xi32, #tpu.memory_space<vmem>>
      %dma_start3A_12 = arith.constant 0 : i32
      %dma_start3A_13 = arith.constant 0 : i32
      %dma_start3A_14 = tpu.memref_slice %arg3[%dma_start3A_12, %dma_start3A_13] : memref<10240x64xf32, #tpu.memory_space<hbm>> -> memref<10240x64xf32, #tpu.memory_space<hbm>>
      tpu.enqueue_indirect_dma source(%dma_start3A_14 : memref<10240x64xf32, #tpu.memory_space<hbm>>) target(%arg10 : memref<128x64xf32, #tpu.memory_space<vmem>>) offsets(%dma_start3A_11 : memref<128xi32, #tpu.memory_space<vmem>>) semaphore(%arg13 : memref<!tpu.dma_semaphore, #tpu.memory_space<semaphore_mem>>)
      %scan3A = arith.constant 0 : i32
      %scan3A_15 = arith.constant 79 : i32
      %scan3A_16 = arith.addi %scan3A, %scan3A_15 : i32
      %scan3A_17 = arith.constant 1 : i32
      scf.for %scan3A_19 = %scan3A to %scan3A_16 step %scan3A_17  : i32 {
        %mul3A_20 = arith.constant 1 : i32
        %mul3A_21 = arith.muli %scan3A_19, %mul3A_20 : i32
        %add3A = arith.constant 0 : i32
        %add3A_22 = arith.addi %add3A, %mul3A_21 : i32
        %mul3A_23 = arith.constant 2 : i32
        %mul3A_24 = arith.muli %add3A_22, %mul3A_23 : i32
        %add3A_25 = arith.constant 1 : i32
        %add3A_26 = arith.addi %mul3A_24, %add3A_25 : i32
        %dma_start3A_27 = arith.constant 0 : i32
        %dma_start3A_28 = tpu.memref_slice %arg8[%add3A_26, %dma_start3A_27] : memref<158x128xi32, #tpu.memory_space<vmem>> -> memref<1x128xi32, #tpu.memory_space<vmem>>
        %dma_start3A_29 = tpu.memref_squeeze %dma_start3A_28 : memref<1x128xi32, #tpu.memory_space<vmem>> -> memref<128xi32, #tpu.memory_space<vmem>>
        %dma_start3A_30 = arith.constant 0 : i32
        %dma_start3A_31 = arith.constant 0 : i32
        %dma_start3A_32 = tpu.memref_slice %arg3[%dma_start3A_30, %dma_start3A_31] : memref<10240x64xf32, #tpu.memory_space<hbm>> -> memref<10240x64xf32, #tpu.memory_space<hbm>>
        tpu.enqueue_indirect_dma source(%dma_start3A_32 : memref<10240x64xf32, #tpu.memory_space<hbm>>) target(%arg11 : memref<128x64xf32, #tpu.memory_space<vmem>>) offsets(%dma_start3A_29 : memref<128xi32, #tpu.memory_space<vmem>>) semaphore(%arg14 : memref<!tpu.dma_semaphore, #tpu.memory_space<semaphore_mem>>)
        %dma_wait3A = arith.constant 0 : i32
        %dma_wait3A_33 = tpu.memref_slice %arg8[%mul3A_24, %dma_wait3A] : memref<158x128xi32, #tpu.memory_space<vmem>> -> memref<1x128xi32, #tpu.memory_space<vmem>>
        %dma_wait3A_34 = tpu.memref_squeeze %dma_wait3A_33 : memref<1x128xi32, #tpu.memory_space<vmem>> -> memref<128xi32, #tpu.memory_space<vmem>>
        %dma_wait3A_35 = arith.constant 0 : i32
        %dma_wait3A_36 = arith.constant 0 : i32
        %dma_wait3A_37 = tpu.memref_slice %arg3[%dma_wait3A_35, %dma_wait3A_36] : memref<10240x64xf32, #tpu.memory_space<hbm>> -> memref<10240x64xf32, #tpu.memory_space<hbm>>
        tpu.wait_indirect_dma semaphore(%arg13 : memref<!tpu.dma_semaphore, #tpu.memory_space<semaphore_mem>>) src(%dma_wait3A_37 : memref<10240x64xf32, #tpu.memory_space<hbm>>) dst(%arg10 : memref<128x64xf32, #tpu.memory_space<vmem>>)
        "tpu.region"() ({
          %run_scoped3A = tpu.sem_alloc : memref<!tpu.dma_semaphore, #tpu.memory_space<semaphore_mem>>
          %dma_start3A_52 = arith.constant 0 : i32
          %dma_start3A_53 = tpu.memref_slice %arg9[%mul3A_24, %dma_start3A_52] : memref<158x128xi32, #tpu.memory_space<vmem>> -> memref<1x128xi32, #tpu.memory_space<vmem>>
          %dma_start3A_54 = tpu.memref_squeeze %dma_start3A_53 : memref<1x128xi32, #tpu.memory_space<vmem>> -> memref<128xi32, #tpu.memory_space<vmem>>
          %dma_start3A_55 = arith.constant 0 : i32
          %dma_start3A_56 = arith.constant 0 : i32
          %dma_start3A_57 = tpu.memref_slice %arg12[%dma_start3A_55, %dma_start3A_56] : memref<10240x64xf32, #tpu.memory_space<vmem_shared>> -> memref<10240x64xf32, #tpu.memory_space<vmem_shared>>
          tpu.enqueue_indirect_dma source(%arg10 : memref<128x64xf32, #tpu.memory_space<vmem>>) target(%dma_start3A_57 : memref<10240x64xf32, #tpu.memory_space<vmem_shared>>) offsets(%dma_start3A_54 : memref<128xi32, #tpu.memory_space<vmem>>) semaphore(%run_scoped3A : memref<!tpu.dma_semaphore, #tpu.memory_space<semaphore_mem>>) {add = true}
          %dma_wait3A_58 = arith.constant 0 : i32
          %dma_wait3A_59 = tpu.memref_slice %arg9[%mul3A_24, %dma_wait3A_58] : memref<158x128xi32, #tpu.memory_space<vmem>> -> memref<1x128xi32, #tpu.memory_space<vmem>>
          %dma_wait3A_60 = tpu.memref_squeeze %dma_wait3A_59 : memref<1x128xi32, #tpu.memory_space<vmem>> -> memref<128xi32, #tpu.memory_space<vmem>>
          %dma_wait3A_61 = arith.constant 0 : i32
          %dma_wait3A_62 = arith.constant 0 : i32
          %dma_wait3A_63 = tpu.memref_slice %arg12[%dma_wait3A_61, %dma_wait3A_62] : memref<10240x64xf32, #tpu.memory_space<vmem_shared>> -> memref<10240x64xf32, #tpu.memory_space<vmem_shared>>
          tpu.wait_indirect_dma semaphore(%run_scoped3A : memref<!tpu.dma_semaphore, #tpu.memory_space<semaphore_mem>>) src(%arg10 : memref<128x64xf32, #tpu.memory_space<vmem>>) dst(%dma_wait3A_63 : memref<10240x64xf32, #tpu.memory_space<vmem_shared>>)
          tpu.yield
        }) : () -> ()
        %lt3A = arith.constant 78 : i32
        %lt3A_38 = arith.cmpi slt, %add3A_22, %lt3A : i32
        %convert_element_type3A_39 = arith.extui %lt3A_38 : i1 to i32
        %cond3A_40 = arith.constant 0 : i32
        %cond3A_41 = arith.cmpi ne, %convert_element_type3A_39, %cond3A_40 : i32
        scf.if %cond3A_41 {
          %add3A_52 = arith.constant 2 : i32
          %add3A_53 = arith.addi %mul3A_24, %add3A_52 : i32
          %dma_start3A_54 = arith.constant 0 : i32
          %dma_start3A_55 = tpu.memref_slice %arg8[%add3A_53, %dma_start3A_54] : memref<158x128xi32, #tpu.memory_space<vmem>> -> memref<1x128xi32, #tpu.memory_space<vmem>>
          %dma_start3A_56 = tpu.memref_squeeze %dma_start3A_55 : memref<1x128xi32, #tpu.memory_space<vmem>> -> memref<128xi32, #tpu.memory_space<vmem>>
          %dma_start3A_57 = arith.constant 0 : i32
          %dma_start3A_58 = arith.constant 0 : i32
          %dma_start3A_59 = tpu.memref_slice %arg3[%dma_start3A_57, %dma_start3A_58] : memref<10240x64xf32, #tpu.memory_space<hbm>> -> memref<10240x64xf32, #tpu.memory_space<hbm>>
          tpu.enqueue_indirect_dma source(%dma_start3A_59 : memref<10240x64xf32, #tpu.memory_space<hbm>>) target(%arg10 : memref<128x64xf32, #tpu.memory_space<vmem>>) offsets(%dma_start3A_56 : memref<128xi32, #tpu.memory_space<vmem>>) semaphore(%arg13 : memref<!tpu.dma_semaphore, #tpu.memory_space<semaphore_mem>>)
        } else {
        }
        %add3A_42 = arith.constant 1 : i32
        %add3A_43 = arith.addi %mul3A_24, %add3A_42 : i32
        %dma_wait3A_44 = arith.constant 0 : i32
        %dma_wait3A_45 = tpu.memref_slice %arg8[%add3A_43, %dma_wait3A_44] : memref<158x128xi32, #tpu.memory_space<vmem>> -> memref<1x128xi32, #tpu.memory_space<vmem>>
        %dma_wait3A_46 = tpu.memref_squeeze %dma_wait3A_45 : memref<1x128xi32, #tpu.memory_space<vmem>> -> memref<128xi32, #tpu.memory_space<vmem>>
        %dma_wait3A_47 = arith.constant 0 : i32
        %dma_wait3A_48 = arith.constant 0 : i32
        %dma_wait3A_49 = tpu.memref_slice %arg3[%dma_wait3A_47, %dma_wait3A_48] : memref<10240x64xf32, #tpu.memory_space<hbm>> -> memref<10240x64xf32, #tpu.memory_space<hbm>>
        tpu.wait_indirect_dma semaphore(%arg14 : memref<!tpu.dma_semaphore, #tpu.memory_space<semaphore_mem>>) src(%dma_wait3A_49 : memref<10240x64xf32, #tpu.memory_space<hbm>>) dst(%arg11 : memref<128x64xf32, #tpu.memory_space<vmem>>)
        %add3A_50 = arith.constant 1 : i32
        %add3A_51 = arith.addi %mul3A_24, %add3A_50 : i32
        "tpu.region"() ({
          %run_scoped3A = tpu.sem_alloc : memref<!tpu.dma_semaphore, #tpu.memory_space<semaphore_mem>>
          %dma_start3A_52 = arith.constant 0 : i32
          %dma_start3A_53 = tpu.memref_slice %arg9[%add3A_51, %dma_start3A_52] : memref<158x128xi32, #tpu.memory_space<vmem>> -> memref<1x128xi32, #tpu.memory_space<vmem>>
          %dma_start3A_54 = tpu.memref_squeeze %dma_start3A_53 : memref<1x128xi32, #tpu.memory_space<vmem>> -> memref<128xi32, #tpu.memory_space<vmem>>
          %dma_start3A_55 = arith.constant 0 : i32
          %dma_start3A_56 = arith.constant 0 : i32
          %dma_start3A_57 = tpu.memref_slice %arg12[%dma_start3A_55, %dma_start3A_56] : memref<10240x64xf32, #tpu.memory_space<vmem_shared>> -> memref<10240x64xf32, #tpu.memory_space<vmem_shared>>
          tpu.enqueue_indirect_dma source(%arg11 : memref<128x64xf32, #tpu.memory_space<vmem>>) target(%dma_start3A_57 : memref<10240x64xf32, #tpu.memory_space<vmem_shared>>) offsets(%dma_start3A_54 : memref<128xi32, #tpu.memory_space<vmem>>) semaphore(%run_scoped3A : memref<!tpu.dma_semaphore, #tpu.memory_space<semaphore_mem>>) {add = true}
          %dma_wait3A_58 = arith.constant 0 : i32
          %dma_wait3A_59 = tpu.memref_slice %arg9[%add3A_51, %dma_wait3A_58] : memref<158x128xi32, #tpu.memory_space<vmem>> -> memref<1x128xi32, #tpu.memory_space<vmem>>
          %dma_wait3A_60 = tpu.memref_squeeze %dma_wait3A_59 : memref<1x128xi32, #tpu.memory_space<vmem>> -> memref<128xi32, #tpu.memory_space<vmem>>
          %dma_wait3A_61 = arith.constant 0 : i32
          %dma_wait3A_62 = arith.constant 0 : i32
          %dma_wait3A_63 = tpu.memref_slice %arg12[%dma_wait3A_61, %dma_wait3A_62] : memref<10240x64xf32, #tpu.memory_space<vmem_shared>> -> memref<10240x64xf32, #tpu.memory_space<vmem_shared>>
          tpu.wait_indirect_dma semaphore(%run_scoped3A : memref<!tpu.dma_semaphore, #tpu.memory_space<semaphore_mem>>) src(%arg11 : memref<128x64xf32, #tpu.memory_space<vmem>>) dst(%dma_wait3A_63 : memref<10240x64xf32, #tpu.memory_space<vmem_shared>>)
          tpu.yield
        }) : () -> ()
      }
      %scan3A_18 = arith.constant 79 : i32
    } else {
    }
    %barrier3A_8 = arith.constant 0 : index
    tpu.barrier barrier_id(%barrier3A_8)
    "tpu.region"() ({
      %run_scoped3A = tpu.sem_alloc : memref<!tpu.dma_semaphore, #tpu.memory_space<semaphore_mem>>
      %dma_start3A = arith.constant 0 : i32
      %dma_start3A_9 = tpu.memref_slice %arg7[%arg0, %mul3A_0, %dma_start3A] : memref<2x10240x64xf32, #tpu.memory_space<hbm>> -> memref<1x640x64xf32, #tpu.memory_space<hbm>>
      %dma_start3A_10 = tpu.memref_squeeze %dma_start3A_9 : memref<1x640x64xf32, #tpu.memory_space<hbm>> -> memref<640x64xf32, #tpu.memory_space<hbm>>
      %dma_start3A_11 = arith.constant 0 : i32
      %dma_start3A_12 = tpu.memref_slice %arg12[%mul3A_0, %dma_start3A_11] : memref<10240x64xf32, #tpu.memory_space<vmem_shared>> -> memref<640x64xf32, #tpu.memory_space<vmem_shared>>
      tpu.enqueue_dma source(%dma_start3A_12 : memref<640x64xf32, #tpu.memory_space<vmem_shared>>) target(%dma_start3A_10 : memref<640x64xf32, #tpu.memory_space<hbm>>) target_semaphore(%run_scoped3A : memref<!tpu.dma_semaphore, #tpu.memory_space<semaphore_mem>>)
      %dma_wait3A = arith.constant 0 : i32
      %dma_wait3A_13 = tpu.memref_slice %arg7[%arg0, %mul3A_0, %dma_wait3A] : memref<2x10240x64xf32, #tpu.memory_space<hbm>> -> memref<1x640x64xf32, #tpu.memory_space<hbm>>
      %dma_wait3A_14 = tpu.memref_squeeze %dma_wait3A_13 : memref<1x640x64xf32, #tpu.memory_space<hbm>> -> memref<640x64xf32, #tpu.memory_space<hbm>>
      %dma_wait3A_15 = arith.constant 0 : i32
      %dma_wait3A_16 = tpu.memref_slice %arg12[%mul3A_0, %dma_wait3A_15] : memref<10240x64xf32, #tpu.memory_space<vmem_shared>> -> memref<640x64xf32, #tpu.memory_space<vmem_shared>>
      tpu.wait_dma2 semaphore(%run_scoped3A : memref<!tpu.dma_semaphore, #tpu.memory_space<semaphore_mem>>) src(%dma_wait3A_16 : memref<640x64xf32, #tpu.memory_space<vmem_shared>>) dst(%dma_wait3A_14 : memref<640x64xf32, #tpu.memory_space<hbm>>)
      tpu.yield
    }) : () -> ()
    return
  }
}

#map = affine_map<(d0, d1) -> (0, 0)>
#map1 = affine_map<(d0, d1) -> (0, 0, 0)>
module attributes {stable_mosaic.version = 14 : i64} {
  func.func @body(%arg0: i32, %arg1: i32, %arg2: memref<10240x64xf32, #tpu.memory_space<hbm>>, %arg3: memref<10240x64xf32, #tpu.memory_space<hbm>>, %arg4: memref<16x158x128xi32, #tpu.memory_space<hbm>>, %arg5: memref<16x158x128xi32, #tpu.memory_space<hbm>>, %arg6: memref<640x64xf32, #tpu.memory_space<hbm>>, %arg7: memref<2x10240x64xf32, #tpu.memory_space<hbm>>, %arg8: memref<158x128xi32, #tpu.memory_space<vmem>>, %arg9: memref<158x128xi32, #tpu.memory_space<vmem>>, %arg10: memref<128x64xf32, #tpu.memory_space<vmem>>, %arg11: memref<128x64xf32, #tpu.memory_space<vmem>>, %arg12: memref<10240x64xf32, #tpu.memory_space<vmem_shared>>, %arg13: memref<!tpu.dma_semaphore, #tpu.memory_space<semaphore_mem>>, %arg14: memref<!tpu.dma_semaphore, #tpu.memory_space<semaphore_mem>>) attributes {dimension_semantics = [#tpu.dimension_semantics<core_parallel>, #tpu.dimension_semantics<subcore_parallel>], iteration_bounds = array<i64: 2, 16>, scalar_prefetch = 0 : i64, scratch_operands = 7 : i64, tpu.core_type = #tpu.core_type<sc_vector_subcore>, window_params = [{transform_indices = #map}, {transform_indices = #map}, {transform_indices = #map1}, {transform_indices = #map1}, {transform_indices = #map}, {transform_indices = #map1}]} {
    %mul3A = arith.constant 640 : i32
    %mul3A_0 = arith.muli %arg1, %mul3A : i32
    "tpu.region"() ({
      %run_scoped3A = tpu.sem_alloc : memref<!tpu.dma_semaphore, #tpu.memory_space<semaphore_mem>>
      %dma_start3A = arith.constant 0 : i32
      %dma_start3A_9 = tpu.memref_slice %arg12[%mul3A_0, %dma_start3A] : memref<10240x64xf32, #tpu.memory_space<vmem_shared>> -> memref<640x64xf32, #tpu.memory_space<vmem_shared>>
      tpu.enqueue_dma source(%arg6 : memref<640x64xf32, #tpu.memory_space<hbm>>) target(%dma_start3A_9 : memref<640x64xf32, #tpu.memory_space<vmem_shared>>) target_semaphore(%run_scoped3A : memref<!tpu.dma_semaphore, #tpu.memory_space<semaphore_mem>>)
      %dma_wait3A = arith.constant 0 : i32
      %dma_wait3A_10 = tpu.memref_slice %arg12[%mul3A_0, %dma_wait3A] : memref<10240x64xf32, #tpu.memory_space<vmem_shared>> -> memref<640x64xf32, #tpu.memory_space<vmem_shared>>
      tpu.wait_dma2 semaphore(%run_scoped3A : memref<!tpu.dma_semaphore, #tpu.memory_space<semaphore_mem>>) src(%arg6 : memref<640x64xf32, #tpu.memory_space<hbm>>) dst(%dma_wait3A_10 : memref<640x64xf32, #tpu.memory_space<vmem_shared>>)
      tpu.yield
    }) : () -> ()
    "tpu.region"() ({
      %run_scoped3A = tpu.sem_alloc : memref<!tpu.dma_semaphore, #tpu.memory_space<semaphore_mem>>
      %dma_start3A = arith.constant 0 : i32
      %dma_start3A_9 = arith.constant 0 : i32
      %dma_start3A_10 = tpu.memref_slice %arg4[%arg1, %dma_start3A, %dma_start3A_9] : memref<16x158x128xi32, #tpu.memory_space<hbm>> -> memref<1x158x128xi32, #tpu.memory_space<hbm>>
      %dma_start3A_11 = tpu.memref_squeeze %dma_start3A_10 : memref<1x158x128xi32, #tpu.memory_space<hbm>> -> memref<158x128xi32, #tpu.memory_space<hbm>>
      %dma_start3A_12 = arith.constant 0 : i32
      %dma_start3A_13 = arith.constant 0 : i32
      %dma_start3A_14 = tpu.memref_slice %arg4[%arg1, %dma_start3A_12, %dma_start3A_13] : memref<16x158x128xi32, #tpu.memory_space<hbm>> -> memref<1x158x128xi32, #tpu.memory_space<hbm>>
      %dma_start3A_15 = tpu.memref_squeeze %dma_start3A_14 : memref<1x158x128xi32, #tpu.memory_space<hbm>> -> memref<158x128xi32, #tpu.memory_space<hbm>>
      tpu.enqueue_dma source(%dma_start3A_15 : memref<158x128xi32, #tpu.memory_space<hbm>>) target(%arg8 : memref<158x128xi32, #tpu.memory_space<vmem>>) target_semaphore(%run_scoped3A : memref<!tpu.dma_semaphore, #tpu.memory_space<semaphore_mem>>)
      %dma_wait3A = arith.constant 0 : i32
      %dma_wait3A_16 = arith.constant 0 : i32
      %dma_wait3A_17 = tpu.memref_slice %arg4[%arg1, %dma_wait3A, %dma_wait3A_16] : memref<16x158x128xi32, #tpu.memory_space<hbm>> -> memref<1x158x128xi32, #tpu.memory_space<hbm>>
      %dma_wait3A_18 = tpu.memref_squeeze %dma_wait3A_17 : memref<1x158x128xi32, #tpu.memory_space<hbm>> -> memref<158x128xi32, #tpu.memory_space<hbm>>
      %dma_wait3A_19 = arith.constant 0 : i32
      %dma_wait3A_20 = arith.constant 0 : i32
      %dma_wait3A_21 = tpu.memref_slice %arg4[%arg1, %dma_wait3A_19, %dma_wait3A_20] : memref<16x158x128xi32, #tpu.memory_space<hbm>> -> memref<1x158x128xi32, #tpu.memory_space<hbm>>
      %dma_wait3A_22 = tpu.memref_squeeze %dma_wait3A_21 : memref<1x158x128xi32, #tpu.memory_space<hbm>> -> memref<158x128xi32, #tpu.memory_space<hbm>>
      tpu.wait_dma2 semaphore(%run_scoped3A : memref<!tpu.dma_semaphore, #tpu.memory_space<semaphore_mem>>) src(%dma_wait3A_22 : memref<158x128xi32, #tpu.memory_space<hbm>>) dst(%arg8 : memref<158x128xi32, #tpu.memory_space<vmem>>)
      tpu.yield
    }) : () -> ()
    "tpu.region"() ({
      %run_scoped3A = tpu.sem_alloc : memref<!tpu.dma_semaphore, #tpu.memory_space<semaphore_mem>>
      %dma_start3A = arith.constant 0 : i32
      %dma_start3A_9 = arith.constant 0 : i32
      %dma_start3A_10 = tpu.memref_slice %arg5[%arg1, %dma_start3A, %dma_start3A_9] : memref<16x158x128xi32, #tpu.memory_space<hbm>> -> memref<1x158x128xi32, #tpu.memory_space<hbm>>
      %dma_start3A_11 = tpu.memref_squeeze %dma_start3A_10 : memref<1x158x128xi32, #tpu.memory_space<hbm>> -> memref<158x128xi32, #tpu.memory_space<hbm>>
      %dma_start3A_12 = arith.constant 0 : i32
      %dma_start3A_13 = arith.constant 0 : i32
      %dma_start3A_14 = tpu.memref_slice %arg5[%arg1, %dma_start3A_12, %dma_start3A_13] : memref<16x158x128xi32, #tpu.memory_space<hbm>> -> memref<1x158x128xi32, #tpu.memory_space<hbm>>
      %dma_start3A_15 = tpu.memref_squeeze %dma_start3A_14 : memref<1x158x128xi32, #tpu.memory_space<hbm>> -> memref<158x128xi32, #tpu.memory_space<hbm>>
      tpu.enqueue_dma source(%dma_start3A_15 : memref<158x128xi32, #tpu.memory_space<hbm>>) target(%arg9 : memref<158x128xi32, #tpu.memory_space<vmem>>) target_semaphore(%run_scoped3A : memref<!tpu.dma_semaphore, #tpu.memory_space<semaphore_mem>>)
      %dma_wait3A = arith.constant 0 : i32
      %dma_wait3A_16 = arith.constant 0 : i32
      %dma_wait3A_17 = tpu.memref_slice %arg5[%arg1, %dma_wait3A, %dma_wait3A_16] : memref<16x158x128xi32, #tpu.memory_space<hbm>> -> memref<1x158x128xi32, #tpu.memory_space<hbm>>
      %dma_wait3A_18 = tpu.memref_squeeze %dma_wait3A_17 : memref<1x158x128xi32, #tpu.memory_space<hbm>> -> memref<158x128xi32, #tpu.memory_space<hbm>>
      %dma_wait3A_19 = arith.constant 0 : i32
      %dma_wait3A_20 = arith.constant 0 : i32
      %dma_wait3A_21 = tpu.memref_slice %arg5[%arg1, %dma_wait3A_19, %dma_wait3A_20] : memref<16x158x128xi32, #tpu.memory_space<hbm>> -> memref<1x158x128xi32, #tpu.memory_space<hbm>>
      %dma_wait3A_22 = tpu.memref_squeeze %dma_wait3A_21 : memref<1x158x128xi32, #tpu.memory_space<hbm>> -> memref<158x128xi32, #tpu.memory_space<hbm>>
      tpu.wait_dma2 semaphore(%run_scoped3A : memref<!tpu.dma_semaphore, #tpu.memory_space<semaphore_mem>>) src(%dma_wait3A_22 : memref<158x128xi32, #tpu.memory_space<hbm>>) dst(%arg9 : memref<158x128xi32, #tpu.memory_space<vmem>>)
      tpu.yield
    }) : () -> ()
    %barrier3A = arith.constant 0 : index
    tpu.barrier barrier_id(%barrier3A)
    %eq3A = arith.constant 0 : i32
    %eq3A_1 = arith.cmpi eq, %arg0, %eq3A : i32
    %convert_element_type3A = arith.extui %eq3A_1 : i1 to i32
    %cond3A = arith.constant 0 : i32
    %cond3A_2 = arith.cmpi ne, %convert_element_type3A, %cond3A : i32
    scf.if %cond3A_2 {
      %dma_start3A = arith.constant 0 : i32
      %dma_start3A_9 = arith.constant 0 : i32
      %dma_start3A_10 = tpu.memref_slice %arg8[%dma_start3A, %dma_start3A_9] : memref<158x128xi32, #tpu.memory_space<vmem>> -> memref<1x128xi32, #tpu.memory_space<vmem>>
      %dma_start3A_11 = tpu.memref_squeeze %dma_start3A_10 : memref<1x128xi32, #tpu.memory_space<vmem>> -> memref<128xi32, #tpu.memory_space<vmem>>
      %dma_start3A_12 = arith.constant 0 : i32
      %dma_start3A_13 = arith.constant 0 : i32
      %dma_start3A_14 = tpu.memref_slice %arg2[%dma_start3A_12, %dma_start3A_13] : memref<10240x64xf32, #tpu.memory_space<hbm>> -> memref<10240x64xf32, #tpu.memory_space<hbm>>
      tpu.enqueue_indirect_dma source(%dma_start3A_14 : memref<10240x64xf32, #tpu.memory_space<hbm>>) target(%arg10 : memref<128x64xf32, #tpu.memory_space<vmem>>) offsets(%dma_start3A_11 : memref<128xi32, #tpu.memory_space<vmem>>) semaphore(%arg13 : memref<!tpu.dma_semaphore, #tpu.memory_space<semaphore_mem>>)
      %scan3A = arith.constant 0 : i32
      %scan3A_15 = arith.constant 79 : i32
      %scan3A_16 = arith.addi %scan3A, %scan3A_15 : i32
      %scan3A_17 = arith.constant 1 : i32
      scf.for %scan3A_19 = %scan3A to %scan3A_16 step %scan3A_17  : i32 {
        %mul3A_20 = arith.constant 1 : i32
        %mul3A_21 = arith.muli %scan3A_19, %mul3A_20 : i32
        %add3A = arith.constant 0 : i32
        %add3A_22 = arith.addi %add3A, %mul3A_21 : i32
        %mul3A_23 = arith.constant 2 : i32
        %mul3A_24 = arith.muli %add3A_22, %mul3A_23 : i32
        %add3A_25 = arith.constant 1 : i32
        %add3A_26 = arith.addi %mul3A_24, %add3A_25 : i32
        %dma_start3A_27 = arith.constant 0 : i32
        %dma_start3A_28 = tpu.memref_slice %arg8[%add3A_26, %dma_start3A_27] : memref<158x128xi32, #tpu.memory_space<vmem>> -> memref<1x128xi32, #tpu.memory_space<vmem>>
        %dma_start3A_29 = tpu.memref_squeeze %dma_start3A_28 : memref<1x128xi32, #tpu.memory_space<vmem>> -> memref<128xi32, #tpu.memory_space<vmem>>
        %dma_start3A_30 = arith.constant 0 : i32
        %dma_start3A_31 = arith.constant 0 : i32
        %dma_start3A_32 = tpu.memref_slice %arg2[%dma_start3A_30, %dma_start3A_31] : memref<10240x64xf32, #tpu.memory_space<hbm>> -> memref<10240x64xf32, #tpu.memory_space<hbm>>
        tpu.enqueue_indirect_dma source(%dma_start3A_32 : memref<10240x64xf32, #tpu.memory_space<hbm>>) target(%arg11 : memref<128x64xf32, #tpu.memory_space<vmem>>) offsets(%dma_start3A_29 : memref<128xi32, #tpu.memory_space<vmem>>) semaphore(%arg14 : memref<!tpu.dma_semaphore, #tpu.memory_space<semaphore_mem>>)
        %dma_wait3A = arith.constant 0 : i32
        %dma_wait3A_33 = tpu.memref_slice %arg8[%mul3A_24, %dma_wait3A] : memref<158x128xi32, #tpu.memory_space<vmem>> -> memref<1x128xi32, #tpu.memory_space<vmem>>
        %dma_wait3A_34 = tpu.memref_squeeze %dma_wait3A_33 : memref<1x128xi32, #tpu.memory_space<vmem>> -> memref<128xi32, #tpu.memory_space<vmem>>
        %dma_wait3A_35 = arith.constant 0 : i32
        %dma_wait3A_36 = arith.constant 0 : i32
        %dma_wait3A_37 = tpu.memref_slice %arg2[%dma_wait3A_35, %dma_wait3A_36] : memref<10240x64xf32, #tpu.memory_space<hbm>> -> memref<10240x64xf32, #tpu.memory_space<hbm>>
        tpu.wait_indirect_dma semaphore(%arg13 : memref<!tpu.dma_semaphore, #tpu.memory_space<semaphore_mem>>) src(%dma_wait3A_37 : memref<10240x64xf32, #tpu.memory_space<hbm>>) dst(%arg10 : memref<128x64xf32, #tpu.memory_space<vmem>>)
        "tpu.region"() ({
          %run_scoped3A = tpu.sem_alloc : memref<!tpu.dma_semaphore, #tpu.memory_space<semaphore_mem>>
          %dma_start3A_52 = arith.constant 0 : i32
          %dma_start3A_53 = tpu.memref_slice %arg9[%mul3A_24, %dma_start3A_52] : memref<158x128xi32, #tpu.memory_space<vmem>> -> memref<1x128xi32, #tpu.memory_space<vmem>>
          %dma_start3A_54 = tpu.memref_squeeze %dma_start3A_53 : memref<1x128xi32, #tpu.memory_space<vmem>> -> memref<128xi32, #tpu.memory_space<vmem>>
          %dma_start3A_55 = arith.constant 0 : i32
          %dma_start3A_56 = arith.constant 0 : i32
          %dma_start3A_57 = tpu.memref_slice %arg12[%dma_start3A_55, %dma_start3A_56] : memref<10240x64xf32, #tpu.memory_space<vmem_shared>> -> memref<10240x64xf32, #tpu.memory_space<vmem_shared>>
          tpu.enqueue_indirect_dma source(%arg10 : memref<128x64xf32, #tpu.memory_space<vmem>>) target(%dma_start3A_57 : memref<10240x64xf32, #tpu.memory_space<vmem_shared>>) offsets(%dma_start3A_54 : memref<128xi32, #tpu.memory_space<vmem>>) semaphore(%run_scoped3A : memref<!tpu.dma_semaphore, #tpu.memory_space<semaphore_mem>>) {add = true}
          %dma_wait3A_58 = arith.constant 0 : i32
          %dma_wait3A_59 = tpu.memref_slice %arg9[%mul3A_24, %dma_wait3A_58] : memref<158x128xi32, #tpu.memory_space<vmem>> -> memref<1x128xi32, #tpu.memory_space<vmem>>
          %dma_wait3A_60 = tpu.memref_squeeze %dma_wait3A_59 : memref<1x128xi32, #tpu.memory_space<vmem>> -> memref<128xi32, #tpu.memory_space<vmem>>
          %dma_wait3A_61 = arith.constant 0 : i32
          %dma_wait3A_62 = arith.constant 0 : i32
          %dma_wait3A_63 = tpu.memref_slice %arg12[%dma_wait3A_61, %dma_wait3A_62] : memref<10240x64xf32, #tpu.memory_space<vmem_shared>> -> memref<10240x64xf32, #tpu.memory_space<vmem_shared>>
          tpu.wait_indirect_dma semaphore(%run_scoped3A : memref<!tpu.dma_semaphore, #tpu.memory_space<semaphore_mem>>) src(%arg10 : memref<128x64xf32, #tpu.memory_space<vmem>>) dst(%dma_wait3A_63 : memref<10240x64xf32, #tpu.memory_space<vmem_shared>>)
          tpu.yield
        }) : () -> ()
        %lt3A = arith.constant 78 : i32
        %lt3A_38 = arith.cmpi slt, %add3A_22, %lt3A : i32
        %convert_element_type3A_39 = arith.extui %lt3A_38 : i1 to i32
        %cond3A_40 = arith.constant 0 : i32
        %cond3A_41 = arith.cmpi ne, %convert_element_type3A_39, %cond3A_40 : i32
        scf.if %cond3A_41 {
          %add3A_52 = arith.constant 2 : i32
          %add3A_53 = arith.addi %mul3A_24, %add3A_52 : i32
          %dma_start3A_54 = arith.constant 0 : i32
          %dma_start3A_55 = tpu.memref_slice %arg8[%add3A_53, %dma_start3A_54] : memref<158x128xi32, #tpu.memory_space<vmem>> -> memref<1x128xi32, #tpu.memory_space<vmem>>
          %dma_start3A_56 = tpu.memref_squeeze %dma_start3A_55 : memref<1x128xi32, #tpu.memory_space<vmem>> -> memref<128xi32, #tpu.memory_space<vmem>>
          %dma_start3A_57 = arith.constant 0 : i32
          %dma_start3A_58 = arith.constant 0 : i32
          %dma_start3A_59 = tpu.memref_slice %arg2[%dma_start3A_57, %dma_start3A_58] : memref<10240x64xf32, #tpu.memory_space<hbm>> -> memref<10240x64xf32, #tpu.memory_space<hbm>>
          tpu.enqueue_indirect_dma source(%dma_start3A_59 : memref<10240x64xf32, #tpu.memory_space<hbm>>) target(%arg10 : memref<128x64xf32, #tpu.memory_space<vmem>>) offsets(%dma_start3A_56 : memref<128xi32, #tpu.memory_space<vmem>>) semaphore(%arg13 : memref<!tpu.dma_semaphore, #tpu.memory_space<semaphore_mem>>)
        } else {
        }
        %add3A_42 = arith.constant 1 : i32
        %add3A_43 = arith.addi %mul3A_24, %add3A_42 : i32
        %dma_wait3A_44 = arith.constant 0 : i32
        %dma_wait3A_45 = tpu.memref_slice %arg8[%add3A_43, %dma_wait3A_44] : memref<158x128xi32, #tpu.memory_space<vmem>> -> memref<1x128xi32, #tpu.memory_space<vmem>>
        %dma_wait3A_46 = tpu.memref_squeeze %dma_wait3A_45 : memref<1x128xi32, #tpu.memory_space<vmem>> -> memref<128xi32, #tpu.memory_space<vmem>>
        %dma_wait3A_47 = arith.constant 0 : i32
        %dma_wait3A_48 = arith.constant 0 : i32
        %dma_wait3A_49 = tpu.memref_slice %arg2[%dma_wait3A_47, %dma_wait3A_48] : memref<10240x64xf32, #tpu.memory_space<hbm>> -> memref<10240x64xf32, #tpu.memory_space<hbm>>
        tpu.wait_indirect_dma semaphore(%arg14 : memref<!tpu.dma_semaphore, #tpu.memory_space<semaphore_mem>>) src(%dma_wait3A_49 : memref<10240x64xf32, #tpu.memory_space<hbm>>) dst(%arg11 : memref<128x64xf32, #tpu.memory_space<vmem>>)
        %add3A_50 = arith.constant 1 : i32
        %add3A_51 = arith.addi %mul3A_24, %add3A_50 : i32
        "tpu.region"() ({
          %run_scoped3A = tpu.sem_alloc : memref<!tpu.dma_semaphore, #tpu.memory_space<semaphore_mem>>
          %dma_start3A_52 = arith.constant 0 : i32
          %dma_start3A_53 = tpu.memref_slice %arg9[%add3A_51, %dma_start3A_52] : memref<158x128xi32, #tpu.memory_space<vmem>> -> memref<1x128xi32, #tpu.memory_space<vmem>>
          %dma_start3A_54 = tpu.memref_squeeze %dma_start3A_53 : memref<1x128xi32, #tpu.memory_space<vmem>> -> memref<128xi32, #tpu.memory_space<vmem>>
          %dma_start3A_55 = arith.constant 0 : i32
          %dma_start3A_56 = arith.constant 0 : i32
          %dma_start3A_57 = tpu.memref_slice %arg12[%dma_start3A_55, %dma_start3A_56] : memref<10240x64xf32, #tpu.memory_space<vmem_shared>> -> memref<10240x64xf32, #tpu.memory_space<vmem_shared>>
          tpu.enqueue_indirect_dma source(%arg11 : memref<128x64xf32, #tpu.memory_space<vmem>>) target(%dma_start3A_57 : memref<10240x64xf32, #tpu.memory_space<vmem_shared>>) offsets(%dma_start3A_54 : memref<128xi32, #tpu.memory_space<vmem>>) semaphore(%run_scoped3A : memref<!tpu.dma_semaphore, #tpu.memory_space<semaphore_mem>>) {add = true}
          %dma_wait3A_58 = arith.constant 0 : i32
          %dma_wait3A_59 = tpu.memref_slice %arg9[%add3A_51, %dma_wait3A_58] : memref<158x128xi32, #tpu.memory_space<vmem>> -> memref<1x128xi32, #tpu.memory_space<vmem>>
          %dma_wait3A_60 = tpu.memref_squeeze %dma_wait3A_59 : memref<1x128xi32, #tpu.memory_space<vmem>> -> memref<128xi32, #tpu.memory_space<vmem>>
          %dma_wait3A_61 = arith.constant 0 : i32
          %dma_wait3A_62 = arith.constant 0 : i32
          %dma_wait3A_63 = tpu.memref_slice %arg12[%dma_wait3A_61, %dma_wait3A_62] : memref<10240x64xf32, #tpu.memory_space<vmem_shared>> -> memref<10240x64xf32, #tpu.memory_space<vmem_shared>>
          tpu.wait_indirect_dma semaphore(%run_scoped3A : memref<!tpu.dma_semaphore, #tpu.memory_space<semaphore_mem>>) src(%arg11 : memref<128x64xf32, #tpu.memory_space<vmem>>) dst(%dma_wait3A_63 : memref<10240x64xf32, #tpu.memory_space<vmem_shared>>)
          tpu.yield
        }) : () -> ()
      }
      %scan3A_18 = arith.constant 79 : i32
    } else {
    }
    %eq3A_3 = arith.constant 1 : i32
    %eq3A_4 = arith.cmpi eq, %arg0, %eq3A_3 : i32
    %convert_element_type3A_5 = arith.extui %eq3A_4 : i1 to i32
    %cond3A_6 = arith.constant 0 : i32
    %cond3A_7 = arith.cmpi ne, %convert_element_type3A_5, %cond3A_6 : i32
    scf.if %cond3A_7 {
      %dma_start3A = arith.constant 0 : i32
      %dma_start3A_9 = arith.constant 0 : i32
      %dma_start3A_10 = tpu.memref_slice %arg8[%dma_start3A, %dma_start3A_9] : memref<158x128xi32, #tpu.memory_space<vmem>> -> memref<1x128xi32, #tpu.memory_space<vmem>>
      %dma_start3A_11 = tpu.memref_squeeze %dma_start3A_10 : memref<1x128xi32, #tpu.memory_space<vmem>> -> memref<128xi32, #tpu.memory_space<vmem>>
      %dma_start3A_12 = arith.constant 0 : i32
      %dma_start3A_13 = arith.constant 0 : i32
      %dma_start3A_14 = tpu.memref_slice %arg3[%dma_start3A_12, %dma_start3A_13] : memref<10240x64xf32, #tpu.memory_space<hbm>> -> memref<10240x64xf32, #tpu.memory_space<hbm>>
      tpu.enqueue_indirect_dma source(%dma_start3A_14 : memref<10240x64xf32, #tpu.memory_space<hbm>>) target(%arg10 : memref<128x64xf32, #tpu.memory_space<vmem>>) offsets(%dma_start3A_11 : memref<128xi32, #tpu.memory_space<vmem>>) semaphore(%arg13 : memref<!tpu.dma_semaphore, #tpu.memory_space<semaphore_mem>>)
      %scan3A = arith.constant 0 : i32
      %scan3A_15 = arith.constant 79 : i32
      %scan3A_16 = arith.addi %scan3A, %scan3A_15 : i32
      %scan3A_17 = arith.constant 1 : i32
      scf.for %scan3A_19 = %scan3A to %scan3A_16 step %scan3A_17  : i32 {
        %mul3A_20 = arith.constant 1 : i32
        %mul3A_21 = arith.muli %scan3A_19, %mul3A_20 : i32
        %add3A = arith.constant 0 : i32
        %add3A_22 = arith.addi %add3A, %mul3A_21 : i32
        %mul3A_23 = arith.constant 2 : i32
        %mul3A_24 = arith.muli %add3A_22, %mul3A_23 : i32
        %add3A_25 = arith.constant 1 : i32
        %add3A_26 = arith.addi %mul3A_24, %add3A_25 : i32
        %dma_start3A_27 = arith.constant 0 : i32
        %dma_start3A_28 = tpu.memref_slice %arg8[%add3A_26, %dma_start3A_27] : memref<158x128xi32, #tpu.memory_space<vmem>> -> memref<1x128xi32, #tpu.memory_space<vmem>>
        %dma_start3A_29 = tpu.memref_squeeze %dma_start3A_28 : memref<1x128xi32, #tpu.memory_space<vmem>> -> memref<128xi32, #tpu.memory_space<vmem>>
        %dma_start3A_30 = arith.constant 0 : i32
        %dma_start3A_31 = arith.constant 0 : i32
        %dma_start3A_32 = tpu.memref_slice %arg3[%dma_start3A_30, %dma_start3A_31] : memref<10240x64xf32, #tpu.memory_space<hbm>> -> memref<10240x64xf32, #tpu.memory_space<hbm>>
        tpu.enqueue_indirect_dma source(%dma_start3A_32 : memref<10240x64xf32, #tpu.memory_space<hbm>>) target(%arg11 : memref<128x64xf32, #tpu.memory_space<vmem>>) offsets(%dma_start3A_29 : memref<128xi32, #tpu.memory_space<vmem>>) semaphore(%arg14 : memref<!tpu.dma_semaphore, #tpu.memory_space<semaphore_mem>>)
        %dma_wait3A = arith.constant 0 : i32
        %dma_wait3A_33 = tpu.memref_slice %arg8[%mul3A_24, %dma_wait3A] : memref<158x128xi32, #tpu.memory_space<vmem>> -> memref<1x128xi32, #tpu.memory_space<vmem>>
        %dma_wait3A_34 = tpu.memref_squeeze %dma_wait3A_33 : memref<1x128xi32, #tpu.memory_space<vmem>> -> memref<128xi32, #tpu.memory_space<vmem>>
        %dma_wait3A_35 = arith.constant 0 : i32
        %dma_wait3A_36 = arith.constant 0 : i32
        %dma_wait3A_37 = tpu.memref_slice %arg3[%dma_wait3A_35, %dma_wait3A_36] : memref<10240x64xf32, #tpu.memory_space<hbm>> -> memref<10240x64xf32, #tpu.memory_space<hbm>>
        tpu.wait_indirect_dma semaphore(%arg13 : memref<!tpu.dma_semaphore, #tpu.memory_space<semaphore_mem>>) src(%dma_wait3A_37 : memref<10240x64xf32, #tpu.memory_space<hbm>>) dst(%arg10 : memref<128x64xf32, #tpu.memory_space<vmem>>)
        "tpu.region"() ({
          %run_scoped3A = tpu.sem_alloc : memref<!tpu.dma_semaphore, #tpu.memory_space<semaphore_mem>>
          %dma_start3A_52 = arith.constant 0 : i32
          %dma_start3A_53 = tpu.memref_slice %arg9[%mul3A_24, %dma_start3A_52] : memref<158x128xi32, #tpu.memory_space<vmem>> -> memref<1x128xi32, #tpu.memory_space<vmem>>
          %dma_start3A_54 = tpu.memref_squeeze %dma_start3A_53 : memref<1x128xi32, #tpu.memory_space<vmem>> -> memref<128xi32, #tpu.memory_space<vmem>>
          %dma_start3A_55 = arith.constant 0 : i32
          %dma_start3A_56 = arith.constant 0 : i32
          %dma_start3A_57 = tpu.memref_slice %arg12[%dma_start3A_55, %dma_start3A_56] : memref<10240x64xf32, #tpu.memory_space<vmem_shared>> -> memref<10240x64xf32, #tpu.memory_space<vmem_shared>>
          tpu.enqueue_indirect_dma source(%arg10 : memref<128x64xf32, #tpu.memory_space<vmem>>) target(%dma_start3A_57 : memref<10240x64xf32, #tpu.memory_space<vmem_shared>>) offsets(%dma_start3A_54 : memref<128xi32, #tpu.memory_space<vmem>>) semaphore(%run_scoped3A : memref<!tpu.dma_semaphore, #tpu.memory_space<semaphore_mem>>) {add = true}
          %dma_wait3A_58 = arith.constant 0 : i32
          %dma_wait3A_59 = tpu.memref_slice %arg9[%mul3A_24, %dma_wait3A_58] : memref<158x128xi32, #tpu.memory_space<vmem>> -> memref<1x128xi32, #tpu.memory_space<vmem>>
          %dma_wait3A_60 = tpu.memref_squeeze %dma_wait3A_59 : memref<1x128xi32, #tpu.memory_space<vmem>> -> memref<128xi32, #tpu.memory_space<vmem>>
          %dma_wait3A_61 = arith.constant 0 : i32
          %dma_wait3A_62 = arith.constant 0 : i32
          %dma_wait3A_63 = tpu.memref_slice %arg12[%dma_wait3A_61, %dma_wait3A_62] : memref<10240x64xf32, #tpu.memory_space<vmem_shared>> -> memref<10240x64xf32, #tpu.memory_space<vmem_shared>>
          tpu.wait_indirect_dma semaphore(%run_scoped3A : memref<!tpu.dma_semaphore, #tpu.memory_space<semaphore_mem>>) src(%arg10 : memref<128x64xf32, #tpu.memory_space<vmem>>) dst(%dma_wait3A_63 : memref<10240x64xf32, #tpu.memory_space<vmem_shared>>)
          tpu.yield
        }) : () -> ()
        %lt3A = arith.constant 78 : i32
        %lt3A_38 = arith.cmpi slt, %add3A_22, %lt3A : i32
        %convert_element_type3A_39 = arith.extui %lt3A_38 : i1 to i32
        %cond3A_40 = arith.constant 0 : i32
        %cond3A_41 = arith.cmpi ne, %convert_element_type3A_39, %cond3A_40 : i32
        scf.if %cond3A_41 {
          %add3A_52 = arith.constant 2 : i32
          %add3A_53 = arith.addi %mul3A_24, %add3A_52 : i32
          %dma_start3A_54 = arith.constant 0 : i32
          %dma_start3A_55 = tpu.memref_slice %arg8[%add3A_53, %dma_start3A_54] : memref<158x128xi32, #tpu.memory_space<vmem>> -> memref<1x128xi32, #tpu.memory_space<vmem>>
          %dma_start3A_56 = tpu.memref_squeeze %dma_start3A_55 : memref<1x128xi32, #tpu.memory_space<vmem>> -> memref<128xi32, #tpu.memory_space<vmem>>
          %dma_start3A_57 = arith.constant 0 : i32
          %dma_start3A_58 = arith.constant 0 : i32
          %dma_start3A_59 = tpu.memref_slice %arg3[%dma_start3A_57, %dma_start3A_58] : memref<10240x64xf32, #tpu.memory_space<hbm>> -> memref<10240x64xf32, #tpu.memory_space<hbm>>
          tpu.enqueue_indirect_dma source(%dma_start3A_59 : memref<10240x64xf32, #tpu.memory_space<hbm>>) target(%arg10 : memref<128x64xf32, #tpu.memory_space<vmem>>) offsets(%dma_start3A_56 : memref<128xi32, #tpu.memory_space<vmem>>) semaphore(%arg13 : memref<!tpu.dma_semaphore, #tpu.memory_space<semaphore_mem>>)
        } else {
        }
        %add3A_42 = arith.constant 1 : i32
        %add3A_43 = arith.addi %mul3A_24, %add3A_42 : i32
        %dma_wait3A_44 = arith.constant 0 : i32
        %dma_wait3A_45 = tpu.memref_slice %arg8[%add3A_43, %dma_wait3A_44] : memref<158x128xi32, #tpu.memory_space<vmem>> -> memref<1x128xi32, #tpu.memory_space<vmem>>
        %dma_wait3A_46 = tpu.memref_squeeze %dma_wait3A_45 : memref<1x128xi32, #tpu.memory_space<vmem>> -> memref<128xi32, #tpu.memory_space<vmem>>
        %dma_wait3A_47 = arith.constant 0 : i32
        %dma_wait3A_48 = arith.constant 0 : i32
        %dma_wait3A_49 = tpu.memref_slice %arg3[%dma_wait3A_47, %dma_wait3A_48] : memref<10240x64xf32, #tpu.memory_space<hbm>> -> memref<10240x64xf32, #tpu.memory_space<hbm>>
        tpu.wait_indirect_dma semaphore(%arg14 : memref<!tpu.dma_semaphore, #tpu.memory_space<semaphore_mem>>) src(%dma_wait3A_49 : memref<10240x64xf32, #tpu.memory_space<hbm>>) dst(%arg11 : memref<128x64xf32, #tpu.memory_space<vmem>>)
        %add3A_50 = arith.constant 1 : i32
        %add3A_51 = arith.addi %mul3A_24, %add3A_50 : i32
        "tpu.region"() ({
          %run_scoped3A = tpu.sem_alloc : memref<!tpu.dma_semaphore, #tpu.memory_space<semaphore_mem>>
          %dma_start3A_52 = arith.constant 0 : i32
          %dma_start3A_53 = tpu.memref_slice %arg9[%add3A_51, %dma_start3A_52] : memref<158x128xi32, #tpu.memory_space<vmem>> -> memref<1x128xi32, #tpu.memory_space<vmem>>
          %dma_start3A_54 = tpu.memref_squeeze %dma_start3A_53 : memref<1x128xi32, #tpu.memory_space<vmem>> -> memref<128xi32, #tpu.memory_space<vmem>>
          %dma_start3A_55 = arith.constant 0 : i32
          %dma_start3A_56 = arith.constant 0 : i32
          %dma_start3A_57 = tpu.memref_slice %arg12[%dma_start3A_55, %dma_start3A_56] : memref<10240x64xf32, #tpu.memory_space<vmem_shared>> -> memref<10240x64xf32, #tpu.memory_space<vmem_shared>>
          tpu.enqueue_indirect_dma source(%arg11 : memref<128x64xf32, #tpu.memory_space<vmem>>) target(%dma_start3A_57 : memref<10240x64xf32, #tpu.memory_space<vmem_shared>>) offsets(%dma_start3A_54 : memref<128xi32, #tpu.memory_space<vmem>>) semaphore(%run_scoped3A : memref<!tpu.dma_semaphore, #tpu.memory_space<semaphore_mem>>) {add = true}
          %dma_wait3A_58 = arith.constant 0 : i32
          %dma_wait3A_59 = tpu.memref_slice %arg9[%add3A_51, %dma_wait3A_58] : memref<158x128xi32, #tpu.memory_space<vmem>> -> memref<1x128xi32, #tpu.memory_space<vmem>>
          %dma_wait3A_60 = tpu.memref_squeeze %dma_wait3A_59 : memref<1x128xi32, #tpu.memory_space<vmem>> -> memref<128xi32, #tpu.memory_space<vmem>>
          %dma_wait3A_61 = arith.constant 0 : i32
          %dma_wait3A_62 = arith.constant 0 : i32
          %dma_wait3A_63 = tpu.memref_slice %arg12[%dma_wait3A_61, %dma_wait3A_62] : memref<10240x64xf32, #tpu.memory_space<vmem_shared>> -> memref<10240x64xf32, #tpu.memory_space<vmem_shared>>
          tpu.wait_indirect_dma semaphore(%run_scoped3A : memref<!tpu.dma_semaphore, #tpu.memory_space<semaphore_mem>>) src(%arg11 : memref<128x64xf32, #tpu.memory_space<vmem>>) dst(%dma_wait3A_63 : memref<10240x64xf32, #tpu.memory_space<vmem_shared>>)
          tpu.yield
        }) : () -> ()
      }
      %scan3A_18 = arith.constant 79 : i32
    } else {
    }
    %barrier3A_8 = arith.constant 0 : index
    tpu.barrier barrier_id(%barrier3A_8)
    "tpu.region"() ({
      %run_scoped3A = tpu.sem_alloc : memref<!tpu.dma_semaphore, #tpu.memory_space<semaphore_mem>>
      %dma_start3A = arith.constant 0 : i32
      %dma_start3A_9 = tpu.memref_slice %arg7[%arg0, %mul3A_0, %dma_start3A] : memref<2x10240x64xf32, #tpu.memory_space<hbm>> -> memref<1x640x64xf32, #tpu.memory_space<hbm>>
      %dma_start3A_10 = tpu.memref_squeeze %dma_start3A_9 : memref<1x640x64xf32, #tpu.memory_space<hbm>> -> memref<640x64xf32, #tpu.memory_space<hbm>>
      %dma_start3A_11 = arith.constant 0 : i32
      %dma_start3A_12 = tpu.memref_slice %arg12[%mul3A_0, %dma_start3A_11] : memref<10240x64xf32, #tpu.memory_space<vmem_shared>> -> memref<640x64xf32, #tpu.memory_space<vmem_shared>>
      tpu.enqueue_dma source(%dma_start3A_12 : memref<640x64xf32, #tpu.memory_space<vmem_shared>>) target(%dma_start3A_10 : memref<640x64xf32, #tpu.memory_space<hbm>>) target_semaphore(%run_scoped3A : memref<!tpu.dma_semaphore, #tpu.memory_space<semaphore_mem>>)
      %dma_wait3A = arith.constant 0 : i32
      %dma_wait3A_13 = tpu.memref_slice %arg7[%arg0, %mul3A_0, %dma_wait3A] : memref<2x10240x64xf32, #tpu.memory_space<hbm>> -> memref<1x640x64xf32, #tpu.memory_space<hbm>>
      %dma_wait3A_14 = tpu.memref_squeeze %dma_wait3A_13 : memref<1x640x64xf32, #tpu.memory_space<hbm>> -> memref<640x64xf32, #tpu.memory_space<hbm>>
      %dma_wait3A_15 = arith.constant 0 : i32
      %dma_wait3A_16 = tpu.memref_slice %arg12[%mul3A_0, %dma_wait3A_15] : memref<10240x64xf32, #tpu.memory_space<vmem_shared>> -> memref<640x64xf32, #tpu.memory_space<vmem_shared>>
      tpu.wait_dma2 semaphore(%run_scoped3A : memref<!tpu.dma_semaphore, #tpu.memory_space<semaphore_mem>>) src(%dma_wait3A_16 : memref<640x64xf32, #tpu.memory_space<vmem_shared>>) dst(%dma_wait3A_14 : memref<640x64xf32, #tpu.memory_space<hbm>>)
      tpu.yield
    }) : () -> ()
    return
  }
}

#map = affine_map<(d0, d1) -> (0, 0)>
#map1 = affine_map<(d0, d1) -> (0, 0, 0)>
module attributes {stable_mosaic.version = 14 : i64} {
  func.func @body(%arg0: i32, %arg1: i32, %arg2: memref<10240x64xf32, #tpu.memory_space<hbm>>, %arg3: memref<10240x64xf32, #tpu.memory_space<hbm>>, %arg4: memref<16x158x128xi32, #tpu.memory_space<hbm>>, %arg5: memref<16x158x128xi32, #tpu.memory_space<hbm>>, %arg6: memref<640x64xf32, #tpu.memory_space<hbm>>, %arg7: memref<2x10240x64xf32, #tpu.memory_space<hbm>>, %arg8: memref<158x128xi32, #tpu.memory_space<vmem>>, %arg9: memref<158x128xi32, #tpu.memory_space<vmem>>, %arg10: memref<128x64xf32, #tpu.memory_space<vmem>>, %arg11: memref<128x64xf32, #tpu.memory_space<vmem>>, %arg12: memref<10240x64xf32, #tpu.memory_space<vmem_shared>>, %arg13: memref<!tpu.dma_semaphore, #tpu.memory_space<semaphore_mem>>, %arg14: memref<!tpu.dma_semaphore, #tpu.memory_space<semaphore_mem>>) attributes {dimension_semantics = [#tpu.dimension_semantics<core_parallel>, #tpu.dimension_semantics<subcore_parallel>], iteration_bounds = array<i64: 2, 16>, scalar_prefetch = 0 : i64, scratch_operands = 7 : i64, tpu.core_type = #tpu.core_type<sc_vector_subcore>, window_params = [{transform_indices = #map}, {transform_indices = #map}, {transform_indices = #map1}, {transform_indices = #map1}, {transform_indices = #map}, {transform_indices = #map1}]} {
    %mul3A = arith.constant 640 : i32
    %mul3A_0 = arith.muli %arg1, %mul3A : i32
    "tpu.region"() ({
      %run_scoped3A = tpu.sem_alloc : memref<!tpu.dma_semaphore, #tpu.memory_space<semaphore_mem>>
      %dma_start3A = arith.constant 0 : i32
      %dma_start3A_9 = tpu.memref_slice %arg12[%mul3A_0, %dma_start3A] : memref<10240x64xf32, #tpu.memory_space<vmem_shared>> -> memref<640x64xf32, #tpu.memory_space<vmem_shared>>
      tpu.enqueue_dma source(%arg6 : memref<640x64xf32, #tpu.memory_space<hbm>>) target(%dma_start3A_9 : memref<640x64xf32, #tpu.memory_space<vmem_shared>>) target_semaphore(%run_scoped3A : memref<!tpu.dma_semaphore, #tpu.memory_space<semaphore_mem>>)
      %dma_wait3A = arith.constant 0 : i32
      %dma_wait3A_10 = tpu.memref_slice %arg12[%mul3A_0, %dma_wait3A] : memref<10240x64xf32, #tpu.memory_space<vmem_shared>> -> memref<640x64xf32, #tpu.memory_space<vmem_shared>>
      tpu.wait_dma2 semaphore(%run_scoped3A : memref<!tpu.dma_semaphore, #tpu.memory_space<semaphore_mem>>) src(%arg6 : memref<640x64xf32, #tpu.memory_space<hbm>>) dst(%dma_wait3A_10 : memref<640x64xf32, #tpu.memory_space<vmem_shared>>)
      tpu.yield
    }) : () -> ()
    "tpu.region"() ({
      %run_scoped3A = tpu.sem_alloc : memref<!tpu.dma_semaphore, #tpu.memory_space<semaphore_mem>>
      %dma_start3A = arith.constant 0 : i32
      %dma_start3A_9 = arith.constant 0 : i32
      %dma_start3A_10 = tpu.memref_slice %arg4[%arg1, %dma_start3A, %dma_start3A_9] : memref<16x158x128xi32, #tpu.memory_space<hbm>> -> memref<1x158x128xi32, #tpu.memory_space<hbm>>
      %dma_start3A_11 = tpu.memref_squeeze %dma_start3A_10 : memref<1x158x128xi32, #tpu.memory_space<hbm>> -> memref<158x128xi32, #tpu.memory_space<hbm>>
      %dma_start3A_12 = arith.constant 0 : i32
      %dma_start3A_13 = arith.constant 0 : i32
      %dma_start3A_14 = tpu.memref_slice %arg4[%arg1, %dma_start3A_12, %dma_start3A_13] : memref<16x158x128xi32, #tpu.memory_space<hbm>> -> memref<1x158x128xi32, #tpu.memory_space<hbm>>
      %dma_start3A_15 = tpu.memref_squeeze %dma_start3A_14 : memref<1x158x128xi32, #tpu.memory_space<hbm>> -> memref<158x128xi32, #tpu.memory_space<hbm>>
      tpu.enqueue_dma source(%dma_start3A_15 : memref<158x128xi32, #tpu.memory_space<hbm>>) target(%arg8 : memref<158x128xi32, #tpu.memory_space<vmem>>) target_semaphore(%run_scoped3A : memref<!tpu.dma_semaphore, #tpu.memory_space<semaphore_mem>>)
      %dma_wait3A = arith.constant 0 : i32
      %dma_wait3A_16 = arith.constant 0 : i32
      %dma_wait3A_17 = tpu.memref_slice %arg4[%arg1, %dma_wait3A, %dma_wait3A_16] : memref<16x158x128xi32, #tpu.memory_space<hbm>> -> memref<1x158x128xi32, #tpu.memory_space<hbm>>
      %dma_wait3A_18 = tpu.memref_squeeze %dma_wait3A_17 : memref<1x158x128xi32, #tpu.memory_space<hbm>> -> memref<158x128xi32, #tpu.memory_space<hbm>>
      %dma_wait3A_19 = arith.constant 0 : i32
      %dma_wait3A_20 = arith.constant 0 : i32
      %dma_wait3A_21 = tpu.memref_slice %arg4[%arg1, %dma_wait3A_19, %dma_wait3A_20] : memref<16x158x128xi32, #tpu.memory_space<hbm>> -> memref<1x158x128xi32, #tpu.memory_space<hbm>>
      %dma_wait3A_22 = tpu.memref_squeeze %dma_wait3A_21 : memref<1x158x128xi32, #tpu.memory_space<hbm>> -> memref<158x128xi32, #tpu.memory_space<hbm>>
      tpu.wait_dma2 semaphore(%run_scoped3A : memref<!tpu.dma_semaphore, #tpu.memory_space<semaphore_mem>>) src(%dma_wait3A_22 : memref<158x128xi32, #tpu.memory_space<hbm>>) dst(%arg8 : memref<158x128xi32, #tpu.memory_space<vmem>>)
      tpu.yield
    }) : () -> ()
    "tpu.region"() ({
      %run_scoped3A = tpu.sem_alloc : memref<!tpu.dma_semaphore, #tpu.memory_space<semaphore_mem>>
      %dma_start3A = arith.constant 0 : i32
      %dma_start3A_9 = arith.constant 0 : i32
      %dma_start3A_10 = tpu.memref_slice %arg5[%arg1, %dma_start3A, %dma_start3A_9] : memref<16x158x128xi32, #tpu.memory_space<hbm>> -> memref<1x158x128xi32, #tpu.memory_space<hbm>>
      %dma_start3A_11 = tpu.memref_squeeze %dma_start3A_10 : memref<1x158x128xi32, #tpu.memory_space<hbm>> -> memref<158x128xi32, #tpu.memory_space<hbm>>
      %dma_start3A_12 = arith.constant 0 : i32
      %dma_start3A_13 = arith.constant 0 : i32
      %dma_start3A_14 = tpu.memref_slice %arg5[%arg1, %dma_start3A_12, %dma_start3A_13] : memref<16x158x128xi32, #tpu.memory_space<hbm>> -> memref<1x158x128xi32, #tpu.memory_space<hbm>>
      %dma_start3A_15 = tpu.memref_squeeze %dma_start3A_14 : memref<1x158x128xi32, #tpu.memory_space<hbm>> -> memref<158x128xi32, #tpu.memory_space<hbm>>
      tpu.enqueue_dma source(%dma_start3A_15 : memref<158x128xi32, #tpu.memory_space<hbm>>) target(%arg9 : memref<158x128xi32, #tpu.memory_space<vmem>>) target_semaphore(%run_scoped3A : memref<!tpu.dma_semaphore, #tpu.memory_space<semaphore_mem>>)
      %dma_wait3A = arith.constant 0 : i32
      %dma_wait3A_16 = arith.constant 0 : i32
      %dma_wait3A_17 = tpu.memref_slice %arg5[%arg1, %dma_wait3A, %dma_wait3A_16] : memref<16x158x128xi32, #tpu.memory_space<hbm>> -> memref<1x158x128xi32, #tpu.memory_space<hbm>>
      %dma_wait3A_18 = tpu.memref_squeeze %dma_wait3A_17 : memref<1x158x128xi32, #tpu.memory_space<hbm>> -> memref<158x128xi32, #tpu.memory_space<hbm>>
      %dma_wait3A_19 = arith.constant 0 : i32
      %dma_wait3A_20 = arith.constant 0 : i32
      %dma_wait3A_21 = tpu.memref_slice %arg5[%arg1, %dma_wait3A_19, %dma_wait3A_20] : memref<16x158x128xi32, #tpu.memory_space<hbm>> -> memref<1x158x128xi32, #tpu.memory_space<hbm>>
      %dma_wait3A_22 = tpu.memref_squeeze %dma_wait3A_21 : memref<1x158x128xi32, #tpu.memory_space<hbm>> -> memref<158x128xi32, #tpu.memory_space<hbm>>
      tpu.wait_dma2 semaphore(%run_scoped3A : memref<!tpu.dma_semaphore, #tpu.memory_space<semaphore_mem>>) src(%dma_wait3A_22 : memref<158x128xi32, #tpu.memory_space<hbm>>) dst(%arg9 : memref<158x128xi32, #tpu.memory_space<vmem>>)
      tpu.yield
    }) : () -> ()
    %barrier3A = arith.constant 0 : index
    tpu.barrier barrier_id(%barrier3A)
    %eq3A = arith.constant 0 : i32
    %eq3A_1 = arith.cmpi eq, %arg0, %eq3A : i32
    %convert_element_type3A = arith.extui %eq3A_1 : i1 to i32
    %cond3A = arith.constant 0 : i32
    %cond3A_2 = arith.cmpi ne, %convert_element_type3A, %cond3A : i32
    scf.if %cond3A_2 {
      %dma_start3A = arith.constant 0 : i32
      %dma_start3A_9 = arith.constant 0 : i32
      %dma_start3A_10 = tpu.memref_slice %arg8[%dma_start3A, %dma_start3A_9] : memref<158x128xi32, #tpu.memory_space<vmem>> -> memref<1x128xi32, #tpu.memory_space<vmem>>
      %dma_start3A_11 = tpu.memref_squeeze %dma_start3A_10 : memref<1x128xi32, #tpu.memory_space<vmem>> -> memref<128xi32, #tpu.memory_space<vmem>>
      %dma_start3A_12 = arith.constant 0 : i32
      %dma_start3A_13 = arith.constant 0 : i32
      %dma_start3A_14 = tpu.memref_slice %arg2[%dma_start3A_12, %dma_start3A_13] : memref<10240x64xf32, #tpu.memory_space<hbm>> -> memref<10240x64xf32, #tpu.memory_space<hbm>>
      tpu.enqueue_indirect_dma source(%dma_start3A_14 : memref<10240x64xf32, #tpu.memory_space<hbm>>) target(%arg10 : memref<128x64xf32, #tpu.memory_space<vmem>>) offsets(%dma_start3A_11 : memref<128xi32, #tpu.memory_space<vmem>>) semaphore(%arg13 : memref<!tpu.dma_semaphore, #tpu.memory_space<semaphore_mem>>)
      %scan3A = arith.constant 0 : i32
      %scan3A_15 = arith.constant 79 : i32
      %scan3A_16 = arith.addi %scan3A, %scan3A_15 : i32
      %scan3A_17 = arith.constant 1 : i32
      scf.for %scan3A_19 = %scan3A to %scan3A_16 step %scan3A_17  : i32 {
        %mul3A_20 = arith.constant 1 : i32
        %mul3A_21 = arith.muli %scan3A_19, %mul3A_20 : i32
        %add3A = arith.constant 0 : i32
        %add3A_22 = arith.addi %add3A, %mul3A_21 : i32
        %mul3A_23 = arith.constant 2 : i32
        %mul3A_24 = arith.muli %add3A_22, %mul3A_23 : i32
        %add3A_25 = arith.constant 1 : i32
        %add3A_26 = arith.addi %mul3A_24, %add3A_25 : i32
        %dma_start3A_27 = arith.constant 0 : i32
        %dma_start3A_28 = tpu.memref_slice %arg8[%add3A_26, %dma_start3A_27] : memref<158x128xi32, #tpu.memory_space<vmem>> -> memref<1x128xi32, #tpu.memory_space<vmem>>
        %dma_start3A_29 = tpu.memref_squeeze %dma_start3A_28 : memref<1x128xi32, #tpu.memory_space<vmem>> -> memref<128xi32, #tpu.memory_space<vmem>>
        %dma_start3A_30 = arith.constant 0 : i32
        %dma_start3A_31 = arith.constant 0 : i32
        %dma_start3A_32 = tpu.memref_slice %arg2[%dma_start3A_30, %dma_start3A_31] : memref<10240x64xf32, #tpu.memory_space<hbm>> -> memref<10240x64xf32, #tpu.memory_space<hbm>>
        tpu.enqueue_indirect_dma source(%dma_start3A_32 : memref<10240x64xf32, #tpu.memory_space<hbm>>) target(%arg11 : memref<128x64xf32, #tpu.memory_space<vmem>>) offsets(%dma_start3A_29 : memref<128xi32, #tpu.memory_space<vmem>>) semaphore(%arg14 : memref<!tpu.dma_semaphore, #tpu.memory_space<semaphore_mem>>)
        %dma_wait3A = arith.constant 0 : i32
        %dma_wait3A_33 = tpu.memref_slice %arg8[%mul3A_24, %dma_wait3A] : memref<158x128xi32, #tpu.memory_space<vmem>> -> memref<1x128xi32, #tpu.memory_space<vmem>>
        %dma_wait3A_34 = tpu.memref_squeeze %dma_wait3A_33 : memref<1x128xi32, #tpu.memory_space<vmem>> -> memref<128xi32, #tpu.memory_space<vmem>>
        %dma_wait3A_35 = arith.constant 0 : i32
        %dma_wait3A_36 = arith.constant 0 : i32
        %dma_wait3A_37 = tpu.memref_slice %arg2[%dma_wait3A_35, %dma_wait3A_36] : memref<10240x64xf32, #tpu.memory_space<hbm>> -> memref<10240x64xf32, #tpu.memory_space<hbm>>
        tpu.wait_indirect_dma semaphore(%arg13 : memref<!tpu.dma_semaphore, #tpu.memory_space<semaphore_mem>>) src(%dma_wait3A_37 : memref<10240x64xf32, #tpu.memory_space<hbm>>) dst(%arg10 : memref<128x64xf32, #tpu.memory_space<vmem>>)
        "tpu.region"() ({
          %run_scoped3A = tpu.sem_alloc : memref<!tpu.dma_semaphore, #tpu.memory_space<semaphore_mem>>
          %dma_start3A_52 = arith.constant 0 : i32
          %dma_start3A_53 = tpu.memref_slice %arg9[%mul3A_24, %dma_start3A_52] : memref<158x128xi32, #tpu.memory_space<vmem>> -> memref<1x128xi32, #tpu.memory_space<vmem>>
          %dma_start3A_54 = tpu.memref_squeeze %dma_start3A_53 : memref<1x128xi32, #tpu.memory_space<vmem>> -> memref<128xi32, #tpu.memory_space<vmem>>
          %dma_start3A_55 = arith.constant 0 : i32
          %dma_start3A_56 = arith.constant 0 : i32
          %dma_start3A_57 = tpu.memref_slice %arg12[%dma_start3A_55, %dma_start3A_56] : memref<10240x64xf32, #tpu.memory_space<vmem_shared>> -> memref<10240x64xf32, #tpu.memory_space<vmem_shared>>
          tpu.enqueue_indirect_dma source(%arg10 : memref<128x64xf32, #tpu.memory_space<vmem>>) target(%dma_start3A_57 : memref<10240x64xf32, #tpu.memory_space<vmem_shared>>) offsets(%dma_start3A_54 : memref<128xi32, #tpu.memory_space<vmem>>) semaphore(%run_scoped3A : memref<!tpu.dma_semaphore, #tpu.memory_space<semaphore_mem>>) {add = true}
          %dma_wait3A_58 = arith.constant 0 : i32
          %dma_wait3A_59 = tpu.memref_slice %arg9[%mul3A_24, %dma_wait3A_58] : memref<158x128xi32, #tpu.memory_space<vmem>> -> memref<1x128xi32, #tpu.memory_space<vmem>>
          %dma_wait3A_60 = tpu.memref_squeeze %dma_wait3A_59 : memref<1x128xi32, #tpu.memory_space<vmem>> -> memref<128xi32, #tpu.memory_space<vmem>>
          %dma_wait3A_61 = arith.constant 0 : i32
          %dma_wait3A_62 = arith.constant 0 : i32
          %dma_wait3A_63 = tpu.memref_slice %arg12[%dma_wait3A_61, %dma_wait3A_62] : memref<10240x64xf32, #tpu.memory_space<vmem_shared>> -> memref<10240x64xf32, #tpu.memory_space<vmem_shared>>
          tpu.wait_indirect_dma semaphore(%run_scoped3A : memref<!tpu.dma_semaphore, #tpu.memory_space<semaphore_mem>>) src(%arg10 : memref<128x64xf32, #tpu.memory_space<vmem>>) dst(%dma_wait3A_63 : memref<10240x64xf32, #tpu.memory_space<vmem_shared>>)
          tpu.yield
        }) : () -> ()
        %lt3A = arith.constant 78 : i32
        %lt3A_38 = arith.cmpi slt, %add3A_22, %lt3A : i32
        %convert_element_type3A_39 = arith.extui %lt3A_38 : i1 to i32
        %cond3A_40 = arith.constant 0 : i32
        %cond3A_41 = arith.cmpi ne, %convert_element_type3A_39, %cond3A_40 : i32
        scf.if %cond3A_41 {
          %add3A_52 = arith.constant 2 : i32
          %add3A_53 = arith.addi %mul3A_24, %add3A_52 : i32
          %dma_start3A_54 = arith.constant 0 : i32
          %dma_start3A_55 = tpu.memref_slice %arg8[%add3A_53, %dma_start3A_54] : memref<158x128xi32, #tpu.memory_space<vmem>> -> memref<1x128xi32, #tpu.memory_space<vmem>>
          %dma_start3A_56 = tpu.memref_squeeze %dma_start3A_55 : memref<1x128xi32, #tpu.memory_space<vmem>> -> memref<128xi32, #tpu.memory_space<vmem>>
          %dma_start3A_57 = arith.constant 0 : i32
          %dma_start3A_58 = arith.constant 0 : i32
          %dma_start3A_59 = tpu.memref_slice %arg2[%dma_start3A_57, %dma_start3A_58] : memref<10240x64xf32, #tpu.memory_space<hbm>> -> memref<10240x64xf32, #tpu.memory_space<hbm>>
          tpu.enqueue_indirect_dma source(%dma_start3A_59 : memref<10240x64xf32, #tpu.memory_space<hbm>>) target(%arg10 : memref<128x64xf32, #tpu.memory_space<vmem>>) offsets(%dma_start3A_56 : memref<128xi32, #tpu.memory_space<vmem>>) semaphore(%arg13 : memref<!tpu.dma_semaphore, #tpu.memory_space<semaphore_mem>>)
        } else {
        }
        %add3A_42 = arith.constant 1 : i32
        %add3A_43 = arith.addi %mul3A_24, %add3A_42 : i32
        %dma_wait3A_44 = arith.constant 0 : i32
        %dma_wait3A_45 = tpu.memref_slice %arg8[%add3A_43, %dma_wait3A_44] : memref<158x128xi32, #tpu.memory_space<vmem>> -> memref<1x128xi32, #tpu.memory_space<vmem>>
        %dma_wait3A_46 = tpu.memref_squeeze %dma_wait3A_45 : memref<1x128xi32, #tpu.memory_space<vmem>> -> memref<128xi32, #tpu.memory_space<vmem>>
        %dma_wait3A_47 = arith.constant 0 : i32
        %dma_wait3A_48 = arith.constant 0 : i32
        %dma_wait3A_49 = tpu.memref_slice %arg2[%dma_wait3A_47, %dma_wait3A_48] : memref<10240x64xf32, #tpu.memory_space<hbm>> -> memref<10240x64xf32, #tpu.memory_space<hbm>>
        tpu.wait_indirect_dma semaphore(%arg14 : memref<!tpu.dma_semaphore, #tpu.memory_space<semaphore_mem>>) src(%dma_wait3A_49 : memref<10240x64xf32, #tpu.memory_space<hbm>>) dst(%arg11 : memref<128x64xf32, #tpu.memory_space<vmem>>)
        %add3A_50 = arith.constant 1 : i32
        %add3A_51 = arith.addi %mul3A_24, %add3A_50 : i32
        "tpu.region"() ({
          %run_scoped3A = tpu.sem_alloc : memref<!tpu.dma_semaphore, #tpu.memory_space<semaphore_mem>>
          %dma_start3A_52 = arith.constant 0 : i32
          %dma_start3A_53 = tpu.memref_slice %arg9[%add3A_51, %dma_start3A_52] : memref<158x128xi32, #tpu.memory_space<vmem>> -> memref<1x128xi32, #tpu.memory_space<vmem>>
          %dma_start3A_54 = tpu.memref_squeeze %dma_start3A_53 : memref<1x128xi32, #tpu.memory_space<vmem>> -> memref<128xi32, #tpu.memory_space<vmem>>
          %dma_start3A_55 = arith.constant 0 : i32
          %dma_start3A_56 = arith.constant 0 : i32
          %dma_start3A_57 = tpu.memref_slice %arg12[%dma_start3A_55, %dma_start3A_56] : memref<10240x64xf32, #tpu.memory_space<vmem_shared>> -> memref<10240x64xf32, #tpu.memory_space<vmem_shared>>
          tpu.enqueue_indirect_dma source(%arg11 : memref<128x64xf32, #tpu.memory_space<vmem>>) target(%dma_start3A_57 : memref<10240x64xf32, #tpu.memory_space<vmem_shared>>) offsets(%dma_start3A_54 : memref<128xi32, #tpu.memory_space<vmem>>) semaphore(%run_scoped3A : memref<!tpu.dma_semaphore, #tpu.memory_space<semaphore_mem>>) {add = true}
          %dma_wait3A_58 = arith.constant 0 : i32
          %dma_wait3A_59 = tpu.memref_slice %arg9[%add3A_51, %dma_wait3A_58] : memref<158x128xi32, #tpu.memory_space<vmem>> -> memref<1x128xi32, #tpu.memory_space<vmem>>
          %dma_wait3A_60 = tpu.memref_squeeze %dma_wait3A_59 : memref<1x128xi32, #tpu.memory_space<vmem>> -> memref<128xi32, #tpu.memory_space<vmem>>
          %dma_wait3A_61 = arith.constant 0 : i32
          %dma_wait3A_62 = arith.constant 0 : i32
          %dma_wait3A_63 = tpu.memref_slice %arg12[%dma_wait3A_61, %dma_wait3A_62] : memref<10240x64xf32, #tpu.memory_space<vmem_shared>> -> memref<10240x64xf32, #tpu.memory_space<vmem_shared>>
          tpu.wait_indirect_dma semaphore(%run_scoped3A : memref<!tpu.dma_semaphore, #tpu.memory_space<semaphore_mem>>) src(%arg11 : memref<128x64xf32, #tpu.memory_space<vmem>>) dst(%dma_wait3A_63 : memref<10240x64xf32, #tpu.memory_space<vmem_shared>>)
          tpu.yield
        }) : () -> ()
      }
      %scan3A_18 = arith.constant 79 : i32
    } else {
    }
    %eq3A_3 = arith.constant 1 : i32
    %eq3A_4 = arith.cmpi eq, %arg0, %eq3A_3 : i32
    %convert_element_type3A_5 = arith.extui %eq3A_4 : i1 to i32
    %cond3A_6 = arith.constant 0 : i32
    %cond3A_7 = arith.cmpi ne, %convert_element_type3A_5, %cond3A_6 : i32
    scf.if %cond3A_7 {
      %dma_start3A = arith.constant 0 : i32
      %dma_start3A_9 = arith.constant 0 : i32
      %dma_start3A_10 = tpu.memref_slice %arg8[%dma_start3A, %dma_start3A_9] : memref<158x128xi32, #tpu.memory_space<vmem>> -> memref<1x128xi32, #tpu.memory_space<vmem>>
      %dma_start3A_11 = tpu.memref_squeeze %dma_start3A_10 : memref<1x128xi32, #tpu.memory_space<vmem>> -> memref<128xi32, #tpu.memory_space<vmem>>
      %dma_start3A_12 = arith.constant 0 : i32
      %dma_start3A_13 = arith.constant 0 : i32
      %dma_start3A_14 = tpu.memref_slice %arg3[%dma_start3A_12, %dma_start3A_13] : memref<10240x64xf32, #tpu.memory_space<hbm>> -> memref<10240x64xf32, #tpu.memory_space<hbm>>
      tpu.enqueue_indirect_dma source(%dma_start3A_14 : memref<10240x64xf32, #tpu.memory_space<hbm>>) target(%arg10 : memref<128x64xf32, #tpu.memory_space<vmem>>) offsets(%dma_start3A_11 : memref<128xi32, #tpu.memory_space<vmem>>) semaphore(%arg13 : memref<!tpu.dma_semaphore, #tpu.memory_space<semaphore_mem>>)
      %scan3A = arith.constant 0 : i32
      %scan3A_15 = arith.constant 79 : i32
      %scan3A_16 = arith.addi %scan3A, %scan3A_15 : i32
      %scan3A_17 = arith.constant 1 : i32
      scf.for %scan3A_19 = %scan3A to %scan3A_16 step %scan3A_17  : i32 {
        %mul3A_20 = arith.constant 1 : i32
        %mul3A_21 = arith.muli %scan3A_19, %mul3A_20 : i32
        %add3A = arith.constant 0 : i32
        %add3A_22 = arith.addi %add3A, %mul3A_21 : i32
        %mul3A_23 = arith.constant 2 : i32
        %mul3A_24 = arith.muli %add3A_22, %mul3A_23 : i32
        %add3A_25 = arith.constant 1 : i32
        %add3A_26 = arith.addi %mul3A_24, %add3A_25 : i32
        %dma_start3A_27 = arith.constant 0 : i32
        %dma_start3A_28 = tpu.memref_slice %arg8[%add3A_26, %dma_start3A_27] : memref<158x128xi32, #tpu.memory_space<vmem>> -> memref<1x128xi32, #tpu.memory_space<vmem>>
        %dma_start3A_29 = tpu.memref_squeeze %dma_start3A_28 : memref<1x128xi32, #tpu.memory_space<vmem>> -> memref<128xi32, #tpu.memory_space<vmem>>
        %dma_start3A_30 = arith.constant 0 : i32
        %dma_start3A_31 = arith.constant 0 : i32
        %dma_start3A_32 = tpu.memref_slice %arg3[%dma_start3A_30, %dma_start3A_31] : memref<10240x64xf32, #tpu.memory_space<hbm>> -> memref<10240x64xf32, #tpu.memory_space<hbm>>
        tpu.enqueue_indirect_dma source(%dma_start3A_32 : memref<10240x64xf32, #tpu.memory_space<hbm>>) target(%arg11 : memref<128x64xf32, #tpu.memory_space<vmem>>) offsets(%dma_start3A_29 : memref<128xi32, #tpu.memory_space<vmem>>) semaphore(%arg14 : memref<!tpu.dma_semaphore, #tpu.memory_space<semaphore_mem>>)
        %dma_wait3A = arith.constant 0 : i32
        %dma_wait3A_33 = tpu.memref_slice %arg8[%mul3A_24, %dma_wait3A] : memref<158x128xi32, #tpu.memory_space<vmem>> -> memref<1x128xi32, #tpu.memory_space<vmem>>
        %dma_wait3A_34 = tpu.memref_squeeze %dma_wait3A_33 : memref<1x128xi32, #tpu.memory_space<vmem>> -> memref<128xi32, #tpu.memory_space<vmem>>
        %dma_wait3A_35 = arith.constant 0 : i32
        %dma_wait3A_36 = arith.constant 0 : i32
        %dma_wait3A_37 = tpu.memref_slice %arg3[%dma_wait3A_35, %dma_wait3A_36] : memref<10240x64xf32, #tpu.memory_space<hbm>> -> memref<10240x64xf32, #tpu.memory_space<hbm>>
        tpu.wait_indirect_dma semaphore(%arg13 : memref<!tpu.dma_semaphore, #tpu.memory_space<semaphore_mem>>) src(%dma_wait3A_37 : memref<10240x64xf32, #tpu.memory_space<hbm>>) dst(%arg10 : memref<128x64xf32, #tpu.memory_space<vmem>>)
        "tpu.region"() ({
          %run_scoped3A = tpu.sem_alloc : memref<!tpu.dma_semaphore, #tpu.memory_space<semaphore_mem>>
          %dma_start3A_52 = arith.constant 0 : i32
          %dma_start3A_53 = tpu.memref_slice %arg9[%mul3A_24, %dma_start3A_52] : memref<158x128xi32, #tpu.memory_space<vmem>> -> memref<1x128xi32, #tpu.memory_space<vmem>>
          %dma_start3A_54 = tpu.memref_squeeze %dma_start3A_53 : memref<1x128xi32, #tpu.memory_space<vmem>> -> memref<128xi32, #tpu.memory_space<vmem>>
          %dma_start3A_55 = arith.constant 0 : i32
          %dma_start3A_56 = arith.constant 0 : i32
          %dma_start3A_57 = tpu.memref_slice %arg12[%dma_start3A_55, %dma_start3A_56] : memref<10240x64xf32, #tpu.memory_space<vmem_shared>> -> memref<10240x64xf32, #tpu.memory_space<vmem_shared>>
          tpu.enqueue_indirect_dma source(%arg10 : memref<128x64xf32, #tpu.memory_space<vmem>>) target(%dma_start3A_57 : memref<10240x64xf32, #tpu.memory_space<vmem_shared>>) offsets(%dma_start3A_54 : memref<128xi32, #tpu.memory_space<vmem>>) semaphore(%run_scoped3A : memref<!tpu.dma_semaphore, #tpu.memory_space<semaphore_mem>>) {add = true}
          %dma_wait3A_58 = arith.constant 0 : i32
          %dma_wait3A_59 = tpu.memref_slice %arg9[%mul3A_24, %dma_wait3A_58] : memref<158x128xi32, #tpu.memory_space<vmem>> -> memref<1x128xi32, #tpu.memory_space<vmem>>
          %dma_wait3A_60 = tpu.memref_squeeze %dma_wait3A_59 : memref<1x128xi32, #tpu.memory_space<vmem>> -> memref<128xi32, #tpu.memory_space<vmem>>
          %dma_wait3A_61 = arith.constant 0 : i32
          %dma_wait3A_62 = arith.constant 0 : i32
          %dma_wait3A_63 = tpu.memref_slice %arg12[%dma_wait3A_61, %dma_wait3A_62] : memref<10240x64xf32, #tpu.memory_space<vmem_shared>> -> memref<10240x64xf32, #tpu.memory_space<vmem_shared>>
          tpu.wait_indirect_dma semaphore(%run_scoped3A : memref<!tpu.dma_semaphore, #tpu.memory_space<semaphore_mem>>) src(%arg10 : memref<128x64xf32, #tpu.memory_space<vmem>>) dst(%dma_wait3A_63 : memref<10240x64xf32, #tpu.memory_space<vmem_shared>>)
          tpu.yield
        }) : () -> ()
        %lt3A = arith.constant 78 : i32
        %lt3A_38 = arith.cmpi slt, %add3A_22, %lt3A : i32
        %convert_element_type3A_39 = arith.extui %lt3A_38 : i1 to i32
        %cond3A_40 = arith.constant 0 : i32
        %cond3A_41 = arith.cmpi ne, %convert_element_type3A_39, %cond3A_40 : i32
        scf.if %cond3A_41 {
          %add3A_52 = arith.constant 2 : i32
          %add3A_53 = arith.addi %mul3A_24, %add3A_52 : i32
          %dma_start3A_54 = arith.constant 0 : i32
          %dma_start3A_55 = tpu.memref_slice %arg8[%add3A_53, %dma_start3A_54] : memref<158x128xi32, #tpu.memory_space<vmem>> -> memref<1x128xi32, #tpu.memory_space<vmem>>
          %dma_start3A_56 = tpu.memref_squeeze %dma_start3A_55 : memref<1x128xi32, #tpu.memory_space<vmem>> -> memref<128xi32, #tpu.memory_space<vmem>>
          %dma_start3A_57 = arith.constant 0 : i32
          %dma_start3A_58 = arith.constant 0 : i32
          %dma_start3A_59 = tpu.memref_slice %arg3[%dma_start3A_57, %dma_start3A_58] : memref<10240x64xf32, #tpu.memory_space<hbm>> -> memref<10240x64xf32, #tpu.memory_space<hbm>>
          tpu.enqueue_indirect_dma source(%dma_start3A_59 : memref<10240x64xf32, #tpu.memory_space<hbm>>) target(%arg10 : memref<128x64xf32, #tpu.memory_space<vmem>>) offsets(%dma_start3A_56 : memref<128xi32, #tpu.memory_space<vmem>>) semaphore(%arg13 : memref<!tpu.dma_semaphore, #tpu.memory_space<semaphore_mem>>)
        } else {
        }
        %add3A_42 = arith.constant 1 : i32
        %add3A_43 = arith.addi %mul3A_24, %add3A_42 : i32
        %dma_wait3A_44 = arith.constant 0 : i32
        %dma_wait3A_45 = tpu.memref_slice %arg8[%add3A_43, %dma_wait3A_44] : memref<158x128xi32, #tpu.memory_space<vmem>> -> memref<1x128xi32, #tpu.memory_space<vmem>>
        %dma_wait3A_46 = tpu.memref_squeeze %dma_wait3A_45 : memref<1x128xi32, #tpu.memory_space<vmem>> -> memref<128xi32, #tpu.memory_space<vmem>>
        %dma_wait3A_47 = arith.constant 0 : i32
        %dma_wait3A_48 = arith.constant 0 : i32
        %dma_wait3A_49 = tpu.memref_slice %arg3[%dma_wait3A_47, %dma_wait3A_48] : memref<10240x64xf32, #tpu.memory_space<hbm>> -> memref<10240x64xf32, #tpu.memory_space<hbm>>
        tpu.wait_indirect_dma semaphore(%arg14 : memref<!tpu.dma_semaphore, #tpu.memory_space<semaphore_mem>>) src(%dma_wait3A_49 : memref<10240x64xf32, #tpu.memory_space<hbm>>) dst(%arg11 : memref<128x64xf32, #tpu.memory_space<vmem>>)
        %add3A_50 = arith.constant 1 : i32
        %add3A_51 = arith.addi %mul3A_24, %add3A_50 : i32
        "tpu.region"() ({
          %run_scoped3A = tpu.sem_alloc : memref<!tpu.dma_semaphore, #tpu.memory_space<semaphore_mem>>
          %dma_start3A_52 = arith.constant 0 : i32
          %dma_start3A_53 = tpu.memref_slice %arg9[%add3A_51, %dma_start3A_52] : memref<158x128xi32, #tpu.memory_space<vmem>> -> memref<1x128xi32, #tpu.memory_space<vmem>>
          %dma_start3A_54 = tpu.memref_squeeze %dma_start3A_53 : memref<1x128xi32, #tpu.memory_space<vmem>> -> memref<128xi32, #tpu.memory_space<vmem>>
          %dma_start3A_55 = arith.constant 0 : i32
          %dma_start3A_56 = arith.constant 0 : i32
          %dma_start3A_57 = tpu.memref_slice %arg12[%dma_start3A_55, %dma_start3A_56] : memref<10240x64xf32, #tpu.memory_space<vmem_shared>> -> memref<10240x64xf32, #tpu.memory_space<vmem_shared>>
          tpu.enqueue_indirect_dma source(%arg11 : memref<128x64xf32, #tpu.memory_space<vmem>>) target(%dma_start3A_57 : memref<10240x64xf32, #tpu.memory_space<vmem_shared>>) offsets(%dma_start3A_54 : memref<128xi32, #tpu.memory_space<vmem>>) semaphore(%run_scoped3A : memref<!tpu.dma_semaphore, #tpu.memory_space<semaphore_mem>>) {add = true}
          %dma_wait3A_58 = arith.constant 0 : i32
          %dma_wait3A_59 = tpu.memref_slice %arg9[%add3A_51, %dma_wait3A_58] : memref<158x128xi32, #tpu.memory_space<vmem>> -> memref<1x128xi32, #tpu.memory_space<vmem>>
          %dma_wait3A_60 = tpu.memref_squeeze %dma_wait3A_59 : memref<1x128xi32, #tpu.memory_space<vmem>> -> memref<128xi32, #tpu.memory_space<vmem>>
          %dma_wait3A_61 = arith.constant 0 : i32
          %dma_wait3A_62 = arith.constant 0 : i32
          %dma_wait3A_63 = tpu.memref_slice %arg12[%dma_wait3A_61, %dma_wait3A_62] : memref<10240x64xf32, #tpu.memory_space<vmem_shared>> -> memref<10240x64xf32, #tpu.memory_space<vmem_shared>>
          tpu.wait_indirect_dma semaphore(%run_scoped3A : memref<!tpu.dma_semaphore, #tpu.memory_space<semaphore_mem>>) src(%arg11 : memref<128x64xf32, #tpu.memory_space<vmem>>) dst(%dma_wait3A_63 : memref<10240x64xf32, #tpu.memory_space<vmem_shared>>)
          tpu.yield
        }) : () -> ()
      }
      %scan3A_18 = arith.constant 79 : i32
    } else {
    }
    %barrier3A_8 = arith.constant 0 : index
    tpu.barrier barrier_id(%barrier3A_8)
    "tpu.region"() ({
      %run_scoped3A = tpu.sem_alloc : memref<!tpu.dma_semaphore, #tpu.memory_space<semaphore_mem>>
      %dma_start3A = arith.constant 0 : i32
      %dma_start3A_9 = tpu.memref_slice %arg7[%arg0, %mul3A_0, %dma_start3A] : memref<2x10240x64xf32, #tpu.memory_space<hbm>> -> memref<1x640x64xf32, #tpu.memory_space<hbm>>
      %dma_start3A_10 = tpu.memref_squeeze %dma_start3A_9 : memref<1x640x64xf32, #tpu.memory_space<hbm>> -> memref<640x64xf32, #tpu.memory_space<hbm>>
      %dma_start3A_11 = arith.constant 0 : i32
      %dma_start3A_12 = tpu.memref_slice %arg12[%mul3A_0, %dma_start3A_11] : memref<10240x64xf32, #tpu.memory_space<vmem_shared>> -> memref<640x64xf32, #tpu.memory_space<vmem_shared>>
      tpu.enqueue_dma source(%dma_start3A_12 : memref<640x64xf32, #tpu.memory_space<vmem_shared>>) target(%dma_start3A_10 : memref<640x64xf32, #tpu.memory_space<hbm>>) target_semaphore(%run_scoped3A : memref<!tpu.dma_semaphore, #tpu.memory_space<semaphore_mem>>)
      %dma_wait3A = arith.constant 0 : i32
      %dma_wait3A_13 = tpu.memref_slice %arg7[%arg0, %mul3A_0, %dma_wait3A] : memref<2x10240x64xf32, #tpu.memory_space<hbm>> -> memref<1x640x64xf32, #tpu.memory_space<hbm>>
      %dma_wait3A_14 = tpu.memref_squeeze %dma_wait3A_13 : memref<1x640x64xf32, #tpu.memory_space<hbm>> -> memref<640x64xf32, #tpu.memory_space<hbm>>
      %dma_wait3A_15 = arith.constant 0 : i32
      %dma_wait3A_16 = tpu.memref_slice %arg12[%mul3A_0, %dma_wait3A_15] : memref<10240x64xf32, #tpu.memory_space<vmem_shared>> -> memref<640x64xf32, #tpu.memory_space<vmem_shared>>
      tpu.wait_dma2 semaphore(%run_scoped3A : memref<!tpu.dma_semaphore, #tpu.memory_space<semaphore_mem>>) src(%dma_wait3A_16 : memref<640x64xf32, #tpu.memory_space<vmem_shared>>) dst(%dma_wait3A_14 : memref<640x64xf32, #tpu.memory_space<hbm>>)
      tpu.yield
    }) : () -> ()
    return
  }
}

#map = affine_map<(d0, d1) -> (0, 0)>
#map1 = affine_map<(d0, d1) -> (0, 0, 0)>
module attributes {stable_mosaic.version = 14 : i64} {
  func.func @body(%arg0: i32, %arg1: i32, %arg2: memref<10240x64xf32, #tpu.memory_space<hbm>>, %arg3: memref<10240x64xf32, #tpu.memory_space<hbm>>, %arg4: memref<16x158x128xi32, #tpu.memory_space<hbm>>, %arg5: memref<16x158x128xi32, #tpu.memory_space<hbm>>, %arg6: memref<640x64xf32, #tpu.memory_space<hbm>>, %arg7: memref<2x10240x64xf32, #tpu.memory_space<hbm>>, %arg8: memref<158x128xi32, #tpu.memory_space<vmem>>, %arg9: memref<158x128xi32, #tpu.memory_space<vmem>>, %arg10: memref<128x64xf32, #tpu.memory_space<vmem>>, %arg11: memref<128x64xf32, #tpu.memory_space<vmem>>, %arg12: memref<10240x64xf32, #tpu.memory_space<vmem_shared>>, %arg13: memref<!tpu.dma_semaphore, #tpu.memory_space<semaphore_mem>>, %arg14: memref<!tpu.dma_semaphore, #tpu.memory_space<semaphore_mem>>) attributes {dimension_semantics = [#tpu.dimension_semantics<core_parallel>, #tpu.dimension_semantics<subcore_parallel>], iteration_bounds = array<i64: 2, 16>, scalar_prefetch = 0 : i64, scratch_operands = 7 : i64, tpu.core_type = #tpu.core_type<sc_vector_subcore>, window_params = [{transform_indices = #map}, {transform_indices = #map}, {transform_indices = #map1}, {transform_indices = #map1}, {transform_indices = #map}, {transform_indices = #map1}]} {
    %mul3A = arith.constant 640 : i32
    %mul3A_0 = arith.muli %arg1, %mul3A : i32
    "tpu.region"() ({
      %run_scoped3A = tpu.sem_alloc : memref<!tpu.dma_semaphore, #tpu.memory_space<semaphore_mem>>
      %dma_start3A = arith.constant 0 : i32
      %dma_start3A_9 = tpu.memref_slice %arg12[%mul3A_0, %dma_start3A] : memref<10240x64xf32, #tpu.memory_space<vmem_shared>> -> memref<640x64xf32, #tpu.memory_space<vmem_shared>>
      tpu.enqueue_dma source(%arg6 : memref<640x64xf32, #tpu.memory_space<hbm>>) target(%dma_start3A_9 : memref<640x64xf32, #tpu.memory_space<vmem_shared>>) target_semaphore(%run_scoped3A : memref<!tpu.dma_semaphore, #tpu.memory_space<semaphore_mem>>)
      %dma_wait3A = arith.constant 0 : i32
      %dma_wait3A_10 = tpu.memref_slice %arg12[%mul3A_0, %dma_wait3A] : memref<10240x64xf32, #tpu.memory_space<vmem_shared>> -> memref<640x64xf32, #tpu.memory_space<vmem_shared>>
      tpu.wait_dma2 semaphore(%run_scoped3A : memref<!tpu.dma_semaphore, #tpu.memory_space<semaphore_mem>>) src(%arg6 : memref<640x64xf32, #tpu.memory_space<hbm>>) dst(%dma_wait3A_10 : memref<640x64xf32, #tpu.memory_space<vmem_shared>>)
      tpu.yield
    }) : () -> ()
    "tpu.region"() ({
      %run_scoped3A = tpu.sem_alloc : memref<!tpu.dma_semaphore, #tpu.memory_space<semaphore_mem>>
      %dma_start3A = arith.constant 0 : i32
      %dma_start3A_9 = arith.constant 0 : i32
      %dma_start3A_10 = tpu.memref_slice %arg4[%arg1, %dma_start3A, %dma_start3A_9] : memref<16x158x128xi32, #tpu.memory_space<hbm>> -> memref<1x158x128xi32, #tpu.memory_space<hbm>>
      %dma_start3A_11 = tpu.memref_squeeze %dma_start3A_10 : memref<1x158x128xi32, #tpu.memory_space<hbm>> -> memref<158x128xi32, #tpu.memory_space<hbm>>
      %dma_start3A_12 = arith.constant 0 : i32
      %dma_start3A_13 = arith.constant 0 : i32
      %dma_start3A_14 = tpu.memref_slice %arg4[%arg1, %dma_start3A_12, %dma_start3A_13] : memref<16x158x128xi32, #tpu.memory_space<hbm>> -> memref<1x158x128xi32, #tpu.memory_space<hbm>>
      %dma_start3A_15 = tpu.memref_squeeze %dma_start3A_14 : memref<1x158x128xi32, #tpu.memory_space<hbm>> -> memref<158x128xi32, #tpu.memory_space<hbm>>
      tpu.enqueue_dma source(%dma_start3A_15 : memref<158x128xi32, #tpu.memory_space<hbm>>) target(%arg8 : memref<158x128xi32, #tpu.memory_space<vmem>>) target_semaphore(%run_scoped3A : memref<!tpu.dma_semaphore, #tpu.memory_space<semaphore_mem>>)
      %dma_wait3A = arith.constant 0 : i32
      %dma_wait3A_16 = arith.constant 0 : i32
      %dma_wait3A_17 = tpu.memref_slice %arg4[%arg1, %dma_wait3A, %dma_wait3A_16] : memref<16x158x128xi32, #tpu.memory_space<hbm>> -> memref<1x158x128xi32, #tpu.memory_space<hbm>>
      %dma_wait3A_18 = tpu.memref_squeeze %dma_wait3A_17 : memref<1x158x128xi32, #tpu.memory_space<hbm>> -> memref<158x128xi32, #tpu.memory_space<hbm>>
      %dma_wait3A_19 = arith.constant 0 : i32
      %dma_wait3A_20 = arith.constant 0 : i32
      %dma_wait3A_21 = tpu.memref_slice %arg4[%arg1, %dma_wait3A_19, %dma_wait3A_20] : memref<16x158x128xi32, #tpu.memory_space<hbm>> -> memref<1x158x128xi32, #tpu.memory_space<hbm>>
      %dma_wait3A_22 = tpu.memref_squeeze %dma_wait3A_21 : memref<1x158x128xi32, #tpu.memory_space<hbm>> -> memref<158x128xi32, #tpu.memory_space<hbm>>
      tpu.wait_dma2 semaphore(%run_scoped3A : memref<!tpu.dma_semaphore, #tpu.memory_space<semaphore_mem>>) src(%dma_wait3A_22 : memref<158x128xi32, #tpu.memory_space<hbm>>) dst(%arg8 : memref<158x128xi32, #tpu.memory_space<vmem>>)
      tpu.yield
    }) : () -> ()
    "tpu.region"() ({
      %run_scoped3A = tpu.sem_alloc : memref<!tpu.dma_semaphore, #tpu.memory_space<semaphore_mem>>
      %dma_start3A = arith.constant 0 : i32
      %dma_start3A_9 = arith.constant 0 : i32
      %dma_start3A_10 = tpu.memref_slice %arg5[%arg1, %dma_start3A, %dma_start3A_9] : memref<16x158x128xi32, #tpu.memory_space<hbm>> -> memref<1x158x128xi32, #tpu.memory_space<hbm>>
      %dma_start3A_11 = tpu.memref_squeeze %dma_start3A_10 : memref<1x158x128xi32, #tpu.memory_space<hbm>> -> memref<158x128xi32, #tpu.memory_space<hbm>>
      %dma_start3A_12 = arith.constant 0 : i32
      %dma_start3A_13 = arith.constant 0 : i32
      %dma_start3A_14 = tpu.memref_slice %arg5[%arg1, %dma_start3A_12, %dma_start3A_13] : memref<16x158x128xi32, #tpu.memory_space<hbm>> -> memref<1x158x128xi32, #tpu.memory_space<hbm>>
      %dma_start3A_15 = tpu.memref_squeeze %dma_start3A_14 : memref<1x158x128xi32, #tpu.memory_space<hbm>> -> memref<158x128xi32, #tpu.memory_space<hbm>>
      tpu.enqueue_dma source(%dma_start3A_15 : memref<158x128xi32, #tpu.memory_space<hbm>>) target(%arg9 : memref<158x128xi32, #tpu.memory_space<vmem>>) target_semaphore(%run_scoped3A : memref<!tpu.dma_semaphore, #tpu.memory_space<semaphore_mem>>)
      %dma_wait3A = arith.constant 0 : i32
      %dma_wait3A_16 = arith.constant 0 : i32
      %dma_wait3A_17 = tpu.memref_slice %arg5[%arg1, %dma_wait3A, %dma_wait3A_16] : memref<16x158x128xi32, #tpu.memory_space<hbm>> -> memref<1x158x128xi32, #tpu.memory_space<hbm>>
      %dma_wait3A_18 = tpu.memref_squeeze %dma_wait3A_17 : memref<1x158x128xi32, #tpu.memory_space<hbm>> -> memref<158x128xi32, #tpu.memory_space<hbm>>
      %dma_wait3A_19 = arith.constant 0 : i32
      %dma_wait3A_20 = arith.constant 0 : i32
      %dma_wait3A_21 = tpu.memref_slice %arg5[%arg1, %dma_wait3A_19, %dma_wait3A_20] : memref<16x158x128xi32, #tpu.memory_space<hbm>> -> memref<1x158x128xi32, #tpu.memory_space<hbm>>
      %dma_wait3A_22 = tpu.memref_squeeze %dma_wait3A_21 : memref<1x158x128xi32, #tpu.memory_space<hbm>> -> memref<158x128xi32, #tpu.memory_space<hbm>>
      tpu.wait_dma2 semaphore(%run_scoped3A : memref<!tpu.dma_semaphore, #tpu.memory_space<semaphore_mem>>) src(%dma_wait3A_22 : memref<158x128xi32, #tpu.memory_space<hbm>>) dst(%arg9 : memref<158x128xi32, #tpu.memory_space<vmem>>)
      tpu.yield
    }) : () -> ()
    %barrier3A = arith.constant 0 : index
    tpu.barrier barrier_id(%barrier3A)
    %eq3A = arith.constant 0 : i32
    %eq3A_1 = arith.cmpi eq, %arg0, %eq3A : i32
    %convert_element_type3A = arith.extui %eq3A_1 : i1 to i32
    %cond3A = arith.constant 0 : i32
    %cond3A_2 = arith.cmpi ne, %convert_element_type3A, %cond3A : i32
    scf.if %cond3A_2 {
      %dma_start3A = arith.constant 0 : i32
      %dma_start3A_9 = arith.constant 0 : i32
      %dma_start3A_10 = tpu.memref_slice %arg8[%dma_start3A, %dma_start3A_9] : memref<158x128xi32, #tpu.memory_space<vmem>> -> memref<1x128xi32, #tpu.memory_space<vmem>>
      %dma_start3A_11 = tpu.memref_squeeze %dma_start3A_10 : memref<1x128xi32, #tpu.memory_space<vmem>> -> memref<128xi32, #tpu.memory_space<vmem>>
      %dma_start3A_12 = arith.constant 0 : i32
      %dma_start3A_13 = arith.constant 0 : i32
      %dma_start3A_14 = tpu.memref_slice %arg2[%dma_start3A_12, %dma_start3A_13] : memref<10240x64xf32, #tpu.memory_space<hbm>> -> memref<10240x64xf32, #tpu.memory_space<hbm>>
      tpu.enqueue_indirect_dma source(%dma_start3A_14 : memref<10240x64xf32, #tpu.memory_space<hbm>>) target(%arg10 : memref<128x64xf32, #tpu.memory_space<vmem>>) offsets(%dma_start3A_11 : memref<128xi32, #tpu.memory_space<vmem>>) semaphore(%arg13 : memref<!tpu.dma_semaphore, #tpu.memory_space<semaphore_mem>>)
      %scan3A = arith.constant 0 : i32
      %scan3A_15 = arith.constant 79 : i32
      %scan3A_16 = arith.addi %scan3A, %scan3A_15 : i32
      %scan3A_17 = arith.constant 1 : i32
      scf.for %scan3A_19 = %scan3A to %scan3A_16 step %scan3A_17  : i32 {
        %mul3A_20 = arith.constant 1 : i32
        %mul3A_21 = arith.muli %scan3A_19, %mul3A_20 : i32
        %add3A = arith.constant 0 : i32
        %add3A_22 = arith.addi %add3A, %mul3A_21 : i32
        %mul3A_23 = arith.constant 2 : i32
        %mul3A_24 = arith.muli %add3A_22, %mul3A_23 : i32
        %add3A_25 = arith.constant 1 : i32
        %add3A_26 = arith.addi %mul3A_24, %add3A_25 : i32
        %dma_start3A_27 = arith.constant 0 : i32
        %dma_start3A_28 = tpu.memref_slice %arg8[%add3A_26, %dma_start3A_27] : memref<158x128xi32, #tpu.memory_space<vmem>> -> memref<1x128xi32, #tpu.memory_space<vmem>>
        %dma_start3A_29 = tpu.memref_squeeze %dma_start3A_28 : memref<1x128xi32, #tpu.memory_space<vmem>> -> memref<128xi32, #tpu.memory_space<vmem>>
        %dma_start3A_30 = arith.constant 0 : i32
        %dma_start3A_31 = arith.constant 0 : i32
        %dma_start3A_32 = tpu.memref_slice %arg2[%dma_start3A_30, %dma_start3A_31] : memref<10240x64xf32, #tpu.memory_space<hbm>> -> memref<10240x64xf32, #tpu.memory_space<hbm>>
        tpu.enqueue_indirect_dma source(%dma_start3A_32 : memref<10240x64xf32, #tpu.memory_space<hbm>>) target(%arg11 : memref<128x64xf32, #tpu.memory_space<vmem>>) offsets(%dma_start3A_29 : memref<128xi32, #tpu.memory_space<vmem>>) semaphore(%arg14 : memref<!tpu.dma_semaphore, #tpu.memory_space<semaphore_mem>>)
        %dma_wait3A = arith.constant 0 : i32
        %dma_wait3A_33 = tpu.memref_slice %arg8[%mul3A_24, %dma_wait3A] : memref<158x128xi32, #tpu.memory_space<vmem>> -> memref<1x128xi32, #tpu.memory_space<vmem>>
        %dma_wait3A_34 = tpu.memref_squeeze %dma_wait3A_33 : memref<1x128xi32, #tpu.memory_space<vmem>> -> memref<128xi32, #tpu.memory_space<vmem>>
        %dma_wait3A_35 = arith.constant 0 : i32
        %dma_wait3A_36 = arith.constant 0 : i32
        %dma_wait3A_37 = tpu.memref_slice %arg2[%dma_wait3A_35, %dma_wait3A_36] : memref<10240x64xf32, #tpu.memory_space<hbm>> -> memref<10240x64xf32, #tpu.memory_space<hbm>>
        tpu.wait_indirect_dma semaphore(%arg13 : memref<!tpu.dma_semaphore, #tpu.memory_space<semaphore_mem>>) src(%dma_wait3A_37 : memref<10240x64xf32, #tpu.memory_space<hbm>>) dst(%arg10 : memref<128x64xf32, #tpu.memory_space<vmem>>)
        "tpu.region"() ({
          %run_scoped3A = tpu.sem_alloc : memref<!tpu.dma_semaphore, #tpu.memory_space<semaphore_mem>>
          %dma_start3A_52 = arith.constant 0 : i32
          %dma_start3A_53 = tpu.memref_slice %arg9[%mul3A_24, %dma_start3A_52] : memref<158x128xi32, #tpu.memory_space<vmem>> -> memref<1x128xi32, #tpu.memory_space<vmem>>
          %dma_start3A_54 = tpu.memref_squeeze %dma_start3A_53 : memref<1x128xi32, #tpu.memory_space<vmem>> -> memref<128xi32, #tpu.memory_space<vmem>>
          %dma_start3A_55 = arith.constant 0 : i32
          %dma_start3A_56 = arith.constant 0 : i32
          %dma_start3A_57 = tpu.memref_slice %arg12[%dma_start3A_55, %dma_start3A_56] : memref<10240x64xf32, #tpu.memory_space<vmem_shared>> -> memref<10240x64xf32, #tpu.memory_space<vmem_shared>>
          tpu.enqueue_indirect_dma source(%arg10 : memref<128x64xf32, #tpu.memory_space<vmem>>) target(%dma_start3A_57 : memref<10240x64xf32, #tpu.memory_space<vmem_shared>>) offsets(%dma_start3A_54 : memref<128xi32, #tpu.memory_space<vmem>>) semaphore(%run_scoped3A : memref<!tpu.dma_semaphore, #tpu.memory_space<semaphore_mem>>) {add = true}
          %dma_wait3A_58 = arith.constant 0 : i32
          %dma_wait3A_59 = tpu.memref_slice %arg9[%mul3A_24, %dma_wait3A_58] : memref<158x128xi32, #tpu.memory_space<vmem>> -> memref<1x128xi32, #tpu.memory_space<vmem>>
          %dma_wait3A_60 = tpu.memref_squeeze %dma_wait3A_59 : memref<1x128xi32, #tpu.memory_space<vmem>> -> memref<128xi32, #tpu.memory_space<vmem>>
          %dma_wait3A_61 = arith.constant 0 : i32
          %dma_wait3A_62 = arith.constant 0 : i32
          %dma_wait3A_63 = tpu.memref_slice %arg12[%dma_wait3A_61, %dma_wait3A_62] : memref<10240x64xf32, #tpu.memory_space<vmem_shared>> -> memref<10240x64xf32, #tpu.memory_space<vmem_shared>>
          tpu.wait_indirect_dma semaphore(%run_scoped3A : memref<!tpu.dma_semaphore, #tpu.memory_space<semaphore_mem>>) src(%arg10 : memref<128x64xf32, #tpu.memory_space<vmem>>) dst(%dma_wait3A_63 : memref<10240x64xf32, #tpu.memory_space<vmem_shared>>)
          tpu.yield
        }) : () -> ()
        %lt3A = arith.constant 78 : i32
        %lt3A_38 = arith.cmpi slt, %add3A_22, %lt3A : i32
        %convert_element_type3A_39 = arith.extui %lt3A_38 : i1 to i32
        %cond3A_40 = arith.constant 0 : i32
        %cond3A_41 = arith.cmpi ne, %convert_element_type3A_39, %cond3A_40 : i32
        scf.if %cond3A_41 {
          %add3A_52 = arith.constant 2 : i32
          %add3A_53 = arith.addi %mul3A_24, %add3A_52 : i32
          %dma_start3A_54 = arith.constant 0 : i32
          %dma_start3A_55 = tpu.memref_slice %arg8[%add3A_53, %dma_start3A_54] : memref<158x128xi32, #tpu.memory_space<vmem>> -> memref<1x128xi32, #tpu.memory_space<vmem>>
          %dma_start3A_56 = tpu.memref_squeeze %dma_start3A_55 : memref<1x128xi32, #tpu.memory_space<vmem>> -> memref<128xi32, #tpu.memory_space<vmem>>
          %dma_start3A_57 = arith.constant 0 : i32
          %dma_start3A_58 = arith.constant 0 : i32
          %dma_start3A_59 = tpu.memref_slice %arg2[%dma_start3A_57, %dma_start3A_58] : memref<10240x64xf32, #tpu.memory_space<hbm>> -> memref<10240x64xf32, #tpu.memory_space<hbm>>
          tpu.enqueue_indirect_dma source(%dma_start3A_59 : memref<10240x64xf32, #tpu.memory_space<hbm>>) target(%arg10 : memref<128x64xf32, #tpu.memory_space<vmem>>) offsets(%dma_start3A_56 : memref<128xi32, #tpu.memory_space<vmem>>) semaphore(%arg13 : memref<!tpu.dma_semaphore, #tpu.memory_space<semaphore_mem>>)
        } else {
        }
        %add3A_42 = arith.constant 1 : i32
        %add3A_43 = arith.addi %mul3A_24, %add3A_42 : i32
        %dma_wait3A_44 = arith.constant 0 : i32
        %dma_wait3A_45 = tpu.memref_slice %arg8[%add3A_43, %dma_wait3A_44] : memref<158x128xi32, #tpu.memory_space<vmem>> -> memref<1x128xi32, #tpu.memory_space<vmem>>
        %dma_wait3A_46 = tpu.memref_squeeze %dma_wait3A_45 : memref<1x128xi32, #tpu.memory_space<vmem>> -> memref<128xi32, #tpu.memory_space<vmem>>
        %dma_wait3A_47 = arith.constant 0 : i32
        %dma_wait3A_48 = arith.constant 0 : i32
        %dma_wait3A_49 = tpu.memref_slice %arg2[%dma_wait3A_47, %dma_wait3A_48] : memref<10240x64xf32, #tpu.memory_space<hbm>> -> memref<10240x64xf32, #tpu.memory_space<hbm>>
        tpu.wait_indirect_dma semaphore(%arg14 : memref<!tpu.dma_semaphore, #tpu.memory_space<semaphore_mem>>) src(%dma_wait3A_49 : memref<10240x64xf32, #tpu.memory_space<hbm>>) dst(%arg11 : memref<128x64xf32, #tpu.memory_space<vmem>>)
        %add3A_50 = arith.constant 1 : i32
        %add3A_51 = arith.addi %mul3A_24, %add3A_50 : i32
        "tpu.region"() ({
          %run_scoped3A = tpu.sem_alloc : memref<!tpu.dma_semaphore, #tpu.memory_space<semaphore_mem>>
          %dma_start3A_52 = arith.constant 0 : i32
          %dma_start3A_53 = tpu.memref_slice %arg9[%add3A_51, %dma_start3A_52] : memref<158x128xi32, #tpu.memory_space<vmem>> -> memref<1x128xi32, #tpu.memory_space<vmem>>
          %dma_start3A_54 = tpu.memref_squeeze %dma_start3A_53 : memref<1x128xi32, #tpu.memory_space<vmem>> -> memref<128xi32, #tpu.memory_space<vmem>>
          %dma_start3A_55 = arith.constant 0 : i32
          %dma_start3A_56 = arith.constant 0 : i32
          %dma_start3A_57 = tpu.memref_slice %arg12[%dma_start3A_55, %dma_start3A_56] : memref<10240x64xf32, #tpu.memory_space<vmem_shared>> -> memref<10240x64xf32, #tpu.memory_space<vmem_shared>>
          tpu.enqueue_indirect_dma source(%arg11 : memref<128x64xf32, #tpu.memory_space<vmem>>) target(%dma_start3A_57 : memref<10240x64xf32, #tpu.memory_space<vmem_shared>>) offsets(%dma_start3A_54 : memref<128xi32, #tpu.memory_space<vmem>>) semaphore(%run_scoped3A : memref<!tpu.dma_semaphore, #tpu.memory_space<semaphore_mem>>) {add = true}
          %dma_wait3A_58 = arith.constant 0 : i32
          %dma_wait3A_59 = tpu.memref_slice %arg9[%add3A_51, %dma_wait3A_58] : memref<158x128xi32, #tpu.memory_space<vmem>> -> memref<1x128xi32, #tpu.memory_space<vmem>>
          %dma_wait3A_60 = tpu.memref_squeeze %dma_wait3A_59 : memref<1x128xi32, #tpu.memory_space<vmem>> -> memref<128xi32, #tpu.memory_space<vmem>>
          %dma_wait3A_61 = arith.constant 0 : i32
          %dma_wait3A_62 = arith.constant 0 : i32
          %dma_wait3A_63 = tpu.memref_slice %arg12[%dma_wait3A_61, %dma_wait3A_62] : memref<10240x64xf32, #tpu.memory_space<vmem_shared>> -> memref<10240x64xf32, #tpu.memory_space<vmem_shared>>
          tpu.wait_indirect_dma semaphore(%run_scoped3A : memref<!tpu.dma_semaphore, #tpu.memory_space<semaphore_mem>>) src(%arg11 : memref<128x64xf32, #tpu.memory_space<vmem>>) dst(%dma_wait3A_63 : memref<10240x64xf32, #tpu.memory_space<vmem_shared>>)
          tpu.yield
        }) : () -> ()
      }
      %scan3A_18 = arith.constant 79 : i32
    } else {
    }
    %eq3A_3 = arith.constant 1 : i32
    %eq3A_4 = arith.cmpi eq, %arg0, %eq3A_3 : i32
    %convert_element_type3A_5 = arith.extui %eq3A_4 : i1 to i32
    %cond3A_6 = arith.constant 0 : i32
    %cond3A_7 = arith.cmpi ne, %convert_element_type3A_5, %cond3A_6 : i32
    scf.if %cond3A_7 {
      %dma_start3A = arith.constant 0 : i32
      %dma_start3A_9 = arith.constant 0 : i32
      %dma_start3A_10 = tpu.memref_slice %arg8[%dma_start3A, %dma_start3A_9] : memref<158x128xi32, #tpu.memory_space<vmem>> -> memref<1x128xi32, #tpu.memory_space<vmem>>
      %dma_start3A_11 = tpu.memref_squeeze %dma_start3A_10 : memref<1x128xi32, #tpu.memory_space<vmem>> -> memref<128xi32, #tpu.memory_space<vmem>>
      %dma_start3A_12 = arith.constant 0 : i32
      %dma_start3A_13 = arith.constant 0 : i32
      %dma_start3A_14 = tpu.memref_slice %arg3[%dma_start3A_12, %dma_start3A_13] : memref<10240x64xf32, #tpu.memory_space<hbm>> -> memref<10240x64xf32, #tpu.memory_space<hbm>>
      tpu.enqueue_indirect_dma source(%dma_start3A_14 : memref<10240x64xf32, #tpu.memory_space<hbm>>) target(%arg10 : memref<128x64xf32, #tpu.memory_space<vmem>>) offsets(%dma_start3A_11 : memref<128xi32, #tpu.memory_space<vmem>>) semaphore(%arg13 : memref<!tpu.dma_semaphore, #tpu.memory_space<semaphore_mem>>)
      %scan3A = arith.constant 0 : i32
      %scan3A_15 = arith.constant 79 : i32
      %scan3A_16 = arith.addi %scan3A, %scan3A_15 : i32
      %scan3A_17 = arith.constant 1 : i32
      scf.for %scan3A_19 = %scan3A to %scan3A_16 step %scan3A_17  : i32 {
        %mul3A_20 = arith.constant 1 : i32
        %mul3A_21 = arith.muli %scan3A_19, %mul3A_20 : i32
        %add3A = arith.constant 0 : i32
        %add3A_22 = arith.addi %add3A, %mul3A_21 : i32
        %mul3A_23 = arith.constant 2 : i32
        %mul3A_24 = arith.muli %add3A_22, %mul3A_23 : i32
        %add3A_25 = arith.constant 1 : i32
        %add3A_26 = arith.addi %mul3A_24, %add3A_25 : i32
        %dma_start3A_27 = arith.constant 0 : i32
        %dma_start3A_28 = tpu.memref_slice %arg8[%add3A_26, %dma_start3A_27] : memref<158x128xi32, #tpu.memory_space<vmem>> -> memref<1x128xi32, #tpu.memory_space<vmem>>
        %dma_start3A_29 = tpu.memref_squeeze %dma_start3A_28 : memref<1x128xi32, #tpu.memory_space<vmem>> -> memref<128xi32, #tpu.memory_space<vmem>>
        %dma_start3A_30 = arith.constant 0 : i32
        %dma_start3A_31 = arith.constant 0 : i32
        %dma_start3A_32 = tpu.memref_slice %arg3[%dma_start3A_30, %dma_start3A_31] : memref<10240x64xf32, #tpu.memory_space<hbm>> -> memref<10240x64xf32, #tpu.memory_space<hbm>>
        tpu.enqueue_indirect_dma source(%dma_start3A_32 : memref<10240x64xf32, #tpu.memory_space<hbm>>) target(%arg11 : memref<128x64xf32, #tpu.memory_space<vmem>>) offsets(%dma_start3A_29 : memref<128xi32, #tpu.memory_space<vmem>>) semaphore(%arg14 : memref<!tpu.dma_semaphore, #tpu.memory_space<semaphore_mem>>)
        %dma_wait3A = arith.constant 0 : i32
        %dma_wait3A_33 = tpu.memref_slice %arg8[%mul3A_24, %dma_wait3A] : memref<158x128xi32, #tpu.memory_space<vmem>> -> memref<1x128xi32, #tpu.memory_space<vmem>>
        %dma_wait3A_34 = tpu.memref_squeeze %dma_wait3A_33 : memref<1x128xi32, #tpu.memory_space<vmem>> -> memref<128xi32, #tpu.memory_space<vmem>>
        %dma_wait3A_35 = arith.constant 0 : i32
        %dma_wait3A_36 = arith.constant 0 : i32
        %dma_wait3A_37 = tpu.memref_slice %arg3[%dma_wait3A_35, %dma_wait3A_36] : memref<10240x64xf32, #tpu.memory_space<hbm>> -> memref<10240x64xf32, #tpu.memory_space<hbm>>
        tpu.wait_indirect_dma semaphore(%arg13 : memref<!tpu.dma_semaphore, #tpu.memory_space<semaphore_mem>>) src(%dma_wait3A_37 : memref<10240x64xf32, #tpu.memory_space<hbm>>) dst(%arg10 : memref<128x64xf32, #tpu.memory_space<vmem>>)
        "tpu.region"() ({
          %run_scoped3A = tpu.sem_alloc : memref<!tpu.dma_semaphore, #tpu.memory_space<semaphore_mem>>
          %dma_start3A_52 = arith.constant 0 : i32
          %dma_start3A_53 = tpu.memref_slice %arg9[%mul3A_24, %dma_start3A_52] : memref<158x128xi32, #tpu.memory_space<vmem>> -> memref<1x128xi32, #tpu.memory_space<vmem>>
          %dma_start3A_54 = tpu.memref_squeeze %dma_start3A_53 : memref<1x128xi32, #tpu.memory_space<vmem>> -> memref<128xi32, #tpu.memory_space<vmem>>
          %dma_start3A_55 = arith.constant 0 : i32
          %dma_start3A_56 = arith.constant 0 : i32
          %dma_start3A_57 = tpu.memref_slice %arg12[%dma_start3A_55, %dma_start3A_56] : memref<10240x64xf32, #tpu.memory_space<vmem_shared>> -> memref<10240x64xf32, #tpu.memory_space<vmem_shared>>
          tpu.enqueue_indirect_dma source(%arg10 : memref<128x64xf32, #tpu.memory_space<vmem>>) target(%dma_start3A_57 : memref<10240x64xf32, #tpu.memory_space<vmem_shared>>) offsets(%dma_start3A_54 : memref<128xi32, #tpu.memory_space<vmem>>) semaphore(%run_scoped3A : memref<!tpu.dma_semaphore, #tpu.memory_space<semaphore_mem>>) {add = true}
          %dma_wait3A_58 = arith.constant 0 : i32
          %dma_wait3A_59 = tpu.memref_slice %arg9[%mul3A_24, %dma_wait3A_58] : memref<158x128xi32, #tpu.memory_space<vmem>> -> memref<1x128xi32, #tpu.memory_space<vmem>>
          %dma_wait3A_60 = tpu.memref_squeeze %dma_wait3A_59 : memref<1x128xi32, #tpu.memory_space<vmem>> -> memref<128xi32, #tpu.memory_space<vmem>>
          %dma_wait3A_61 = arith.constant 0 : i32
          %dma_wait3A_62 = arith.constant 0 : i32
          %dma_wait3A_63 = tpu.memref_slice %arg12[%dma_wait3A_61, %dma_wait3A_62] : memref<10240x64xf32, #tpu.memory_space<vmem_shared>> -> memref<10240x64xf32, #tpu.memory_space<vmem_shared>>
          tpu.wait_indirect_dma semaphore(%run_scoped3A : memref<!tpu.dma_semaphore, #tpu.memory_space<semaphore_mem>>) src(%arg10 : memref<128x64xf32, #tpu.memory_space<vmem>>) dst(%dma_wait3A_63 : memref<10240x64xf32, #tpu.memory_space<vmem_shared>>)
          tpu.yield
        }) : () -> ()
        %lt3A = arith.constant 78 : i32
        %lt3A_38 = arith.cmpi slt, %add3A_22, %lt3A : i32
        %convert_element_type3A_39 = arith.extui %lt3A_38 : i1 to i32
        %cond3A_40 = arith.constant 0 : i32
        %cond3A_41 = arith.cmpi ne, %convert_element_type3A_39, %cond3A_40 : i32
        scf.if %cond3A_41 {
          %add3A_52 = arith.constant 2 : i32
          %add3A_53 = arith.addi %mul3A_24, %add3A_52 : i32
          %dma_start3A_54 = arith.constant 0 : i32
          %dma_start3A_55 = tpu.memref_slice %arg8[%add3A_53, %dma_start3A_54] : memref<158x128xi32, #tpu.memory_space<vmem>> -> memref<1x128xi32, #tpu.memory_space<vmem>>
          %dma_start3A_56 = tpu.memref_squeeze %dma_start3A_55 : memref<1x128xi32, #tpu.memory_space<vmem>> -> memref<128xi32, #tpu.memory_space<vmem>>
          %dma_start3A_57 = arith.constant 0 : i32
          %dma_start3A_58 = arith.constant 0 : i32
          %dma_start3A_59 = tpu.memref_slice %arg3[%dma_start3A_57, %dma_start3A_58] : memref<10240x64xf32, #tpu.memory_space<hbm>> -> memref<10240x64xf32, #tpu.memory_space<hbm>>
          tpu.enqueue_indirect_dma source(%dma_start3A_59 : memref<10240x64xf32, #tpu.memory_space<hbm>>) target(%arg10 : memref<128x64xf32, #tpu.memory_space<vmem>>) offsets(%dma_start3A_56 : memref<128xi32, #tpu.memory_space<vmem>>) semaphore(%arg13 : memref<!tpu.dma_semaphore, #tpu.memory_space<semaphore_mem>>)
        } else {
        }
        %add3A_42 = arith.constant 1 : i32
        %add3A_43 = arith.addi %mul3A_24, %add3A_42 : i32
        %dma_wait3A_44 = arith.constant 0 : i32
        %dma_wait3A_45 = tpu.memref_slice %arg8[%add3A_43, %dma_wait3A_44] : memref<158x128xi32, #tpu.memory_space<vmem>> -> memref<1x128xi32, #tpu.memory_space<vmem>>
        %dma_wait3A_46 = tpu.memref_squeeze %dma_wait3A_45 : memref<1x128xi32, #tpu.memory_space<vmem>> -> memref<128xi32, #tpu.memory_space<vmem>>
        %dma_wait3A_47 = arith.constant 0 : i32
        %dma_wait3A_48 = arith.constant 0 : i32
        %dma_wait3A_49 = tpu.memref_slice %arg3[%dma_wait3A_47, %dma_wait3A_48] : memref<10240x64xf32, #tpu.memory_space<hbm>> -> memref<10240x64xf32, #tpu.memory_space<hbm>>
        tpu.wait_indirect_dma semaphore(%arg14 : memref<!tpu.dma_semaphore, #tpu.memory_space<semaphore_mem>>) src(%dma_wait3A_49 : memref<10240x64xf32, #tpu.memory_space<hbm>>) dst(%arg11 : memref<128x64xf32, #tpu.memory_space<vmem>>)
        %add3A_50 = arith.constant 1 : i32
        %add3A_51 = arith.addi %mul3A_24, %add3A_50 : i32
        "tpu.region"() ({
          %run_scoped3A = tpu.sem_alloc : memref<!tpu.dma_semaphore, #tpu.memory_space<semaphore_mem>>
          %dma_start3A_52 = arith.constant 0 : i32
          %dma_start3A_53 = tpu.memref_slice %arg9[%add3A_51, %dma_start3A_52] : memref<158x128xi32, #tpu.memory_space<vmem>> -> memref<1x128xi32, #tpu.memory_space<vmem>>
          %dma_start3A_54 = tpu.memref_squeeze %dma_start3A_53 : memref<1x128xi32, #tpu.memory_space<vmem>> -> memref<128xi32, #tpu.memory_space<vmem>>
          %dma_start3A_55 = arith.constant 0 : i32
          %dma_start3A_56 = arith.constant 0 : i32
          %dma_start3A_57 = tpu.memref_slice %arg12[%dma_start3A_55, %dma_start3A_56] : memref<10240x64xf32, #tpu.memory_space<vmem_shared>> -> memref<10240x64xf32, #tpu.memory_space<vmem_shared>>
          tpu.enqueue_indirect_dma source(%arg11 : memref<128x64xf32, #tpu.memory_space<vmem>>) target(%dma_start3A_57 : memref<10240x64xf32, #tpu.memory_space<vmem_shared>>) offsets(%dma_start3A_54 : memref<128xi32, #tpu.memory_space<vmem>>) semaphore(%run_scoped3A : memref<!tpu.dma_semaphore, #tpu.memory_space<semaphore_mem>>) {add = true}
          %dma_wait3A_58 = arith.constant 0 : i32
          %dma_wait3A_59 = tpu.memref_slice %arg9[%add3A_51, %dma_wait3A_58] : memref<158x128xi32, #tpu.memory_space<vmem>> -> memref<1x128xi32, #tpu.memory_space<vmem>>
          %dma_wait3A_60 = tpu.memref_squeeze %dma_wait3A_59 : memref<1x128xi32, #tpu.memory_space<vmem>> -> memref<128xi32, #tpu.memory_space<vmem>>
          %dma_wait3A_61 = arith.constant 0 : i32
          %dma_wait3A_62 = arith.constant 0 : i32
          %dma_wait3A_63 = tpu.memref_slice %arg12[%dma_wait3A_61, %dma_wait3A_62] : memref<10240x64xf32, #tpu.memory_space<vmem_shared>> -> memref<10240x64xf32, #tpu.memory_space<vmem_shared>>
          tpu.wait_indirect_dma semaphore(%run_scoped3A : memref<!tpu.dma_semaphore, #tpu.memory_space<semaphore_mem>>) src(%arg11 : memref<128x64xf32, #tpu.memory_space<vmem>>) dst(%dma_wait3A_63 : memref<10240x64xf32, #tpu.memory_space<vmem_shared>>)
          tpu.yield
        }) : () -> ()
      }
      %scan3A_18 = arith.constant 79 : i32
    } else {
    }
    %barrier3A_8 = arith.constant 0 : index
    tpu.barrier barrier_id(%barrier3A_8)
    "tpu.region"() ({
      %run_scoped3A = tpu.sem_alloc : memref<!tpu.dma_semaphore, #tpu.memory_space<semaphore_mem>>
      %dma_start3A = arith.constant 0 : i32
      %dma_start3A_9 = tpu.memref_slice %arg7[%arg0, %mul3A_0, %dma_start3A] : memref<2x10240x64xf32, #tpu.memory_space<hbm>> -> memref<1x640x64xf32, #tpu.memory_space<hbm>>
      %dma_start3A_10 = tpu.memref_squeeze %dma_start3A_9 : memref<1x640x64xf32, #tpu.memory_space<hbm>> -> memref<640x64xf32, #tpu.memory_space<hbm>>
      %dma_start3A_11 = arith.constant 0 : i32
      %dma_start3A_12 = tpu.memref_slice %arg12[%mul3A_0, %dma_start3A_11] : memref<10240x64xf32, #tpu.memory_space<vmem_shared>> -> memref<640x64xf32, #tpu.memory_space<vmem_shared>>
      tpu.enqueue_dma source(%dma_start3A_12 : memref<640x64xf32, #tpu.memory_space<vmem_shared>>) target(%dma_start3A_10 : memref<640x64xf32, #tpu.memory_space<hbm>>) target_semaphore(%run_scoped3A : memref<!tpu.dma_semaphore, #tpu.memory_space<semaphore_mem>>)
      %dma_wait3A = arith.constant 0 : i32
      %dma_wait3A_13 = tpu.memref_slice %arg7[%arg0, %mul3A_0, %dma_wait3A] : memref<2x10240x64xf32, #tpu.memory_space<hbm>> -> memref<1x640x64xf32, #tpu.memory_space<hbm>>
      %dma_wait3A_14 = tpu.memref_squeeze %dma_wait3A_13 : memref<1x640x64xf32, #tpu.memory_space<hbm>> -> memref<640x64xf32, #tpu.memory_space<hbm>>
      %dma_wait3A_15 = arith.constant 0 : i32
      %dma_wait3A_16 = tpu.memref_slice %arg12[%mul3A_0, %dma_wait3A_15] : memref<10240x64xf32, #tpu.memory_space<vmem_shared>> -> memref<640x64xf32, #tpu.memory_space<vmem_shared>>
      tpu.wait_dma2 semaphore(%run_scoped3A : memref<!tpu.dma_semaphore, #tpu.memory_space<semaphore_mem>>) src(%dma_wait3A_16 : memref<640x64xf32, #tpu.memory_space<vmem_shared>>) dst(%dma_wait3A_14 : memref<640x64xf32, #tpu.memory_space<hbm>>)
      tpu.yield
    }) : () -> ()
    return
  }
}

module attributes {stable_mosaic.version = 14 : i64} {
  func.func @_enc_body(%arg0: i32, %arg1: memref<512x128xf32, #tpu.memory_space<vmem>>, %arg2: memref<128x256xf32, #tpu.memory_space<vmem>>, %arg3: memref<1x256xf32, #tpu.memory_space<vmem>>, %arg4: memref<256x128xf32, #tpu.memory_space<vmem>>, %arg5: memref<1x128xf32, #tpu.memory_space<vmem>>, %arg6: memref<512x128xf32, #tpu.memory_space<vmem>>) attributes {dimension_semantics = [#tpu.dimension_semantics<arbitrary>], iteration_bounds = array<i64: 20>, scalar_prefetch = 0 : i64, scratch_operands = 0 : i64, tpu.core_type = #tpu.core_type<tc>, window_params = [{transform_indices = @transform_0, window_bounds = array<i64: 512, 128>}, {pipeline_mode = #tpu.pipeline_mode<synchronous>, transform_indices = @transform_1, window_bounds = array<i64: 128, 256>}, {pipeline_mode = #tpu.pipeline_mode<synchronous>, transform_indices = @transform_2, window_bounds = array<i64: 1, 256>}, {pipeline_mode = #tpu.pipeline_mode<synchronous>, transform_indices = @transform_3, window_bounds = array<i64: 256, 128>}, {pipeline_mode = #tpu.pipeline_mode<synchronous>, transform_indices = @transform_4, window_bounds = array<i64: 1, 128>}, {transform_indices = @transform_5, window_bounds = array<i64: 512, 128>}]} {
    %get3A = arith.constant 0 : index
    %get3A_0 = arith.constant 0 : index
    %get3A_1 = vector.load %arg1[%get3A, %get3A_0] : memref<512x128xf32, #tpu.memory_space<vmem>>, vector<512x128xf32>
    %get3A_2 = arith.constant 0 : index
    %get3A_3 = arith.constant 0 : index
    %get3A_4 = vector.load %arg2[%get3A_2, %get3A_3] : memref<128x256xf32, #tpu.memory_space<vmem>>, vector<128x256xf32>
    %dot_general3A = arith.constant dense<0.000000e+00> : vector<512x256xf32>
    %dot_general3A_5 = tpu.matmul %get3A_1, %get3A_4, %dot_general3A {dimension_numbers = #tpu.dot_dimension_numbers<[1], [0], [0], [1], [0, 0, 1, 1], [], []>, transpose_lhs_hint = false} : vector<512x128xf32>, vector<128x256xf32>, vector<512x256xf32> -> vector<512x256xf32>
    %get3A_6 = arith.constant 0 : index
    %get3A_7 = arith.constant 0 : index
    %get3A_8 = vector.load %arg3[%get3A_6, %get3A_7] : memref<1x256xf32, #tpu.memory_space<vmem>>, vector<1x256xf32>
    %add3A = vector.broadcast %get3A_8 : vector<1x256xf32> to vector<512x256xf32>
    %add3A_9 = arith.addf %dot_general3A_5, %add3A : vector<512x256xf32>
    %gt3A = arith.constant 0.000000e+00 : f32
    %gt3A_10 = vector.broadcast %gt3A : f32 to vector<512x256xf32>
    %gt3A_11 = arith.cmpf ogt, %add3A_9, %gt3A_10 : vector<512x256xf32>
    %mul3A = arith.constant 1.000000e-01 : f32
    %mul3A_12 = vector.broadcast %mul3A : f32 to vector<512x256xf32>
    %mul3A_13 = arith.mulf %mul3A_12, %add3A_9 : vector<512x256xf32>
    %select_n3A = arith.select %gt3A_11, %add3A_9, %mul3A_13 : vector<512x256xi1>, vector<512x256xf32>
    %get3A_14 = arith.constant 0 : index
    %get3A_15 = arith.constant 0 : index
    %get3A_16 = vector.load %arg4[%get3A_14, %get3A_15] : memref<256x128xf32, #tpu.memory_space<vmem>>, vector<256x128xf32>
    %dot_general3A_17 = arith.constant dense<0.000000e+00> : vector<512x128xf32>
    %dot_general3A_18 = tpu.matmul %select_n3A, %get3A_16, %dot_general3A_17 {dimension_numbers = #tpu.dot_dimension_numbers<[1], [0], [0], [1], [0, 0, 1, 1], [], []>, transpose_lhs_hint = false} : vector<512x256xf32>, vector<256x128xf32>, vector<512x128xf32> -> vector<512x128xf32>
    %get3A_19 = arith.constant 0 : index
    %get3A_20 = arith.constant 0 : index
    %get3A_21 = vector.load %arg5[%get3A_19, %get3A_20] : memref<1x128xf32, #tpu.memory_space<vmem>>, vector<1x128xf32>
    %add3A_22 = vector.broadcast %get3A_21 : vector<1x128xf32> to vector<512x128xf32>
    %add3A_23 = arith.addf %dot_general3A_18, %add3A_22 : vector<512x128xf32>
    %gt3A_24 = arith.constant 0.000000e+00 : f32
    %gt3A_25 = vector.broadcast %gt3A_24 : f32 to vector<512x128xf32>
    %gt3A_26 = arith.cmpf ogt, %add3A_23, %gt3A_25 : vector<512x128xf32>
    %mul3A_27 = arith.constant 1.000000e-01 : f32
    %mul3A_28 = vector.broadcast %mul3A_27 : f32 to vector<512x128xf32>
    %mul3A_29 = arith.mulf %mul3A_28, %add3A_23 : vector<512x128xf32>
    %select_n3A_30 = arith.select %gt3A_26, %add3A_23, %mul3A_29 : vector<512x128xi1>, vector<512x128xf32>
    %swap3A = arith.constant 0 : index
    %swap3A_31 = arith.constant 0 : index
    %swap3A_32 = vector.load %arg6[%swap3A, %swap3A_31] : memref<512x128xf32, #tpu.memory_space<vmem>>, vector<512x128xf32>
    tpu.vector_store %arg6[%swap3A, %swap3A_31], %select_n3A_30 {strides = array<i32>} : memref<512x128xf32, #tpu.memory_space<vmem>>, vector<512x128xf32>,
    return
  }
  func.func @transform_0(%arg0: i32) -> (i32, i32) {
    %c0_i32 = arith.constant 0 : i32
    %c0_i32_0 = arith.constant 0 : i32
    return %arg0, %c0_i32 : i32, i32
  }
  func.func @transform_1(%arg0: i32) -> (i32, i32) {
    %c0_i32 = arith.constant 0 : i32
    %c0_i32_0 = arith.constant 0 : i32
    %c0_i32_1 = arith.constant 0 : i32
    return %c0_i32, %c0_i32_0 : i32, i32
  }
  func.func @transform_2(%arg0: i32) -> (i32, i32) {
    %c0_i32 = arith.constant 0 : i32
    %c0_i32_0 = arith.constant 0 : i32
    %c0_i32_1 = arith.constant 0 : i32
    return %c0_i32, %c0_i32_0 : i32, i32
  }
  func.func @transform_3(%arg0: i32) -> (i32, i32) {
    %c0_i32 = arith.constant 0 : i32
    %c0_i32_0 = arith.constant 0 : i32
    %c0_i32_1 = arith.constant 0 : i32
    return %c0_i32, %c0_i32_0 : i32, i32
  }
  func.func @transform_4(%arg0: i32) -> (i32, i32) {
    %c0_i32 = arith.constant 0 : i32
    %c0_i32_0 = arith.constant 0 : i32
    %c0_i32_1 = arith.constant 0 : i32
    return %c0_i32, %c0_i32_0 : i32, i32
  }
  func.func @transform_5(%arg0: i32) -> (i32, i32) {
    %c0_i32 = arith.constant 0 : i32
    %c0_i32_0 = arith.constant 0 : i32
    return %arg0, %c0_i32 : i32, i32
  }
}

module attributes {stable_mosaic.version = 14 : i64} {
  func.func @_pre_body(%arg0: i32, %arg1: memref<512x128xf32, #tpu.memory_space<vmem>>, %arg2: memref<128x128xf32, #tpu.memory_space<vmem>>, %arg3: memref<1x128xf32, #tpu.memory_space<vmem>>, %arg4: memref<1x128xf32, #tpu.memory_space<vmem>>, %arg5: memref<2x512x16xf32, #tpu.memory_space<vmem>>, %arg6: memref<512x64xf32, #tpu.memory_space<vmem>>, %arg7: memref<512x64xf32, #tpu.memory_space<vmem>>, %arg8: memref<512x128xf32, #tpu.memory_space<vmem>>) attributes {dimension_semantics = [#tpu.dimension_semantics<arbitrary>], iteration_bounds = array<i64: 20>, scalar_prefetch = 0 : i64, scratch_operands = 0 : i64, tpu.core_type = #tpu.core_type<tc>, window_params = [{transform_indices = @transform_0, window_bounds = array<i64: 512, 128>}, {pipeline_mode = #tpu.pipeline_mode<synchronous>, transform_indices = @transform_1, window_bounds = array<i64: 128, 128>}, {pipeline_mode = #tpu.pipeline_mode<synchronous>, transform_indices = @transform_2, window_bounds = array<i64: 1, 128>}, {pipeline_mode = #tpu.pipeline_mode<synchronous>, transform_indices = @transform_3, window_bounds = array<i64: 1, 128>}, {transform_indices = @transform_4, window_bounds = array<i64: 2, 512, 16>}, {transform_indices = @transform_5, window_bounds = array<i64: 512, 64>}, {transform_indices = @transform_6, window_bounds = array<i64: 512, 64>}, {transform_indices = @transform_7, window_bounds = array<i64: 512, 128>}]} {
    %get3A = arith.constant 0 : index
    %get3A_0 = arith.constant 0 : index
    %get3A_1 = vector.load %arg1[%get3A, %get3A_0] : memref<512x128xf32, #tpu.memory_space<vmem>>, vector<512x128xf32>
    %get3A_2 = arith.constant 0 : index
    %get3A_3 = arith.constant 0 : index
    %get3A_4 = vector.load %arg2[%get3A_2, %get3A_3] : memref<128x128xf32, #tpu.memory_space<vmem>>, vector<128x128xf32>
    %dot_general3A = arith.constant dense<0.000000e+00> : vector<512x128xf32>
    %dot_general3A_5 = tpu.matmul %get3A_1, %get3A_4, %dot_general3A {dimension_numbers = #tpu.dot_dimension_numbers<[1], [0], [0], [1], [0, 0, 1, 1], [], []>, transpose_lhs_hint = false} : vector<512x128xf32>, vector<128x128xf32>, vector<512x128xf32> -> vector<512x128xf32>
    %get3A_6 = arith.constant 0 : index
    %get3A_7 = arith.constant 0 : index
    %get3A_8 = vector.load %arg3[%get3A_6, %get3A_7] : memref<1x128xf32, #tpu.memory_space<vmem>>, vector<1x128xf32>
    %add3A = vector.broadcast %get3A_8 : vector<1x128xf32> to vector<512x128xf32>
    %add3A_9 = arith.addf %dot_general3A_5, %add3A : vector<512x128xf32>
    %get3A_10 = arith.constant 0 : index
    %get3A_11 = arith.constant 0 : index
    %get3A_12 = vector.load %arg4[%get3A_10, %get3A_11] : memref<1x128xf32, #tpu.memory_space<vmem>>, vector<1x128xf32>
    %get3A_13 = arith.constant 0 : index
    %get3A_14 = arith.constant 0 : index
    %get3A_15 = arith.constant 0 : index
    %get3A_16 = vector.load %arg5[%get3A_13, %get3A_14, %get3A_15] : memref<2x512x16xf32, #tpu.memory_space<vmem>>, vector<2x512x16xf32>
    %slice3A = vector.extract_strided_slice %get3A_16 {offsets = [0, 0, 0], sizes = [1, 512, 1], strides = [1, 1, 1]} : vector<2x512x16xf32> to vector<1x512x1xf32>
    %squeeze3A = vector.shape_cast %slice3A : vector<1x512x1xf32> to vector<512x1xf32>
    %slice3A_17 = vector.extract_strided_slice %get3A_16 {offsets = [1, 0, 0], sizes = [1, 512, 1], strides = [1, 1, 1]} : vector<2x512x16xf32> to vector<1x512x1xf32>
    %squeeze3A_18 = vector.shape_cast %slice3A_17 : vector<1x512x1xf32> to vector<512x1xf32>
    %add3A_19 = arith.addf %squeeze3A, %squeeze3A_18 : vector<512x1xf32>
    %add3A_20 = arith.constant 1.000000e+00 : f32
    %add3A_21 = vector.broadcast %add3A_20 : f32 to vector<512x1xf32>
    %add3A_22 = arith.addf %add3A_19, %add3A_21 : vector<512x1xf32>
    %max3A = arith.constant 0.000000e+00 : f32
    %max3A_23 = vector.broadcast %max3A : f32 to vector<512x128xf32>
    %max3A_24 = arith.maximumf %add3A_9, %max3A_23 : vector<512x128xf32>
    %sqrt3A = math.sqrt %add3A_22 : vector<512x1xf32>
    %div3A = vector.broadcast %sqrt3A : vector<512x1xf32> to vector<512x128xf32>
    %div3A_25 = arith.divf %max3A_24, %div3A : vector<512x128xf32>
    %slice3A_26 = vector.extract_strided_slice %div3A_25 {offsets = [0, 0], sizes = [512, 64], strides = [1, 1]} : vector<512x128xf32> to vector<512x64xf32>
    %swap3A = arith.constant 0 : index
    %swap3A_27 = arith.constant 0 : index
    %swap3A_28 = vector.load %arg6[%swap3A, %swap3A_27] : memref<512x64xf32, #tpu.memory_space<vmem>>, vector<512x64xf32>
    tpu.vector_store %arg6[%swap3A, %swap3A_27], %slice3A_26 {strides = array<i32>} : memref<512x64xf32, #tpu.memory_space<vmem>>, vector<512x64xf32>,
    %slice3A_29 = vector.extract_strided_slice %div3A_25 {offsets = [0, 64], sizes = [512, 64], strides = [1, 1]} : vector<512x128xf32> to vector<512x64xf32>
    %swap3A_30 = arith.constant 0 : index
    %swap3A_31 = arith.constant 0 : index
    %swap3A_32 = vector.load %arg7[%swap3A_30, %swap3A_31] : memref<512x64xf32, #tpu.memory_space<vmem>>, vector<512x64xf32>
    tpu.vector_store %arg7[%swap3A_30, %swap3A_31], %slice3A_29 {strides = array<i32>} : memref<512x64xf32, #tpu.memory_space<vmem>>, vector<512x64xf32>,
    %add3A_33 = vector.broadcast %get3A_12 : vector<1x128xf32> to vector<512x128xf32>
    %add3A_34 = arith.addf %add3A_9, %add3A_33 : vector<512x128xf32>
    %max3A_35 = arith.constant 0.000000e+00 : f32
    %max3A_36 = vector.broadcast %max3A_35 : f32 to vector<512x128xf32>
    %max3A_37 = arith.maximumf %add3A_34, %max3A_36 : vector<512x128xf32>
    %div3A_38 = vector.broadcast %add3A_22 : vector<512x1xf32> to vector<512x128xf32>
    %div3A_39 = arith.divf %max3A_37, %div3A_38 : vector<512x128xf32>
    %swap3A_40 = arith.constant 0 : index
    %swap3A_41 = arith.constant 0 : index
    %swap3A_42 = vector.load %arg8[%swap3A_40, %swap3A_41] : memref<512x128xf32, #tpu.memory_space<vmem>>, vector<512x128xf32>
    tpu.vector_store %arg8[%swap3A_40, %swap3A_41], %div3A_39 {strides = array<i32>} : memref<512x128xf32, #tpu.memory_space<vmem>>, vector<512x128xf32>,
    return
  }
  func.func @transform_0(%arg0: i32) -> (i32, i32) {
    %c0_i32 = arith.constant 0 : i32
    %c0_i32_0 = arith.constant 0 : i32
    return %arg0, %c0_i32 : i32, i32
  }
  func.func @transform_1(%arg0: i32) -> (i32, i32) {
    %c0_i32 = arith.constant 0 : i32
    %c0_i32_0 = arith.constant 0 : i32
    %c0_i32_1 = arith.constant 0 : i32
    return %c0_i32, %c0_i32_0 : i32, i32
  }
  func.func @transform_2(%arg0: i32) -> (i32, i32) {
    %c0_i32 = arith.constant 0 : i32
    %c0_i32_0 = arith.constant 0 : i32
    %c0_i32_1 = arith.constant 0 : i32
    return %c0_i32, %c0_i32_0 : i32, i32
  }
  func.func @transform_3(%arg0: i32) -> (i32, i32) {
    %c0_i32 = arith.constant 0 : i32
    %c0_i32_0 = arith.constant 0 : i32
    %c0_i32_1 = arith.constant 0 : i32
    return %c0_i32, %c0_i32_0 : i32, i32
  }
  func.func @transform_4(%arg0: i32) -> (i32, i32, i32) {
    %c0_i32 = arith.constant 0 : i32
    %c0_i32_0 = arith.constant 0 : i32
    %c0_i32_1 = arith.constant 0 : i32
    return %c0_i32, %arg0, %c0_i32_0 : i32, i32, i32
  }
  func.func @transform_5(%arg0: i32) -> (i32, i32) {
    %c0_i32 = arith.constant 0 : i32
    %c0_i32_0 = arith.constant 0 : i32
    return %arg0, %c0_i32 : i32, i32
  }
  func.func @transform_6(%arg0: i32) -> (i32, i32) {
    %c0_i32 = arith.constant 0 : i32
    %c0_i32_0 = arith.constant 0 : i32
    return %arg0, %c0_i32 : i32, i32
  }
  func.func @transform_7(%arg0: i32) -> (i32, i32) {
    %c0_i32 = arith.constant 0 : i32
    %c0_i32_0 = arith.constant 0 : i32
    return %arg0, %c0_i32 : i32, i32
  }
}

module attributes {stable_mosaic.version = 14 : i64} {
  func.func @_mid_body(%arg0: i32, %arg1: memref<2x512x64xf32, #tpu.memory_space<vmem>>, %arg2: memref<2x512x16xf32, #tpu.memory_space<vmem>>, %arg3: memref<512x128xf32, #tpu.memory_space<vmem>>, %arg4: memref<128x128xf32, #tpu.memory_space<vmem>>, %arg5: memref<1x128xf32, #tpu.memory_space<vmem>>, %arg6: memref<1x128xf32, #tpu.memory_space<vmem>>, %arg7: memref<2x512x16xf32, #tpu.memory_space<vmem>>, %arg8: memref<512x64xf32, #tpu.memory_space<vmem>>, %arg9: memref<512x64xf32, #tpu.memory_space<vmem>>, %arg10: memref<512x128xf32, #tpu.memory_space<vmem>>) attributes {dimension_semantics = [#tpu.dimension_semantics<arbitrary>], iteration_bounds = array<i64: 20>, scalar_prefetch = 0 : i64, scratch_operands = 0 : i64, tpu.core_type = #tpu.core_type<tc>, window_params = [{transform_indices = @transform_0, window_bounds = array<i64: 2, 512, 64>}, {transform_indices = @transform_1, window_bounds = array<i64: 2, 512, 16>}, {transform_indices = @transform_2, window_bounds = array<i64: 512, 128>}, {pipeline_mode = #tpu.pipeline_mode<synchronous>, transform_indices = @transform_3, window_bounds = array<i64: 128, 128>}, {pipeline_mode = #tpu.pipeline_mode<synchronous>, transform_indices = @transform_4, window_bounds = array<i64: 1, 128>}, {pipeline_mode = #tpu.pipeline_mode<synchronous>, transform_indices = @transform_5, window_bounds = array<i64: 1, 128>}, {transform_indices = @transform_6, window_bounds = array<i64: 2, 512, 16>}, {transform_indices = @transform_7, window_bounds = array<i64: 512, 64>}, {transform_indices = @transform_8, window_bounds = array<i64: 512, 64>}, {transform_indices = @transform_9, window_bounds = array<i64: 512, 128>}]} {
    %get3A = arith.constant 0 : index
    %get3A_0 = arith.constant 0 : index
    %get3A_1 = arith.constant 0 : index
    %get3A_2 = vector.load %arg1[%get3A, %get3A_0, %get3A_1] : memref<2x512x64xf32, #tpu.memory_space<vmem>>, vector<2x512x64xf32>
    %slice3A = vector.extract_strided_slice %get3A_2 {offsets = [0, 0, 0], sizes = [1, 512, 64], strides = [1, 1, 1]} : vector<2x512x64xf32> to vector<1x512x64xf32>
    %squeeze3A = vector.shape_cast %slice3A : vector<1x512x64xf32> to vector<512x64xf32>
    %slice3A_3 = vector.extract_strided_slice %get3A_2 {offsets = [1, 0, 0], sizes = [1, 512, 64], strides = [1, 1, 1]} : vector<2x512x64xf32> to vector<1x512x64xf32>
    %squeeze3A_4 = vector.shape_cast %slice3A_3 : vector<1x512x64xf32> to vector<512x64xf32>
    %concatenate3A = tpu.concatenate %squeeze3A, %squeeze3A_4 in 1 : vector<512x64xf32>, vector<512x64xf32> -> vector<512x128xf32>
    %get3A_5 = arith.constant 0 : index
    %get3A_6 = arith.constant 0 : index
    %get3A_7 = arith.constant 0 : index
    %get3A_8 = vector.load %arg2[%get3A_5, %get3A_6, %get3A_7] : memref<2x512x16xf32, #tpu.memory_space<vmem>>, vector<2x512x16xf32>
    %slice3A_9 = vector.extract_strided_slice %get3A_8 {offsets = [0, 0, 0], sizes = [1, 512, 1], strides = [1, 1, 1]} : vector<2x512x16xf32> to vector<1x512x1xf32>
    %squeeze3A_10 = vector.shape_cast %slice3A_9 : vector<1x512x1xf32> to vector<512x1xf32>
    %slice3A_11 = vector.extract_strided_slice %get3A_8 {offsets = [1, 0, 0], sizes = [1, 512, 1], strides = [1, 1, 1]} : vector<2x512x16xf32> to vector<1x512x1xf32>
    %squeeze3A_12 = vector.shape_cast %slice3A_11 : vector<1x512x1xf32> to vector<512x1xf32>
    %add3A = arith.addf %squeeze3A_10, %squeeze3A_12 : vector<512x1xf32>
    %add3A_13 = arith.constant 1.000000e+00 : f32
    %add3A_14 = vector.broadcast %add3A_13 : f32 to vector<512x1xf32>
    %add3A_15 = arith.addf %add3A, %add3A_14 : vector<512x1xf32>
    %sqrt3A = math.sqrt %add3A_15 : vector<512x1xf32>
    %div3A = vector.broadcast %sqrt3A : vector<512x1xf32> to vector<512x128xf32>
    %div3A_16 = arith.divf %concatenate3A, %div3A : vector<512x128xf32>
    %get3A_17 = arith.constant 0 : index
    %get3A_18 = arith.constant 0 : index
    %get3A_19 = vector.load %arg3[%get3A_17, %get3A_18] : memref<512x128xf32, #tpu.memory_space<vmem>>, vector<512x128xf32>
    %add3A_20 = arith.addf %div3A_16, %get3A_19 : vector<512x128xf32>
    %get3A_21 = arith.constant 0 : index
    %get3A_22 = arith.constant 0 : index
    %get3A_23 = vector.load %arg4[%get3A_21, %get3A_22] : memref<128x128xf32, #tpu.memory_space<vmem>>, vector<128x128xf32>
    %dot_general3A = arith.constant dense<0.000000e+00> : vector<512x128xf32>
    %dot_general3A_24 = tpu.matmul %add3A_20, %get3A_23, %dot_general3A {dimension_numbers = #tpu.dot_dimension_numbers<[1], [0], [0], [1], [0, 0, 1, 1], [], []>, transpose_lhs_hint = false} : vector<512x128xf32>, vector<128x128xf32>, vector<512x128xf32> -> vector<512x128xf32>
    %get3A_25 = arith.constant 0 : index
    %get3A_26 = arith.constant 0 : index
    %get3A_27 = vector.load %arg5[%get3A_25, %get3A_26] : memref<1x128xf32, #tpu.memory_space<vmem>>, vector<1x128xf32>
    %add3A_28 = vector.broadcast %get3A_27 : vector<1x128xf32> to vector<512x128xf32>
    %add3A_29 = arith.addf %dot_general3A_24, %add3A_28 : vector<512x128xf32>
    %get3A_30 = arith.constant 0 : index
    %get3A_31 = arith.constant 0 : index
    %get3A_32 = vector.load %arg6[%get3A_30, %get3A_31] : memref<1x128xf32, #tpu.memory_space<vmem>>, vector<1x128xf32>
    %get3A_33 = arith.constant 0 : index
    %get3A_34 = arith.constant 0 : index
    %get3A_35 = arith.constant 0 : index
    %get3A_36 = vector.load %arg7[%get3A_33, %get3A_34, %get3A_35] : memref<2x512x16xf32, #tpu.memory_space<vmem>>, vector<2x512x16xf32>
    %slice3A_37 = vector.extract_strided_slice %get3A_36 {offsets = [0, 0, 0], sizes = [1, 512, 1], strides = [1, 1, 1]} : vector<2x512x16xf32> to vector<1x512x1xf32>
    %squeeze3A_38 = vector.shape_cast %slice3A_37 : vector<1x512x1xf32> to vector<512x1xf32>
    %slice3A_39 = vector.extract_strided_slice %get3A_36 {offsets = [1, 0, 0], sizes = [1, 512, 1], strides = [1, 1, 1]} : vector<2x512x16xf32> to vector<1x512x1xf32>
    %squeeze3A_40 = vector.shape_cast %slice3A_39 : vector<1x512x1xf32> to vector<512x1xf32>
    %add3A_41 = arith.addf %squeeze3A_38, %squeeze3A_40 : vector<512x1xf32>
    %add3A_42 = arith.constant 1.000000e+00 : f32
    %add3A_43 = vector.broadcast %add3A_42 : f32 to vector<512x1xf32>
    %add3A_44 = arith.addf %add3A_41, %add3A_43 : vector<512x1xf32>
    %max3A = arith.constant 0.000000e+00 : f32
    %max3A_45 = vector.broadcast %max3A : f32 to vector<512x128xf32>
    %max3A_46 = arith.maximumf %add3A_29, %max3A_45 : vector<512x128xf32>
    %sqrt3A_47 = math.sqrt %add3A_44 : vector<512x1xf32>
    %div3A_48 = vector.broadcast %sqrt3A_47 : vector<512x1xf32> to vector<512x128xf32>
    %div3A_49 = arith.divf %max3A_46, %div3A_48 : vector<512x128xf32>
    %slice3A_50 = vector.extract_strided_slice %div3A_49 {offsets = [0, 0], sizes = [512, 64], strides = [1, 1]} : vector<512x128xf32> to vector<512x64xf32>
    %swap3A = arith.constant 0 : index
    %swap3A_51 = arith.constant 0 : index
    %swap3A_52 = vector.load %arg8[%swap3A, %swap3A_51] : memref<512x64xf32, #tpu.memory_space<vmem>>, vector<512x64xf32>
    tpu.vector_store %arg8[%swap3A, %swap3A_51], %slice3A_50 {strides = array<i32>} : memref<512x64xf32, #tpu.memory_space<vmem>>, vector<512x64xf32>,
    %slice3A_53 = vector.extract_strided_slice %div3A_49 {offsets = [0, 64], sizes = [512, 64], strides = [1, 1]} : vector<512x128xf32> to vector<512x64xf32>
    %swap3A_54 = arith.constant 0 : index
    %swap3A_55 = arith.constant 0 : index
    %swap3A_56 = vector.load %arg9[%swap3A_54, %swap3A_55] : memref<512x64xf32, #tpu.memory_space<vmem>>, vector<512x64xf32>
    tpu.vector_store %arg9[%swap3A_54, %swap3A_55], %slice3A_53 {strides = array<i32>} : memref<512x64xf32, #tpu.memory_space<vmem>>, vector<512x64xf32>,
    %add3A_57 = vector.broadcast %get3A_32 : vector<1x128xf32> to vector<512x128xf32>
    %add3A_58 = arith.addf %add3A_29, %add3A_57 : vector<512x128xf32>
    %max3A_59 = arith.constant 0.000000e+00 : f32
    %max3A_60 = vector.broadcast %max3A_59 : f32 to vector<512x128xf32>
    %max3A_61 = arith.maximumf %add3A_58, %max3A_60 : vector<512x128xf32>
    %div3A_62 = vector.broadcast %add3A_44 : vector<512x1xf32> to vector<512x128xf32>
    %div3A_63 = arith.divf %max3A_61, %div3A_62 : vector<512x128xf32>
    %swap3A_64 = arith.constant 0 : index
    %swap3A_65 = arith.constant 0 : index
    %swap3A_66 = vector.load %arg10[%swap3A_64, %swap3A_65] : memref<512x128xf32, #tpu.memory_space<vmem>>, vector<512x128xf32>
    tpu.vector_store %arg10[%swap3A_64, %swap3A_65], %div3A_63 {strides = array<i32>} : memref<512x128xf32, #tpu.memory_space<vmem>>, vector<512x128xf32>,
    return
  }
  func.func @transform_0(%arg0: i32) -> (i32, i32, i32) {
    %c0_i32 = arith.constant 0 : i32
    %c0_i32_0 = arith.constant 0 : i32
    %c0_i32_1 = arith.constant 0 : i32
    return %c0_i32, %arg0, %c0_i32_0 : i32, i32, i32
  }
  func.func @transform_1(%arg0: i32) -> (i32, i32, i32) {
    %c0_i32 = arith.constant 0 : i32
    %c0_i32_0 = arith.constant 0 : i32
    %c0_i32_1 = arith.constant 0 : i32
    return %c0_i32, %arg0, %c0_i32_0 : i32, i32, i32
  }
  func.func @transform_2(%arg0: i32) -> (i32, i32) {
    %c0_i32 = arith.constant 0 : i32
    %c0_i32_0 = arith.constant 0 : i32
    return %arg0, %c0_i32 : i32, i32
  }
  func.func @transform_3(%arg0: i32) -> (i32, i32) {
    %c0_i32 = arith.constant 0 : i32
    %c0_i32_0 = arith.constant 0 : i32
    %c0_i32_1 = arith.constant 0 : i32
    return %c0_i32, %c0_i32_0 : i32, i32
  }
  func.func @transform_4(%arg0: i32) -> (i32, i32) {
    %c0_i32 = arith.constant 0 : i32
    %c0_i32_0 = arith.constant 0 : i32
    %c0_i32_1 = arith.constant 0 : i32
    return %c0_i32, %c0_i32_0 : i32, i32
  }
  func.func @transform_5(%arg0: i32) -> (i32, i32) {
    %c0_i32 = arith.constant 0 : i32
    %c0_i32_0 = arith.constant 0 : i32
    %c0_i32_1 = arith.constant 0 : i32
    return %c0_i32, %c0_i32_0 : i32, i32
  }
  func.func @transform_6(%arg0: i32) -> (i32, i32, i32) {
    %c0_i32 = arith.constant 0 : i32
    %c0_i32_0 = arith.constant 0 : i32
    %c0_i32_1 = arith.constant 0 : i32
    return %c0_i32, %arg0, %c0_i32_0 : i32, i32, i32
  }
  func.func @transform_7(%arg0: i32) -> (i32, i32) {
    %c0_i32 = arith.constant 0 : i32
    %c0_i32_0 = arith.constant 0 : i32
    return %arg0, %c0_i32 : i32, i32
  }
  func.func @transform_8(%arg0: i32) -> (i32, i32) {
    %c0_i32 = arith.constant 0 : i32
    %c0_i32_0 = arith.constant 0 : i32
    return %arg0, %c0_i32 : i32, i32
  }
  func.func @transform_9(%arg0: i32) -> (i32, i32) {
    %c0_i32 = arith.constant 0 : i32
    %c0_i32_0 = arith.constant 0 : i32
    return %arg0, %c0_i32 : i32, i32
  }
}

module attributes {stable_mosaic.version = 14 : i64} {
  func.func @_lep_body(%arg0: i32, %arg1: memref<2x512x64xf32, #tpu.memory_space<vmem>>, %arg2: memref<2x512x16xf32, #tpu.memory_space<vmem>>, %arg3: memref<512x128xf32, #tpu.memory_space<vmem>>, %arg4: memref<1x128xf32, #tpu.memory_space<vmem>>, %arg5: memref<1x128xf32, #tpu.memory_space<vmem>>, %arg6: memref<512x128xf32, #tpu.memory_space<vmem>>, %arg7: memref<128x128xf32, #tpu.memory_space<vmem>>, %arg8: memref<1x128xf32, #tpu.memory_space<vmem>>, %arg9: memref<1x128xf32, #tpu.memory_space<vmem>>, %arg10: memref<2x512x16xf32, #tpu.memory_space<vmem>>, %arg11: memref<512x128xf32, #tpu.memory_space<vmem>>, %arg12: memref<512x64xf32, #tpu.memory_space<vmem>>, %arg13: memref<512x64xf32, #tpu.memory_space<vmem>>, %arg14: memref<512x128xf32, #tpu.memory_space<vmem>>) attributes {dimension_semantics = [#tpu.dimension_semantics<arbitrary>], iteration_bounds = array<i64: 20>, scalar_prefetch = 0 : i64, scratch_operands = 0 : i64, tpu.core_type = #tpu.core_type<tc>, window_params = [{transform_indices = @transform_0, window_bounds = array<i64: 2, 512, 64>}, {transform_indices = @transform_1, window_bounds = array<i64: 2, 512, 16>}, {transform_indices = @transform_2, window_bounds = array<i64: 512, 128>}, {pipeline_mode = #tpu.pipeline_mode<synchronous>, transform_indices = @transform_3, window_bounds = array<i64: 1, 128>}, {pipeline_mode = #tpu.pipeline_mode<synchronous>, transform_indices = @transform_4, window_bounds = array<i64: 1, 128>}, {transform_indices = @transform_5, window_bounds = array<i64: 512, 128>}, {pipeline_mode = #tpu.pipeline_mode<synchronous>, transform_indices = @transform_6, window_bounds = array<i64: 128, 128>}, {pipeline_mode = #tpu.pipeline_mode<synchronous>, transform_indices = @transform_7, window_bounds = array<i64: 1, 128>}, {pipeline_mode = #tpu.pipeline_mode<synchronous>, transform_indices = @transform_8, window_bounds = array<i64: 1, 128>}, {transform_indices = @transform_9, window_bounds = array<i64: 2, 512, 16>}, {transform_indices = @transform_10, window_bounds = array<i64: 512, 128>}, {transform_indices = @transform_11, window_bounds = array<i64: 512, 64>}, {transform_indices = @transform_12, window_bounds = array<i64: 512, 64>}, {transform_indices = @transform_13, window_bounds = array<i64: 512, 128>}]} {
    %get3A = arith.constant 0 : index
    %get3A_0 = arith.constant 0 : index
    %get3A_1 = arith.constant 0 : index
    %get3A_2 = vector.load %arg1[%get3A, %get3A_0, %get3A_1] : memref<2x512x64xf32, #tpu.memory_space<vmem>>, vector<2x512x64xf32>
    %slice3A = vector.extract_strided_slice %get3A_2 {offsets = [0, 0, 0], sizes = [1, 512, 64], strides = [1, 1, 1]} : vector<2x512x64xf32> to vector<1x512x64xf32>
    %squeeze3A = vector.shape_cast %slice3A : vector<1x512x64xf32> to vector<512x64xf32>
    %slice3A_3 = vector.extract_strided_slice %get3A_2 {offsets = [1, 0, 0], sizes = [1, 512, 64], strides = [1, 1, 1]} : vector<2x512x64xf32> to vector<1x512x64xf32>
    %squeeze3A_4 = vector.shape_cast %slice3A_3 : vector<1x512x64xf32> to vector<512x64xf32>
    %concatenate3A = tpu.concatenate %squeeze3A, %squeeze3A_4 in 1 : vector<512x64xf32>, vector<512x64xf32> -> vector<512x128xf32>
    %get3A_5 = arith.constant 0 : index
    %get3A_6 = arith.constant 0 : index
    %get3A_7 = arith.constant 0 : index
    %get3A_8 = vector.load %arg2[%get3A_5, %get3A_6, %get3A_7] : memref<2x512x16xf32, #tpu.memory_space<vmem>>, vector<2x512x16xf32>
    %slice3A_9 = vector.extract_strided_slice %get3A_8 {offsets = [0, 0, 0], sizes = [1, 512, 1], strides = [1, 1, 1]} : vector<2x512x16xf32> to vector<1x512x1xf32>
    %squeeze3A_10 = vector.shape_cast %slice3A_9 : vector<1x512x1xf32> to vector<512x1xf32>
    %slice3A_11 = vector.extract_strided_slice %get3A_8 {offsets = [1, 0, 0], sizes = [1, 512, 1], strides = [1, 1, 1]} : vector<2x512x16xf32> to vector<1x512x1xf32>
    %squeeze3A_12 = vector.shape_cast %slice3A_11 : vector<1x512x1xf32> to vector<512x1xf32>
    %add3A = arith.addf %squeeze3A_10, %squeeze3A_12 : vector<512x1xf32>
    %add3A_13 = arith.constant 1.000000e+00 : f32
    %add3A_14 = vector.broadcast %add3A_13 : f32 to vector<512x1xf32>
    %add3A_15 = arith.addf %add3A, %add3A_14 : vector<512x1xf32>
    %sqrt3A = math.sqrt %add3A_15 : vector<512x1xf32>
    %div3A = vector.broadcast %sqrt3A : vector<512x1xf32> to vector<512x128xf32>
    %div3A_16 = arith.divf %concatenate3A, %div3A : vector<512x128xf32>
    %get3A_17 = arith.constant 0 : index
    %get3A_18 = arith.constant 0 : index
    %get3A_19 = vector.load %arg3[%get3A_17, %get3A_18] : memref<512x128xf32, #tpu.memory_space<vmem>>, vector<512x128xf32>
    %add3A_20 = arith.addf %div3A_16, %get3A_19 : vector<512x128xf32>
    %get3A_21 = arith.constant 0 : index
    %get3A_22 = arith.constant 0 : index
    %get3A_23 = vector.load %arg4[%get3A_21, %get3A_22] : memref<1x128xf32, #tpu.memory_space<vmem>>, vector<1x128xf32>
    %get3A_24 = arith.constant 0 : index
    %get3A_25 = arith.constant 0 : index
    %get3A_26 = vector.load %arg5[%get3A_24, %get3A_25] : memref<1x128xf32, #tpu.memory_space<vmem>>, vector<1x128xf32>
    %reduce_sum3A = arith.constant dense<0.000000e+00> : vector<512xf32>
    %reduce_sum3A_27 = vector.multi_reduction <add>, %add3A_20, %reduce_sum3A [1] : vector<512x128xf32> to vector<512xf32>
    %broadcast_in_dim3A = vector.shape_cast %reduce_sum3A_27 : vector<512xf32> to vector<512x1xf32>
    %div3A_28 = arith.constant 1.280000e+02 : f32
    %div3A_29 = vector.broadcast %div3A_28 : f32 to vector<512x1xf32>
    %div3A_30 = arith.divf %broadcast_in_dim3A, %div3A_29 : vector<512x1xf32>
    %jit3A = arith.constant 0 : i32
    %reduce_sum3A_31 = arith.constant dense<0.000000e+00> : vector<512xf32>
    %reduce_sum3A_32 = vector.multi_reduction <add>, %add3A_20, %reduce_sum3A_31 [1] : vector<512x128xf32> to vector<512xf32>
    %broadcast_in_dim3A_33 = vector.shape_cast %reduce_sum3A_32 : vector<512xf32> to vector<512x1xf32>
    %div3A_34 = arith.constant 1.280000e+02 : f32
    %div3A_35 = vector.broadcast %div3A_34 : f32 to vector<512x1xf32>
    %div3A_36 = arith.divf %broadcast_in_dim3A_33, %div3A_35 : vector<512x1xf32>
    %sub3A = vector.broadcast %div3A_36 : vector<512x1xf32> to vector<512x128xf32>
    %sub3A_37 = arith.subf %add3A_20, %sub3A : vector<512x128xf32>
    %square3A = arith.mulf %sub3A_37, %sub3A_37 : vector<512x128xf32>
    %convert_element_type3A = arith.sitofp %jit3A : i32 to f32
    %sub3A_38 = arith.constant 1.280000e+02 : f32
    %sub3A_39 = arith.subf %sub3A_38, %convert_element_type3A : f32
    %reduce_sum3A_40 = arith.constant dense<0.000000e+00> : vector<512xf32>
    %reduce_sum3A_41 = vector.multi_reduction <add>, %square3A, %reduce_sum3A_40 [1] : vector<512x128xf32> to vector<512xf32>
    %broadcast_in_dim3A_42 = vector.shape_cast %reduce_sum3A_41 : vector<512xf32> to vector<512x1xf32>
    %div3A_43 = vector.broadcast %sub3A_39 : f32 to vector<512x1xf32>
    %div3A_44 = arith.divf %broadcast_in_dim3A_42, %div3A_43 : vector<512x1xf32>
    %gt3A = arith.constant 0.000000e+00 : f32
    %gt3A_45 = arith.cmpf ogt, %sub3A_39, %gt3A : f32
    %jit3A_46 = arith.constant 0x7FC00000 : f32
    %broadcast_in_dim3A_47 = vector.broadcast %jit3A_46 : f32 to vector<512x1xf32>
    %select_n3A = arith.select %gt3A_45, %div3A_44, %broadcast_in_dim3A_47 : vector<512x1xf32>
    %sub3A_48 = vector.broadcast %div3A_30 : vector<512x1xf32> to vector<512x128xf32>
    %sub3A_49 = arith.subf %add3A_20, %sub3A_48 : vector<512x128xf32>
    %add3A_50 = arith.constant 9.99999974E-6 : f32
    %add3A_51 = vector.broadcast %add3A_50 : f32 to vector<512x1xf32>
    %add3A_52 = arith.addf %select_n3A, %add3A_51 : vector<512x1xf32>
    %sqrt3A_53 = math.sqrt %add3A_52 : vector<512x1xf32>
    %div3A_54 = vector.broadcast %sqrt3A_53 : vector<512x1xf32> to vector<512x128xf32>
    %div3A_55 = arith.divf %sub3A_49, %div3A_54 : vector<512x128xf32>
    %mul3A = vector.broadcast %get3A_23 : vector<1x128xf32> to vector<512x128xf32>
    %mul3A_56 = arith.mulf %div3A_55, %mul3A : vector<512x128xf32>
    %add3A_57 = vector.broadcast %get3A_26 : vector<1x128xf32> to vector<512x128xf32>
    %add3A_58 = arith.addf %mul3A_56, %add3A_57 : vector<512x128xf32>
    %gt3A_59 = arith.constant 0.000000e+00 : f32
    %gt3A_60 = vector.broadcast %gt3A_59 : f32 to vector<512x128xf32>
    %gt3A_61 = arith.cmpf ogt, %add3A_58, %gt3A_60 : vector<512x128xf32>
    %mul3A_62 = arith.constant 1.000000e-01 : f32
    %mul3A_63 = vector.broadcast %mul3A_62 : f32 to vector<512x128xf32>
    %mul3A_64 = arith.mulf %mul3A_63, %add3A_58 : vector<512x128xf32>
    %select_n3A_65 = arith.select %gt3A_61, %add3A_58, %mul3A_64 : vector<512x128xi1>, vector<512x128xf32>
    %get3A_66 = arith.constant 0 : index
    %get3A_67 = arith.constant 0 : index
    %get3A_68 = vector.load %arg6[%get3A_66, %get3A_67] : memref<512x128xf32, #tpu.memory_space<vmem>>, vector<512x128xf32>
    %add3A_69 = arith.addf %select_n3A_65, %get3A_68 : vector<512x128xf32>
    %swap3A = arith.constant 0 : index
    %swap3A_70 = arith.constant 0 : index
    %swap3A_71 = vector.load %arg11[%swap3A, %swap3A_70] : memref<512x128xf32, #tpu.memory_space<vmem>>, vector<512x128xf32>
    tpu.vector_store %arg11[%swap3A, %swap3A_70], %add3A_69 {strides = array<i32>} : memref<512x128xf32, #tpu.memory_space<vmem>>, vector<512x128xf32>,
    %get3A_72 = arith.constant 0 : index
    %get3A_73 = arith.constant 0 : index
    %get3A_74 = vector.load %arg7[%get3A_72, %get3A_73] : memref<128x128xf32, #tpu.memory_space<vmem>>, vector<128x128xf32>
    %dot_general3A = arith.constant dense<0.000000e+00> : vector<512x128xf32>
    %dot_general3A_75 = tpu.matmul %add3A_69, %get3A_74, %dot_general3A {dimension_numbers = #tpu.dot_dimension_numbers<[1], [0], [0], [1], [0, 0, 1, 1], [], []>, transpose_lhs_hint = false} : vector<512x128xf32>, vector<128x128xf32>, vector<512x128xf32> -> vector<512x128xf32>
    %get3A_76 = arith.constant 0 : index
    %get3A_77 = arith.constant 0 : index
    %get3A_78 = vector.load %arg8[%get3A_76, %get3A_77] : memref<1x128xf32, #tpu.memory_space<vmem>>, vector<1x128xf32>
    %add3A_79 = vector.broadcast %get3A_78 : vector<1x128xf32> to vector<512x128xf32>
    %add3A_80 = arith.addf %dot_general3A_75, %add3A_79 : vector<512x128xf32>
    %get3A_81 = arith.constant 0 : index
    %get3A_82 = arith.constant 0 : index
    %get3A_83 = vector.load %arg9[%get3A_81, %get3A_82] : memref<1x128xf32, #tpu.memory_space<vmem>>, vector<1x128xf32>
    %get3A_84 = arith.constant 0 : index
    %get3A_85 = arith.constant 0 : index
    %get3A_86 = arith.constant 0 : index
    %get3A_87 = vector.load %arg10[%get3A_84, %get3A_85, %get3A_86] : memref<2x512x16xf32, #tpu.memory_space<vmem>>, vector<2x512x16xf32>
    %slice3A_88 = vector.extract_strided_slice %get3A_87 {offsets = [0, 0, 0], sizes = [1, 512, 1], strides = [1, 1, 1]} : vector<2x512x16xf32> to vector<1x512x1xf32>
    %squeeze3A_89 = vector.shape_cast %slice3A_88 : vector<1x512x1xf32> to vector<512x1xf32>
    %slice3A_90 = vector.extract_strided_slice %get3A_87 {offsets = [1, 0, 0], sizes = [1, 512, 1], strides = [1, 1, 1]} : vector<2x512x16xf32> to vector<1x512x1xf32>
    %squeeze3A_91 = vector.shape_cast %slice3A_90 : vector<1x512x1xf32> to vector<512x1xf32>
    %add3A_92 = arith.addf %squeeze3A_89, %squeeze3A_91 : vector<512x1xf32>
    %add3A_93 = arith.constant 1.000000e+00 : f32
    %add3A_94 = vector.broadcast %add3A_93 : f32 to vector<512x1xf32>
    %add3A_95 = arith.addf %add3A_92, %add3A_94 : vector<512x1xf32>
    %max3A = arith.constant 0.000000e+00 : f32
    %max3A_96 = vector.broadcast %max3A : f32 to vector<512x128xf32>
    %max3A_97 = arith.maximumf %add3A_80, %max3A_96 : vector<512x128xf32>
    %sqrt3A_98 = math.sqrt %add3A_95 : vector<512x1xf32>
    %div3A_99 = vector.broadcast %sqrt3A_98 : vector<512x1xf32> to vector<512x128xf32>
    %div3A_100 = arith.divf %max3A_97, %div3A_99 : vector<512x128xf32>
    %slice3A_101 = vector.extract_strided_slice %div3A_100 {offsets = [0, 0], sizes = [512, 64], strides = [1, 1]} : vector<512x128xf32> to vector<512x64xf32>
    %swap3A_102 = arith.constant 0 : index
    %swap3A_103 = arith.constant 0 : index
    %swap3A_104 = vector.load %arg12[%swap3A_102, %swap3A_103] : memref<512x64xf32, #tpu.memory_space<vmem>>, vector<512x64xf32>
    tpu.vector_store %arg12[%swap3A_102, %swap3A_103], %slice3A_101 {strides = array<i32>} : memref<512x64xf32, #tpu.memory_space<vmem>>, vector<512x64xf32>,
    %slice3A_105 = vector.extract_strided_slice %div3A_100 {offsets = [0, 64], sizes = [512, 64], strides = [1, 1]} : vector<512x128xf32> to vector<512x64xf32>
    %swap3A_106 = arith.constant 0 : index
    %swap3A_107 = arith.constant 0 : index
    %swap3A_108 = vector.load %arg13[%swap3A_106, %swap3A_107] : memref<512x64xf32, #tpu.memory_space<vmem>>, vector<512x64xf32>
    tpu.vector_store %arg13[%swap3A_106, %swap3A_107], %slice3A_105 {strides = array<i32>} : memref<512x64xf32, #tpu.memory_space<vmem>>, vector<512x64xf32>,
    %add3A_109 = vector.broadcast %get3A_83 : vector<1x128xf32> to vector<512x128xf32>
    %add3A_110 = arith.addf %add3A_80, %add3A_109 : vector<512x128xf32>
    %max3A_111 = arith.constant 0.000000e+00 : f32
    %max3A_112 = vector.broadcast %max3A_111 : f32 to vector<512x128xf32>
    %max3A_113 = arith.maximumf %add3A_110, %max3A_112 : vector<512x128xf32>
    %div3A_114 = vector.broadcast %add3A_95 : vector<512x1xf32> to vector<512x128xf32>
    %div3A_115 = arith.divf %max3A_113, %div3A_114 : vector<512x128xf32>
    %swap3A_116 = arith.constant 0 : index
    %swap3A_117 = arith.constant 0 : index
    %swap3A_118 = vector.load %arg14[%swap3A_116, %swap3A_117] : memref<512x128xf32, #tpu.memory_space<vmem>>, vector<512x128xf32>
    tpu.vector_store %arg14[%swap3A_116, %swap3A_117], %div3A_115 {strides = array<i32>} : memref<512x128xf32, #tpu.memory_space<vmem>>, vector<512x128xf32>,
    return
  }
  func.func @transform_0(%arg0: i32) -> (i32, i32, i32) {
    %c0_i32 = arith.constant 0 : i32
    %c0_i32_0 = arith.constant 0 : i32
    %c0_i32_1 = arith.constant 0 : i32
    return %c0_i32, %arg0, %c0_i32_0 : i32, i32, i32
  }
  func.func @transform_1(%arg0: i32) -> (i32, i32, i32) {
    %c0_i32 = arith.constant 0 : i32
    %c0_i32_0 = arith.constant 0 : i32
    %c0_i32_1 = arith.constant 0 : i32
    return %c0_i32, %arg0, %c0_i32_0 : i32, i32, i32
  }
  func.func @transform_2(%arg0: i32) -> (i32, i32) {
    %c0_i32 = arith.constant 0 : i32
    %c0_i32_0 = arith.constant 0 : i32
    return %arg0, %c0_i32 : i32, i32
  }
  func.func @transform_3(%arg0: i32) -> (i32, i32) {
    %c0_i32 = arith.constant 0 : i32
    %c0_i32_0 = arith.constant 0 : i32
    %c0_i32_1 = arith.constant 0 : i32
    return %c0_i32, %c0_i32_0 : i32, i32
  }
  func.func @transform_4(%arg0: i32) -> (i32, i32) {
    %c0_i32 = arith.constant 0 : i32
    %c0_i32_0 = arith.constant 0 : i32
    %c0_i32_1 = arith.constant 0 : i32
    return %c0_i32, %c0_i32_0 : i32, i32
  }
  func.func @transform_5(%arg0: i32) -> (i32, i32) {
    %c0_i32 = arith.constant 0 : i32
    %c0_i32_0 = arith.constant 0 : i32
    return %arg0, %c0_i32 : i32, i32
  }
  func.func @transform_6(%arg0: i32) -> (i32, i32) {
    %c0_i32 = arith.constant 0 : i32
    %c0_i32_0 = arith.constant 0 : i32
    %c0_i32_1 = arith.constant 0 : i32
    return %c0_i32, %c0_i32_0 : i32, i32
  }
  func.func @transform_7(%arg0: i32) -> (i32, i32) {
    %c0_i32 = arith.constant 0 : i32
    %c0_i32_0 = arith.constant 0 : i32
    %c0_i32_1 = arith.constant 0 : i32
    return %c0_i32, %c0_i32_0 : i32, i32
  }
  func.func @transform_8(%arg0: i32) -> (i32, i32) {
    %c0_i32 = arith.constant 0 : i32
    %c0_i32_0 = arith.constant 0 : i32
    %c0_i32_1 = arith.constant 0 : i32
    return %c0_i32, %c0_i32_0 : i32, i32
  }
  func.func @transform_9(%arg0: i32) -> (i32, i32, i32) {
    %c0_i32 = arith.constant 0 : i32
    %c0_i32_0 = arith.constant 0 : i32
    %c0_i32_1 = arith.constant 0 : i32
    return %c0_i32, %arg0, %c0_i32_0 : i32, i32, i32
  }
  func.func @transform_10(%arg0: i32) -> (i32, i32) {
    %c0_i32 = arith.constant 0 : i32
    %c0_i32_0 = arith.constant 0 : i32
    return %arg0, %c0_i32 : i32, i32
  }
  func.func @transform_11(%arg0: i32) -> (i32, i32) {
    %c0_i32 = arith.constant 0 : i32
    %c0_i32_0 = arith.constant 0 : i32
    return %arg0, %c0_i32 : i32, i32
  }
  func.func @transform_12(%arg0: i32) -> (i32, i32) {
    %c0_i32 = arith.constant 0 : i32
    %c0_i32_0 = arith.constant 0 : i32
    return %arg0, %c0_i32 : i32, i32
  }
  func.func @transform_13(%arg0: i32) -> (i32, i32) {
    %c0_i32 = arith.constant 0 : i32
    %c0_i32_0 = arith.constant 0 : i32
    return %arg0, %c0_i32 : i32, i32
  }
}

module attributes {stable_mosaic.version = 14 : i64} {
  func.func @_fin_body(%arg0: i32, %arg1: memref<2x512x64xf32, #tpu.memory_space<vmem>>, %arg2: memref<2x512x16xf32, #tpu.memory_space<vmem>>, %arg3: memref<512x128xf32, #tpu.memory_space<vmem>>, %arg4: memref<1x128xf32, #tpu.memory_space<vmem>>, %arg5: memref<1x128xf32, #tpu.memory_space<vmem>>, %arg6: memref<512x128xf32, #tpu.memory_space<vmem>>, %arg7: memref<512x128xf32, #tpu.memory_space<vmem>>) attributes {dimension_semantics = [#tpu.dimension_semantics<arbitrary>], iteration_bounds = array<i64: 20>, scalar_prefetch = 0 : i64, scratch_operands = 0 : i64, tpu.core_type = #tpu.core_type<tc>, window_params = [{transform_indices = @transform_0, window_bounds = array<i64: 2, 512, 64>}, {transform_indices = @transform_1, window_bounds = array<i64: 2, 512, 16>}, {transform_indices = @transform_2, window_bounds = array<i64: 512, 128>}, {pipeline_mode = #tpu.pipeline_mode<synchronous>, transform_indices = @transform_3, window_bounds = array<i64: 1, 128>}, {pipeline_mode = #tpu.pipeline_mode<synchronous>, transform_indices = @transform_4, window_bounds = array<i64: 1, 128>}, {transform_indices = @transform_5, window_bounds = array<i64: 512, 128>}, {transform_indices = @transform_6, window_bounds = array<i64: 512, 128>}]} {
    %get3A = arith.constant 0 : index
    %get3A_0 = arith.constant 0 : index
    %get3A_1 = arith.constant 0 : index
    %get3A_2 = vector.load %arg1[%get3A, %get3A_0, %get3A_1] : memref<2x512x64xf32, #tpu.memory_space<vmem>>, vector<2x512x64xf32>
    %slice3A = vector.extract_strided_slice %get3A_2 {offsets = [0, 0, 0], sizes = [1, 512, 64], strides = [1, 1, 1]} : vector<2x512x64xf32> to vector<1x512x64xf32>
    %squeeze3A = vector.shape_cast %slice3A : vector<1x512x64xf32> to vector<512x64xf32>
    %slice3A_3 = vector.extract_strided_slice %get3A_2 {offsets = [1, 0, 0], sizes = [1, 512, 64], strides = [1, 1, 1]} : vector<2x512x64xf32> to vector<1x512x64xf32>
    %squeeze3A_4 = vector.shape_cast %slice3A_3 : vector<1x512x64xf32> to vector<512x64xf32>
    %concatenate3A = tpu.concatenate %squeeze3A, %squeeze3A_4 in 1 : vector<512x64xf32>, vector<512x64xf32> -> vector<512x128xf32>
    %get3A_5 = arith.constant 0 : index
    %get3A_6 = arith.constant 0 : index
    %get3A_7 = arith.constant 0 : index
    %get3A_8 = vector.load %arg2[%get3A_5, %get3A_6, %get3A_7] : memref<2x512x16xf32, #tpu.memory_space<vmem>>, vector<2x512x16xf32>
    %slice3A_9 = vector.extract_strided_slice %get3A_8 {offsets = [0, 0, 0], sizes = [1, 512, 1], strides = [1, 1, 1]} : vector<2x512x16xf32> to vector<1x512x1xf32>
    %squeeze3A_10 = vector.shape_cast %slice3A_9 : vector<1x512x1xf32> to vector<512x1xf32>
    %slice3A_11 = vector.extract_strided_slice %get3A_8 {offsets = [1, 0, 0], sizes = [1, 512, 1], strides = [1, 1, 1]} : vector<2x512x16xf32> to vector<1x512x1xf32>
    %squeeze3A_12 = vector.shape_cast %slice3A_11 : vector<1x512x1xf32> to vector<512x1xf32>
    %add3A = arith.addf %squeeze3A_10, %squeeze3A_12 : vector<512x1xf32>
    %add3A_13 = arith.constant 1.000000e+00 : f32
    %add3A_14 = vector.broadcast %add3A_13 : f32 to vector<512x1xf32>
    %add3A_15 = arith.addf %add3A, %add3A_14 : vector<512x1xf32>
    %sqrt3A = math.sqrt %add3A_15 : vector<512x1xf32>
    %div3A = vector.broadcast %sqrt3A : vector<512x1xf32> to vector<512x128xf32>
    %div3A_16 = arith.divf %concatenate3A, %div3A : vector<512x128xf32>
    %get3A_17 = arith.constant 0 : index
    %get3A_18 = arith.constant 0 : index
    %get3A_19 = vector.load %arg3[%get3A_17, %get3A_18] : memref<512x128xf32, #tpu.memory_space<vmem>>, vector<512x128xf32>
    %add3A_20 = arith.addf %div3A_16, %get3A_19 : vector<512x128xf32>
    %get3A_21 = arith.constant 0 : index
    %get3A_22 = arith.constant 0 : index
    %get3A_23 = vector.load %arg4[%get3A_21, %get3A_22] : memref<1x128xf32, #tpu.memory_space<vmem>>, vector<1x128xf32>
    %get3A_24 = arith.constant 0 : index
    %get3A_25 = arith.constant 0 : index
    %get3A_26 = vector.load %arg5[%get3A_24, %get3A_25] : memref<1x128xf32, #tpu.memory_space<vmem>>, vector<1x128xf32>
    %reduce_sum3A = arith.constant dense<0.000000e+00> : vector<512xf32>
    %reduce_sum3A_27 = vector.multi_reduction <add>, %add3A_20, %reduce_sum3A [1] : vector<512x128xf32> to vector<512xf32>
    %broadcast_in_dim3A = vector.shape_cast %reduce_sum3A_27 : vector<512xf32> to vector<512x1xf32>
    %div3A_28 = arith.constant 1.280000e+02 : f32
    %div3A_29 = vector.broadcast %div3A_28 : f32 to vector<512x1xf32>
    %div3A_30 = arith.divf %broadcast_in_dim3A, %div3A_29 : vector<512x1xf32>
    %jit3A = arith.constant 0 : i32
    %reduce_sum3A_31 = arith.constant dense<0.000000e+00> : vector<512xf32>
    %reduce_sum3A_32 = vector.multi_reduction <add>, %add3A_20, %reduce_sum3A_31 [1] : vector<512x128xf32> to vector<512xf32>
    %broadcast_in_dim3A_33 = vector.shape_cast %reduce_sum3A_32 : vector<512xf32> to vector<512x1xf32>
    %div3A_34 = arith.constant 1.280000e+02 : f32
    %div3A_35 = vector.broadcast %div3A_34 : f32 to vector<512x1xf32>
    %div3A_36 = arith.divf %broadcast_in_dim3A_33, %div3A_35 : vector<512x1xf32>
    %sub3A = vector.broadcast %div3A_36 : vector<512x1xf32> to vector<512x128xf32>
    %sub3A_37 = arith.subf %add3A_20, %sub3A : vector<512x128xf32>
    %square3A = arith.mulf %sub3A_37, %sub3A_37 : vector<512x128xf32>
    %convert_element_type3A = arith.sitofp %jit3A : i32 to f32
    %sub3A_38 = arith.constant 1.280000e+02 : f32
    %sub3A_39 = arith.subf %sub3A_38, %convert_element_type3A : f32
    %reduce_sum3A_40 = arith.constant dense<0.000000e+00> : vector<512xf32>
    %reduce_sum3A_41 = vector.multi_reduction <add>, %square3A, %reduce_sum3A_40 [1] : vector<512x128xf32> to vector<512xf32>
    %broadcast_in_dim3A_42 = vector.shape_cast %reduce_sum3A_41 : vector<512xf32> to vector<512x1xf32>
    %div3A_43 = vector.broadcast %sub3A_39 : f32 to vector<512x1xf32>
    %div3A_44 = arith.divf %broadcast_in_dim3A_42, %div3A_43 : vector<512x1xf32>
    %gt3A = arith.constant 0.000000e+00 : f32
    %gt3A_45 = arith.cmpf ogt, %sub3A_39, %gt3A : f32
    %jit3A_46 = arith.constant 0x7FC00000 : f32
    %broadcast_in_dim3A_47 = vector.broadcast %jit3A_46 : f32 to vector<512x1xf32>
    %select_n3A = arith.select %gt3A_45, %div3A_44, %broadcast_in_dim3A_47 : vector<512x1xf32>
    %sub3A_48 = vector.broadcast %div3A_30 : vector<512x1xf32> to vector<512x128xf32>
    %sub3A_49 = arith.subf %add3A_20, %sub3A_48 : vector<512x128xf32>
    %add3A_50 = arith.constant 9.99999974E-6 : f32
    %add3A_51 = vector.broadcast %add3A_50 : f32 to vector<512x1xf32>
    %add3A_52 = arith.addf %select_n3A, %add3A_51 : vector<512x1xf32>
    %sqrt3A_53 = math.sqrt %add3A_52 : vector<512x1xf32>
    %div3A_54 = vector.broadcast %sqrt3A_53 : vector<512x1xf32> to vector<512x128xf32>
    %div3A_55 = arith.divf %sub3A_49, %div3A_54 : vector<512x128xf32>
    %mul3A = vector.broadcast %get3A_23 : vector<1x128xf32> to vector<512x128xf32>
    %mul3A_56 = arith.mulf %div3A_55, %mul3A : vector<512x128xf32>
    %add3A_57 = vector.broadcast %get3A_26 : vector<1x128xf32> to vector<512x128xf32>
    %add3A_58 = arith.addf %mul3A_56, %add3A_57 : vector<512x128xf32>
    %gt3A_59 = arith.constant 0.000000e+00 : f32
    %gt3A_60 = vector.broadcast %gt3A_59 : f32 to vector<512x128xf32>
    %gt3A_61 = arith.cmpf ogt, %add3A_58, %gt3A_60 : vector<512x128xf32>
    %mul3A_62 = arith.constant 1.000000e-01 : f32
    %mul3A_63 = vector.broadcast %mul3A_62 : f32 to vector<512x128xf32>
    %mul3A_64 = arith.mulf %mul3A_63, %add3A_58 : vector<512x128xf32>
    %select_n3A_65 = arith.select %gt3A_61, %add3A_58, %mul3A_64 : vector<512x128xi1>, vector<512x128xf32>
    %get3A_66 = arith.constant 0 : index
    %get3A_67 = arith.constant 0 : index
    %get3A_68 = vector.load %arg6[%get3A_66, %get3A_67] : memref<512x128xf32, #tpu.memory_space<vmem>>, vector<512x128xf32>
    %add3A_69 = arith.addf %select_n3A_65, %get3A_68 : vector<512x128xf32>
    %swap3A = arith.constant 0 : index
    %swap3A_70 = arith.constant 0 : index
    %swap3A_71 = vector.load %arg7[%swap3A, %swap3A_70] : memref<512x128xf32, #tpu.memory_space<vmem>>, vector<512x128xf32>
    tpu.vector_store %arg7[%swap3A, %swap3A_70], %add3A_69 {strides = array<i32>} : memref<512x128xf32, #tpu.memory_space<vmem>>, vector<512x128xf32>,
    return
  }
  func.func @transform_0(%arg0: i32) -> (i32, i32, i32) {
    %c0_i32 = arith.constant 0 : i32
    %c0_i32_0 = arith.constant 0 : i32
    %c0_i32_1 = arith.constant 0 : i32
    return %c0_i32, %arg0, %c0_i32_0 : i32, i32, i32
  }
  func.func @transform_1(%arg0: i32) -> (i32, i32, i32) {
    %c0_i32 = arith.constant 0 : i32
    %c0_i32_0 = arith.constant 0 : i32
    %c0_i32_1 = arith.constant 0 : i32
    return %c0_i32, %arg0, %c0_i32_0 : i32, i32, i32
  }
  func.func @transform_2(%arg0: i32) -> (i32, i32) {
    %c0_i32 = arith.constant 0 : i32
    %c0_i32_0 = arith.constant 0 : i32
    return %arg0, %c0_i32 : i32, i32
  }
  func.func @transform_3(%arg0: i32) -> (i32, i32) {
    %c0_i32 = arith.constant 0 : i32
    %c0_i32_0 = arith.constant 0 : i32
    %c0_i32_1 = arith.constant 0 : i32
    return %c0_i32, %c0_i32_0 : i32, i32
  }
  func.func @transform_4(%arg0: i32) -> (i32, i32) {
    %c0_i32 = arith.constant 0 : i32
    %c0_i32_0 = arith.constant 0 : i32
    %c0_i32_1 = arith.constant 0 : i32
    return %c0_i32, %c0_i32_0 : i32, i32
  }
  func.func @transform_5(%arg0: i32) -> (i32, i32) {
    %c0_i32 = arith.constant 0 : i32
    %c0_i32_0 = arith.constant 0 : i32
    return %arg0, %c0_i32 : i32, i32
  }
  func.func @transform_6(%arg0: i32) -> (i32, i32) {
    %c0_i32 = arith.constant 0 : i32
    %c0_i32_0 = arith.constant 0 : i32
    return %arg0, %c0_i32 : i32, i32
  }
}

</mosaic_0001>

<sc_bundles>
// kernel: kernel.13.cloned.1.call-start
scs
__scs_entry_jumppad:
0x0: {  	(pc) =	sbr.rel $0x88, $3  }
0x1: {  	(tag) =	ssettag $0x0;
	lr =	simm.s32 $0x1  }
0x2: {  	[smem:$0x3F8A] =	sst lr;
	_ =	strace $0xD0000000  }
0x3: {  	_ = 	snop  }
0x4: {  	_ = 	snop  }
0x5: {  	_ = 	snop  }
0x6: {  	_ = 	snop  }
0x7: {  	_ = 	snop  }
__scs_overlays_trampoline_lowered:
0x8: {  	[smem:$0x3F99] =	sst s0  }
0x9: {  	[smem:$0x3F9A] =	sst s1  }
0xa: {  	[smem:$0x3F9B] =	sst s2  }
0xb: {  	[smem:$0x3F9C] =	sst s3  }
0xc: {  	[smem:$0x3F9D] =	sst s4  }
0xd: {  	[smem:$0x3F9E] =	sst s5  }
0xe: {  	[smem:$0x3F9F] =	sst s6  }
0xf: {  	[smem:$0x3FA0] =	sst s7  }
0x10: {  	[smem:$0x3FA1] =	sst s8  }
0x11: {  	[smem:$0x3FA2] =	sst s9;
	s0 =	simm.s32 @!p0 $0x0  }
0x12: {  	s1 =	sld [smem:$0x3F88];
	s0 =	simm.s32 @p0 $0x1  }
0x13: {  	[smem:$0x3FA3] =	sst s0;
	s0 =	simm.s32 @!p1 $0x0  }
0x14: {  	s2 =	sld [smem:$0x3F87];
	s0 =	simm.s32 @p1 $0x1  }
0x15: {  	[smem:$0x3FA4] =	sst s0;
	s0 =	simm.s32 @!p2 $0x0  }
0x16: {  	s3 =	sld [smem:$0x3FDB];
	s0 =	simm.s32 @p2 $0x1  }
0x17: {  	s4 =	simm.s32 $0x1BF5;
	[smem:$0x3FA6] =	sst s0  }
0x18: {  	s0 =	sld [smem:$0x3F89];
	_ =	swait.ge [sflag:s4], $0x0  }
0x19: {  	s7 =	sld [smem:$0x3F8A]  }
0x1a: {  	s8 =	sadd.s32 $0xFFFFE003, lr  }
0x1b: {  	s9 =	sadd.s32 $0xFFFFFEF7, lr;
	s5 =	simm.s32 $0xFFFFFFFF;
	p2 =	slt.u32 s8, $0xFFFFF086  }
0x1c: {  	p1 =	slt.u32 s9, $0xF7A;
	s5 =	simm.s32 @!p2 $0x0  }
0x1d: {  	s5 =	simm.s32 @p1 $0x1;
	p0 =	seq.s32 s7, s2  }
0x1e: {  	s7 =	smul.u32 @!p0 $0xF7A, s2;
	p2 =	seq.s32 @!p0 s5, $0x0  }
0x1f: {  	s9 =	smul.u32 $0xF7A, s1;
	s8 =	simm.s32 @!p0 $0x1BF5;
	p2 =	por !p2, p0  }
0x20: {  	[sflag:s8] =	ssyncset.s32 @!p0 $0xFFFFF086;
	s6 =	sadd.s32 @!p0 s3, s7;
	s7 =	simm.s32 @!p0 $0x108  }
0x21: {  	s3 =	sadd.s32 s3, s9;
	s6 =	sadd.s32 @!p0 $0x88, s6;
	s7 =	simm.s32 @p2 $0x1082  }
0x22: {  	[simem:s7], [sflag:s8] =	dma.local @!p0 [hbm:s6], $0xF7A  }
0x23: {  	s9 =	sor.u32 $0xD0000000, s2;
	s6 =	simm.s32 $0x108;
	_ =	swait.ge @!p0 [sflag:s8], $0x0  }
0x24: {  	s3 =	sadd.s32 $0x88, s3;
	s6 =	simm.s32 @!p1 $0x1082;
	[sflag:s4] =	ssyncset.s32 $0xFFFFF086  }
0x25: {  	[simem:s6], [sflag:s4] =	dma.local [hbm:s3], $0xF7A  }
0x26: {  	[smem:$0x3F8A] =	sst s1;
	(tag) =	ssettag s2;
	_ =	strace s9  }
0x27: {  	s1 =	sld [smem:$0x3F9A]  }
0x28: {  	s2 =	sld [smem:$0x3F9B]  }
0x29: {  	s4 =	sld [smem:$0x3F9D]  }
0x2a: {  	p0 =	seq.s32 s5, $0x0;
	s5 =	sld [smem:$0x3F9E]  }
0x2b: {  	s6 =	sld [smem:$0x3F9F]  }
0x2c: {  	s7 =	sld [smem:$0x3FA0]  }
0x2d: {  	s3 =	simm.s32 $0x108;
	s8 =	sld [smem:$0x3FA1]  }
0x2e: {  	s3 =	simm.s32 @!p0 $0x1082;
	s9 =	sld [smem:$0x3FA2]  }
0x2f: {  	lr =	sadd.s32 s0, s3;
	s0 =	sld [smem:$0x3F99]  }
0x30: {  	s3 =	sld [smem:$0x3F9C]  }
0x31: {  	[smem:$0x3FA5] =	sst s10  }
0x32: {  	s10 =	sld [smem:$0x3FA3];
	_ =	sdelay $0x3  }
0x33: {  	p0 =	seq.s32 s10, $0x1;
	s10 =	sld [smem:$0x3FA5];
	_ =	sdelay $0x3  }
0x34: {  	[smem:$0x3FA5] =	sst s10  }
0x35: {  	s10 =	sld [smem:$0x3FA4];
	_ =	sdelay $0x3  }
0x36: {  	p1 =	seq.s32 s10, $0x1;
	s10 =	sld [smem:$0x3FA5];
	_ =	sdelay $0x3  }
0x37: {  	[smem:$0x3FA5] =	sst s10  }
0x38: {  	s10 =	sld [smem:$0x3FA6]  }
0x39: {  	_ = 	snop;
	(pc) =	sbr.ind lr, $3  }
0x3a: {  	_ = 	snop  }
0x3b: {  	_ = 	snop  }
0x3c: {  	p2 =	seq.s32 s10, $0x1;
	s10 =	sld [smem:$0x3FA5]  }
0x3d: {  	_ =	shalt  }
0x3e: {  	_ =	shalt  }
0x3f: {  	_ =	shalt  }
0x40: {  	_ =	shalt  }
0x41: {  	_ =	shalt  }
0x42: {  	_ =	shalt  }
0x43: {  	_ =	shalt  }
0x44: {  	_ =	shalt  }
0x45: {  	_ =	shalt  }
0x46: {  	_ =	shalt  }
0x47: {  	_ =	shalt  }
0x48: {  	_ =	shalt  }
0x49: {  	_ =	shalt  }
0x4a: {  	_ =	shalt  }
0x4b: {  	_ =	shalt  }
0x4c: {  	_ =	shalt  }
0x4d: {  	_ =	shalt  }
0x4e: {  	_ =	shalt  }
0x4f: {  	_ =	shalt  }
0x50: {  	_ =	shalt  }
0x51: {  	_ =	shalt  }
0x52: {  	_ =	shalt  }
0x53: {  	_ =	shalt  }
0x54: {  	_ =	shalt  }
0x55: {  	_ =	shalt  }
0x56: {  	_ =	shalt  }
0x57: {  	_ =	shalt  }
0x58: {  	_ =	shalt  }
0x59: {  	_ =	shalt  }
0x5a: {  	_ =	shalt  }
0x5b: {  	_ =	shalt  }
0x5c: {  	_ =	shalt  }
0x5d: {  	_ =	shalt  }
0x5e: {  	_ =	shalt  }
0x5f: {  	_ =	shalt  }
0x60: {  	_ =	shalt  }
0x61: {  	_ =	shalt  }
0x62: {  	_ =	shalt  }
0x63: {  	_ =	shalt  }
0x64: {  	_ =	shalt  }
0x65: {  	_ =	shalt  }
0x66: {  	_ =	shalt  }
0x67: {  	_ =	shalt  }
0x68: {  	_ =	shalt  }
0x69: {  	_ =	shalt  }
0x6a: {  	_ =	shalt  }
0x6b: {  	_ =	shalt  }
0x6c: {  	_ =	shalt  }
0x6d: {  	_ =	shalt  }
0x6e: {  	_ =	shalt  }
0x6f: {  	_ =	shalt  }
0x70: {  	_ =	shalt  }
0x71: {  	_ =	shalt  }
0x72: {  	_ =	shalt  }
0x73: {  	_ =	shalt  }
0x74: {  	_ =	shalt  }
0x75: {  	_ =	shalt  }
0x76: {  	_ =	shalt  }
0x77: {  	_ =	shalt  }
0x78: {  	_ =	shalt  }
0x79: {  	_ =	shalt  }
0x7a: {  	_ =	shalt  }
0x7b: {  	_ =	shalt  }
0x7c: {  	_ =	shalt  }
0x7d: {  	_ =	shalt  }
0x7e: {  	_ =	shalt  }
0x7f: {  	_ =	shalt  }
0x80: {  	_ =	shalt  }
0x81: {  	_ =	shalt  }
0x82: {  	_ =	shalt  }
0x83: {  	_ =	shalt  }
0x84: {  	_ =	shalt  }
0x85: {  	_ =	shalt  }
0x86: {  	_ =	shalt  }
0x87: {  	_ =	shalt  }
.Lfunc_end0:
.L_simem_size_0:
called_computation_lowered:
.L_overlay_start_0:
0x88: {  	s2 =	sld [smem:$0x3FD9]  }
0x89: {  	s3 =	sld [smem:$0x3FFE];
	_ =	sdelay $0x1  }
0x8a: {  	s1 =	srdreg.scid  }
0x8b: {  	s0 =	sand.u32 $0x1, s1  }
0x8c: {  	s17 =	sshll.u32 s0, $0xA;
	s2 =	sadd.s32 s3, s2  }
0x8d: {  	s2 =	sadd.s32 s2, s17  }
0x8e: {  	[smem:$0x3FB1] =	sst s2  }
0x8f: {  	_ = 	snop  }
0x90: {  	s2 =	sld [smem:$0x3FD0];
	(tm) =	ssettm $0x1  }
0x91: {  	s18 =	sld [smem:$0x3FFB];
	_ =	sdelay $0x3  }
0x92: {  	_ =	strace s18  }
0x93: {  	s3 =	sld [smem:$0x3FFC];
	_ =	sdelay $0x3  }
0x94: {  	_ =	strace s3  }
0x95: {  	s3 =	sld [smem:$0x3FFD];
	_ =	sdelay $0x3  }
0x96: {  	_ =	strace s3  }
0x97: {  	_ =	strace $0x8FFFFFFF  }
0x98: {  	s19 =	sld [smem:$0x3FDB];
	_ =	sdelay $0x1  }
0x99: {  	s4 =	simm.s32 $_scs_section_size  }
0x9a: {  	s5 =	simm.s32 $_size__tile_overlayer_lowered;
	s6 =	simm.s32 $_tile_overlayer_lowered  }
0x9b: {  	s22 =	simm.s32 $0x1BFF;
	s21 =	sshll.u32 s6, $0x1;
	s3 =	sadd.s32 s4, s19  }
0x9c: {  	s7 =	simm.s32 $0x0;
	s20 =	sshll.u32 s5, $0x1;
	s5 =	sadd.s32 s21, s3  }
0x9d: {  	[timem:s7], [sflag:s22] =	dma.local [hbm:s5], s20  }
0x9e: {  	_ =	swait.ge [sflag:s22], s20  }
0x9f: {  	s4 =	ssub.s32 $0x0, s20;
	[sflag:s22] =	ssyncset.done $0x0  }
0xa0: {  	[sflag:s22] =	ssyncadd.s32 s4;
	_ =	sdelay $0x1  }
0xa1: {  	s23 =	simm.s32 $0x1B8B  }
0xa2: {  	_ =	swait.ge [sflag:s23], $0x1  }
0xa3: {  	[sflag:s23] =	ssyncset.done $0x0  }
0xa4: {  	s25 =	simm.s32 $0x1B8E;
	s24 =	sld [smem:$0x3FFE];
	[sflag:s23] =	ssyncadd.s32 $0xFFFFFFFF  }
0xa5: {  	s26 =	simm.s32 $execute0_lowered;
	[smem:$0x3FD2] =	sst s25  }
0xa6: {  	s5 =	sshll.u32 s26, $0x1;
	_ =	strace $0x80000046;
	[dreg:$0x1] =	wrdreg $0xFFFFFFFF  }
0xa7: {  	s28 =	simm.s32 $_size_execute0_lowered;
	s3 =	sadd.s32 s3, s5;
	[dreg:$0x0] =	wrdreg $0x0  }
0xa8: {  	s5 =	sshll.u32 s28, $0x1;
	[dreg:$0x2] =	wrdreg s3  }
0xa9: {  	[dreg:$0x3] =	wrdreg s5  }
0xaa: {  	[dreg:$0x4] =	wrdreg $0xC0  }
0xab: {  	_ =	task [dreg:s7], $0x5FFFF  }
0xac: {  	[dreg:$0x1] =	wrdreg $0xFFFFFFFF  }
0xad: {  	[dreg:$0x0] =	wrdreg $0x60  }
0xae: {  	[dreg:$0x2] =	wrdreg s24  }
0xaf: {  	[dreg:$0x3] =	wrdreg s2  }
0xb0: {  	[dreg:$0x4] =	wrdreg $0x30000  }
0xb1: {  	[dreg:$0x5] =	wrdreg $0x58000  }
0xb2: {  	[dreg:$0x6] =	wrdreg $0x9  }
0xb3: {  	_ =	task.clear_ibuf [dreg:s7], $0x7FFFF;
	_ =	strace $0x90000046  }
0xb4: {  	s29 =	simm.s32 $0x9;
	_ =	strace $0x80000048  }
0xb5: {  	_ =	swait.ge [sflag:s29], $0x1  }
0xb6: {  	[sflag:s29] =	ssyncadd.s32 $0xFFFFFFFF  }
0xb7: {  	_ =	strace $0x90000048  }
0xb8: {  	_ =	sfence  }
0xb9: {  	s30 =	sld [smem:$0x0];
	_ =	sdelay $0x2  }
0xba: {  	s31 =	sshll.u32 s1, $0xD;
	s1 =	sshrl.u32 s1, $0x2  }
0xbb: {  	s3 =	sand.u32 $0x4000, s31;
	s1 =	sadd.s32 s1, s30  }
0xbc: {  	s0 =	sor.u32 s3, s0;
	s1 =	sshll.u32 s1, $0x11  }
0xbd: {  	s0 =	sor.u32 s1, s0  }
0xbe: {  	s0 =	sadd.s32 $0x8F2B, s0  }
0xbf: {  	[sflag:s0] =	ssyncadd.remote.s32 $0x1  }
0xc0: {  	_ =	sfence.sel $0xFFFF  }
0xc1: {  	[dreg:$0x0] =	wrdreg $0xFFFFFFFF;
	(pc) =	sbr.abs _section_cstart, $3  }
0xc2: {  	[dreg:$0x1] =	wrdreg $0xFFFFFFFF  }
0xc3: {  	_ =	task.clear_ibuf [dreg:s7], $0x2FFFF;
	_ =	strace $0x9FFFFFFF  }
0xc4: {  	(tm) =	ssettm $0x7FFFFFFF  }
0xc5: {  	_ =	shalt  }
tec
execute0_lowered:
.L_overlay_start_1:
0x0: {  	(tag) =	ssettag $0x1  }
0x1: {  	s6 =	rddreg [dreg:$0x0]  }
0x2: {  	s9 =	rddreg [dreg:$0x1]  }
0x3: {  	s0 =	srdreg.scid;
	s2 =	rddreg [dreg:$0x2]  }
0x4: {  	s3 =	rddreg [dreg:$0x3];
	s1 =	stileid.u32  }
0x5: {  	s4 =	simm.s32 $0x0;
	s14 =	simm.s32 $0x1;
	s16 =	simm.s32 $0x2800  }
0x6: {  	s17 =	simm.s32 $0x80;
	s5 =	sand.u32 $0x1, s0;
	s0 =	rddreg [dreg:$0x4]  }
0x7: {  	s18 =	simm.s32 $0x0;
	[smem:$0x7FF] =	sst s4;
	s8 =	smul.u32 $0x2800, s1  }
0x8: {  	s31 =	sshll.u32 s1, $0x6;
	s7 =	sshll.u32 s5, $0x4;
	_ =	strace $0x80000047  }
0x9: {  	s30 =	ssub.s32 $0x2, s5;
	s11 =	smul.u32 $0x50000, s5;
	s5 =	sadd.s32 $0x18200, s6  }
0xa: {  	s7 =	sor.u32 s1, s7;
	s12 =	sshrl.u32 s30, $0x1;
	s13 =	sadd.s32 s8, s2  }
0xb: {  	s15 =	sadd.s32 s8, s3;
	s7 =	smul.u32 $0x500, s7;
	s12 =	ssub.s32 s30, s12  }
0xc: {  	s11 =	sadd.s32 s8, s11;
	s13 =	sshrl.u32 s13, $0x3;
	s15 =	sshrl.u32 s15, $0x3  }
0xd: {  	s11 =	sshrl.u32 s11, $0x3;
	s12 =	smax.u32 s12, $0x1;
	s10 =	sadd.s32 s7, s6  }
0xe: {  	s6 =	sadd.s32 $0x18400, s6;
	s7 =	sor.u32 $0x1C01, s31;
	s9 =	sadd.s32 s9, s11  }
0xf: {  	s8 =	sadd.s32 $0x4200, s10;
	s10 =	sadd.s32 $0xE200, s10;
	s11 =	sadd.s32 $0x5000, s9  }
.LBB2_1:
0x10: {  	[spmem:s13], [sflag:s7] =	dma.local [hbm:s6], $0x500  }
0x11: {  	_ =	swait.ge [sflag:s14], $0x500  }
0x12: {  	[sflag:s14] =	ssyncset.done $0x0  }
0x13: {  	[sflag:s14] =	ssyncadd.s32 $0xFFFFFB00  }
0x14: {  	[spmem:s15], [sflag:s7] =	dma.local [hbm:s6], $0x500  }
0x15: {  	_ =	swait.ge [sflag:s14], $0x500  }
0x16: {  	[sflag:s14] =	ssyncset.done $0x0  }
0x17: {  	[sflag:s14] =	ssyncadd.s32 $0xFFFFFB00  }
0x18: {  	[tilespmem:s16], [sflag:$0x1] =	stream.linear.gather [hbm4b:s5+s4], $0x800, $0x38;
	[tilespmem:$0x8000] =	vst v63  }
0x19: {  	_ =	swait.ge [sflag:s14], $0x800  }
0x1a: {  	[sflag:s14] =	ssyncset.done $0x0  }
0x1b: {  	[sflag:s14] =	ssyncadd.s32 $0xFFFFF800  }
0x1c: {  	[tilespmem:s4], [sflag:$0x1] =	stream.linear.gather [hbm4b:s8+s4], $0x2800, $0x38;
	[tilespmem:$0x8000] =	vst v63  }
0x1d: {  	_ =	swait.ge [sflag:s14], $0x2800  }
0x1e: {  	[sflag:s14] =	ssyncset.done $0x0  }
0x1f: {  	[sflag:s14] =	ssyncadd.s32 $0xFFFFD800  }
0x20: {  	s19 =	simm.s32 $0x0;
	[bflag:$0x0] =	sbarrier.arrive $0xFFFF  }
0x21: {  	[spmem:s2] =	stream.indirect.scatter.add.f32 [tilespmem:s16], [sflag:$0x1], $0x10, s19, s17, $0xb8;
	[tilespmem:$0x8000] =	vst v63  }
0x22: {  	_ =	swait.ge [sflag:s14], $0x800  }
0x23: {  	s19 =	simm.s32 $0x200;
	[sflag:s14] =	ssyncset.done $0x0  }
.LBB2_2:
0x24: {  	s20 =	sshra.s32 s19, $0x2;
	[sflag:s14] =	ssyncadd.s32 $0xFFFFF800;
	p0 =	sne.s32 s19, $0x9E00  }
0x25: {  	[spmem:s2] =	stream.indirect.scatter.add.f32 [tilespmem:s16], [sflag:$0x1], $0x10, s20, s17, $0xb8;
	[tilespmem:$0x8000] =	vst v63  }
.Ltmp0:
0x26: {  	_ = 	snop;
	(pc) =	sbr.rel @p0 .LBB2_2-.Ltmp0, $4  }
0x27: {  	_ = 	snop  }
0x28: {  	s19 =	sadd.s32 $0x200, s19  }
0x29: {  	_ =	swait.ge [sflag:s14], $0x800  }
0x2a: {  	[sflag:s14] =	ssyncset.done $0x0  }
0x2b: {  	[sflag:s14] =	ssyncadd.s32 $0xFFFFF800;
	s19 =	simm.s32 $0x0  }
0x2c: {  	[tilespmem:s19], [sflag:$0x1] =	stream.linear.gather [hbm4b:s10+s19], $0x2800, $0x38;
	[tilespmem:$0x8000] =	vst v63  }
0x2d: {  	_ =	swait.ge [sflag:s14], $0x2800  }
0x2e: {  	[sflag:s14] =	ssyncset.done $0x0  }
0x2f: {  	s31 =	simm.s32 $0x0;
	[sflag:s14] =	ssyncadd.s32 $0xFFFFD800  }
0x30: {  	[spmem:s3] =	stream.indirect.scatter.add.f32 [tilespmem:s16], [sflag:$0x1], $0x10, s31, s17, $0xb8;
	[tilespmem:$0x8000] =	vst v63  }
0x31: {  	_ =	swait.ge [sflag:s14], $0x800  }
0x32: {  	s19 =	simm.s32 $0x200;
	[sflag:s14] =	ssyncset.done $0x0  }
.LBB2_4:
0x33: {  	s20 =	sshra.s32 s19, $0x2;
	[sflag:s14] =	ssyncadd.s32 $0xFFFFF800;
	p0 =	sne.s32 s19, $0x9E00  }
0x34: {  	[spmem:s3] =	stream.indirect.scatter.add.f32 [tilespmem:s16], [sflag:$0x1], $0x10, s20, s17, $0xb8;
	[tilespmem:$0x8000] =	vst v63  }
.Ltmp1:
0x35: {  	_ = 	snop;
	(pc) =	sbr.rel @p0 .LBB2_4-.Ltmp1, $4  }
0x36: {  	_ = 	snop  }
0x37: {  	s19 =	sadd.s32 $0x200, s19  }
0x38: {  	_ =	swait.ge [sflag:s14], $0x800  }
0x39: {  	[sflag:s14] =	ssyncset.done $0x0  }
0x3a: {  	[sflag:s14] =	ssyncadd.s32 $0xFFFFF800  }
0x3b: {  	[bflag:$0x0] =	sbarrier.arrive $0xFFFF  }
0x3c: {  	[hbm:s9], [sflag:s7] =	dma.local [spmem:s13], $0x500  }
0x3d: {  	s18 =	sadd.s32 $0x1, s18;
	_ =	swait.ge [sflag:s14], $0x500  }
0x3e: {  	p0 =	sne.s32 s18, s12;
	[sflag:s14] =	ssyncset.done $0x0  }
.Ltmp2:
0x3f: {  	[sflag:s14] =	ssyncadd.s32 $0xFFFFFB00;
	(pc) =	sbr.rel @p0 .LBB2_1-.Ltmp2, $4  }
0x40: {  	[hbm:s11], [sflag:s7] =	dma.local [spmem:s15], $0x500  }
0x41: {  	_ =	swait.ge [sflag:s14], $0x500  }
0x42: {  	[sflag:s14] =	ssyncset.done $0x0  }
0x43: {  	[sflag:s14] =	ssyncadd.s32 $0xFFFFFB00  }
0x44: {  	_ =	sfence.sel $0x180000  }
0x45: {  	[bflag:$0x0] =	sbarrier.arrive $0xFFFF  }
0x46: {  	p0 =	sne.s32 s1, $0x0;
	_ =	strace $0x90000047  }
0x47: {  	s0 =	sadd.s32 @!p0 $0x100000, s0;
	[bflag:$0x2] =	sbarrier.arrive $0xFFFF  }
0x48: {  	[sflag:s0] =	ssyncadd.tile.s32 @!p0 $0x1;
	_ =	shalt  }
.Lfunc_end2:
_tile_overlayer_lowered:
.L_overlay_start_2:
0x49: {  	(tag) =	ssettag $0x2  }
0x4a: {  	s0 =	rddreg [dreg:$0x0];
	s2 =	stileid.u32  }
0x4b: {  	s1 =	rddreg [dreg:$0x1];
	p0 =	sne.s32 s2, $0x0  }
0x4c: {  	s3 =	rddreg [dreg:$0x2];
	[bflag:$0x3] =	sbarrier.arrive $0xFFFF;
	s2 =	simm.s32 @!p0 $0x1C01  }
0x4d: {  	[timem:s3], [sflag:s2] =	dma.local @!p0 [hbm:s0], s1  }
0x4e: {  	s0 =	simm.s32 @!p0 $0x1  }
0x4f: {  	_ =	swait.ge @!p0 [sflag:s0], s1  }
0x50: {  	s1 =	ssub.s32 @!p0 $0x0, s1;
	[sflag:s0] =	ssyncset.done @!p0 $0x0  }
0x51: {  	[sflag:s0] =	ssyncadd.s32 @!p0 s1  }
0x52: {  	[bflag:$0x3] =	sbarrier.arrive $0xFFFF  }
0x53: {  	_ =	shalt  }

// kernel: kernel.16.cloned.1.call-start
scs
__scs_entry_jumppad:
0x0: {  	(pc) =	sbr.rel $0x88, $3  }
0x1: {  	(tag) =	ssettag $0x0;
	lr =	simm.s32 $0x1  }
0x2: {  	[smem:$0x3F8A] =	sst lr;
	_ =	strace $0xD0000000  }
0x3: {  	_ = 	snop  }
0x4: {  	_ = 	snop  }
0x5: {  	_ = 	snop  }
0x6: {  	_ = 	snop  }
0x7: {  	_ = 	snop  }
__scs_overlays_trampoline_lowered:
0x8: {  	[smem:$0x3F99] =	sst s0  }
0x9: {  	[smem:$0x3F9A] =	sst s1  }
0xa: {  	[smem:$0x3F9B] =	sst s2  }
0xb: {  	[smem:$0x3F9C] =	sst s3  }
0xc: {  	[smem:$0x3F9D] =	sst s4  }
0xd: {  	[smem:$0x3F9E] =	sst s5  }
0xe: {  	[smem:$0x3F9F] =	sst s6  }
0xf: {  	[smem:$0x3FA0] =	sst s7  }
0x10: {  	[smem:$0x3FA1] =	sst s8  }
0x11: {  	[smem:$0x3FA2] =	sst s9;
	s0 =	simm.s32 @!p0 $0x0  }
0x12: {  	s1 =	sld [smem:$0x3F88];
	s0 =	simm.s32 @p0 $0x1  }
0x13: {  	[smem:$0x3FA3] =	sst s0;
	s0 =	simm.s32 @!p1 $0x0  }
0x14: {  	s2 =	sld [smem:$0x3F87];
	s0 =	simm.s32 @p1 $0x1  }
0x15: {  	[smem:$0x3FA4] =	sst s0;
	s0 =	simm.s32 @!p2 $0x0  }
0x16: {  	s3 =	sld [smem:$0x3FDB];
	s0 =	simm.s32 @p2 $0x1  }
0x17: {  	s4 =	simm.s32 $0x1BF5;
	[smem:$0x3FA6] =	sst s0  }
0x18: {  	s0 =	sld [smem:$0x3F89];
	_ =	swait.ge [sflag:s4], $0x0  }
0x19: {  	s7 =	sld [smem:$0x3F8A]  }
0x1a: {  	s8 =	sadd.s32 $0xFFFFE003, lr  }
0x1b: {  	s9 =	sadd.s32 $0xFFFFFEF7, lr;
	s5 =	simm.s32 $0xFFFFFFFF;
	p2 =	slt.u32 s8, $0xFFFFF086  }
0x1c: {  	p1 =	slt.u32 s9, $0xF7A;
	s5 =	simm.s32 @!p2 $0x0  }
0x1d: {  	s5 =	simm.s32 @p1 $0x1;
	p0 =	seq.s32 s7, s2  }
0x1e: {  	s7 =	smul.u32 @!p0 $0xF7A, s2;
	p2 =	seq.s32 @!p0 s5, $0x0  }
0x1f: {  	s9 =	smul.u32 $0xF7A, s1;
	s8 =	simm.s32 @!p0 $0x1BF5;
	p2 =	por !p2, p0  }
0x20: {  	[sflag:s8] =	ssyncset.s32 @!p0 $0xFFFFF086;
	s6 =	sadd.s32 @!p0 s3, s7;
	s7 =	simm.s32 @!p0 $0x108  }
0x21: {  	s3 =	sadd.s32 s3, s9;
	s6 =	sadd.s32 @!p0 $0x88, s6;
	s7 =	simm.s32 @p2 $0x1082  }
0x22: {  	[simem:s7], [sflag:s8] =	dma.local @!p0 [hbm:s6], $0xF7A  }
0x23: {  	s9 =	sor.u32 $0xD0000000, s2;
	s6 =	simm.s32 $0x108;
	_ =	swait.ge @!p0 [sflag:s8], $0x0  }
0x24: {  	s3 =	sadd.s32 $0x88, s3;
	s6 =	simm.s32 @!p1 $0x1082;
	[sflag:s4] =	ssyncset.s32 $0xFFFFF086  }
0x25: {  	[simem:s6], [sflag:s4] =	dma.local [hbm:s3], $0xF7A  }
0x26: {  	[smem:$0x3F8A] =	sst s1;
	(tag) =	ssettag s2;
	_ =	strace s9  }
0x27: {  	s1 =	sld [smem:$0x3F9A]  }
0x28: {  	s2 =	sld [smem:$0x3F9B]  }
0x29: {  	s4 =	sld [smem:$0x3F9D]  }
0x2a: {  	p0 =	seq.s32 s5, $0x0;
	s5 =	sld [smem:$0x3F9E]  }
0x2b: {  	s6 =	sld [smem:$0x3F9F]  }
0x2c: {  	s7 =	sld [smem:$0x3FA0]  }
0x2d: {  	s3 =	simm.s32 $0x108;
	s8 =	sld [smem:$0x3FA1]  }
0x2e: {  	s3 =	simm.s32 @!p0 $0x1082;
	s9 =	sld [smem:$0x3FA2]  }
0x2f: {  	lr =	sadd.s32 s0, s3;
	s0 =	sld [smem:$0x3F99]  }
0x30: {  	s3 =	sld [smem:$0x3F9C]  }
0x31: {  	[smem:$0x3FA5] =	sst s10  }
0x32: {  	s10 =	sld [smem:$0x3FA3];
	_ =	sdelay $0x3  }
0x33: {  	p0 =	seq.s32 s10, $0x1;
	s10 =	sld [smem:$0x3FA5];
	_ =	sdelay $0x3  }
0x34: {  	[smem:$0x3FA5] =	sst s10  }
0x35: {  	s10 =	sld [smem:$0x3FA4];
	_ =	sdelay $0x3  }
0x36: {  	p1 =	seq.s32 s10, $0x1;
	s10 =	sld [smem:$0x3FA5];
	_ =	sdelay $0x3  }
0x37: {  	[smem:$0x3FA5] =	sst s10  }
0x38: {  	s10 =	sld [smem:$0x3FA6]  }
0x39: {  	_ = 	snop;
	(pc) =	sbr.ind lr, $3  }
0x3a: {  	_ = 	snop  }
0x3b: {  	_ = 	snop  }
0x3c: {  	p2 =	seq.s32 s10, $0x1;
	s10 =	sld [smem:$0x3FA5]  }
0x3d: {  	_ =	shalt  }
0x3e: {  	_ =	shalt  }
0x3f: {  	_ =	shalt  }
0x40: {  	_ =	shalt  }
0x41: {  	_ =	shalt  }
0x42: {  	_ =	shalt  }
0x43: {  	_ =	shalt  }
0x44: {  	_ =	shalt  }
0x45: {  	_ =	shalt  }
0x46: {  	_ =	shalt  }
0x47: {  	_ =	shalt  }
0x48: {  	_ =	shalt  }
0x49: {  	_ =	shalt  }
0x4a: {  	_ =	shalt  }
0x4b: {  	_ =	shalt  }
0x4c: {  	_ =	shalt  }
0x4d: {  	_ =	shalt  }
0x4e: {  	_ =	shalt  }
0x4f: {  	_ =	shalt  }
0x50: {  	_ =	shalt  }
0x51: {  	_ =	shalt  }
0x52: {  	_ =	shalt  }
0x53: {  	_ =	shalt  }
0x54: {  	_ =	shalt  }
0x55: {  	_ =	shalt  }
0x56: {  	_ =	shalt  }
0x57: {  	_ =	shalt  }
0x58: {  	_ =	shalt  }
0x59: {  	_ =	shalt  }
0x5a: {  	_ =	shalt  }
0x5b: {  	_ =	shalt  }
0x5c: {  	_ =	shalt  }
0x5d: {  	_ =	shalt  }
0x5e: {  	_ =	shalt  }
0x5f: {  	_ =	shalt  }
0x60: {  	_ =	shalt  }
0x61: {  	_ =	shalt  }
0x62: {  	_ =	shalt  }
0x63: {  	_ =	shalt  }
0x64: {  	_ =	shalt  }
0x65: {  	_ =	shalt  }
0x66: {  	_ =	shalt  }
0x67: {  	_ =	shalt  }
0x68: {  	_ =	shalt  }
0x69: {  	_ =	shalt  }
0x6a: {  	_ =	shalt  }
0x6b: {  	_ =	shalt  }
0x6c: {  	_ =	shalt  }
0x6d: {  	_ =	shalt  }
0x6e: {  	_ =	shalt  }
0x6f: {  	_ =	shalt  }
0x70: {  	_ =	shalt  }
0x71: {  	_ =	shalt  }
0x72: {  	_ =	shalt  }
0x73: {  	_ =	shalt  }
0x74: {  	_ =	shalt  }
0x75: {  	_ =	shalt  }
0x76: {  	_ =	shalt  }
0x77: {  	_ =	shalt  }
0x78: {  	_ =	shalt  }
0x79: {  	_ =	shalt  }
0x7a: {  	_ =	shalt  }
0x7b: {  	_ =	shalt  }
0x7c: {  	_ =	shalt  }
0x7d: {  	_ =	shalt  }
0x7e: {  	_ =	shalt  }
0x7f: {  	_ =	shalt  }
0x80: {  	_ =	shalt  }
0x81: {  	_ =	shalt  }
0x82: {  	_ =	shalt  }
0x83: {  	_ =	shalt  }
0x84: {  	_ =	shalt  }
0x85: {  	_ =	shalt  }
0x86: {  	_ =	shalt  }
0x87: {  	_ =	shalt  }
.Lfunc_end0:
.L_simem_size_0:
called_computation.1_lowered:
.L_overlay_start_0:
0x88: {  	s2 =	sld [smem:$0x3FD9]  }
0x89: {  	s3 =	sld [smem:$0x3FFE];
	_ =	sdelay $0x1  }
0x8a: {  	s1 =	srdreg.scid  }
0x8b: {  	s0 =	sand.u32 $0x1, s1  }
0x8c: {  	s17 =	sshll.u32 s0, $0xA;
	s2 =	sadd.s32 s3, s2  }
0x8d: {  	s2 =	sadd.s32 s2, s17  }
0x8e: {  	[smem:$0x3FB1] =	sst s2  }
0x8f: {  	_ = 	snop  }
0x90: {  	s2 =	sld [smem:$0x3FD0];
	(tm) =	ssettm $0x1  }
0x91: {  	s18 =	sld [smem:$0x3FFB];
	_ =	sdelay $0x3  }
0x92: {  	_ =	strace s18  }
0x93: {  	s3 =	sld [smem:$0x3FFC];
	_ =	sdelay $0x3  }
0x94: {  	_ =	strace s3  }
0x95: {  	s3 =	sld [smem:$0x3FFD];
	_ =	sdelay $0x3  }
0x96: {  	_ =	strace s3  }
0x97: {  	_ =	strace $0x8FFFFFFF  }
0x98: {  	s19 =	sld [smem:$0x3FDB];
	_ =	sdelay $0x1  }
0x99: {  	s4 =	simm.s32 $_scs_section_size  }
0x9a: {  	s5 =	simm.s32 $_size__tile_overlayer_lowered;
	s6 =	simm.s32 $_tile_overlayer_lowered  }
0x9b: {  	s22 =	simm.s32 $0x1BFF;
	s21 =	sshll.u32 s6, $0x1;
	s3 =	sadd.s32 s4, s19  }
0x9c: {  	s7 =	simm.s32 $0x0;
	s20 =	sshll.u32 s5, $0x1;
	s5 =	sadd.s32 s21, s3  }
0x9d: {  	[timem:s7], [sflag:s22] =	dma.local [hbm:s5], s20  }
0x9e: {  	_ =	swait.ge [sflag:s22], s20  }
0x9f: {  	s4 =	ssub.s32 $0x0, s20;
	[sflag:s22] =	ssyncset.done $0x0  }
0xa0: {  	[sflag:s22] =	ssyncadd.s32 s4;
	_ =	sdelay $0x1  }
0xa1: {  	s23 =	simm.s32 $0x1B8B  }
0xa2: {  	_ =	swait.ge [sflag:s23], $0x1  }
0xa3: {  	[sflag:s23] =	ssyncset.done $0x0  }
0xa4: {  	s25 =	simm.s32 $0x1B8E;
	s24 =	sld [smem:$0x3FFE];
	[sflag:s23] =	ssyncadd.s32 $0xFFFFFFFF  }
0xa5: {  	s26 =	simm.s32 $execute0_lowered;
	[smem:$0x3FD2] =	sst s25  }
0xa6: {  	s5 =	sshll.u32 s26, $0x1;
	_ =	strace $0x80000049;
	[dreg:$0x1] =	wrdreg $0xFFFFFFFF  }
0xa7: {  	s28 =	simm.s32 $_size_execute0_lowered;
	s3 =	sadd.s32 s3, s5;
	[dreg:$0x0] =	wrdreg $0x0  }
0xa8: {  	s5 =	sshll.u32 s28, $0x1;
	[dreg:$0x2] =	wrdreg s3  }
0xa9: {  	[dreg:$0x3] =	wrdreg s5  }
0xaa: {  	[dreg:$0x4] =	wrdreg $0xC0  }
0xab: {  	_ =	task [dreg:s7], $0x5FFFF  }
0xac: {  	[dreg:$0x1] =	wrdreg $0xFFFFFFFF  }
0xad: {  	[dreg:$0x0] =	wrdreg $0x60  }
0xae: {  	[dreg:$0x2] =	wrdreg s2  }
0xaf: {  	[dreg:$0x3] =	wrdreg s24  }
0xb0: {  	[dreg:$0x4] =	wrdreg $0xDE000  }
0xb1: {  	[dreg:$0x5] =	wrdreg $0x9  }
0xb2: {  	_ =	task.clear_ibuf [dreg:s7], $0x6FFFF;
	_ =	strace $0x90000049  }
0xb3: {  	s29 =	simm.s32 $0x9;
	_ =	strace $0x8000004B  }
0xb4: {  	_ =	swait.ge [sflag:s29], $0x1  }
0xb5: {  	[sflag:s29] =	ssyncadd.s32 $0xFFFFFFFF  }
0xb6: {  	_ =	strace $0x9000004B  }
0xb7: {  	_ =	sfence  }
0xb8: {  	s30 =	sld [smem:$0x0];
	_ =	sdelay $0x2  }
0xb9: {  	s31 =	sshll.u32 s1, $0xD;
	s1 =	sshrl.u32 s1, $0x2  }
0xba: {  	s3 =	sand.u32 $0x4000, s31;
	s1 =	sadd.s32 s1, s30  }
0xbb: {  	s0 =	sor.u32 s3, s0;
	s1 =	sshll.u32 s1, $0x11  }
0xbc: {  	s0 =	sor.u32 s1, s0  }
0xbd: {  	s0 =	sadd.s32 $0x8F2B, s0  }
0xbe: {  	[sflag:s0] =	ssyncadd.remote.s32 $0x1  }
0xbf: {  	_ =	sfence.sel $0xFFFF  }
0xc0: {  	[dreg:$0x0] =	wrdreg $0xFFFFFFFF;
	(pc) =	sbr.abs _section_cstart, $3  }
0xc1: {  	[dreg:$0x1] =	wrdreg $0xFFFFFFFF  }
0xc2: {  	_ =	task.clear_ibuf [dreg:s7], $0x2FFFF;
	_ =	strace $0x9FFFFFFF  }
0xc3: {  	(tm) =	ssettm $0x7FFFFFFF  }
tec
execute0_lowered:
.L_overlay_start_1:
0x0: {  	(tag) =	ssettag $0x1  }
0x1: {  	s1 =	rddreg [dreg:$0x0]  }
0x2: {  	s7 =	rddreg [dreg:$0x1]  }
0x3: {  	s0 =	stileid.u32;
	s2 =	srdreg.scid  }
0x4: {  	s3 =	rddreg [dreg:$0x2];
	s4 =	simm.s32 $0x0;
	s14 =	simm.s32 $0x4F00  }
0x5: {  	s15 =	simm.s32 $0x80;
	s16 =	simm.s32 $0x9E00;
	s17 =	simm.s32 $0xBE00  }
0x6: {  	s18 =	simm.s32 $0x1;
	s19 =	simm.s32 $0x2;
	s20 =	simm.s32 $0x4E80  }
0x7: {  	s21 =	simm.s32 $0x9D00;
	s22 =	simm.s32 $0x9D80;
	s23 =	simm.s32 $0x0  }
0x8: {  	s10 =	sand.u32 $0x1, s2;
	s8 =	smul.u32 $0xA000, s0;
	s2 =	rddreg [dreg:$0x3]  }
0x9: {  	[smem:$0x7FF] =	sst s4;
	s9 =	smul.u32 $0x9E0, s0;
	s5 =	sadd.s32 $0x4200, s7  }
0xa: {  	s31 =	sshll.u32 s0, $0x6;
	s6 =	smul.u32 $0xA0000, s10;
	_ =	strace $0x8000004A  }
0xb: {  	s12 =	ssub.s32 $0x2, s10;
	p0 =	seq.s32 s10, $0x1;
	s9 =	sadd.s32 s9, s7  }
.Ltmp0:
0xc: {  	s30 =	sshrl.u32 s12, $0x1;
	s6 =	sadd.s32 s8, s6;
	(pc) =	sbr.rel .LBB2_1-.Ltmp0, $4  }
0xd: {  	s13 =	sadd.s32 s8, s3;
	s12 =	ssub.s32 s12, s30;
	s11 =	sshrl.u32 s6, $0x3  }
0xe: {  	s8 =	sadd.s32 $0x18A00, s9;
	s9 =	sadd.s32 $0x22800, s9;
	s11 =	sadd.s32 s11, s7  }
0xf: {  	s6 =	sadd.s32 $0x54600, s7;
	s7 =	sor.u32 $0x1C03, s31;
	s10 =	sadd.s32 $0x55A00, s11  }
0x10: {  	s11 =	smax.u32 s12, $0x1;
	s12 =	sshrl.u32 s13, $0x3;
	s13 =	simm.s32 $0x3  }
.LBB2_7:
0x11: {  	s25 =	sadd.s32 $0x80, s24;
	[sflag:s13] =	ssyncadd.s32 $0xFFFFE000  }
0x12: {  	[tilespmem:s17], [sflag:$0x2] =	stream.indirect.gather [hbm4b:s5+s15], $0x40, s25, s15, $0xb8;
	[tilespmem:$0x17E00] =	vst v63  }
0x13: {  	_ =	swait.ge [sflag:s18], $0x2000  }
0x14: {  	[sflag:s18] =	ssyncset.done $0x0  }
0x15: {  	s29 =	sadd.s32 $0x4F00, s24;
	[sflag:s18] =	ssyncadd.s32 $0xFFFFE000  }
0x16: {  	[spmem:s3] =	stream.indirect.scatter.add.f32 [tilespmem:s16], [sflag:$0x3], $0x40, s29, s15, $0xb8;
	[tilespmem:$0x17E00] =	vst v63  }
0x17: {  	_ =	swait.ge [sflag:s13], $0x2000  }
0x18: {  	[sflag:s13] =	ssyncset.done $0x0  }
0x19: {  	s30 =	sadd.s32 $0x100, s24;
	[sflag:s13] =	ssyncadd.s32 $0xFFFFE000  }
0x1a: {  	[tilespmem:s16], [sflag:$0x1] =	stream.indirect.gather [hbm4b:s5+s15], $0x40, s30, s15, $0xb8;
	[tilespmem:$0x17E00] =	vst v63  }
0x1b: {  	_ =	swait.ge [sflag:s19], $0x2000  }
0x1c: {  	[sflag:s19] =	ssyncset.done $0x0  }
0x1d: {  	s31 =	sadd.s32 $0x4F80, s24;
	[sflag:s19] =	ssyncadd.s32 $0xFFFFE000  }
0x1e: {  	[spmem:s3] =	stream.indirect.scatter.add.f32 [tilespmem:s17], [sflag:$0x3], $0x40, s31, s15, $0xb8;
	[tilespmem:$0x17E00] =	vst v63  }
0x1f: {  	_ =	swait.ge [sflag:s13], $0x2000  }
0x20: {  	[sflag:s13] =	ssyncset.done $0x0  }
0x21: {  	[sflag:s13] =	ssyncadd.s32 $0xFFFFE000  }
0x22: {  	[tilespmem:s17], [sflag:$0x2] =	stream.indirect.gather [hbm4b:s5+s15], $0x40, s20, s15, $0xb8;
	[tilespmem:$0x17E00] =	vst v63  }
.LBB2_8:
0x23: {  	_ =	swait.ge [sflag:s18], $0x2000  }
0x24: {  	[sflag:s18] =	ssyncset.done $0x0  }
0x25: {  	[sflag:s18] =	ssyncadd.s32 $0xFFFFE000  }
0x26: {  	[spmem:s3] =	stream.indirect.scatter.add.f32 [tilespmem:s16], [sflag:$0x3], $0x40, s21, s15, $0xb8;
	[tilespmem:$0x17E00] =	vst v63  }
0x27: {  	_ =	swait.ge [sflag:s13], $0x2000  }
0x28: {  	[sflag:s13] =	ssyncset.done $0x0  }
0x29: {  	[sflag:s13] =	ssyncadd.s32 $0xFFFFE000  }
0x2a: {  	_ =	swait.ge [sflag:s19], $0x2000  }
0x2b: {  	[sflag:s19] =	ssyncset.done $0x0  }
0x2c: {  	[sflag:s19] =	ssyncadd.s32 $0xFFFFE000  }
0x2d: {  	[spmem:s3] =	stream.indirect.scatter.add.f32 [tilespmem:s17], [sflag:$0x3], $0x40, s22, s15, $0xb8;
	[tilespmem:$0x17E00] =	vst v63  }
0x2e: {  	_ =	swait.ge [sflag:s13], $0x2000  }
0x2f: {  	s23 =	sadd.s32 $0x1, s23;
	[sflag:s13] =	ssyncset.done $0x0  }
0x30: {  	p1 =	sne.s32 s23, s11;
	[sflag:s13] =	ssyncadd.s32 $0xFFFFE000  }
.Ltmp1:
0x31: {  	[bflag:$0x0] =	sbarrier.arrive $0xFFFF;
	(pc) =	sbr.rel @!p1 .LBB2_9-.Ltmp1, $4  }
0x32: {  	[hbm:s10], [sflag:s7] =	dma.local [spmem:s12], $0x1400  }
0x33: {  	_ =	swait.ge [sflag:s13], $0x1400  }
0x34: {  	[sflag:s13] =	ssyncset.done $0x0  }
0x35: {  	[sflag:s13] =	ssyncadd.s32 $0xFFFFEC00  }
.LBB2_1:
0x36: {  	[spmem:s12], [sflag:s7] =	dma.local [hbm:s6], $0x1400  }
0x37: {  	_ =	swait.ge [sflag:s13], $0x1400  }
0x38: {  	[sflag:s13] =	ssyncset.done $0x0  }
0x39: {  	[sflag:s13] =	ssyncadd.s32 $0xFFFFEC00  }
0x3a: {  	[tilespmem:s4], [sflag:$0x3] =	stream.linear.gather [hbm4b:s8+s4], $0x4F00, $0x38;
	[tilespmem:$0x17E00] =	vst v63  }
0x3b: {  	_ =	swait.ge [sflag:s13], $0x4F00  }
0x3c: {  	[sflag:s13] =	ssyncset.done $0x0  }
0x3d: {  	[sflag:s13] =	ssyncadd.s32 $0xFFFFB100  }
0x3e: {  	[tilespmem:s14], [sflag:$0x3] =	stream.linear.gather [hbm4b:s9+s4], $0x4F00, $0x38;
	[tilespmem:$0x17E00] =	vst v63  }
.Ltmp2:
0x3f: {  	_ =	swait.ge [sflag:s13], $0x4F00;
	(pc) =	sbr.rel @!p0 .LBB2_2-.Ltmp2, $4  }
0x40: {  	[sflag:s13] =	ssyncset.done $0x0  }
0x41: {  	[sflag:s13] =	ssyncadd.s32 $0xFFFFB100  }
0x42: {  	[bflag:$0x0] =	sbarrier.arrive $0xFFFF  }
0x43: {  	s24 =	simm.s32 $0x0  }
0x44: {  	[tilespmem:s16], [sflag:$0x1] =	stream.indirect.gather [hbm4b:s5+s15], $0x40, s24, s15, $0xb8;
	[tilespmem:$0x17E00] =	vst v63  }
0x45: {  	s28 =	simm.s32 $0x80  }
0x46: {  	[tilespmem:s17], [sflag:$0x2] =	stream.indirect.gather [hbm4b:s5+s15], $0x40, s28, s15, $0xb8;
	[tilespmem:$0x17E00] =	vst v63  }
0x47: {  	_ =	swait.ge [sflag:s18], $0x2000  }
0x48: {  	[sflag:s18] =	ssyncset.done $0x0  }
0x49: {  	s29 =	simm.s32 $0x4F00;
	[sflag:s18] =	ssyncadd.s32 $0xFFFFE000  }
0x4a: {  	[spmem:s3] =	stream.indirect.scatter.add.f32 [tilespmem:s16], [sflag:$0x3], $0x40, s29, s15, $0xb8;
	[tilespmem:$0x17E00] =	vst v63  }
0x4b: {  	_ =	swait.ge [sflag:s13], $0x2000  }
0x4c: {  	[sflag:s13] =	ssyncset.done $0x0  }
0x4d: {  	s30 =	simm.s32 $0x100;
	[sflag:s13] =	ssyncadd.s32 $0xFFFFE000  }
0x4e: {  	[tilespmem:s16], [sflag:$0x1] =	stream.indirect.gather [hbm4b:s5+s15], $0x40, s30, s15, $0xb8;
	[tilespmem:$0x17E00] =	vst v63  }
0x4f: {  	_ =	swait.ge [sflag:s19], $0x2000  }
0x50: {  	[sflag:s19] =	ssyncset.done $0x0  }
0x51: {  	s31 =	simm.s32 $0x4F80;
	[sflag:s19] =	ssyncadd.s32 $0xFFFFE000  }
0x52: {  	[spmem:s3] =	stream.indirect.scatter.add.f32 [tilespmem:s17], [sflag:$0x3], $0x40, s31, s15, $0xb8;
	[tilespmem:$0x17E00] =	vst v63  }
0x53: {  	_ =	swait.ge [sflag:s13], $0x2000  }
0x54: {  	s25 =	simm.s32 $0x800;
	s24 =	simm.s32 $0x100;
	[sflag:s13] =	ssyncset.done $0x0  }
.LBB2_6:
0x55: {  	s26 =	sadd.s32 $0x80, s24  }
0x56: {  	[sflag:s13] =	ssyncadd.s32 $0xFFFFE000;
	s28 =	smov.u32 s25;
	s29 =	sadd.s32 $0x400, s25  }
0x57: {  	[tilespmem:s17], [sflag:$0x2] =	stream.indirect.gather [hbm4b:s5+s15], $0x40, s26, s15, $0xb8;
	[tilespmem:$0x17E00] =	vst v63  }
0x58: {  	p1 =	sne.s32 s25, $0x13400;
	_ =	swait.ge [sflag:s18], $0x2000  }
0x59: {  	[sflag:s18] =	ssyncset.done $0x0  }
0x5a: {  	s25 =	sadd.s32 $0x4F00, s24;
	[sflag:s18] =	ssyncadd.s32 $0xFFFFE000  }
0x5b: {  	[spmem:s3] =	stream.indirect.scatter.add.f32 [tilespmem:s16], [sflag:$0x3], $0x40, s25, s15, $0xb8;
	[tilespmem:$0x17E00] =	vst v63  }
0x5c: {  	_ =	swait.ge [sflag:s13], $0x2000  }
0x5d: {  	[sflag:s13] =	ssyncset.done $0x0  }
0x5e: {  	s25 =	sadd.s32 $0x100, s24;
	[sflag:s13] =	ssyncadd.s32 $0xFFFFE000  }
0x5f: {  	[tilespmem:s16], [sflag:$0x1] =	stream.indirect.gather [hbm4b:s5+s15], $0x40, s25, s15, $0xb8;
	[tilespmem:$0x17E00] =	vst v63  }
0x60: {  	_ =	swait.ge [sflag:s19], $0x2000  }
.Ltmp3:
0x61: {  	[sflag:s19] =	ssyncset.done $0x0;
	(pc) =	sbr.rel @p1 .LBB2_6-.Ltmp3, $4  }
0x62: {  	s24 =	sadd.s32 $0x4F80, s24;
	[sflag:s19] =	ssyncadd.s32 $0xFFFFE000  }
0x63: {  	[spmem:s3] =	stream.indirect.scatter.add.f32 [tilespmem:s17], [sflag:$0x3], $0x40, s24, s15, $0xb8;
	[tilespmem:$0x17E00] =	vst v63  }
0x64: {  	_ =	swait.ge [sflag:s13], $0x2000  }
0x65: {  	s25 =	smov.u32 s29;
	s24 =	sshra.s32 s28, $0x2;
	[sflag:s13] =	ssyncset.done $0x0  }
.Ltmp4:
0x66: {  	_ = 	snop;
	(pc) =	sbr.rel .LBB2_7-.Ltmp4, $1  }
0x67: {  	_ =	sdelay $0x3  }
.LBB2_2:
0x68: {  	[tilespmem:s16], [sflag:$0x1] =	stream.indirect.gather [hbm4b:s1+s15], $0x40, s24, s15, $0xb8;
	[tilespmem:$0x17E00] =	vst v63  }
0x69: {  	s28 =	simm.s32 $0x80  }
0x6a: {  	[tilespmem:s17], [sflag:$0x2] =	stream.indirect.gather [hbm4b:s1+s15], $0x40, s28, s15, $0xb8;
	[tilespmem:$0x17E00] =	vst v63  }
0x6b: {  	_ =	swait.ge [sflag:s18], $0x2000  }
0x6c: {  	[sflag:s18] =	ssyncset.done $0x0  }
0x6d: {  	s29 =	simm.s32 $0x4F00;
	[sflag:s18] =	ssyncadd.s32 $0xFFFFE000  }
0x6e: {  	[spmem:s3] =	stream.indirect.scatter.add.f32 [tilespmem:s16], [sflag:$0x3], $0x40, s29, s15, $0xb8;
	[tilespmem:$0x17E00] =	vst v63  }
0x6f: {  	_ =	swait.ge [sflag:s13], $0x2000  }
0x70: {  	[sflag:s13] =	ssyncset.done $0x0  }
0x71: {  	s30 =	simm.s32 $0x100;
	[sflag:s13] =	ssyncadd.s32 $0xFFFFE000  }
0x72: {  	[tilespmem:s16], [sflag:$0x1] =	stream.indirect.gather [hbm4b:s1+s15], $0x40, s30, s15, $0xb8;
	[tilespmem:$0x17E00] =	vst v63  }
0x73: {  	_ =	swait.ge [sflag:s19], $0x2000  }
0x74: {  	[sflag:s19] =	ssyncset.done $0x0  }
0x75: {  	s31 =	simm.s32 $0x4F80;
	[sflag:s19] =	ssyncadd.s32 $0xFFFFE000  }
0x76: {  	[spmem:s3] =	stream.indirect.scatter.add.f32 [tilespmem:s17], [sflag:$0x3], $0x40, s31, s15, $0xb8;
	[tilespmem:$0x17E00] =	vst v63  }
0x77: {  	_ =	swait.ge [sflag:s13], $0x2000  }
0x78: {  	s25 =	simm.s32 $0x800;
	s24 =	simm.s32 $0x100;
	[sflag:s13] =	ssyncset.done $0x0  }
.LBB2_3:
0x79: {  	s26 =	sadd.s32 $0x80, s24  }
0x7a: {  	[sflag:s13] =	ssyncadd.s32 $0xFFFFE000;
	s28 =	smov.u32 s25;
	s29 =	sadd.s32 $0x400, s25  }
0x7b: {  	[tilespmem:s17], [sflag:$0x2] =	stream.indirect.gather [hbm4b:s1+s15], $0x40, s26, s15, $0xb8;
	[tilespmem:$0x17E00] =	vst v63  }
0x7c: {  	p1 =	seq.s32 s25, $0x13400;
	_ =	swait.ge [sflag:s18], $0x2000  }
0x7d: {  	[sflag:s18] =	ssyncset.done $0x0  }
0x7e: {  	s25 =	sadd.s32 $0x4F00, s24;
	[sflag:s18] =	ssyncadd.s32 $0xFFFFE000  }
0x7f: {  	[spmem:s3] =	stream.indirect.scatter.add.f32 [tilespmem:s16], [sflag:$0x3], $0x40, s25, s15, $0xb8;
	[tilespmem:$0x17E00] =	vst v63  }
0x80: {  	_ =	swait.ge [sflag:s13], $0x2000  }
0x81: {  	[sflag:s13] =	ssyncset.done $0x0  }
0x82: {  	s25 =	sadd.s32 $0x100, s24;
	[sflag:s13] =	ssyncadd.s32 $0xFFFFE000  }
0x83: {  	[tilespmem:s16], [sflag:$0x1] =	stream.indirect.gather [hbm4b:s1+s15], $0x40, s25, s15, $0xb8;
	[tilespmem:$0x17E00] =	vst v63  }
0x84: {  	_ =	swait.ge [sflag:s19], $0x2000  }
.Ltmp5:
0x85: {  	[sflag:s19] =	ssyncset.done $0x0;
	(pc) =	sbr.rel @!p1 .LBB2_3-.Ltmp5, $4  }
0x86: {  	s24 =	sadd.s32 $0x4F80, s24;
	[sflag:s19] =	ssyncadd.s32 $0xFFFFE000  }
0x87: {  	[spmem:s3] =	stream.indirect.scatter.add.f32 [tilespmem:s17], [sflag:$0x3], $0x40, s24, s15, $0xb8;
	[tilespmem:$0x17E00] =	vst v63  }
0x88: {  	_ =	swait.ge [sflag:s13], $0x2000  }
0x89: {  	s25 =	smov.u32 s29;
	s24 =	sshra.s32 s28, $0x2;
	[sflag:s13] =	ssyncset.done $0x0  }
0x8a: {  	s25 =	sadd.s32 $0x80, s24;
	[sflag:s13] =	ssyncadd.s32 $0xFFFFE000  }
0x8b: {  	[tilespmem:s17], [sflag:$0x2] =	stream.indirect.gather [hbm4b:s1+s15], $0x40, s25, s15, $0xb8;
	[tilespmem:$0x17E00] =	vst v63  }
0x8c: {  	_ =	swait.ge [sflag:s18], $0x2000  }
0x8d: {  	[sflag:s18] =	ssyncset.done $0x0  }
0x8e: {  	s29 =	sadd.s32 $0x4F00, s24;
	[sflag:s18] =	ssyncadd.s32 $0xFFFFE000  }
0x8f: {  	[spmem:s3] =	stream.indirect.scatter.add.f32 [tilespmem:s16], [sflag:$0x3], $0x40, s29, s15, $0xb8;
	[tilespmem:$0x17E00] =	vst v63  }
0x90: {  	_ =	swait.ge [sflag:s13], $0x2000  }
0x91: {  	[sflag:s13] =	ssyncset.done $0x0  }
0x92: {  	s30 =	sadd.s32 $0x100, s24;
	[sflag:s13] =	ssyncadd.s32 $0xFFFFE000  }
0x93: {  	[tilespmem:s16], [sflag:$0x1] =	stream.indirect.gather [hbm4b:s1+s15], $0x40, s30, s15, $0xb8;
	[tilespmem:$0x17E00] =	vst v63  }
0x94: {  	_ =	swait.ge [sflag:s19], $0x2000  }
0x95: {  	[sflag:s19] =	ssyncset.done $0x0  }
0x96: {  	s31 =	sadd.s32 $0x4F80, s24;
	[sflag:s19] =	ssyncadd.s32 $0xFFFFE000  }
0x97: {  	[spmem:s3] =	stream.indirect.scatter.add.f32 [tilespmem:s17], [sflag:$0x3], $0x40, s31, s15, $0xb8;
	[tilespmem:$0x17E00] =	vst v63  }
.Ltmp6:
0x98: {  	_ = 	snop;
	(pc) =	sbr.rel .LBB2_8-.Ltmp6, $4  }
0x99: {  	_ =	swait.ge [sflag:s13], $0x2000  }
0x9a: {  	[sflag:s13] =	ssyncset.done $0x0  }
0x9b: {  	[sflag:s13] =	ssyncadd.s32 $0xFFFFE000  }
0x9c: {  	[tilespmem:s17], [sflag:$0x2] =	stream.indirect.gather [hbm4b:s1+s15], $0x40, s20, s15, $0xb8;
	[tilespmem:$0x17E00] =	vst v63  }
.LBB2_9:
0x9d: {  	_ =	sfence.sel $0x180000  }
0x9e: {  	[bflag:$0x0] =	sbarrier.arrive $0xFFFF  }
0x9f: {  	p0 =	sne.s32 s0, $0x0;
	_ =	strace $0x9000004A  }
0xa0: {  	s0 =	sadd.s32 @!p0 $0x100000, s2;
	[bflag:$0x2] =	sbarrier.arrive $0xFFFF  }
0xa1: {  	[sflag:s0] =	ssyncadd.tile.s32 @!p0 $0x1;
	_ =	shalt  }
.Lfunc_end2:
_tile_overlayer_lowered:
.L_overlay_start_2:
0xa2: {  	(tag) =	ssettag $0x2  }
0xa3: {  	s0 =	rddreg [dreg:$0x0];
	s2 =	stileid.u32  }
0xa4: {  	s1 =	rddreg [dreg:$0x1];
	p0 =	sne.s32 s2, $0x0  }
0xa5: {  	s3 =	rddreg [dreg:$0x2];
	[bflag:$0x3] =	sbarrier.arrive $0xFFFF;
	s2 =	simm.s32 @!p0 $0x1C03  }
0xa6: {  	[timem:s3], [sflag:s2] =	dma.local @!p0 [hbm:s0], s1  }
0xa7: {  	s0 =	simm.s32 @!p0 $0x3  }
0xa8: {  	_ =	swait.ge @!p0 [sflag:s0], s1  }
0xa9: {  	s1 =	ssub.s32 @!p0 $0x0, s1;
	[sflag:s0] =	ssyncset.done @!p0 $0x0  }
0xaa: {  	[sflag:s0] =	ssyncadd.s32 @!p0 s1  }
0xab: {  	[bflag:$0x3] =	sbarrier.arrive $0xFFFF  }
0xac: {  	_ =	shalt  }

// kernel: kernel.19.cloned.1.call-start
scs
__scs_entry_jumppad:
0x0: {  	(pc) =	sbr.rel $0x88, $3  }
0x1: {  	(tag) =	ssettag $0x0;
	lr =	simm.s32 $0x1  }
0x2: {  	[smem:$0x3F8A] =	sst lr;
	_ =	strace $0xD0000000  }
0x3: {  	_ = 	snop  }
0x4: {  	_ = 	snop  }
0x5: {  	_ = 	snop  }
0x6: {  	_ = 	snop  }
0x7: {  	_ = 	snop  }
__scs_overlays_trampoline_lowered:
0x8: {  	[smem:$0x3F99] =	sst s0  }
0x9: {  	[smem:$0x3F9A] =	sst s1  }
0xa: {  	[smem:$0x3F9B] =	sst s2  }
0xb: {  	[smem:$0x3F9C] =	sst s3  }
0xc: {  	[smem:$0x3F9D] =	sst s4  }
0xd: {  	[smem:$0x3F9E] =	sst s5  }
0xe: {  	[smem:$0x3F9F] =	sst s6  }
0xf: {  	[smem:$0x3FA0] =	sst s7  }
0x10: {  	[smem:$0x3FA1] =	sst s8  }
0x11: {  	[smem:$0x3FA2] =	sst s9;
	s0 =	simm.s32 @!p0 $0x0  }
0x12: {  	s1 =	sld [smem:$0x3F88];
	s0 =	simm.s32 @p0 $0x1  }
0x13: {  	[smem:$0x3FA3] =	sst s0;
	s0 =	simm.s32 @!p1 $0x0  }
0x14: {  	s2 =	sld [smem:$0x3F87];
	s0 =	simm.s32 @p1 $0x1  }
0x15: {  	[smem:$0x3FA4] =	sst s0;
	s0 =	simm.s32 @!p2 $0x0  }
0x16: {  	s3 =	sld [smem:$0x3FDB];
	s0 =	simm.s32 @p2 $0x1  }
0x17: {  	s4 =	simm.s32 $0x1BF5;
	[smem:$0x3FA6] =	sst s0  }
0x18: {  	s0 =	sld [smem:$0x3F89];
	_ =	swait.ge [sflag:s4], $0x0  }
0x19: {  	s7 =	sld [smem:$0x3F8A]  }
0x1a: {  	s8 =	sadd.s32 $0xFFFFE003, lr  }
0x1b: {  	s9 =	sadd.s32 $0xFFFFFEF7, lr;
	s5 =	simm.s32 $0xFFFFFFFF;
	p2 =	slt.u32 s8, $0xFFFFF086  }
0x1c: {  	p1 =	slt.u32 s9, $0xF7A;
	s5 =	simm.s32 @!p2 $0x0  }
0x1d: {  	s5 =	simm.s32 @p1 $0x1;
	p0 =	seq.s32 s7, s2  }
0x1e: {  	s7 =	smul.u32 @!p0 $0xF7A, s2;
	p2 =	seq.s32 @!p0 s5, $0x0  }
0x1f: {  	s9 =	smul.u32 $0xF7A, s1;
	s8 =	simm.s32 @!p0 $0x1BF5;
	p2 =	por !p2, p0  }
0x20: {  	[sflag:s8] =	ssyncset.s32 @!p0 $0xFFFFF086;
	s6 =	sadd.s32 @!p0 s3, s7;
	s7 =	simm.s32 @!p0 $0x108  }
0x21: {  	s3 =	sadd.s32 s3, s9;
	s6 =	sadd.s32 @!p0 $0x88, s6;
	s7 =	simm.s32 @p2 $0x1082  }
0x22: {  	[simem:s7], [sflag:s8] =	dma.local @!p0 [hbm:s6], $0xF7A  }
0x23: {  	s9 =	sor.u32 $0xD0000000, s2;
	s6 =	simm.s32 $0x108;
	_ =	swait.ge @!p0 [sflag:s8], $0x0  }
0x24: {  	s3 =	sadd.s32 $0x88, s3;
	s6 =	simm.s32 @!p1 $0x1082;
	[sflag:s4] =	ssyncset.s32 $0xFFFFF086  }
0x25: {  	[simem:s6], [sflag:s4] =	dma.local [hbm:s3], $0xF7A  }
0x26: {  	[smem:$0x3F8A] =	sst s1;
	(tag) =	ssettag s2;
	_ =	strace s9  }
0x27: {  	s1 =	sld [smem:$0x3F9A]  }
0x28: {  	s2 =	sld [smem:$0x3F9B]  }
0x29: {  	s4 =	sld [smem:$0x3F9D]  }
0x2a: {  	p0 =	seq.s32 s5, $0x0;
	s5 =	sld [smem:$0x3F9E]  }
0x2b: {  	s6 =	sld [smem:$0x3F9F]  }
0x2c: {  	s7 =	sld [smem:$0x3FA0]  }
0x2d: {  	s3 =	simm.s32 $0x108;
	s8 =	sld [smem:$0x3FA1]  }
0x2e: {  	s3 =	simm.s32 @!p0 $0x1082;
	s9 =	sld [smem:$0x3FA2]  }
0x2f: {  	lr =	sadd.s32 s0, s3;
	s0 =	sld [smem:$0x3F99]  }
0x30: {  	s3 =	sld [smem:$0x3F9C]  }
0x31: {  	[smem:$0x3FA5] =	sst s10  }
0x32: {  	s10 =	sld [smem:$0x3FA3];
	_ =	sdelay $0x3  }
0x33: {  	p0 =	seq.s32 s10, $0x1;
	s10 =	sld [smem:$0x3FA5];
	_ =	sdelay $0x3  }
0x34: {  	[smem:$0x3FA5] =	sst s10  }
0x35: {  	s10 =	sld [smem:$0x3FA4];
	_ =	sdelay $0x3  }
0x36: {  	p1 =	seq.s32 s10, $0x1;
	s10 =	sld [smem:$0x3FA5];
	_ =	sdelay $0x3  }
0x37: {  	[smem:$0x3FA5] =	sst s10  }
0x38: {  	s10 =	sld [smem:$0x3FA6]  }
0x39: {  	_ = 	snop;
	(pc) =	sbr.ind lr, $3  }
0x3a: {  	_ = 	snop  }
0x3b: {  	_ = 	snop  }
0x3c: {  	p2 =	seq.s32 s10, $0x1;
	s10 =	sld [smem:$0x3FA5]  }
0x3d: {  	_ =	shalt  }
0x3e: {  	_ =	shalt  }
0x3f: {  	_ =	shalt  }
0x40: {  	_ =	shalt  }
0x41: {  	_ =	shalt  }
0x42: {  	_ =	shalt  }
0x43: {  	_ =	shalt  }
0x44: {  	_ =	shalt  }
0x45: {  	_ =	shalt  }
0x46: {  	_ =	shalt  }
0x47: {  	_ =	shalt  }
0x48: {  	_ =	shalt  }
0x49: {  	_ =	shalt  }
0x4a: {  	_ =	shalt  }
0x4b: {  	_ =	shalt  }
0x4c: {  	_ =	shalt  }
0x4d: {  	_ =	shalt  }
0x4e: {  	_ =	shalt  }
0x4f: {  	_ =	shalt  }
0x50: {  	_ =	shalt  }
0x51: {  	_ =	shalt  }
0x52: {  	_ =	shalt  }
0x53: {  	_ =	shalt  }
0x54: {  	_ =	shalt  }
0x55: {  	_ =	shalt  }
0x56: {  	_ =	shalt  }
0x57: {  	_ =	shalt  }
0x58: {  	_ =	shalt  }
0x59: {  	_ =	shalt  }
0x5a: {  	_ =	shalt  }
0x5b: {  	_ =	shalt  }
0x5c: {  	_ =	shalt  }
0x5d: {  	_ =	shalt  }
0x5e: {  	_ =	shalt  }
0x5f: {  	_ =	shalt  }
0x60: {  	_ =	shalt  }
0x61: {  	_ =	shalt  }
0x62: {  	_ =	shalt  }
0x63: {  	_ =	shalt  }
0x64: {  	_ =	shalt  }
0x65: {  	_ =	shalt  }
0x66: {  	_ =	shalt  }
0x67: {  	_ =	shalt  }
0x68: {  	_ =	shalt  }
0x69: {  	_ =	shalt  }
0x6a: {  	_ =	shalt  }
0x6b: {  	_ =	shalt  }
0x6c: {  	_ =	shalt  }
0x6d: {  	_ =	shalt  }
0x6e: {  	_ =	shalt  }
0x6f: {  	_ =	shalt  }
0x70: {  	_ =	shalt  }
0x71: {  	_ =	shalt  }
0x72: {  	_ =	shalt  }
0x73: {  	_ =	shalt  }
0x74: {  	_ =	shalt  }
0x75: {  	_ =	shalt  }
0x76: {  	_ =	shalt  }
0x77: {  	_ =	shalt  }
0x78: {  	_ =	shalt  }
0x79: {  	_ =	shalt  }
0x7a: {  	_ =	shalt  }
0x7b: {  	_ =	shalt  }
0x7c: {  	_ =	shalt  }
0x7d: {  	_ =	shalt  }
0x7e: {  	_ =	shalt  }
0x7f: {  	_ =	shalt  }
0x80: {  	_ =	shalt  }
0x81: {  	_ =	shalt  }
0x82: {  	_ =	shalt  }
0x83: {  	_ =	shalt  }
0x84: {  	_ =	shalt  }
0x85: {  	_ =	shalt  }
0x86: {  	_ =	shalt  }
0x87: {  	_ =	shalt  }
.Lfunc_end0:
.L_simem_size_0:
called_computation.2_lowered:
.L_overlay_start_0:
0x88: {  	s2 =	sld [smem:$0x3FD9]  }
0x89: {  	s3 =	sld [smem:$0x3FFE];
	_ =	sdelay $0x1  }
0x8a: {  	s1 =	srdreg.scid  }
0x8b: {  	s0 =	sand.u32 $0x1, s1  }
0x8c: {  	s17 =	sshll.u32 s0, $0xA;
	s2 =	sadd.s32 s3, s2  }
0x8d: {  	s2 =	sadd.s32 s2, s17  }
0x8e: {  	[smem:$0x3FB1] =	sst s2  }
0x8f: {  	_ = 	snop  }
0x90: {  	s2 =	sld [smem:$0x3FD0];
	(tm) =	ssettm $0x1  }
0x91: {  	s18 =	sld [smem:$0x3FFB];
	_ =	sdelay $0x3  }
0x92: {  	_ =	strace s18  }
0x93: {  	s3 =	sld [smem:$0x3FFC];
	_ =	sdelay $0x3  }
0x94: {  	_ =	strace s3  }
0x95: {  	s3 =	sld [smem:$0x3FFD];
	_ =	sdelay $0x3  }
0x96: {  	_ =	strace s3  }
0x97: {  	_ =	strace $0x8FFFFFFF  }
0x98: {  	s19 =	sld [smem:$0x3FDB];
	_ =	sdelay $0x1  }
0x99: {  	s4 =	simm.s32 $_scs_section_size  }
0x9a: {  	s5 =	simm.s32 $_size__tile_overlayer_lowered;
	s6 =	simm.s32 $_tile_overlayer_lowered  }
0x9b: {  	s22 =	simm.s32 $0x1BFF;
	s21 =	sshll.u32 s6, $0x1;
	s3 =	sadd.s32 s4, s19  }
0x9c: {  	s7 =	simm.s32 $0x0;
	s20 =	sshll.u32 s5, $0x1;
	s5 =	sadd.s32 s21, s3  }
0x9d: {  	[timem:s7], [sflag:s22] =	dma.local [hbm:s5], s20  }
0x9e: {  	_ =	swait.ge [sflag:s22], s20  }
0x9f: {  	s4 =	ssub.s32 $0x0, s20;
	[sflag:s22] =	ssyncset.done $0x0  }
0xa0: {  	[sflag:s22] =	ssyncadd.s32 s4;
	_ =	sdelay $0x1  }
0xa1: {  	s23 =	simm.s32 $0x1B8B  }
0xa2: {  	_ =	swait.ge [sflag:s23], $0x1  }
0xa3: {  	[sflag:s23] =	ssyncset.done $0x0  }
0xa4: {  	s25 =	simm.s32 $0x1B8E;
	s24 =	sld [smem:$0x3FFE];
	[sflag:s23] =	ssyncadd.s32 $0xFFFFFFFF  }
0xa5: {  	s26 =	simm.s32 $execute0_lowered;
	[smem:$0x3FD2] =	sst s25  }
0xa6: {  	s5 =	sshll.u32 s26, $0x1;
	_ =	strace $0x8000004C;
	[dreg:$0x1] =	wrdreg $0xFFFFFFFF  }
0xa7: {  	s28 =	simm.s32 $_size_execute0_lowered;
	s3 =	sadd.s32 s3, s5;
	[dreg:$0x0] =	wrdreg $0x0  }
0xa8: {  	s5 =	sshll.u32 s28, $0x1;
	[dreg:$0x2] =	wrdreg s3  }
0xa9: {  	[dreg:$0x3] =	wrdreg s5  }
0xaa: {  	[dreg:$0x4] =	wrdreg $0xC0  }
0xab: {  	_ =	task [dreg:s7], $0x5FFFF  }
0xac: {  	[dreg:$0x1] =	wrdreg $0xFFFFFFFF  }
0xad: {  	[dreg:$0x0] =	wrdreg $0x60  }
0xae: {  	[dreg:$0x2] =	wrdreg s2  }
0xaf: {  	[dreg:$0x3] =	wrdreg s24  }
0xb0: {  	[dreg:$0x4] =	wrdreg $0xDE000  }
0xb1: {  	[dreg:$0x5] =	wrdreg $0x9  }
0xb2: {  	_ =	task.clear_ibuf [dreg:s7], $0x6FFFF;
	_ =	strace $0x9000004C  }
0xb3: {  	s29 =	simm.s32 $0x9;
	_ =	strace $0x8000004E  }
0xb4: {  	_ =	swait.ge [sflag:s29], $0x1  }
0xb5: {  	[sflag:s29] =	ssyncadd.s32 $0xFFFFFFFF  }
0xb6: {  	_ =	strace $0x9000004E  }
0xb7: {  	_ =	sfence  }
0xb8: {  	s30 =	sld [smem:$0x0];
	_ =	sdelay $0x2  }
0xb9: {  	s31 =	sshll.u32 s1, $0xD;
	s1 =	sshrl.u32 s1, $0x2  }
0xba: {  	s3 =	sand.u32 $0x4000, s31;
	s1 =	sadd.s32 s1, s30  }
0xbb: {  	s0 =	sor.u32 s3, s0;
	s1 =	sshll.u32 s1, $0x11  }
0xbc: {  	s0 =	sor.u32 s1, s0  }
0xbd: {  	s0 =	sadd.s32 $0x8F2B, s0  }
0xbe: {  	[sflag:s0] =	ssyncadd.remote.s32 $0x1  }
0xbf: {  	_ =	sfence.sel $0xFFFF  }
0xc0: {  	[dreg:$0x0] =	wrdreg $0xFFFFFFFF;
	(pc) =	sbr.abs _section_cstart, $3  }
0xc1: {  	[dreg:$0x1] =	wrdreg $0xFFFFFFFF  }
0xc2: {  	_ =	task.clear_ibuf [dreg:s7], $0x2FFFF;
	_ =	strace $0x9FFFFFFF  }
0xc3: {  	(tm) =	ssettm $0x7FFFFFFF  }
tec
execute0_lowered:
.L_overlay_start_1:
0x0: {  	(tag) =	ssettag $0x1  }
0x1: {  	s1 =	rddreg [dreg:$0x0]  }
0x2: {  	s7 =	rddreg [dreg:$0x1]  }
0x3: {  	s0 =	stileid.u32;
	s2 =	srdreg.scid  }
0x4: {  	s3 =	rddreg [dreg:$0x2];
	s4 =	simm.s32 $0x0;
	s14 =	simm.s32 $0x4F00  }
0x5: {  	s15 =	simm.s32 $0x80;
	s16 =	simm.s32 $0x9E00;
	s17 =	simm.s32 $0xBE00  }
0x6: {  	s18 =	simm.s32 $0x1;
	s19 =	simm.s32 $0x2;
	s20 =	simm.s32 $0x4E80  }
0x7: {  	s21 =	simm.s32 $0x9D00;
	s22 =	simm.s32 $0x9D80;
	s23 =	simm.s32 $0x0  }
0x8: {  	s10 =	sand.u32 $0x1, s2;
	s8 =	smul.u32 $0xA000, s0;
	s2 =	rddreg [dreg:$0x3]  }
0x9: {  	[smem:$0x7FF] =	sst s4;
	s9 =	smul.u32 $0x9E0, s0;
	s5 =	sadd.s32 $0x4200, s7  }
0xa: {  	s31 =	sshll.u32 s0, $0x6;
	s6 =	smul.u32 $0xA0000, s10;
	_ =	strace $0x8000004D  }
0xb: {  	s12 =	ssub.s32 $0x2, s10;
	p0 =	seq.s32 s10, $0x1;
	s9 =	sadd.s32 s9, s7  }
.Ltmp0:
0xc: {  	s30 =	sshrl.u32 s12, $0x1;
	s6 =	sadd.s32 s8, s6;
	(pc) =	sbr.rel .LBB2_1-.Ltmp0, $4  }
0xd: {  	s13 =	sadd.s32 s8, s3;
	s12 =	ssub.s32 s12, s30;
	s11 =	sshrl.u32 s6, $0x3  }
0xe: {  	s8 =	sadd.s32 $0x7DA00, s9;
	s9 =	sadd.s32 $0x87800, s9;
	s11 =	sadd.s32 s11, s7  }
0xf: {  	s6 =	sadd.s32 $0x54600, s7;
	s7 =	sor.u32 $0x1C03, s31;
	s10 =	sadd.s32 $0x91600, s11  }
0x10: {  	s11 =	smax.u32 s12, $0x1;
	s12 =	sshrl.u32 s13, $0x3;
	s13 =	simm.s32 $0x3  }
.LBB2_7:
0x11: {  	s25 =	sadd.s32 $0x80, s24;
	[sflag:s13] =	ssyncadd.s32 $0xFFFFE000  }
0x12: {  	[tilespmem:s17], [sflag:$0x2] =	stream.indirect.gather [hbm4b:s5+s15], $0x40, s25, s15, $0xb8;
	[tilespmem:$0x17E00] =	vst v63  }
0x13: {  	_ =	swait.ge [sflag:s18], $0x2000  }
0x14: {  	[sflag:s18] =	ssyncset.done $0x0  }
0x15: {  	s29 =	sadd.s32 $0x4F00, s24;
	[sflag:s18] =	ssyncadd.s32 $0xFFFFE000  }
0x16: {  	[spmem:s3] =	stream.indirect.scatter.add.f32 [tilespmem:s16], [sflag:$0x3], $0x40, s29, s15, $0xb8;
	[tilespmem:$0x17E00] =	vst v63  }
0x17: {  	_ =	swait.ge [sflag:s13], $0x2000  }
0x18: {  	[sflag:s13] =	ssyncset.done $0x0  }
0x19: {  	s30 =	sadd.s32 $0x100, s24;
	[sflag:s13] =	ssyncadd.s32 $0xFFFFE000  }
0x1a: {  	[tilespmem:s16], [sflag:$0x1] =	stream.indirect.gather [hbm4b:s5+s15], $0x40, s30, s15, $0xb8;
	[tilespmem:$0x17E00] =	vst v63  }
0x1b: {  	_ =	swait.ge [sflag:s19], $0x2000  }
0x1c: {  	[sflag:s19] =	ssyncset.done $0x0  }
0x1d: {  	s31 =	sadd.s32 $0x4F80, s24;
	[sflag:s19] =	ssyncadd.s32 $0xFFFFE000  }
0x1e: {  	[spmem:s3] =	stream.indirect.scatter.add.f32 [tilespmem:s17], [sflag:$0x3], $0x40, s31, s15, $0xb8;
	[tilespmem:$0x17E00] =	vst v63  }
0x1f: {  	_ =	swait.ge [sflag:s13], $0x2000  }
0x20: {  	[sflag:s13] =	ssyncset.done $0x0  }
0x21: {  	[sflag:s13] =	ssyncadd.s32 $0xFFFFE000  }
0x22: {  	[tilespmem:s17], [sflag:$0x2] =	stream.indirect.gather [hbm4b:s5+s15], $0x40, s20, s15, $0xb8;
	[tilespmem:$0x17E00] =	vst v63  }
.LBB2_8:
0x23: {  	_ =	swait.ge [sflag:s18], $0x2000  }
0x24: {  	[sflag:s18] =	ssyncset.done $0x0  }
0x25: {  	[sflag:s18] =	ssyncadd.s32 $0xFFFFE000  }
0x26: {  	[spmem:s3] =	stream.indirect.scatter.add.f32 [tilespmem:s16], [sflag:$0x3], $0x40, s21, s15, $0xb8;
	[tilespmem:$0x17E00] =	vst v63  }
0x27: {  	_ =	swait.ge [sflag:s13], $0x2000  }
0x28: {  	[sflag:s13] =	ssyncset.done $0x0  }
0x29: {  	[sflag:s13] =	ssyncadd.s32 $0xFFFFE000  }
0x2a: {  	_ =	swait.ge [sflag:s19], $0x2000  }
0x2b: {  	[sflag:s19] =	ssyncset.done $0x0  }
0x2c: {  	[sflag:s19] =	ssyncadd.s32 $0xFFFFE000  }
0x2d: {  	[spmem:s3] =	stream.indirect.scatter.add.f32 [tilespmem:s17], [sflag:$0x3], $0x40, s22, s15, $0xb8;
	[tilespmem:$0x17E00] =	vst v63  }
0x2e: {  	_ =	swait.ge [sflag:s13], $0x2000  }
0x2f: {  	s23 =	sadd.s32 $0x1, s23;
	[sflag:s13] =	ssyncset.done $0x0  }
0x30: {  	p1 =	sne.s32 s23, s11;
	[sflag:s13] =	ssyncadd.s32 $0xFFFFE000  }
.Ltmp1:
0x31: {  	[bflag:$0x0] =	sbarrier.arrive $0xFFFF;
	(pc) =	sbr.rel @!p1 .LBB2_9-.Ltmp1, $4  }
0x32: {  	[hbm:s10], [sflag:s7] =	dma.local [spmem:s12], $0x1400  }
0x33: {  	_ =	swait.ge [sflag:s13], $0x1400  }
0x34: {  	[sflag:s13] =	ssyncset.done $0x0  }
0x35: {  	[sflag:s13] =	ssyncadd.s32 $0xFFFFEC00  }
.LBB2_1:
0x36: {  	[spmem:s12], [sflag:s7] =	dma.local [hbm:s6], $0x1400  }
0x37: {  	_ =	swait.ge [sflag:s13], $0x1400  }
0x38: {  	[sflag:s13] =	ssyncset.done $0x0  }
0x39: {  	[sflag:s13] =	ssyncadd.s32 $0xFFFFEC00  }
0x3a: {  	[tilespmem:s4], [sflag:$0x3] =	stream.linear.gather [hbm4b:s8+s4], $0x4F00, $0x38;
	[tilespmem:$0x17E00] =	vst v63  }
0x3b: {  	_ =	swait.ge [sflag:s13], $0x4F00  }
0x3c: {  	[sflag:s13] =	ssyncset.done $0x0  }
0x3d: {  	[sflag:s13] =	ssyncadd.s32 $0xFFFFB100  }
0x3e: {  	[tilespmem:s14], [sflag:$0x3] =	stream.linear.gather [hbm4b:s9+s4], $0x4F00, $0x38;
	[tilespmem:$0x17E00] =	vst v63  }
.Ltmp2:
0x3f: {  	_ =	swait.ge [sflag:s13], $0x4F00;
	(pc) =	sbr.rel @!p0 .LBB2_2-.Ltmp2, $4  }
0x40: {  	[sflag:s13] =	ssyncset.done $0x0  }
0x41: {  	[sflag:s13] =	ssyncadd.s32 $0xFFFFB100  }
0x42: {  	[bflag:$0x0] =	sbarrier.arrive $0xFFFF  }
0x43: {  	s24 =	simm.s32 $0x0  }
0x44: {  	[tilespmem:s16], [sflag:$0x1] =	stream.indirect.gather [hbm4b:s5+s15], $0x40, s24, s15, $0xb8;
	[tilespmem:$0x17E00] =	vst v63  }
0x45: {  	s28 =	simm.s32 $0x80  }
0x46: {  	[tilespmem:s17], [sflag:$0x2] =	stream.indirect.gather [hbm4b:s5+s15], $0x40, s28, s15, $0xb8;
	[tilespmem:$0x17E00] =	vst v63  }
0x47: {  	_ =	swait.ge [sflag:s18], $0x2000  }
0x48: {  	[sflag:s18] =	ssyncset.done $0x0  }
0x49: {  	s29 =	simm.s32 $0x4F00;
	[sflag:s18] =	ssyncadd.s32 $0xFFFFE000  }
0x4a: {  	[spmem:s3] =	stream.indirect.scatter.add.f32 [tilespmem:s16], [sflag:$0x3], $0x40, s29, s15, $0xb8;
	[tilespmem:$0x17E00] =	vst v63  }
0x4b: {  	_ =	swait.ge [sflag:s13], $0x2000  }
0x4c: {  	[sflag:s13] =	ssyncset.done $0x0  }
0x4d: {  	s30 =	simm.s32 $0x100;
	[sflag:s13] =	ssyncadd.s32 $0xFFFFE000  }
0x4e: {  	[tilespmem:s16], [sflag:$0x1] =	stream.indirect.gather [hbm4b:s5+s15], $0x40, s30, s15, $0xb8;
	[tilespmem:$0x17E00] =	vst v63  }
0x4f: {  	_ =	swait.ge [sflag:s19], $0x2000  }
0x50: {  	[sflag:s19] =	ssyncset.done $0x0  }
0x51: {  	s31 =	simm.s32 $0x4F80;
	[sflag:s19] =	ssyncadd.s32 $0xFFFFE000  }
0x52: {  	[spmem:s3] =	stream.indirect.scatter.add.f32 [tilespmem:s17], [sflag:$0x3], $0x40, s31, s15, $0xb8;
	[tilespmem:$0x17E00] =	vst v63  }
0x53: {  	_ =	swait.ge [sflag:s13], $0x2000  }
0x54: {  	s25 =	simm.s32 $0x800;
	s24 =	simm.s32 $0x100;
	[sflag:s13] =	ssyncset.done $0x0  }
.LBB2_6:
0x55: {  	s26 =	sadd.s32 $0x80, s24  }
0x56: {  	[sflag:s13] =	ssyncadd.s32 $0xFFFFE000;
	s28 =	smov.u32 s25;
	s29 =	sadd.s32 $0x400, s25  }
0x57: {  	[tilespmem:s17], [sflag:$0x2] =	stream.indirect.gather [hbm4b:s5+s15], $0x40, s26, s15, $0xb8;
	[tilespmem:$0x17E00] =	vst v63  }
0x58: {  	p1 =	sne.s32 s25, $0x13400;
	_ =	swait.ge [sflag:s18], $0x2000  }
0x59: {  	[sflag:s18] =	ssyncset.done $0x0  }
0x5a: {  	s25 =	sadd.s32 $0x4F00, s24;
	[sflag:s18] =	ssyncadd.s32 $0xFFFFE000  }
0x5b: {  	[spmem:s3] =	stream.indirect.scatter.add.f32 [tilespmem:s16], [sflag:$0x3], $0x40, s25, s15, $0xb8;
	[tilespmem:$0x17E00] =	vst v63  }
0x5c: {  	_ =	swait.ge [sflag:s13], $0x2000  }
0x5d: {  	[sflag:s13] =	ssyncset.done $0x0  }
0x5e: {  	s25 =	sadd.s32 $0x100, s24;
	[sflag:s13] =	ssyncadd.s32 $0xFFFFE000  }
0x5f: {  	[tilespmem:s16], [sflag:$0x1] =	stream.indirect.gather [hbm4b:s5+s15], $0x40, s25, s15, $0xb8;
	[tilespmem:$0x17E00] =	vst v63  }
0x60: {  	_ =	swait.ge [sflag:s19], $0x2000  }
.Ltmp3:
0x61: {  	[sflag:s19] =	ssyncset.done $0x0;
	(pc) =	sbr.rel @p1 .LBB2_6-.Ltmp3, $4  }
0x62: {  	s24 =	sadd.s32 $0x4F80, s24;
	[sflag:s19] =	ssyncadd.s32 $0xFFFFE000  }
0x63: {  	[spmem:s3] =	stream.indirect.scatter.add.f32 [tilespmem:s17], [sflag:$0x3], $0x40, s24, s15, $0xb8;
	[tilespmem:$0x17E00] =	vst v63  }
0x64: {  	_ =	swait.ge [sflag:s13], $0x2000  }
0x65: {  	s25 =	smov.u32 s29;
	s24 =	sshra.s32 s28, $0x2;
	[sflag:s13] =	ssyncset.done $0x0  }
.Ltmp4:
0x66: {  	_ = 	snop;
	(pc) =	sbr.rel .LBB2_7-.Ltmp4, $1  }
0x67: {  	_ =	sdelay $0x3  }
.LBB2_2:
0x68: {  	[tilespmem:s16], [sflag:$0x1] =	stream.indirect.gather [hbm4b:s1+s15], $0x40, s24, s15, $0xb8;
	[tilespmem:$0x17E00] =	vst v63  }
0x69: {  	s28 =	simm.s32 $0x80  }
0x6a: {  	[tilespmem:s17], [sflag:$0x2] =	stream.indirect.gather [hbm4b:s1+s15], $0x40, s28, s15, $0xb8;
	[tilespmem:$0x17E00] =	vst v63  }
0x6b: {  	_ =	swait.ge [sflag:s18], $0x2000  }
0x6c: {  	[sflag:s18] =	ssyncset.done $0x0  }
0x6d: {  	s29 =	simm.s32 $0x4F00;
	[sflag:s18] =	ssyncadd.s32 $0xFFFFE000  }
0x6e: {  	[spmem:s3] =	stream.indirect.scatter.add.f32 [tilespmem:s16], [sflag:$0x3], $0x40, s29, s15, $0xb8;
	[tilespmem:$0x17E00] =	vst v63  }
0x6f: {  	_ =	swait.ge [sflag:s13], $0x2000  }
0x70: {  	[sflag:s13] =	ssyncset.done $0x0  }
0x71: {  	s30 =	simm.s32 $0x100;
	[sflag:s13] =	ssyncadd.s32 $0xFFFFE000  }
0x72: {  	[tilespmem:s16], [sflag:$0x1] =	stream.indirect.gather [hbm4b:s1+s15], $0x40, s30, s15, $0xb8;
	[tilespmem:$0x17E00] =	vst v63  }
0x73: {  	_ =	swait.ge [sflag:s19], $0x2000  }
0x74: {  	[sflag:s19] =	ssyncset.done $0x0  }
0x75: {  	s31 =	simm.s32 $0x4F80;
	[sflag:s19] =	ssyncadd.s32 $0xFFFFE000  }
0x76: {  	[spmem:s3] =	stream.indirect.scatter.add.f32 [tilespmem:s17], [sflag:$0x3], $0x40, s31, s15, $0xb8;
	[tilespmem:$0x17E00] =	vst v63  }
0x77: {  	_ =	swait.ge [sflag:s13], $0x2000  }
0x78: {  	s25 =	simm.s32 $0x800;
	s24 =	simm.s32 $0x100;
	[sflag:s13] =	ssyncset.done $0x0  }
.LBB2_3:
0x79: {  	s26 =	sadd.s32 $0x80, s24  }
0x7a: {  	[sflag:s13] =	ssyncadd.s32 $0xFFFFE000;
	s28 =	smov.u32 s25;
	s29 =	sadd.s32 $0x400, s25  }
0x7b: {  	[tilespmem:s17], [sflag:$0x2] =	stream.indirect.gather [hbm4b:s1+s15], $0x40, s26, s15, $0xb8;
	[tilespmem:$0x17E00] =	vst v63  }
0x7c: {  	p1 =	seq.s32 s25, $0x13400;
	_ =	swait.ge [sflag:s18], $0x2000  }
0x7d: {  	[sflag:s18] =	ssyncset.done $0x0  }
0x7e: {  	s25 =	sadd.s32 $0x4F00, s24;
	[sflag:s18] =	ssyncadd.s32 $0xFFFFE000  }
0x7f: {  	[spmem:s3] =	stream.indirect.scatter.add.f32 [tilespmem:s16], [sflag:$0x3], $0x40, s25, s15, $0xb8;
	[tilespmem:$0x17E00] =	vst v63  }
0x80: {  	_ =	swait.ge [sflag:s13], $0x2000  }
0x81: {  	[sflag:s13] =	ssyncset.done $0x0  }
0x82: {  	s25 =	sadd.s32 $0x100, s24;
	[sflag:s13] =	ssyncadd.s32 $0xFFFFE000  }
0x83: {  	[tilespmem:s16], [sflag:$0x1] =	stream.indirect.gather [hbm4b:s1+s15], $0x40, s25, s15, $0xb8;
	[tilespmem:$0x17E00] =	vst v63  }
0x84: {  	_ =	swait.ge [sflag:s19], $0x2000  }
.Ltmp5:
0x85: {  	[sflag:s19] =	ssyncset.done $0x0;
	(pc) =	sbr.rel @!p1 .LBB2_3-.Ltmp5, $4  }
0x86: {  	s24 =	sadd.s32 $0x4F80, s24;
	[sflag:s19] =	ssyncadd.s32 $0xFFFFE000  }
0x87: {  	[spmem:s3] =	stream.indirect.scatter.add.f32 [tilespmem:s17], [sflag:$0x3], $0x40, s24, s15, $0xb8;
	[tilespmem:$0x17E00] =	vst v63  }
0x88: {  	_ =	swait.ge [sflag:s13], $0x2000  }
0x89: {  	s25 =	smov.u32 s29;
	s24 =	sshra.s32 s28, $0x2;
	[sflag:s13] =	ssyncset.done $0x0  }
0x8a: {  	s25 =	sadd.s32 $0x80, s24;
	[sflag:s13] =	ssyncadd.s32 $0xFFFFE000  }
0x8b: {  	[tilespmem:s17], [sflag:$0x2] =	stream.indirect.gather [hbm4b:s1+s15], $0x40, s25, s15, $0xb8;
	[tilespmem:$0x17E00] =	vst v63  }
0x8c: {  	_ =	swait.ge [sflag:s18], $0x2000  }
0x8d: {  	[sflag:s18] =	ssyncset.done $0x0  }
0x8e: {  	s29 =	sadd.s32 $0x4F00, s24;
	[sflag:s18] =	ssyncadd.s32 $0xFFFFE000  }
0x8f: {  	[spmem:s3] =	stream.indirect.scatter.add.f32 [tilespmem:s16], [sflag:$0x3], $0x40, s29, s15, $0xb8;
	[tilespmem:$0x17E00] =	vst v63  }
0x90: {  	_ =	swait.ge [sflag:s13], $0x2000  }
0x91: {  	[sflag:s13] =	ssyncset.done $0x0  }
0x92: {  	s30 =	sadd.s32 $0x100, s24;
	[sflag:s13] =	ssyncadd.s32 $0xFFFFE000  }
0x93: {  	[tilespmem:s16], [sflag:$0x1] =	stream.indirect.gather [hbm4b:s1+s15], $0x40, s30, s15, $0xb8;
	[tilespmem:$0x17E00] =	vst v63  }
0x94: {  	_ =	swait.ge [sflag:s19], $0x2000  }
0x95: {  	[sflag:s19] =	ssyncset.done $0x0  }
0x96: {  	s31 =	sadd.s32 $0x4F80, s24;
	[sflag:s19] =	ssyncadd.s32 $0xFFFFE000  }
0x97: {  	[spmem:s3] =	stream.indirect.scatter.add.f32 [tilespmem:s17], [sflag:$0x3], $0x40, s31, s15, $0xb8;
	[tilespmem:$0x17E00] =	vst v63  }
.Ltmp6:
0x98: {  	_ = 	snop;
	(pc) =	sbr.rel .LBB2_8-.Ltmp6, $4  }
0x99: {  	_ =	swait.ge [sflag:s13], $0x2000  }
0x9a: {  	[sflag:s13] =	ssyncset.done $0x0  }
0x9b: {  	[sflag:s13] =	ssyncadd.s32 $0xFFFFE000  }
0x9c: {  	[tilespmem:s17], [sflag:$0x2] =	stream.indirect.gather [hbm4b:s1+s15], $0x40, s20, s15, $0xb8;
	[tilespmem:$0x17E00] =	vst v63  }
.LBB2_9:
0x9d: {  	_ =	sfence.sel $0x180000  }
0x9e: {  	[bflag:$0x0] =	sbarrier.arrive $0xFFFF  }
0x9f: {  	p0 =	sne.s32 s0, $0x0;
	_ =	strace $0x9000004D  }
0xa0: {  	s0 =	sadd.s32 @!p0 $0x100000, s2;
	[bflag:$0x2] =	sbarrier.arrive $0xFFFF  }
0xa1: {  	[sflag:s0] =	ssyncadd.tile.s32 @!p0 $0x1;
	_ =	shalt  }
.Lfunc_end2:
_tile_overlayer_lowered:
.L_overlay_start_2:
0xa2: {  	(tag) =	ssettag $0x2  }
0xa3: {  	s0 =	rddreg [dreg:$0x0];
	s2 =	stileid.u32  }
0xa4: {  	s1 =	rddreg [dreg:$0x1];
	p0 =	sne.s32 s2, $0x0  }
0xa5: {  	s3 =	rddreg [dreg:$0x2];
	[bflag:$0x3] =	sbarrier.arrive $0xFFFF;
	s2 =	simm.s32 @!p0 $0x1C03  }
0xa6: {  	[timem:s3], [sflag:s2] =	dma.local @!p0 [hbm:s0], s1  }
0xa7: {  	s0 =	simm.s32 @!p0 $0x3  }
0xa8: {  	_ =	swait.ge @!p0 [sflag:s0], s1  }
0xa9: {  	s1 =	ssub.s32 @!p0 $0x0, s1;
	[sflag:s0] =	ssyncset.done @!p0 $0x0  }
0xaa: {  	[sflag:s0] =	ssyncadd.s32 @!p0 s1  }
0xab: {  	[bflag:$0x3] =	sbarrier.arrive $0xFFFF  }
0xac: {  	_ =	shalt  }

// kernel: kernel.22.cloned.1.call-start
scs
__scs_entry_jumppad:
0x0: {  	(pc) =	sbr.rel $0x88, $3  }
0x1: {  	(tag) =	ssettag $0x0;
	lr =	simm.s32 $0x1  }
0x2: {  	[smem:$0x3F8A] =	sst lr;
	_ =	strace $0xD0000000  }
0x3: {  	_ = 	snop  }
0x4: {  	_ = 	snop  }
0x5: {  	_ = 	snop  }
0x6: {  	_ = 	snop  }
0x7: {  	_ = 	snop  }
__scs_overlays_trampoline_lowered:
0x8: {  	[smem:$0x3F99] =	sst s0  }
0x9: {  	[smem:$0x3F9A] =	sst s1  }
0xa: {  	[smem:$0x3F9B] =	sst s2  }
0xb: {  	[smem:$0x3F9C] =	sst s3  }
0xc: {  	[smem:$0x3F9D] =	sst s4  }
0xd: {  	[smem:$0x3F9E] =	sst s5  }
0xe: {  	[smem:$0x3F9F] =	sst s6  }
0xf: {  	[smem:$0x3FA0] =	sst s7  }
0x10: {  	[smem:$0x3FA1] =	sst s8  }
0x11: {  	[smem:$0x3FA2] =	sst s9;
	s0 =	simm.s32 @!p0 $0x0  }
0x12: {  	s1 =	sld [smem:$0x3F88];
	s0 =	simm.s32 @p0 $0x1  }
0x13: {  	[smem:$0x3FA3] =	sst s0;
	s0 =	simm.s32 @!p1 $0x0  }
0x14: {  	s2 =	sld [smem:$0x3F87];
	s0 =	simm.s32 @p1 $0x1  }
0x15: {  	[smem:$0x3FA4] =	sst s0;
	s0 =	simm.s32 @!p2 $0x0  }
0x16: {  	s3 =	sld [smem:$0x3FDB];
	s0 =	simm.s32 @p2 $0x1  }
0x17: {  	s4 =	simm.s32 $0x1BF5;
	[smem:$0x3FA6] =	sst s0  }
0x18: {  	s0 =	sld [smem:$0x3F89];
	_ =	swait.ge [sflag:s4], $0x0  }
0x19: {  	s7 =	sld [smem:$0x3F8A]  }
0x1a: {  	s8 =	sadd.s32 $0xFFFFE003, lr  }
0x1b: {  	s9 =	sadd.s32 $0xFFFFFEF7, lr;
	s5 =	simm.s32 $0xFFFFFFFF;
	p2 =	slt.u32 s8, $0xFFFFF086  }
0x1c: {  	p1 =	slt.u32 s9, $0xF7A;
	s5 =	simm.s32 @!p2 $0x0  }
0x1d: {  	s5 =	simm.s32 @p1 $0x1;
	p0 =	seq.s32 s7, s2  }
0x1e: {  	s7 =	smul.u32 @!p0 $0xF7A, s2;
	p2 =	seq.s32 @!p0 s5, $0x0  }
0x1f: {  	s9 =	smul.u32 $0xF7A, s1;
	s8 =	simm.s32 @!p0 $0x1BF5;
	p2 =	por !p2, p0  }
0x20: {  	[sflag:s8] =	ssyncset.s32 @!p0 $0xFFFFF086;
	s6 =	sadd.s32 @!p0 s3, s7;
	s7 =	simm.s32 @!p0 $0x108  }
0x21: {  	s3 =	sadd.s32 s3, s9;
	s6 =	sadd.s32 @!p0 $0x88, s6;
	s7 =	simm.s32 @p2 $0x1082  }
0x22: {  	[simem:s7], [sflag:s8] =	dma.local @!p0 [hbm:s6], $0xF7A  }
0x23: {  	s9 =	sor.u32 $0xD0000000, s2;
	s6 =	simm.s32 $0x108;
	_ =	swait.ge @!p0 [sflag:s8], $0x0  }
0x24: {  	s3 =	sadd.s32 $0x88, s3;
	s6 =	simm.s32 @!p1 $0x1082;
	[sflag:s4] =	ssyncset.s32 $0xFFFFF086  }
0x25: {  	[simem:s6], [sflag:s4] =	dma.local [hbm:s3], $0xF7A  }
0x26: {  	[smem:$0x3F8A] =	sst s1;
	(tag) =	ssettag s2;
	_ =	strace s9  }
0x27: {  	s1 =	sld [smem:$0x3F9A]  }
0x28: {  	s2 =	sld [smem:$0x3F9B]  }
0x29: {  	s4 =	sld [smem:$0x3F9D]  }
0x2a: {  	p0 =	seq.s32 s5, $0x0;
	s5 =	sld [smem:$0x3F9E]  }
0x2b: {  	s6 =	sld [smem:$0x3F9F]  }
0x2c: {  	s7 =	sld [smem:$0x3FA0]  }
0x2d: {  	s3 =	simm.s32 $0x108;
	s8 =	sld [smem:$0x3FA1]  }
0x2e: {  	s3 =	simm.s32 @!p0 $0x1082;
	s9 =	sld [smem:$0x3FA2]  }
0x2f: {  	lr =	sadd.s32 s0, s3;
	s0 =	sld [smem:$0x3F99]  }
0x30: {  	s3 =	sld [smem:$0x3F9C]  }
0x31: {  	[smem:$0x3FA5] =	sst s10  }
0x32: {  	s10 =	sld [smem:$0x3FA3];
	_ =	sdelay $0x3  }
0x33: {  	p0 =	seq.s32 s10, $0x1;
	s10 =	sld [smem:$0x3FA5];
	_ =	sdelay $0x3  }
0x34: {  	[smem:$0x3FA5] =	sst s10  }
0x35: {  	s10 =	sld [smem:$0x3FA4];
	_ =	sdelay $0x3  }
0x36: {  	p1 =	seq.s32 s10, $0x1;
	s10 =	sld [smem:$0x3FA5];
	_ =	sdelay $0x3  }
0x37: {  	[smem:$0x3FA5] =	sst s10  }
0x38: {  	s10 =	sld [smem:$0x3FA6]  }
0x39: {  	_ = 	snop;
	(pc) =	sbr.ind lr, $3  }
0x3a: {  	_ = 	snop  }
0x3b: {  	_ = 	snop  }
0x3c: {  	p2 =	seq.s32 s10, $0x1;
	s10 =	sld [smem:$0x3FA5]  }
0x3d: {  	_ =	shalt  }
0x3e: {  	_ =	shalt  }
0x3f: {  	_ =	shalt  }
0x40: {  	_ =	shalt  }
0x41: {  	_ =	shalt  }
0x42: {  	_ =	shalt  }
0x43: {  	_ =	shalt  }
0x44: {  	_ =	shalt  }
0x45: {  	_ =	shalt  }
0x46: {  	_ =	shalt  }
0x47: {  	_ =	shalt  }
0x48: {  	_ =	shalt  }
0x49: {  	_ =	shalt  }
0x4a: {  	_ =	shalt  }
0x4b: {  	_ =	shalt  }
0x4c: {  	_ =	shalt  }
0x4d: {  	_ =	shalt  }
0x4e: {  	_ =	shalt  }
0x4f: {  	_ =	shalt  }
0x50: {  	_ =	shalt  }
0x51: {  	_ =	shalt  }
0x52: {  	_ =	shalt  }
0x53: {  	_ =	shalt  }
0x54: {  	_ =	shalt  }
0x55: {  	_ =	shalt  }
0x56: {  	_ =	shalt  }
0x57: {  	_ =	shalt  }
0x58: {  	_ =	shalt  }
0x59: {  	_ =	shalt  }
0x5a: {  	_ =	shalt  }
0x5b: {  	_ =	shalt  }
0x5c: {  	_ =	shalt  }
0x5d: {  	_ =	shalt  }
0x5e: {  	_ =	shalt  }
0x5f: {  	_ =	shalt  }
0x60: {  	_ =	shalt  }
0x61: {  	_ =	shalt  }
0x62: {  	_ =	shalt  }
0x63: {  	_ =	shalt  }
0x64: {  	_ =	shalt  }
0x65: {  	_ =	shalt  }
0x66: {  	_ =	shalt  }
0x67: {  	_ =	shalt  }
0x68: {  	_ =	shalt  }
0x69: {  	_ =	shalt  }
0x6a: {  	_ =	shalt  }
0x6b: {  	_ =	shalt  }
0x6c: {  	_ =	shalt  }
0x6d: {  	_ =	shalt  }
0x6e: {  	_ =	shalt  }
0x6f: {  	_ =	shalt  }
0x70: {  	_ =	shalt  }
0x71: {  	_ =	shalt  }
0x72: {  	_ =	shalt  }
0x73: {  	_ =	shalt  }
0x74: {  	_ =	shalt  }
0x75: {  	_ =	shalt  }
0x76: {  	_ =	shalt  }
0x77: {  	_ =	shalt  }
0x78: {  	_ =	shalt  }
0x79: {  	_ =	shalt  }
0x7a: {  	_ =	shalt  }
0x7b: {  	_ =	shalt  }
0x7c: {  	_ =	shalt  }
0x7d: {  	_ =	shalt  }
0x7e: {  	_ =	shalt  }
0x7f: {  	_ =	shalt  }
0x80: {  	_ =	shalt  }
0x81: {  	_ =	shalt  }
0x82: {  	_ =	shalt  }
0x83: {  	_ =	shalt  }
0x84: {  	_ =	shalt  }
0x85: {  	_ =	shalt  }
0x86: {  	_ =	shalt  }
0x87: {  	_ =	shalt  }
.Lfunc_end0:
.L_simem_size_0:
called_computation.3_lowered:
.L_overlay_start_0:
0x88: {  	s2 =	sld [smem:$0x3FD9]  }
0x89: {  	s3 =	sld [smem:$0x3FFE];
	_ =	sdelay $0x1  }
0x8a: {  	s1 =	srdreg.scid  }
0x8b: {  	s0 =	sand.u32 $0x1, s1  }
0x8c: {  	s17 =	sshll.u32 s0, $0xA;
	s2 =	sadd.s32 s3, s2  }
0x8d: {  	s2 =	sadd.s32 s2, s17  }
0x8e: {  	[smem:$0x3FB1] =	sst s2  }
0x8f: {  	_ = 	snop  }
0x90: {  	s2 =	sld [smem:$0x3FD0];
	(tm) =	ssettm $0x1  }
0x91: {  	s18 =	sld [smem:$0x3FFB];
	_ =	sdelay $0x3  }
0x92: {  	_ =	strace s18  }
0x93: {  	s3 =	sld [smem:$0x3FFC];
	_ =	sdelay $0x3  }
0x94: {  	_ =	strace s3  }
0x95: {  	s3 =	sld [smem:$0x3FFD];
	_ =	sdelay $0x3  }
0x96: {  	_ =	strace s3  }
0x97: {  	_ =	strace $0x8FFFFFFF  }
0x98: {  	s19 =	sld [smem:$0x3FDB];
	_ =	sdelay $0x1  }
0x99: {  	s4 =	simm.s32 $_scs_section_size  }
0x9a: {  	s5 =	simm.s32 $_size__tile_overlayer_lowered;
	s6 =	simm.s32 $_tile_overlayer_lowered  }
0x9b: {  	s22 =	simm.s32 $0x1BFF;
	s21 =	sshll.u32 s6, $0x1;
	s3 =	sadd.s32 s4, s19  }
0x9c: {  	s7 =	simm.s32 $0x0;
	s20 =	sshll.u32 s5, $0x1;
	s5 =	sadd.s32 s21, s3  }
0x9d: {  	[timem:s7], [sflag:s22] =	dma.local [hbm:s5], s20  }
0x9e: {  	_ =	swait.ge [sflag:s22], s20  }
0x9f: {  	s4 =	ssub.s32 $0x0, s20;
	[sflag:s22] =	ssyncset.done $0x0  }
0xa0: {  	[sflag:s22] =	ssyncadd.s32 s4;
	_ =	sdelay $0x1  }
0xa1: {  	s23 =	simm.s32 $0x1B8B  }
0xa2: {  	_ =	swait.ge [sflag:s23], $0x1  }
0xa3: {  	[sflag:s23] =	ssyncset.done $0x0  }
0xa4: {  	s25 =	simm.s32 $0x1B8E;
	s24 =	sld [smem:$0x3FFE];
	[sflag:s23] =	ssyncadd.s32 $0xFFFFFFFF  }
0xa5: {  	s26 =	simm.s32 $execute0_lowered;
	[smem:$0x3FD2] =	sst s25  }
0xa6: {  	s5 =	sshll.u32 s26, $0x1;
	_ =	strace $0x8000004F;
	[dreg:$0x1] =	wrdreg $0xFFFFFFFF  }
0xa7: {  	s28 =	simm.s32 $_size_execute0_lowered;
	s3 =	sadd.s32 s3, s5;
	[dreg:$0x0] =	wrdreg $0x0  }
0xa8: {  	s5 =	sshll.u32 s28, $0x1;
	[dreg:$0x2] =	wrdreg s3  }
0xa9: {  	[dreg:$0x3] =	wrdreg s5  }
0xaa: {  	[dreg:$0x4] =	wrdreg $0xC0  }
0xab: {  	_ =	task [dreg:s7], $0x5FFFF  }
0xac: {  	[dreg:$0x1] =	wrdreg $0xFFFFFFFF  }
0xad: {  	[dreg:$0x0] =	wrdreg $0x60  }
0xae: {  	[dreg:$0x2] =	wrdreg s2  }
0xaf: {  	[dreg:$0x3] =	wrdreg s24  }
0xb0: {  	[dreg:$0x4] =	wrdreg $0xDE000  }
0xb1: {  	[dreg:$0x5] =	wrdreg $0x9  }
0xb2: {  	_ =	task.clear_ibuf [dreg:s7], $0x6FFFF;
	_ =	strace $0x9000004F  }
0xb3: {  	s29 =	simm.s32 $0x9;
	_ =	strace $0x80000051  }
0xb4: {  	_ =	swait.ge [sflag:s29], $0x1  }
0xb5: {  	[sflag:s29] =	ssyncadd.s32 $0xFFFFFFFF  }
0xb6: {  	_ =	strace $0x90000051  }
0xb7: {  	_ =	sfence  }
0xb8: {  	s30 =	sld [smem:$0x0];
	_ =	sdelay $0x2  }
0xb9: {  	s31 =	sshll.u32 s1, $0xD;
	s1 =	sshrl.u32 s1, $0x2  }
0xba: {  	s3 =	sand.u32 $0x4000, s31;
	s1 =	sadd.s32 s1, s30  }
0xbb: {  	s0 =	sor.u32 s3, s0;
	s1 =	sshll.u32 s1, $0x11  }
0xbc: {  	s0 =	sor.u32 s1, s0  }
0xbd: {  	s0 =	sadd.s32 $0x8F2B, s0  }
0xbe: {  	[sflag:s0] =	ssyncadd.remote.s32 $0x1  }
0xbf: {  	_ =	sfence.sel $0xFFFF  }
0xc0: {  	[dreg:$0x0] =	wrdreg $0xFFFFFFFF;
	(pc) =	sbr.abs _section_cstart, $3  }
0xc1: {  	[dreg:$0x1] =	wrdreg $0xFFFFFFFF  }
0xc2: {  	_ =	task.clear_ibuf [dreg:s7], $0x2FFFF;
	_ =	strace $0x9FFFFFFF  }
0xc3: {  	(tm) =	ssettm $0x7FFFFFFF  }
tec
execute0_lowered:
.L_overlay_start_1:
0x0: {  	(tag) =	ssettag $0x1  }
0x1: {  	s1 =	rddreg [dreg:$0x0]  }
0x2: {  	s7 =	rddreg [dreg:$0x1]  }
0x3: {  	s0 =	stileid.u32;
	s2 =	srdreg.scid  }
0x4: {  	s3 =	rddreg [dreg:$0x2];
	s4 =	simm.s32 $0x0;
	s14 =	simm.s32 $0x4F00  }
0x5: {  	s15 =	simm.s32 $0x80;
	s16 =	simm.s32 $0x9E00;
	s17 =	simm.s32 $0xBE00  }
0x6: {  	s18 =	simm.s32 $0x1;
	s19 =	simm.s32 $0x2;
	s20 =	simm.s32 $0x4E80  }
0x7: {  	s21 =	simm.s32 $0x9D00;
	s22 =	simm.s32 $0x9D80;
	s23 =	simm.s32 $0x0  }
0x8: {  	s10 =	sand.u32 $0x1, s2;
	s8 =	smul.u32 $0xA000, s0;
	s2 =	rddreg [dreg:$0x3]  }
0x9: {  	[smem:$0x7FF] =	sst s4;
	s9 =	smul.u32 $0x9E0, s0;
	s5 =	sadd.s32 $0x4200, s7  }
0xa: {  	s31 =	sshll.u32 s0, $0x6;
	s6 =	smul.u32 $0xA0000, s10;
	_ =	strace $0x80000050  }
0xb: {  	s12 =	ssub.s32 $0x2, s10;
	p0 =	seq.s32 s10, $0x1;
	s9 =	sadd.s32 s9, s7  }
.Ltmp0:
0xc: {  	s30 =	sshrl.u32 s12, $0x1;
	s6 =	sadd.s32 s8, s6;
	(pc) =	sbr.rel .LBB2_1-.Ltmp0, $4  }
0xd: {  	s13 =	sadd.s32 s8, s3;
	s12 =	ssub.s32 s12, s30;
	s11 =	sshrl.u32 s6, $0x3  }
0xe: {  	s8 =	sadd.s32 $0x18A00, s9;
	s9 =	sadd.s32 $0x22800, s9;
	s11 =	sadd.s32 s11, s7  }
0xf: {  	s6 =	sadd.s32 $0x54600, s7;
	s7 =	sor.u32 $0x1C03, s31;
	s10 =	sadd.s32 $0x2C600, s11  }
0x10: {  	s11 =	smax.u32 s12, $0x1;
	s12 =	sshrl.u32 s13, $0x3;
	s13 =	simm.s32 $0x3  }
.LBB2_7:
0x11: {  	s25 =	sadd.s32 $0x80, s24;
	[sflag:s13] =	ssyncadd.s32 $0xFFFFE000  }
0x12: {  	[tilespmem:s17], [sflag:$0x2] =	stream.indirect.gather [hbm4b:s5+s15], $0x40, s25, s15, $0xb8;
	[tilespmem:$0x17E00] =	vst v63  }
0x13: {  	_ =	swait.ge [sflag:s18], $0x2000  }
0x14: {  	[sflag:s18] =	ssyncset.done $0x0  }
0x15: {  	s29 =	sadd.s32 $0x4F00, s24;
	[sflag:s18] =	ssyncadd.s32 $0xFFFFE000  }
0x16: {  	[spmem:s3] =	stream.indirect.scatter.add.f32 [tilespmem:s16], [sflag:$0x3], $0x40, s29, s15, $0xb8;
	[tilespmem:$0x17E00] =	vst v63  }
0x17: {  	_ =	swait.ge [sflag:s13], $0x2000  }
0x18: {  	[sflag:s13] =	ssyncset.done $0x0  }
0x19: {  	s30 =	sadd.s32 $0x100, s24;
	[sflag:s13] =	ssyncadd.s32 $0xFFFFE000  }
0x1a: {  	[tilespmem:s16], [sflag:$0x1] =	stream.indirect.gather [hbm4b:s5+s15], $0x40, s30, s15, $0xb8;
	[tilespmem:$0x17E00] =	vst v63  }
0x1b: {  	_ =	swait.ge [sflag:s19], $0x2000  }
0x1c: {  	[sflag:s19] =	ssyncset.done $0x0  }
0x1d: {  	s31 =	sadd.s32 $0x4F80, s24;
	[sflag:s19] =	ssyncadd.s32 $0xFFFFE000  }
0x1e: {  	[spmem:s3] =	stream.indirect.scatter.add.f32 [tilespmem:s17], [sflag:$0x3], $0x40, s31, s15, $0xb8;
	[tilespmem:$0x17E00] =	vst v63  }
0x1f: {  	_ =	swait.ge [sflag:s13], $0x2000  }
0x20: {  	[sflag:s13] =	ssyncset.done $0x0  }
0x21: {  	[sflag:s13] =	ssyncadd.s32 $0xFFFFE000  }
0x22: {  	[tilespmem:s17], [sflag:$0x2] =	stream.indirect.gather [hbm4b:s5+s15], $0x40, s20, s15, $0xb8;
	[tilespmem:$0x17E00] =	vst v63  }
.LBB2_8:
0x23: {  	_ =	swait.ge [sflag:s18], $0x2000  }
0x24: {  	[sflag:s18] =	ssyncset.done $0x0  }
0x25: {  	[sflag:s18] =	ssyncadd.s32 $0xFFFFE000  }
0x26: {  	[spmem:s3] =	stream.indirect.scatter.add.f32 [tilespmem:s16], [sflag:$0x3], $0x40, s21, s15, $0xb8;
	[tilespmem:$0x17E00] =	vst v63  }
0x27: {  	_ =	swait.ge [sflag:s13], $0x2000  }
0x28: {  	[sflag:s13] =	ssyncset.done $0x0  }
0x29: {  	[sflag:s13] =	ssyncadd.s32 $0xFFFFE000  }
0x2a: {  	_ =	swait.ge [sflag:s19], $0x2000  }
0x2b: {  	[sflag:s19] =	ssyncset.done $0x0  }
0x2c: {  	[sflag:s19] =	ssyncadd.s32 $0xFFFFE000  }
0x2d: {  	[spmem:s3] =	stream.indirect.scatter.add.f32 [tilespmem:s17], [sflag:$0x3], $0x40, s22, s15, $0xb8;
	[tilespmem:$0x17E00] =	vst v63  }
0x2e: {  	_ =	swait.ge [sflag:s13], $0x2000  }
0x2f: {  	s23 =	sadd.s32 $0x1, s23;
	[sflag:s13] =	ssyncset.done $0x0  }
0x30: {  	p1 =	sne.s32 s23, s11;
	[sflag:s13] =	ssyncadd.s32 $0xFFFFE000  }
.Ltmp1:
0x31: {  	[bflag:$0x0] =	sbarrier.arrive $0xFFFF;
	(pc) =	sbr.rel @!p1 .LBB2_9-.Ltmp1, $4  }
0x32: {  	[hbm:s10], [sflag:s7] =	dma.local [spmem:s12], $0x1400  }
0x33: {  	_ =	swait.ge [sflag:s13], $0x1400  }
0x34: {  	[sflag:s13] =	ssyncset.done $0x0  }
0x35: {  	[sflag:s13] =	ssyncadd.s32 $0xFFFFEC00  }
.LBB2_1:
0x36: {  	[spmem:s12], [sflag:s7] =	dma.local [hbm:s6], $0x1400  }
0x37: {  	_ =	swait.ge [sflag:s13], $0x1400  }
0x38: {  	[sflag:s13] =	ssyncset.done $0x0  }
0x39: {  	[sflag:s13] =	ssyncadd.s32 $0xFFFFEC00  }
0x3a: {  	[tilespmem:s4], [sflag:$0x3] =	stream.linear.gather [hbm4b:s8+s4], $0x4F00, $0x38;
	[tilespmem:$0x17E00] =	vst v63  }
0x3b: {  	_ =	swait.ge [sflag:s13], $0x4F00  }
0x3c: {  	[sflag:s13] =	ssyncset.done $0x0  }
0x3d: {  	[sflag:s13] =	ssyncadd.s32 $0xFFFFB100  }
0x3e: {  	[tilespmem:s14], [sflag:$0x3] =	stream.linear.gather [hbm4b:s9+s4], $0x4F00, $0x38;
	[tilespmem:$0x17E00] =	vst v63  }
.Ltmp2:
0x3f: {  	_ =	swait.ge [sflag:s13], $0x4F00;
	(pc) =	sbr.rel @!p0 .LBB2_2-.Ltmp2, $4  }
0x40: {  	[sflag:s13] =	ssyncset.done $0x0  }
0x41: {  	[sflag:s13] =	ssyncadd.s32 $0xFFFFB100  }
0x42: {  	[bflag:$0x0] =	sbarrier.arrive $0xFFFF  }
0x43: {  	s24 =	simm.s32 $0x0  }
0x44: {  	[tilespmem:s16], [sflag:$0x1] =	stream.indirect.gather [hbm4b:s5+s15], $0x40, s24, s15, $0xb8;
	[tilespmem:$0x17E00] =	vst v63  }
0x45: {  	s28 =	simm.s32 $0x80  }
0x46: {  	[tilespmem:s17], [sflag:$0x2] =	stream.indirect.gather [hbm4b:s5+s15], $0x40, s28, s15, $0xb8;
	[tilespmem:$0x17E00] =	vst v63  }
0x47: {  	_ =	swait.ge [sflag:s18], $0x2000  }
0x48: {  	[sflag:s18] =	ssyncset.done $0x0  }
0x49: {  	s29 =	simm.s32 $0x4F00;
	[sflag:s18] =	ssyncadd.s32 $0xFFFFE000  }
0x4a: {  	[spmem:s3] =	stream.indirect.scatter.add.f32 [tilespmem:s16], [sflag:$0x3], $0x40, s29, s15, $0xb8;
	[tilespmem:$0x17E00] =	vst v63  }
0x4b: {  	_ =	swait.ge [sflag:s13], $0x2000  }
0x4c: {  	[sflag:s13] =	ssyncset.done $0x0  }
0x4d: {  	s30 =	simm.s32 $0x100;
	[sflag:s13] =	ssyncadd.s32 $0xFFFFE000  }
0x4e: {  	[tilespmem:s16], [sflag:$0x1] =	stream.indirect.gather [hbm4b:s5+s15], $0x40, s30, s15, $0xb8;
	[tilespmem:$0x17E00] =	vst v63  }
0x4f: {  	_ =	swait.ge [sflag:s19], $0x2000  }
0x50: {  	[sflag:s19] =	ssyncset.done $0x0  }
0x51: {  	s31 =	simm.s32 $0x4F80;
	[sflag:s19] =	ssyncadd.s32 $0xFFFFE000  }
0x52: {  	[spmem:s3] =	stream.indirect.scatter.add.f32 [tilespmem:s17], [sflag:$0x3], $0x40, s31, s15, $0xb8;
	[tilespmem:$0x17E00] =	vst v63  }
0x53: {  	_ =	swait.ge [sflag:s13], $0x2000  }
0x54: {  	s25 =	simm.s32 $0x800;
	s24 =	simm.s32 $0x100;
	[sflag:s13] =	ssyncset.done $0x0  }
.LBB2_6:
0x55: {  	s26 =	sadd.s32 $0x80, s24  }
0x56: {  	[sflag:s13] =	ssyncadd.s32 $0xFFFFE000;
	s28 =	smov.u32 s25;
	s29 =	sadd.s32 $0x400, s25  }
0x57: {  	[tilespmem:s17], [sflag:$0x2] =	stream.indirect.gather [hbm4b:s5+s15], $0x40, s26, s15, $0xb8;
	[tilespmem:$0x17E00] =	vst v63  }
0x58: {  	p1 =	sne.s32 s25, $0x13400;
	_ =	swait.ge [sflag:s18], $0x2000  }
0x59: {  	[sflag:s18] =	ssyncset.done $0x0  }
0x5a: {  	s25 =	sadd.s32 $0x4F00, s24;
	[sflag:s18] =	ssyncadd.s32 $0xFFFFE000  }
0x5b: {  	[spmem:s3] =	stream.indirect.scatter.add.f32 [tilespmem:s16], [sflag:$0x3], $0x40, s25, s15, $0xb8;
	[tilespmem:$0x17E00] =	vst v63  }
0x5c: {  	_ =	swait.ge [sflag:s13], $0x2000  }
0x5d: {  	[sflag:s13] =	ssyncset.done $0x0  }
0x5e: {  	s25 =	sadd.s32 $0x100, s24;
	[sflag:s13] =	ssyncadd.s32 $0xFFFFE000  }
0x5f: {  	[tilespmem:s16], [sflag:$0x1] =	stream.indirect.gather [hbm4b:s5+s15], $0x40, s25, s15, $0xb8;
	[tilespmem:$0x17E00] =	vst v63  }
0x60: {  	_ =	swait.ge [sflag:s19], $0x2000  }
.Ltmp3:
0x61: {  	[sflag:s19] =	ssyncset.done $0x0;
	(pc) =	sbr.rel @p1 .LBB2_6-.Ltmp3, $4  }
0x62: {  	s24 =	sadd.s32 $0x4F80, s24;
	[sflag:s19] =	ssyncadd.s32 $0xFFFFE000  }
0x63: {  	[spmem:s3] =	stream.indirect.scatter.add.f32 [tilespmem:s17], [sflag:$0x3], $0x40, s24, s15, $0xb8;
	[tilespmem:$0x17E00] =	vst v63  }
0x64: {  	_ =	swait.ge [sflag:s13], $0x2000  }
0x65: {  	s25 =	smov.u32 s29;
	s24 =	sshra.s32 s28, $0x2;
	[sflag:s13] =	ssyncset.done $0x0  }
.Ltmp4:
0x66: {  	_ = 	snop;
	(pc) =	sbr.rel .LBB2_7-.Ltmp4, $1  }
0x67: {  	_ =	sdelay $0x3  }
.LBB2_2:
0x68: {  	[tilespmem:s16], [sflag:$0x1] =	stream.indirect.gather [hbm4b:s1+s15], $0x40, s24, s15, $0xb8;
	[tilespmem:$0x17E00] =	vst v63  }
0x69: {  	s28 =	simm.s32 $0x80  }
0x6a: {  	[tilespmem:s17], [sflag:$0x2] =	stream.indirect.gather [hbm4b:s1+s15], $0x40, s28, s15, $0xb8;
	[tilespmem:$0x17E00] =	vst v63  }
0x6b: {  	_ =	swait.ge [sflag:s18], $0x2000  }
0x6c: {  	[sflag:s18] =	ssyncset.done $0x0  }
0x6d: {  	s29 =	simm.s32 $0x4F00;
	[sflag:s18] =	ssyncadd.s32 $0xFFFFE000  }
0x6e: {  	[spmem:s3] =	stream.indirect.scatter.add.f32 [tilespmem:s16], [sflag:$0x3], $0x40, s29, s15, $0xb8;
	[tilespmem:$0x17E00] =	vst v63  }
0x6f: {  	_ =	swait.ge [sflag:s13], $0x2000  }
0x70: {  	[sflag:s13] =	ssyncset.done $0x0  }
0x71: {  	s30 =	simm.s32 $0x100;
	[sflag:s13] =	ssyncadd.s32 $0xFFFFE000  }
0x72: {  	[tilespmem:s16], [sflag:$0x1] =	stream.indirect.gather [hbm4b:s1+s15], $0x40, s30, s15, $0xb8;
	[tilespmem:$0x17E00] =	vst v63  }
0x73: {  	_ =	swait.ge [sflag:s19], $0x2000  }
0x74: {  	[sflag:s19] =	ssyncset.done $0x0  }
0x75: {  	s31 =	simm.s32 $0x4F80;
	[sflag:s19] =	ssyncadd.s32 $0xFFFFE000  }
0x76: {  	[spmem:s3] =	stream.indirect.scatter.add.f32 [tilespmem:s17], [sflag:$0x3], $0x40, s31, s15, $0xb8;
	[tilespmem:$0x17E00] =	vst v63  }
0x77: {  	_ =	swait.ge [sflag:s13], $0x2000  }
0x78: {  	s25 =	simm.s32 $0x800;
	s24 =	simm.s32 $0x100;
	[sflag:s13] =	ssyncset.done $0x0  }
.LBB2_3:
0x79: {  	s26 =	sadd.s32 $0x80, s24  }
0x7a: {  	[sflag:s13] =	ssyncadd.s32 $0xFFFFE000;
	s28 =	smov.u32 s25;
	s29 =	sadd.s32 $0x400, s25  }
0x7b: {  	[tilespmem:s17], [sflag:$0x2] =	stream.indirect.gather [hbm4b:s1+s15], $0x40, s26, s15, $0xb8;
	[tilespmem:$0x17E00] =	vst v63  }
0x7c: {  	p1 =	seq.s32 s25, $0x13400;
	_ =	swait.ge [sflag:s18], $0x2000  }
0x7d: {  	[sflag:s18] =	ssyncset.done $0x0  }
0x7e: {  	s25 =	sadd.s32 $0x4F00, s24;
	[sflag:s18] =	ssyncadd.s32 $0xFFFFE000  }
0x7f: {  	[spmem:s3] =	stream.indirect.scatter.add.f32 [tilespmem:s16], [sflag:$0x3], $0x40, s25, s15, $0xb8;
	[tilespmem:$0x17E00] =	vst v63  }
0x80: {  	_ =	swait.ge [sflag:s13], $0x2000  }
0x81: {  	[sflag:s13] =	ssyncset.done $0x0  }
0x82: {  	s25 =	sadd.s32 $0x100, s24;
	[sflag:s13] =	ssyncadd.s32 $0xFFFFE000  }
0x83: {  	[tilespmem:s16], [sflag:$0x1] =	stream.indirect.gather [hbm4b:s1+s15], $0x40, s25, s15, $0xb8;
	[tilespmem:$0x17E00] =	vst v63  }
0x84: {  	_ =	swait.ge [sflag:s19], $0x2000  }
.Ltmp5:
0x85: {  	[sflag:s19] =	ssyncset.done $0x0;
	(pc) =	sbr.rel @!p1 .LBB2_3-.Ltmp5, $4  }
0x86: {  	s24 =	sadd.s32 $0x4F80, s24;
	[sflag:s19] =	ssyncadd.s32 $0xFFFFE000  }
0x87: {  	[spmem:s3] =	stream.indirect.scatter.add.f32 [tilespmem:s17], [sflag:$0x3], $0x40, s24, s15, $0xb8;
	[tilespmem:$0x17E00] =	vst v63  }
0x88: {  	_ =	swait.ge [sflag:s13], $0x2000  }
0x89: {  	s25 =	smov.u32 s29;
	s24 =	sshra.s32 s28, $0x2;
	[sflag:s13] =	ssyncset.done $0x0  }
0x8a: {  	s25 =	sadd.s32 $0x80, s24;
	[sflag:s13] =	ssyncadd.s32 $0xFFFFE000  }
0x8b: {  	[tilespmem:s17], [sflag:$0x2] =	stream.indirect.gather [hbm4b:s1+s15], $0x40, s25, s15, $0xb8;
	[tilespmem:$0x17E00] =	vst v63  }
0x8c: {  	_ =	swait.ge [sflag:s18], $0x2000  }
0x8d: {  	[sflag:s18] =	ssyncset.done $0x0  }
0x8e: {  	s29 =	sadd.s32 $0x4F00, s24;
	[sflag:s18] =	ssyncadd.s32 $0xFFFFE000  }
0x8f: {  	[spmem:s3] =	stream.indirect.scatter.add.f32 [tilespmem:s16], [sflag:$0x3], $0x40, s29, s15, $0xb8;
	[tilespmem:$0x17E00] =	vst v63  }
0x90: {  	_ =	swait.ge [sflag:s13], $0x2000  }
0x91: {  	[sflag:s13] =	ssyncset.done $0x0  }
0x92: {  	s30 =	sadd.s32 $0x100, s24;
	[sflag:s13] =	ssyncadd.s32 $0xFFFFE000  }
0x93: {  	[tilespmem:s16], [sflag:$0x1] =	stream.indirect.gather [hbm4b:s1+s15], $0x40, s30, s15, $0xb8;
	[tilespmem:$0x17E00] =	vst v63  }
0x94: {  	_ =	swait.ge [sflag:s19], $0x2000  }
0x95: {  	[sflag:s19] =	ssyncset.done $0x0  }
0x96: {  	s31 =	sadd.s32 $0x4F80, s24;
	[sflag:s19] =	ssyncadd.s32 $0xFFFFE000  }
0x97: {  	[spmem:s3] =	stream.indirect.scatter.add.f32 [tilespmem:s17], [sflag:$0x3], $0x40, s31, s15, $0xb8;
	[tilespmem:$0x17E00] =	vst v63  }
.Ltmp6:
0x98: {  	_ = 	snop;
	(pc) =	sbr.rel .LBB2_8-.Ltmp6, $4  }
0x99: {  	_ =	swait.ge [sflag:s13], $0x2000  }
0x9a: {  	[sflag:s13] =	ssyncset.done $0x0  }
0x9b: {  	[sflag:s13] =	ssyncadd.s32 $0xFFFFE000  }
0x9c: {  	[tilespmem:s17], [sflag:$0x2] =	stream.indirect.gather [hbm4b:s1+s15], $0x40, s20, s15, $0xb8;
	[tilespmem:$0x17E00] =	vst v63  }
.LBB2_9:
0x9d: {  	_ =	sfence.sel $0x180000  }
0x9e: {  	[bflag:$0x0] =	sbarrier.arrive $0xFFFF  }
0x9f: {  	p0 =	sne.s32 s0, $0x0;
	_ =	strace $0x90000050  }
0xa0: {  	s0 =	sadd.s32 @!p0 $0x100000, s2;
	[bflag:$0x2] =	sbarrier.arrive $0xFFFF  }
0xa1: {  	[sflag:s0] =	ssyncadd.tile.s32 @!p0 $0x1;
	_ =	shalt  }
.Lfunc_end2:
_tile_overlayer_lowered:
.L_overlay_start_2:
0xa2: {  	(tag) =	ssettag $0x2  }
0xa3: {  	s0 =	rddreg [dreg:$0x0];
	s2 =	stileid.u32  }
0xa4: {  	s1 =	rddreg [dreg:$0x1];
	p0 =	sne.s32 s2, $0x0  }
0xa5: {  	s3 =	rddreg [dreg:$0x2];
	[bflag:$0x3] =	sbarrier.arrive $0xFFFF;
	s2 =	simm.s32 @!p0 $0x1C03  }
0xa6: {  	[timem:s3], [sflag:s2] =	dma.local @!p0 [hbm:s0], s1  }
0xa7: {  	s0 =	simm.s32 @!p0 $0x3  }
0xa8: {  	_ =	swait.ge @!p0 [sflag:s0], s1  }
0xa9: {  	s1 =	ssub.s32 @!p0 $0x0, s1;
	[sflag:s0] =	ssyncset.done @!p0 $0x0  }
0xaa: {  	[sflag:s0] =	ssyncadd.s32 @!p0 s1  }
0xab: {  	[bflag:$0x3] =	sbarrier.arrive $0xFFFF  }
0xac: {  	_ =	shalt  }

// kernel: kernel.25.cloned.1.call-start
scs
__scs_entry_jumppad:
0x0: {  	(pc) =	sbr.rel $0x88, $3  }
0x1: {  	(tag) =	ssettag $0x0;
	lr =	simm.s32 $0x1  }
0x2: {  	[smem:$0x3F8A] =	sst lr;
	_ =	strace $0xD0000000  }
0x3: {  	_ = 	snop  }
0x4: {  	_ = 	snop  }
0x5: {  	_ = 	snop  }
0x6: {  	_ = 	snop  }
0x7: {  	_ = 	snop  }
__scs_overlays_trampoline_lowered:
0x8: {  	[smem:$0x3F99] =	sst s0  }
0x9: {  	[smem:$0x3F9A] =	sst s1  }
0xa: {  	[smem:$0x3F9B] =	sst s2  }
0xb: {  	[smem:$0x3F9C] =	sst s3  }
0xc: {  	[smem:$0x3F9D] =	sst s4  }
0xd: {  	[smem:$0x3F9E] =	sst s5  }
0xe: {  	[smem:$0x3F9F] =	sst s6  }
0xf: {  	[smem:$0x3FA0] =	sst s7  }
0x10: {  	[smem:$0x3FA1] =	sst s8  }
0x11: {  	[smem:$0x3FA2] =	sst s9;
	s0 =	simm.s32 @!p0 $0x0  }
0x12: {  	s1 =	sld [smem:$0x3F88];
	s0 =	simm.s32 @p0 $0x1  }
0x13: {  	[smem:$0x3FA3] =	sst s0;
	s0 =	simm.s32 @!p1 $0x0  }
0x14: {  	s2 =	sld [smem:$0x3F87];
	s0 =	simm.s32 @p1 $0x1  }
0x15: {  	[smem:$0x3FA4] =	sst s0;
	s0 =	simm.s32 @!p2 $0x0  }
0x16: {  	s3 =	sld [smem:$0x3FDB];
	s0 =	simm.s32 @p2 $0x1  }
0x17: {  	s4 =	simm.s32 $0x1BF5;
	[smem:$0x3FA6] =	sst s0  }
0x18: {  	s0 =	sld [smem:$0x3F89];
	_ =	swait.ge [sflag:s4], $0x0  }
0x19: {  	s7 =	sld [smem:$0x3F8A]  }
0x1a: {  	s8 =	sadd.s32 $0xFFFFE003, lr  }
0x1b: {  	s9 =	sadd.s32 $0xFFFFFEF7, lr;
	s5 =	simm.s32 $0xFFFFFFFF;
	p2 =	slt.u32 s8, $0xFFFFF086  }
0x1c: {  	p1 =	slt.u32 s9, $0xF7A;
	s5 =	simm.s32 @!p2 $0x0  }
0x1d: {  	s5 =	simm.s32 @p1 $0x1;
	p0 =	seq.s32 s7, s2  }
0x1e: {  	s7 =	smul.u32 @!p0 $0xF7A, s2;
	p2 =	seq.s32 @!p0 s5, $0x0  }
0x1f: {  	s9 =	smul.u32 $0xF7A, s1;
	s8 =	simm.s32 @!p0 $0x1BF5;
	p2 =	por !p2, p0  }
0x20: {  	[sflag:s8] =	ssyncset.s32 @!p0 $0xFFFFF086;
	s6 =	sadd.s32 @!p0 s3, s7;
	s7 =	simm.s32 @!p0 $0x108  }
0x21: {  	s3 =	sadd.s32 s3, s9;
	s6 =	sadd.s32 @!p0 $0x88, s6;
	s7 =	simm.s32 @p2 $0x1082  }
0x22: {  	[simem:s7], [sflag:s8] =	dma.local @!p0 [hbm:s6], $0xF7A  }
0x23: {  	s9 =	sor.u32 $0xD0000000, s2;
	s6 =	simm.s32 $0x108;
	_ =	swait.ge @!p0 [sflag:s8], $0x0  }
0x24: {  	s3 =	sadd.s32 $0x88, s3;
	s6 =	simm.s32 @!p1 $0x1082;
	[sflag:s4] =	ssyncset.s32 $0xFFFFF086  }
0x25: {  	[simem:s6], [sflag:s4] =	dma.local [hbm:s3], $0xF7A  }
0x26: {  	[smem:$0x3F8A] =	sst s1;
	(tag) =	ssettag s2;
	_ =	strace s9  }
0x27: {  	s1 =	sld [smem:$0x3F9A]  }
0x28: {  	s2 =	sld [smem:$0x3F9B]  }
0x29: {  	s4 =	sld [smem:$0x3F9D]  }
0x2a: {  	p0 =	seq.s32 s5, $0x0;
	s5 =	sld [smem:$0x3F9E]  }
0x2b: {  	s6 =	sld [smem:$0x3F9F]  }
0x2c: {  	s7 =	sld [smem:$0x3FA0]  }
0x2d: {  	s3 =	simm.s32 $0x108;
	s8 =	sld [smem:$0x3FA1]  }
0x2e: {  	s3 =	simm.s32 @!p0 $0x1082;
	s9 =	sld [smem:$0x3FA2]  }
0x2f: {  	lr =	sadd.s32 s0, s3;
	s0 =	sld [smem:$0x3F99]  }
0x30: {  	s3 =	sld [smem:$0x3F9C]  }
0x31: {  	[smem:$0x3FA5] =	sst s10  }
0x32: {  	s10 =	sld [smem:$0x3FA3];
	_ =	sdelay $0x3  }
0x33: {  	p0 =	seq.s32 s10, $0x1;
	s10 =	sld [smem:$0x3FA5];
	_ =	sdelay $0x3  }
0x34: {  	[smem:$0x3FA5] =	sst s10  }
0x35: {  	s10 =	sld [smem:$0x3FA4];
	_ =	sdelay $0x3  }
0x36: {  	p1 =	seq.s32 s10, $0x1;
	s10 =	sld [smem:$0x3FA5];
	_ =	sdelay $0x3  }
0x37: {  	[smem:$0x3FA5] =	sst s10  }
0x38: {  	s10 =	sld [smem:$0x3FA6]  }
0x39: {  	_ = 	snop;
	(pc) =	sbr.ind lr, $3  }
0x3a: {  	_ = 	snop  }
0x3b: {  	_ = 	snop  }
0x3c: {  	p2 =	seq.s32 s10, $0x1;
	s10 =	sld [smem:$0x3FA5]  }
0x3d: {  	_ =	shalt  }
0x3e: {  	_ =	shalt  }
0x3f: {  	_ =	shalt  }
0x40: {  	_ =	shalt  }
0x41: {  	_ =	shalt  }
0x42: {  	_ =	shalt  }
0x43: {  	_ =	shalt  }
0x44: {  	_ =	shalt  }
0x45: {  	_ =	shalt  }
0x46: {  	_ =	shalt  }
0x47: {  	_ =	shalt  }
0x48: {  	_ =	shalt  }
0x49: {  	_ =	shalt  }
0x4a: {  	_ =	shalt  }
0x4b: {  	_ =	shalt  }
0x4c: {  	_ =	shalt  }
0x4d: {  	_ =	shalt  }
0x4e: {  	_ =	shalt  }
0x4f: {  	_ =	shalt  }
0x50: {  	_ =	shalt  }
0x51: {  	_ =	shalt  }
0x52: {  	_ =	shalt  }
0x53: {  	_ =	shalt  }
0x54: {  	_ =	shalt  }
0x55: {  	_ =	shalt  }
0x56: {  	_ =	shalt  }
0x57: {  	_ =	shalt  }
0x58: {  	_ =	shalt  }
0x59: {  	_ =	shalt  }
0x5a: {  	_ =	shalt  }
0x5b: {  	_ =	shalt  }
0x5c: {  	_ =	shalt  }
0x5d: {  	_ =	shalt  }
0x5e: {  	_ =	shalt  }
0x5f: {  	_ =	shalt  }
0x60: {  	_ =	shalt  }
0x61: {  	_ =	shalt  }
0x62: {  	_ =	shalt  }
0x63: {  	_ =	shalt  }
0x64: {  	_ =	shalt  }
0x65: {  	_ =	shalt  }
0x66: {  	_ =	shalt  }
0x67: {  	_ =	shalt  }
0x68: {  	_ =	shalt  }
0x69: {  	_ =	shalt  }
0x6a: {  	_ =	shalt  }
0x6b: {  	_ =	shalt  }
0x6c: {  	_ =	shalt  }
0x6d: {  	_ =	shalt  }
0x6e: {  	_ =	shalt  }
0x6f: {  	_ =	shalt  }
0x70: {  	_ =	shalt  }
0x71: {  	_ =	shalt  }
0x72: {  	_ =	shalt  }
0x73: {  	_ =	shalt  }
0x74: {  	_ =	shalt  }
0x75: {  	_ =	shalt  }
0x76: {  	_ =	shalt  }
0x77: {  	_ =	shalt  }
0x78: {  	_ =	shalt  }
0x79: {  	_ =	shalt  }
0x7a: {  	_ =	shalt  }
0x7b: {  	_ =	shalt  }
0x7c: {  	_ =	shalt  }
0x7d: {  	_ =	shalt  }
0x7e: {  	_ =	shalt  }
0x7f: {  	_ =	shalt  }
0x80: {  	_ =	shalt  }
0x81: {  	_ =	shalt  }
0x82: {  	_ =	shalt  }
0x83: {  	_ =	shalt  }
0x84: {  	_ =	shalt  }
0x85: {  	_ =	shalt  }
0x86: {  	_ =	shalt  }
0x87: {  	_ =	shalt  }
.Lfunc_end0:
.L_simem_size_0:
called_computation.4_lowered:
.L_overlay_start_0:
0x88: {  	s2 =	sld [smem:$0x3FD9]  }
0x89: {  	s3 =	sld [smem:$0x3FFE];
	_ =	sdelay $0x1  }
0x8a: {  	s1 =	srdreg.scid  }
0x8b: {  	s0 =	sand.u32 $0x1, s1  }
0x8c: {  	s17 =	sshll.u32 s0, $0xA;
	s2 =	sadd.s32 s3, s2  }
0x8d: {  	s2 =	sadd.s32 s2, s17  }
0x8e: {  	[smem:$0x3FB1] =	sst s2  }
0x8f: {  	_ = 	snop  }
0x90: {  	s2 =	sld [smem:$0x3FD0];
	(tm) =	ssettm $0x1  }
0x91: {  	s18 =	sld [smem:$0x3FFB];
	_ =	sdelay $0x3  }
0x92: {  	_ =	strace s18  }
0x93: {  	s3 =	sld [smem:$0x3FFC];
	_ =	sdelay $0x3  }
0x94: {  	_ =	strace s3  }
0x95: {  	s3 =	sld [smem:$0x3FFD];
	_ =	sdelay $0x3  }
0x96: {  	_ =	strace s3  }
0x97: {  	_ =	strace $0x8FFFFFFF  }
0x98: {  	s19 =	sld [smem:$0x3FDB];
	_ =	sdelay $0x1  }
0x99: {  	s4 =	simm.s32 $_scs_section_size  }
0x9a: {  	s5 =	simm.s32 $_size__tile_overlayer_lowered;
	s6 =	simm.s32 $_tile_overlayer_lowered  }
0x9b: {  	s22 =	simm.s32 $0x1BFF;
	s21 =	sshll.u32 s6, $0x1;
	s3 =	sadd.s32 s4, s19  }
0x9c: {  	s7 =	simm.s32 $0x0;
	s20 =	sshll.u32 s5, $0x1;
	s5 =	sadd.s32 s21, s3  }
0x9d: {  	[timem:s7], [sflag:s22] =	dma.local [hbm:s5], s20  }
0x9e: {  	_ =	swait.ge [sflag:s22], s20  }
0x9f: {  	s4 =	ssub.s32 $0x0, s20;
	[sflag:s22] =	ssyncset.done $0x0  }
0xa0: {  	[sflag:s22] =	ssyncadd.s32 s4;
	_ =	sdelay $0x1  }
0xa1: {  	s23 =	simm.s32 $0x1B8B  }
0xa2: {  	_ =	swait.ge [sflag:s23], $0x1  }
0xa3: {  	[sflag:s23] =	ssyncset.done $0x0  }
0xa4: {  	s25 =	simm.s32 $0x1B8E;
	s24 =	sld [smem:$0x3FFE];
	[sflag:s23] =	ssyncadd.s32 $0xFFFFFFFF  }
0xa5: {  	s26 =	simm.s32 $execute0_lowered;
	[smem:$0x3FD2] =	sst s25  }
0xa6: {  	s5 =	sshll.u32 s26, $0x1;
	_ =	strace $0x80000052;
	[dreg:$0x1] =	wrdreg $0xFFFFFFFF  }
0xa7: {  	s28 =	simm.s32 $_size_execute0_lowered;
	s3 =	sadd.s32 s3, s5;
	[dreg:$0x0] =	wrdreg $0x0  }
0xa8: {  	s5 =	sshll.u32 s28, $0x1;
	[dreg:$0x2] =	wrdreg s3  }
0xa9: {  	[dreg:$0x3] =	wrdreg s5  }
0xaa: {  	[dreg:$0x4] =	wrdreg $0xC0  }
0xab: {  	_ =	task [dreg:s7], $0x5FFFF  }
0xac: {  	[dreg:$0x1] =	wrdreg $0xFFFFFFFF  }
0xad: {  	[dreg:$0x0] =	wrdreg $0x60  }
0xae: {  	[dreg:$0x2] =	wrdreg s2  }
0xaf: {  	[dreg:$0x3] =	wrdreg s24  }
0xb0: {  	[dreg:$0x4] =	wrdreg $0xDE000  }
0xb1: {  	[dreg:$0x5] =	wrdreg $0x9  }
0xb2: {  	_ =	task.clear_ibuf [dreg:s7], $0x6FFFF;
	_ =	strace $0x90000052  }
0xb3: {  	s29 =	simm.s32 $0x9;
	_ =	strace $0x80000054  }
0xb4: {  	_ =	swait.ge [sflag:s29], $0x1  }
0xb5: {  	[sflag:s29] =	ssyncadd.s32 $0xFFFFFFFF  }
0xb6: {  	_ =	strace $0x90000054  }
0xb7: {  	_ =	sfence  }
0xb8: {  	s30 =	sld [smem:$0x0];
	_ =	sdelay $0x2  }
0xb9: {  	s31 =	sshll.u32 s1, $0xD;
	s1 =	sshrl.u32 s1, $0x2  }
0xba: {  	s3 =	sand.u32 $0x4000, s31;
	s1 =	sadd.s32 s1, s30  }
0xbb: {  	s0 =	sor.u32 s3, s0;
	s1 =	sshll.u32 s1, $0x11  }
0xbc: {  	s0 =	sor.u32 s1, s0  }
0xbd: {  	s0 =	sadd.s32 $0x8F2B, s0  }
0xbe: {  	[sflag:s0] =	ssyncadd.remote.s32 $0x1  }
0xbf: {  	_ =	sfence.sel $0xFFFF  }
0xc0: {  	[dreg:$0x0] =	wrdreg $0xFFFFFFFF;
	(pc) =	sbr.abs _section_cstart, $3  }
0xc1: {  	[dreg:$0x1] =	wrdreg $0xFFFFFFFF  }
0xc2: {  	_ =	task.clear_ibuf [dreg:s7], $0x2FFFF;
	_ =	strace $0x9FFFFFFF  }
0xc3: {  	(tm) =	ssettm $0x7FFFFFFF  }
tec
execute0_lowered:
.L_overlay_start_1:
0x0: {  	(tag) =	ssettag $0x1  }
0x1: {  	s1 =	rddreg [dreg:$0x0]  }
0x2: {  	s7 =	rddreg [dreg:$0x1]  }
0x3: {  	s0 =	stileid.u32;
	s2 =	srdreg.scid  }
0x4: {  	s3 =	rddreg [dreg:$0x2];
	s4 =	simm.s32 $0x0;
	s14 =	simm.s32 $0x4F00  }
0x5: {  	s15 =	simm.s32 $0x80;
	s16 =	simm.s32 $0x9E00;
	s17 =	simm.s32 $0xBE00  }
0x6: {  	s18 =	simm.s32 $0x1;
	s19 =	simm.s32 $0x2;
	s20 =	simm.s32 $0x4E80  }
0x7: {  	s21 =	simm.s32 $0x9D00;
	s22 =	simm.s32 $0x9D80;
	s23 =	simm.s32 $0x0  }
0x8: {  	s10 =	sand.u32 $0x1, s2;
	s8 =	smul.u32 $0xA000, s0;
	s2 =	rddreg [dreg:$0x3]  }
0x9: {  	[smem:$0x7FF] =	sst s4;
	s9 =	smul.u32 $0x9E0, s0;
	s5 =	sadd.s32 $0x55A00, s7  }
0xa: {  	s31 =	sshll.u32 s0, $0x6;
	s6 =	smul.u32 $0xA0000, s10;
	_ =	strace $0x80000053  }
0xb: {  	s12 =	ssub.s32 $0x2, s10;
	p0 =	seq.s32 s10, $0x1;
	s9 =	sadd.s32 s9, s7  }
.Ltmp0:
0xc: {  	s30 =	sshrl.u32 s12, $0x1;
	s6 =	sadd.s32 s8, s6;
	(pc) =	sbr.rel .LBB2_1-.Ltmp0, $4  }
0xd: {  	s13 =	sadd.s32 s8, s3;
	s12 =	ssub.s32 s12, s30;
	s11 =	sshrl.u32 s6, $0x3  }
0xe: {  	s8 =	sadd.s32 $0x7DA00, s9;
	s9 =	sadd.s32 $0x87800, s9;
	s11 =	sadd.s32 s11, s7  }
0xf: {  	s6 =	sadd.s32 $0x54600, s7;
	s7 =	sor.u32 $0x1C03, s31;
	s10 =	sadd.s32 $0x4200, s11  }
0x10: {  	s11 =	smax.u32 s12, $0x1;
	s12 =	sshrl.u32 s13, $0x3;
	s13 =	simm.s32 $0x3  }
.LBB2_7:
0x11: {  	s25 =	sadd.s32 $0x80, s24;
	[sflag:s13] =	ssyncadd.s32 $0xFFFFE000  }
0x12: {  	[tilespmem:s17], [sflag:$0x2] =	stream.indirect.gather [hbm4b:s5+s15], $0x40, s25, s15, $0xb8;
	[tilespmem:$0x17E00] =	vst v63  }
0x13: {  	_ =	swait.ge [sflag:s18], $0x2000  }
0x14: {  	[sflag:s18] =	ssyncset.done $0x0  }
0x15: {  	s29 =	sadd.s32 $0x4F00, s24;
	[sflag:s18] =	ssyncadd.s32 $0xFFFFE000  }
0x16: {  	[spmem:s3] =	stream.indirect.scatter.add.f32 [tilespmem:s16], [sflag:$0x3], $0x40, s29, s15, $0xb8;
	[tilespmem:$0x17E00] =	vst v63  }
0x17: {  	_ =	swait.ge [sflag:s13], $0x2000  }
0x18: {  	[sflag:s13] =	ssyncset.done $0x0  }
0x19: {  	s30 =	sadd.s32 $0x100, s24;
	[sflag:s13] =	ssyncadd.s32 $0xFFFFE000  }
0x1a: {  	[tilespmem:s16], [sflag:$0x1] =	stream.indirect.gather [hbm4b:s5+s15], $0x40, s30, s15, $0xb8;
	[tilespmem:$0x17E00] =	vst v63  }
0x1b: {  	_ =	swait.ge [sflag:s19], $0x2000  }
0x1c: {  	[sflag:s19] =	ssyncset.done $0x0  }
0x1d: {  	s31 =	sadd.s32 $0x4F80, s24;
	[sflag:s19] =	ssyncadd.s32 $0xFFFFE000  }
0x1e: {  	[spmem:s3] =	stream.indirect.scatter.add.f32 [tilespmem:s17], [sflag:$0x3], $0x40, s31, s15, $0xb8;
	[tilespmem:$0x17E00] =	vst v63  }
0x1f: {  	_ =	swait.ge [sflag:s13], $0x2000  }
0x20: {  	[sflag:s13] =	ssyncset.done $0x0  }
0x21: {  	[sflag:s13] =	ssyncadd.s32 $0xFFFFE000  }
0x22: {  	[tilespmem:s17], [sflag:$0x2] =	stream.indirect.gather [hbm4b:s5+s15], $0x40, s20, s15, $0xb8;
	[tilespmem:$0x17E00] =	vst v63  }
.LBB2_8:
0x23: {  	_ =	swait.ge [sflag:s18], $0x2000  }
0x24: {  	[sflag:s18] =	ssyncset.done $0x0  }
0x25: {  	[sflag:s18] =	ssyncadd.s32 $0xFFFFE000  }
0x26: {  	[spmem:s3] =	stream.indirect.scatter.add.f32 [tilespmem:s16], [sflag:$0x3], $0x40, s21, s15, $0xb8;
	[tilespmem:$0x17E00] =	vst v63  }
0x27: {  	_ =	swait.ge [sflag:s13], $0x2000  }
0x28: {  	[sflag:s13] =	ssyncset.done $0x0  }
0x29: {  	[sflag:s13] =	ssyncadd.s32 $0xFFFFE000  }
0x2a: {  	_ =	swait.ge [sflag:s19], $0x2000  }
0x2b: {  	[sflag:s19] =	ssyncset.done $0x0  }
0x2c: {  	[sflag:s19] =	ssyncadd.s32 $0xFFFFE000  }
0x2d: {  	[spmem:s3] =	stream.indirect.scatter.add.f32 [tilespmem:s17], [sflag:$0x3], $0x40, s22, s15, $0xb8;
	[tilespmem:$0x17E00] =	vst v63  }
0x2e: {  	_ =	swait.ge [sflag:s13], $0x2000  }
0x2f: {  	s23 =	sadd.s32 $0x1, s23;
	[sflag:s13] =	ssyncset.done $0x0  }
0x30: {  	p1 =	sne.s32 s23, s11;
	[sflag:s13] =	ssyncadd.s32 $0xFFFFE000  }
.Ltmp1:
0x31: {  	[bflag:$0x0] =	sbarrier.arrive $0xFFFF;
	(pc) =	sbr.rel @!p1 .LBB2_9-.Ltmp1, $4  }
0x32: {  	[hbm:s10], [sflag:s7] =	dma.local [spmem:s12], $0x1400  }
0x33: {  	_ =	swait.ge [sflag:s13], $0x1400  }
0x34: {  	[sflag:s13] =	ssyncset.done $0x0  }
0x35: {  	[sflag:s13] =	ssyncadd.s32 $0xFFFFEC00  }
.LBB2_1:
0x36: {  	[spmem:s12], [sflag:s7] =	dma.local [hbm:s6], $0x1400  }
0x37: {  	_ =	swait.ge [sflag:s13], $0x1400  }
0x38: {  	[sflag:s13] =	ssyncset.done $0x0  }
0x39: {  	[sflag:s13] =	ssyncadd.s32 $0xFFFFEC00  }
0x3a: {  	[tilespmem:s4], [sflag:$0x3] =	stream.linear.gather [hbm4b:s8+s4], $0x4F00, $0x38;
	[tilespmem:$0x17E00] =	vst v63  }
0x3b: {  	_ =	swait.ge [sflag:s13], $0x4F00  }
0x3c: {  	[sflag:s13] =	ssyncset.done $0x0  }
0x3d: {  	[sflag:s13] =	ssyncadd.s32 $0xFFFFB100  }
0x3e: {  	[tilespmem:s14], [sflag:$0x3] =	stream.linear.gather [hbm4b:s9+s4], $0x4F00, $0x38;
	[tilespmem:$0x17E00] =	vst v63  }
.Ltmp2:
0x3f: {  	_ =	swait.ge [sflag:s13], $0x4F00;
	(pc) =	sbr.rel @!p0 .LBB2_2-.Ltmp2, $4  }
0x40: {  	[sflag:s13] =	ssyncset.done $0x0  }
0x41: {  	[sflag:s13] =	ssyncadd.s32 $0xFFFFB100  }
0x42: {  	[bflag:$0x0] =	sbarrier.arrive $0xFFFF  }
0x43: {  	s24 =	simm.s32 $0x0  }
0x44: {  	[tilespmem:s16], [sflag:$0x1] =	stream.indirect.gather [hbm4b:s5+s15], $0x40, s24, s15, $0xb8;
	[tilespmem:$0x17E00] =	vst v63  }
0x45: {  	s28 =	simm.s32 $0x80  }
0x46: {  	[tilespmem:s17], [sflag:$0x2] =	stream.indirect.gather [hbm4b:s5+s15], $0x40, s28, s15, $0xb8;
	[tilespmem:$0x17E00] =	vst v63  }
0x47: {  	_ =	swait.ge [sflag:s18], $0x2000  }
0x48: {  	[sflag:s18] =	ssyncset.done $0x0  }
0x49: {  	s29 =	simm.s32 $0x4F00;
	[sflag:s18] =	ssyncadd.s32 $0xFFFFE000  }
0x4a: {  	[spmem:s3] =	stream.indirect.scatter.add.f32 [tilespmem:s16], [sflag:$0x3], $0x40, s29, s15, $0xb8;
	[tilespmem:$0x17E00] =	vst v63  }
0x4b: {  	_ =	swait.ge [sflag:s13], $0x2000  }
0x4c: {  	[sflag:s13] =	ssyncset.done $0x0  }
0x4d: {  	s30 =	simm.s32 $0x100;
	[sflag:s13] =	ssyncadd.s32 $0xFFFFE000  }
0x4e: {  	[tilespmem:s16], [sflag:$0x1] =	stream.indirect.gather [hbm4b:s5+s15], $0x40, s30, s15, $0xb8;
	[tilespmem:$0x17E00] =	vst v63  }
0x4f: {  	_ =	swait.ge [sflag:s19], $0x2000  }
0x50: {  	[sflag:s19] =	ssyncset.done $0x0  }
0x51: {  	s31 =	simm.s32 $0x4F80;
	[sflag:s19] =	ssyncadd.s32 $0xFFFFE000  }
0x52: {  	[spmem:s3] =	stream.indirect.scatter.add.f32 [tilespmem:s17], [sflag:$0x3], $0x40, s31, s15, $0xb8;
	[tilespmem:$0x17E00] =	vst v63  }
0x53: {  	_ =	swait.ge [sflag:s13], $0x2000  }
0x54: {  	s25 =	simm.s32 $0x800;
	s24 =	simm.s32 $0x100;
	[sflag:s13] =	ssyncset.done $0x0  }
.LBB2_6:
0x55: {  	s26 =	sadd.s32 $0x80, s24  }
0x56: {  	[sflag:s13] =	ssyncadd.s32 $0xFFFFE000;
	s28 =	smov.u32 s25;
	s29 =	sadd.s32 $0x400, s25  }
0x57: {  	[tilespmem:s17], [sflag:$0x2] =	stream.indirect.gather [hbm4b:s5+s15], $0x40, s26, s15, $0xb8;
	[tilespmem:$0x17E00] =	vst v63  }
0x58: {  	p1 =	sne.s32 s25, $0x13400;
	_ =	swait.ge [sflag:s18], $0x2000  }
0x59: {  	[sflag:s18] =	ssyncset.done $0x0  }
0x5a: {  	s25 =	sadd.s32 $0x4F00, s24;
	[sflag:s18] =	ssyncadd.s32 $0xFFFFE000  }
0x5b: {  	[spmem:s3] =	stream.indirect.scatter.add.f32 [tilespmem:s16], [sflag:$0x3], $0x40, s25, s15, $0xb8;
	[tilespmem:$0x17E00] =	vst v63  }
0x5c: {  	_ =	swait.ge [sflag:s13], $0x2000  }
0x5d: {  	[sflag:s13] =	ssyncset.done $0x0  }
0x5e: {  	s25 =	sadd.s32 $0x100, s24;
	[sflag:s13] =	ssyncadd.s32 $0xFFFFE000  }
0x5f: {  	[tilespmem:s16], [sflag:$0x1] =	stream.indirect.gather [hbm4b:s5+s15], $0x40, s25, s15, $0xb8;
	[tilespmem:$0x17E00] =	vst v63  }
0x60: {  	_ =	swait.ge [sflag:s19], $0x2000  }
.Ltmp3:
0x61: {  	[sflag:s19] =	ssyncset.done $0x0;
	(pc) =	sbr.rel @p1 .LBB2_6-.Ltmp3, $4  }
0x62: {  	s24 =	sadd.s32 $0x4F80, s24;
	[sflag:s19] =	ssyncadd.s32 $0xFFFFE000  }
0x63: {  	[spmem:s3] =	stream.indirect.scatter.add.f32 [tilespmem:s17], [sflag:$0x3], $0x40, s24, s15, $0xb8;
	[tilespmem:$0x17E00] =	vst v63  }
0x64: {  	_ =	swait.ge [sflag:s13], $0x2000  }
0x65: {  	s25 =	smov.u32 s29;
	s24 =	sshra.s32 s28, $0x2;
	[sflag:s13] =	ssyncset.done $0x0  }
.Ltmp4:
0x66: {  	_ = 	snop;
	(pc) =	sbr.rel .LBB2_7-.Ltmp4, $1  }
0x67: {  	_ =	sdelay $0x3  }
.LBB2_2:
0x68: {  	[tilespmem:s16], [sflag:$0x1] =	stream.indirect.gather [hbm4b:s1+s15], $0x40, s24, s15, $0xb8;
	[tilespmem:$0x17E00] =	vst v63  }
0x69: {  	s28 =	simm.s32 $0x80  }
0x6a: {  	[tilespmem:s17], [sflag:$0x2] =	stream.indirect.gather [hbm4b:s1+s15], $0x40, s28, s15, $0xb8;
	[tilespmem:$0x17E00] =	vst v63  }
0x6b: {  	_ =	swait.ge [sflag:s18], $0x2000  }
0x6c: {  	[sflag:s18] =	ssyncset.done $0x0  }
0x6d: {  	s29 =	simm.s32 $0x4F00;
	[sflag:s18] =	ssyncadd.s32 $0xFFFFE000  }
0x6e: {  	[spmem:s3] =	stream.indirect.scatter.add.f32 [tilespmem:s16], [sflag:$0x3], $0x40, s29, s15, $0xb8;
	[tilespmem:$0x17E00] =	vst v63  }
0x6f: {  	_ =	swait.ge [sflag:s13], $0x2000  }
0x70: {  	[sflag:s13] =	ssyncset.done $0x0  }
0x71: {  	s30 =	simm.s32 $0x100;
	[sflag:s13] =	ssyncadd.s32 $0xFFFFE000  }
0x72: {  	[tilespmem:s16], [sflag:$0x1] =	stream.indirect.gather [hbm4b:s1+s15], $0x40, s30, s15, $0xb8;
	[tilespmem:$0x17E00] =	vst v63  }
0x73: {  	_ =	swait.ge [sflag:s19], $0x2000  }
0x74: {  	[sflag:s19] =	ssyncset.done $0x0  }
0x75: {  	s31 =	simm.s32 $0x4F80;
	[sflag:s19] =	ssyncadd.s32 $0xFFFFE000  }
0x76: {  	[spmem:s3] =	stream.indirect.scatter.add.f32 [tilespmem:s17], [sflag:$0x3], $0x40, s31, s15, $0xb8;
	[tilespmem:$0x17E00] =	vst v63  }
0x77: {  	_ =	swait.ge [sflag:s13], $0x2000  }
0x78: {  	s25 =	simm.s32 $0x800;
	s24 =	simm.s32 $0x100;
	[sflag:s13] =	ssyncset.done $0x0  }
.LBB2_3:
0x79: {  	s26 =	sadd.s32 $0x80, s24  }
0x7a: {  	[sflag:s13] =	ssyncadd.s32 $0xFFFFE000;
	s28 =	smov.u32 s25;
	s29 =	sadd.s32 $0x400, s25  }
0x7b: {  	[tilespmem:s17], [sflag:$0x2] =	stream.indirect.gather [hbm4b:s1+s15], $0x40, s26, s15, $0xb8;
	[tilespmem:$0x17E00] =	vst v63  }
0x7c: {  	p1 =	seq.s32 s25, $0x13400;
	_ =	swait.ge [sflag:s18], $0x2000  }
0x7d: {  	[sflag:s18] =	ssyncset.done $0x0  }
0x7e: {  	s25 =	sadd.s32 $0x4F00, s24;
	[sflag:s18] =	ssyncadd.s32 $0xFFFFE000  }
0x7f: {  	[spmem:s3] =	stream.indirect.scatter.add.f32 [tilespmem:s16], [sflag:$0x3], $0x40, s25, s15, $0xb8;
	[tilespmem:$0x17E00] =	vst v63  }
0x80: {  	_ =	swait.ge [sflag:s13], $0x2000  }
0x81: {  	[sflag:s13] =	ssyncset.done $0x0  }
0x82: {  	s25 =	sadd.s32 $0x100, s24;
	[sflag:s13] =	ssyncadd.s32 $0xFFFFE000  }
0x83: {  	[tilespmem:s16], [sflag:$0x1] =	stream.indirect.gather [hbm4b:s1+s15], $0x40, s25, s15, $0xb8;
	[tilespmem:$0x17E00] =	vst v63  }
0x84: {  	_ =	swait.ge [sflag:s19], $0x2000  }
.Ltmp5:
0x85: {  	[sflag:s19] =	ssyncset.done $0x0;
	(pc) =	sbr.rel @!p1 .LBB2_3-.Ltmp5, $4  }
0x86: {  	s24 =	sadd.s32 $0x4F80, s24;
	[sflag:s19] =	ssyncadd.s32 $0xFFFFE000  }
0x87: {  	[spmem:s3] =	stream.indirect.scatter.add.f32 [tilespmem:s17], [sflag:$0x3], $0x40, s24, s15, $0xb8;
	[tilespmem:$0x17E00] =	vst v63  }
0x88: {  	_ =	swait.ge [sflag:s13], $0x2000  }
0x89: {  	s25 =	smov.u32 s29;
	s24 =	sshra.s32 s28, $0x2;
	[sflag:s13] =	ssyncset.done $0x0  }
0x8a: {  	s25 =	sadd.s32 $0x80, s24;
	[sflag:s13] =	ssyncadd.s32 $0xFFFFE000  }
0x8b: {  	[tilespmem:s17], [sflag:$0x2] =	stream.indirect.gather [hbm4b:s1+s15], $0x40, s25, s15, $0xb8;
	[tilespmem:$0x17E00] =	vst v63  }
0x8c: {  	_ =	swait.ge [sflag:s18], $0x2000  }
0x8d: {  	[sflag:s18] =	ssyncset.done $0x0  }
0x8e: {  	s29 =	sadd.s32 $0x4F00, s24;
	[sflag:s18] =	ssyncadd.s32 $0xFFFFE000  }
0x8f: {  	[spmem:s3] =	stream.indirect.scatter.add.f32 [tilespmem:s16], [sflag:$0x3], $0x40, s29, s15, $0xb8;
	[tilespmem:$0x17E00] =	vst v63  }
0x90: {  	_ =	swait.ge [sflag:s13], $0x2000  }
0x91: {  	[sflag:s13] =	ssyncset.done $0x0  }
0x92: {  	s30 =	sadd.s32 $0x100, s24;
	[sflag:s13] =	ssyncadd.s32 $0xFFFFE000  }
0x93: {  	[tilespmem:s16], [sflag:$0x1] =	stream.indirect.gather [hbm4b:s1+s15], $0x40, s30, s15, $0xb8;
	[tilespmem:$0x17E00] =	vst v63  }
0x94: {  	_ =	swait.ge [sflag:s19], $0x2000  }
0x95: {  	[sflag:s19] =	ssyncset.done $0x0  }
0x96: {  	s31 =	sadd.s32 $0x4F80, s24;
	[sflag:s19] =	ssyncadd.s32 $0xFFFFE000  }
0x97: {  	[spmem:s3] =	stream.indirect.scatter.add.f32 [tilespmem:s17], [sflag:$0x3], $0x40, s31, s15, $0xb8;
	[tilespmem:$0x17E00] =	vst v63  }
.Ltmp6:
0x98: {  	_ = 	snop;
	(pc) =	sbr.rel .LBB2_8-.Ltmp6, $4  }
0x99: {  	_ =	swait.ge [sflag:s13], $0x2000  }
0x9a: {  	[sflag:s13] =	ssyncset.done $0x0  }
0x9b: {  	[sflag:s13] =	ssyncadd.s32 $0xFFFFE000  }
0x9c: {  	[tilespmem:s17], [sflag:$0x2] =	stream.indirect.gather [hbm4b:s1+s15], $0x40, s20, s15, $0xb8;
	[tilespmem:$0x17E00] =	vst v63  }
.LBB2_9:
0x9d: {  	_ =	sfence.sel $0x180000  }
0x9e: {  	[bflag:$0x0] =	sbarrier.arrive $0xFFFF  }
0x9f: {  	p0 =	sne.s32 s0, $0x0;
	_ =	strace $0x90000053  }
0xa0: {  	s0 =	sadd.s32 @!p0 $0x100000, s2;
	[bflag:$0x2] =	sbarrier.arrive $0xFFFF  }
0xa1: {  	[sflag:s0] =	ssyncadd.tile.s32 @!p0 $0x1;
	_ =	shalt  }
.Lfunc_end2:
_tile_overlayer_lowered:
.L_overlay_start_2:
0xa2: {  	(tag) =	ssettag $0x2  }
0xa3: {  	s0 =	rddreg [dreg:$0x0];
	s2 =	stileid.u32  }
0xa4: {  	s1 =	rddreg [dreg:$0x1];
	p0 =	sne.s32 s2, $0x0  }
0xa5: {  	s3 =	rddreg [dreg:$0x2];
	[bflag:$0x3] =	sbarrier.arrive $0xFFFF;
	s2 =	simm.s32 @!p0 $0x1C03  }
0xa6: {  	[timem:s3], [sflag:s2] =	dma.local @!p0 [hbm:s0], s1  }
0xa7: {  	s0 =	simm.s32 @!p0 $0x3  }
0xa8: {  	_ =	swait.ge @!p0 [sflag:s0], s1  }
0xa9: {  	s1 =	ssub.s32 @!p0 $0x0, s1;
	[sflag:s0] =	ssyncset.done @!p0 $0x0  }
0xaa: {  	[sflag:s0] =	ssyncadd.s32 @!p0 s1  }
0xab: {  	[bflag:$0x3] =	sbarrier.arrive $0xFFFF  }
0xac: {  	_ =	shalt  }

</sc_bundles>
